<compile_context>
chip_gen: v7x
topology: tpu7x:2x2x1
jax: 0.10.2.dev20260603
libtpu: 0.0.44.dev20260713+nightly
codegen_flags: <defaults>
</compile_context>

<pallas_src>
import functools
import jax
import jax.numpy as jnp
from jax import lax
from jax.experimental import pallas as pl
from jax.experimental.pallas import tpu as pltpu
from jax.experimental.pallas import tpu_sc as plsc

N = 10000
NROWS = 10240
DUMMY = 10100
B = 8
NP = 1250
NPAD = 1280
E = 160000
EG = E // B
DIN = 32
DE = 16
H1 = 16
H2 = 16
NA = 128
AF = 95
AFP = 112
EA = 512
GAT = 64
K = 3
T = 6

NC = 2
NS = 16
NW = NC * NS
EP = 163840
EW = EP // NW
CH = 128
NCH = EW // CH

TE = 800
NT = EG // TE



CHG = 512
NCHG = EW // CHG
GBUF = 4


def _sc_gather(table, idx2d, fin):
    mesh = plsc.VectorSubcoreMesh(core_axis_name="c", subcore_axis_name="s")

    @functools.partial(
        pl.kernel,
        mesh=mesh,
        out_type=jax.ShapeDtypeStruct((EP, fin), jnp.float32),
        compiler_params=pltpu.CompilerParams(use_tc_tiling_on_sc=False),
        scratch_types=[
            pltpu.VMEM((NCHG, CHG), jnp.int32),
            pltpu.VMEM((GBUF, CHG, fin), jnp.float32),
        ] + [pltpu.SemaphoreType.DMA] * (2 * GBUF),
    )
    def k(table_hbm, idx_hbm, out_hbm, idx_v, buf, *sems):
        gs = sems[:GBUF]
        ws = sems[GBUF:]
        wid = lax.axis_index("s") * NC + lax.axis_index("c")
        base = wid * EW
        pltpu.sync_copy(idx_hbm.at[wid], idx_v)
        for j in range(GBUF):
            pltpu.async_copy(table_hbm.at[idx_v.at[j]], buf.at[j], gs[j])
        for j in range(NCHG):
            b = j % GBUF
            pltpu.make_async_copy(
                table_hbm.at[idx_v.at[j]], buf.at[b], gs[b]).wait()
            dst = out_hbm.at[pl.ds(base + j * CHG, CHG)]
            pltpu.async_copy(buf.at[b], dst, ws[b])
            if j + GBUF < NCHG:
                pltpu.make_async_copy(buf.at[b], dst, ws[b]).wait()
                pltpu.async_copy(
                    table_hbm.at[idx_v.at[j + GBUF]], buf.at[b], gs[b])
        for j in range(NCHG - GBUF, NCHG):
            b = j % GBUF
            pltpu.make_async_copy(
                buf.at[b], out_hbm.at[pl.ds(base, CHG)], ws[b]).wait()

    return k(table, idx2d)



def _sc_scatter(msg, idx2d, zeros_init):
    mesh = plsc.VectorSubcoreMesh(core_axis_name="c", subcore_axis_name="s")
    stripe = NROWS // NS

    @functools.partial(
        pl.kernel,
        mesh=mesh,
        out_type=jax.ShapeDtypeStruct((NC, NROWS, H1), jnp.float32),
        compiler_params=pltpu.CompilerParams(use_tc_tiling_on_sc=False),
        scratch_types=[
            pltpu.VMEM((NCH, CH), jnp.int32),
            pltpu.VMEM((2, CH, H1), jnp.float32),
            pltpu.VMEM((stripe, H1), jnp.float32),
            pltpu.VMEM_SHARED((NROWS, H1), jnp.float32),
            pltpu.SemaphoreType.DMA,
            pltpu.SemaphoreType.DMA,
        ],
    )
    def k(msg_hbm, idx_hbm, zero_hbm, out_hbm, idx_v, buf, stage, agg_sh,
          ls0, ls1):
        c = lax.axis_index("c")
        s = lax.axis_index("s")
        wid = s * NC + c
        base = wid * EW
        pltpu.sync_copy(zero_hbm.at[pl.ds(s * stripe, stripe)], stage)
        pltpu.sync_copy(stage, agg_sh.at[pl.ds(s * stripe, stripe)])
        plsc.subcore_barrier()

        pltpu.sync_copy(idx_hbm.at[wid], idx_v)
        pltpu.async_copy(msg_hbm.at[pl.ds(base, CH)], buf.at[0], ls0)
        pltpu.async_copy(msg_hbm.at[pl.ds(base + CH, CH)], buf.at[1], ls1)

        def pair(jp, carry):
            for sl, ls in ((0, ls0), (1, ls1)):
                j = 2 * jp + sl
                src = msg_hbm.at[pl.ds(base + j * CH, CH)]
                pltpu.make_async_copy(src, buf.at[sl], ls).wait()
                pltpu.sync_copy(buf.at[sl], agg_sh.at[idx_v.at[j]], add=True)

                @pl.when(j + 2 < NCH)
                def _():
                    pltpu.async_copy(
                        msg_hbm.at[pl.ds(base + (j + 2) * CH, CH)],
                        buf.at[sl], ls)
            return carry

        lax.fori_loop(0, NCH // 2, pair, 0)
        plsc.subcore_barrier()
        pltpu.sync_copy(agg_sh.at[pl.ds(s * stripe, stripe)], stage)
        pltpu.sync_copy(stage, out_hbm.at[c, pl.ds(s * stripe, stripe)])

    return k(msg, idx2d, zeros_init)



HI = jax.lax.Precision.HIGHEST


def _hilo_bf16(v):
    hi = v.astype(jnp.bfloat16).astype(jnp.float32)
    return jnp.concatenate([hi, v - hi], axis=1).astype(jnp.bfloat16)


def _msg_body(fin, xs_ref, ea_ref, e16_ref, tmat_ref, wfull_ref, out_ref):
    xs = xs_ref[...]
    ea = ea_ref[...]
    zb = jnp.dot(_hilo_bf16(ea), e16_ref[...],
                 preferred_element_type=jnp.float32)
    zx = jnp.dot(_hilo_bf16(xs), tmat_ref[...],
                 preferred_element_type=jnp.float32)
    z = zb * zx
    zh = z.astype(jnp.bfloat16)
    zl = (z - zh.astype(jnp.float32)).astype(jnp.bfloat16)
    xh = xs.astype(jnp.bfloat16)
    xl = (xs - xh.astype(jnp.float32)).astype(jnp.bfloat16)
    zfull = jnp.concatenate([zh, zl, zh, xh, xl, xh], axis=1)
    out_ref[...] = jnp.dot(zfull, wfull_ref[...],
                           preferred_element_type=jnp.float32)


def _msg_layer(xs, ea_p, wz, bx, fin):
    tem = 2048
    nt = EP // tem
    zcols = DE * fin
    e16 = (jnp.arange(DE)[:, None]
           == (jnp.arange(zcols)[None, :] // fin)).astype(jnp.bfloat16)
    tmat = (jnp.arange(fin)[:, None]
            == (jnp.arange(zcols)[None, :] % fin)).astype(jnp.bfloat16)
    e16_2 = jnp.concatenate([e16, e16], axis=0)
    tmat2 = jnp.concatenate([tmat, tmat], axis=0)
    wzh = wz.astype(jnp.bfloat16)
    wzl = (wz - wzh.astype(jnp.float32)).astype(jnp.bfloat16)
    bxh = bx.astype(jnp.bfloat16)
    bxl = (bx - bxh.astype(jnp.float32)).astype(jnp.bfloat16)
    wfull = jnp.concatenate([wzh, wzh, wzl, bxh, bxh, bxl], axis=0)
    return pl.pallas_call(
        functools.partial(_msg_body, fin),
        grid=(nt,),
        in_specs=[
            pl.BlockSpec((tem, fin), lambda t: (t, 0)),
            pl.BlockSpec((tem, DE), lambda t: (t, 0)),
            pl.BlockSpec((2 * DE, zcols), lambda t: (0, 0)),
            pl.BlockSpec((2 * fin, zcols), lambda t: (0, 0)),
            pl.BlockSpec((3 * (zcols + fin), H1), lambda t: (0, 0)),
        ],
        out_specs=pl.BlockSpec((tem, H1), lambda t: (t, 0)),
        out_shape=jax.ShapeDtypeStruct((EP, H1), jnp.float32),
    )(xs, ea_p, e16_2, tmat2, wfull)



def _comb_flat_body(agg_ref, x_ref, root_ref, b_ref, out_ref):
    a = agg_ref[0, :N] + agg_ref[1, :N]
    root = jnp.dot(x_ref[...], root_ref[...],
                   precision=HI, preferred_element_type=jnp.float32)
    out_ref[...] = jnp.maximum(a + root + b_ref[...], 0.0)


def _comb_pad_body(agg_ref, x_ref, root_ref, b_ref, out_ref):
    a = agg_ref[0, :N] + agg_ref[1, :N]
    root = jnp.dot(x_ref[...], root_ref[...],
                   precision=HI, preferred_element_type=jnp.float32)
    h = jnp.maximum(a + root + b_ref[...], 0.0)
    for g in range(B):
        blk = jnp.concatenate(
            [lax.slice(h, (g * NP, 0), ((g + 1) * NP, H2)),
             jnp.zeros((NPAD - NP, H2), jnp.float32)], axis=0)
        out_ref[g] = blk


def _combine(agg, x, root, bias, fin, padded):
    body = _comb_pad_body if padded else _comb_flat_body
    oshape = (B, NPAD, H2) if padded else (N, H2)
    return pl.pallas_call(
        body,
        out_shape=jax.ShapeDtypeStruct(oshape, jnp.float32),
    )(agg, x, root, bias)



def _head_body(h2_ref, ml_ref, af_ref, ai_ref,
               aaw_ref, aab_ref, iw_ref, ws_ref, rw_ref, bs_ref,
               amw_ref, amb_ref,
               l1w_ref, l1b_ref, l2w_ref, l2b_ref, l3w_ref, l3b_ref,
               l4w_ref, l4b_ref, out_ref):
    h2 = h2_ref[0]
    ml = ml_ref[0]

    logits = jnp.sum(h2 * aaw_ref[...], axis=1, keepdims=True) + aab_ref[0, 0]
    valid = lax.broadcasted_iota(jnp.int32, (NPAD, 1), 0) < NP
    logits = jnp.where(valid, logits, -1e30)
    m = jnp.max(logits)
    e = jnp.where(valid, jnp.exp(logits - m), 0.0)
    aw = e / jnp.sum(e)

    seg = (lax.broadcasted_iota(jnp.int32, (NA, NPAD), 0) == ml).astype(jnp.float32)
    xa = jnp.dot(seg, h2 * aw, precision=HI, preferred_element_type=jnp.float32)
    xin = jnp.concatenate([xa, af_ref[0]], axis=1)

    row = ai_ref[0, 0]
    col = ai_ref[0, 1]
    ocn = (lax.broadcasted_iota(jnp.int32, (NA, EA), 0) == col[None, :]).astype(jnp.float32)
    orn = (lax.broadcasted_iota(jnp.int32, (NA, EA), 0) == row[None, :]).astype(jnp.float32)
    ore = (lax.broadcasted_iota(jnp.int32, (EA, NA), 1) == row[:, None]).astype(jnp.float32)
    oce = (lax.broadcasted_iota(jnp.int32, (EA, NA), 1) == col[:, None]).astype(jnp.float32)
    deg = jnp.dot(jnp.ones((1, EA), jnp.float32), oce,
                  precision=HI, preferred_element_type=jnp.float32)
    dinv = jnp.where(deg > 0, lax.rsqrt(jnp.maximum(deg, 1e-30)), 0.0)
    dcol = jnp.dot(dinv, ocn, precision=HI, preferred_element_type=jnp.float32)
    drow = jnp.dot(dinv, orn, precision=HI, preferred_element_type=jnp.float32)
    ew = dcol * drow
    adj = jnp.dot(ocn * ew, ore, precision=HI, preferred_element_type=jnp.float32)

    hs = [jnp.dot(xin, iw_ref[k], precision=HI, preferred_element_type=jnp.float32)
          for k in range(K)]
    for t in range(T):
        if t > 0:
            hs = [jnp.dot(hs[k], ws_ref[t - 1, k],
                          precision=HI, preferred_element_type=jnp.float32) for k in range(K)]
        hs = [jnp.maximum(
                jnp.dot(adj, hs[k], precision=HI, preferred_element_type=jnp.float32)
                + jnp.dot(xin, rw_ref[t, k], precision=HI, preferred_element_type=jnp.float32)
                + bs_ref[t, k], 0.0)
              for k in range(K)]
    xg = (hs[0] + hs[1] + hs[2]) * (1.0 / K)
    xg = jnp.maximum(xg, 0.0)

    lg2 = jnp.sum(xg * amw_ref[...], axis=1, keepdims=True) + amb_ref[0, 0]
    m2 = jnp.max(lg2)
    e2 = jnp.exp(lg2 - m2)
    aw2 = e2 / jnp.sum(e2)
    p = jnp.sum(xg * aw2, axis=0, keepdims=True)

    p = jnp.maximum(jnp.dot(p, l1w_ref[...], precision=HI, preferred_element_type=jnp.float32) + l1b_ref[...], 0.0)
    p = jnp.maximum(jnp.dot(p, l2w_ref[...], precision=HI, preferred_element_type=jnp.float32) + l2b_ref[...], 0.0)
    p = jnp.maximum(jnp.dot(p, l3w_ref[...], precision=HI, preferred_element_type=jnp.float32) + l3b_ref[...], 0.0)
    val = jnp.sum(p * l4w_ref[...]) + l4b_ref[0, 0]
    out_ref[0, 0] = jnp.broadcast_to(val, (128,))


def kernel(x, edge_index, edge_attr, idx_batch, cc, monomer_labels,
           aminoacids_features, amino_index, nn1_W, nn1_b, root1_W, conv1_b,
           nn2_W, nn2_b, root2_W, conv2_b, attn_atom_W, attn_atom_b,
           arma_init_w, arma_w, arma_root_w, arma_bias, attn_am_W, attn_am_b,
           lin1_W, lin1_b, lin2_W, lin2_b, lin3_W, lin3_b, lin4_W, lin4_b):
    f32 = jnp.float32

    src_p = jnp.pad(edge_index[0], (0, EP - E)).reshape(NW, NCHG, CHG)
    dst_p = jnp.pad(edge_index[1], (0, EP - E),
                    constant_values=DUMMY).reshape(NW, NCH, CH)
    ea_p = jnp.pad(edge_attr, ((0, EP - E), (0, 0)))
    zeros_init = jnp.zeros((NROWS, H1), f32)

    wz1 = nn1_W.reshape(DE, DIN, H1).reshape(DE * DIN, H1)
    bx1 = nn1_b.reshape(DIN, H1)
    wz2 = nn2_W.reshape(DE, H1, H2).reshape(DE * H1, H2)
    bx2 = nn2_b.reshape(H1, H2)

    xs1 = _sc_gather(x, src_p, DIN)
    msg1 = _msg_layer(xs1, ea_p, wz1, bx1, DIN)
    agg1 = _sc_scatter(msg1, dst_p, zeros_init)
    h1 = _combine(agg1, x, root1_W, conv1_b.reshape(1, H1), DIN, padded=False)
    msg1 = _msg_layer(xs1, ea_p, wz1, bx1, DIN)
    agg1 = _sc_scatter(msg1, dst_p, zeros_init)
    h1 = _combine(agg1, x, root1_W, conv1_b.reshape(1, H1), DIN, padded=False)

    xs2 = _sc_gather(h1, src_p, H1)
    msg2 = _msg_layer(xs2, ea_p, wz2, bx2, H1)
    agg2 = _sc_scatter(msg2, dst_p, zeros_init)
    h2 = _combine(agg2, h1, root2_W, conv2_b.reshape(1, H2), H1, padded=True)

    mlp = jnp.pad(monomer_labels.reshape(B, NP), ((0, 0), (0, NPAD - NP)),
                  constant_values=999).reshape(B, 1, NPAD)
    afp = jnp.pad(aminoacids_features, ((0, 0), (0, 0), (0, AFP - AF)))
    iwp = jnp.pad(arma_init_w, ((0, 0), (0, 17), (0, 0)))
    rwp = jnp.pad(arma_root_w, ((0, 0), (0, 0), (0, 17), (0, 0)))

    out = pl.pallas_call(
        _head_body,
        grid=(B,),
        in_specs=[
            pl.BlockSpec((1, NPAD, H2), lambda g: (g, 0, 0)),
            pl.BlockSpec((1, 1, NPAD), lambda g: (g, 0, 0)),
            pl.BlockSpec((1, NA, AFP), lambda g: (g, 0, 0)),
            pl.BlockSpec((1, 2, EA), lambda g: (g, 0, 0)),
            pl.BlockSpec((1, H2), lambda g: (0, 0)),
            pl.BlockSpec((1, 1), lambda g: (0, 0)),
            pl.BlockSpec((K, NA, GAT), lambda g: (0, 0, 0)),
            pl.BlockSpec((T - 1, K, GAT, GAT), lambda g: (0, 0, 0, 0)),
            pl.BlockSpec((T, K, NA, GAT), lambda g: (0, 0, 0, 0)),
            pl.BlockSpec((T, K, 1, GAT), lambda g: (0, 0, 0, 0)),
            pl.BlockSpec((1, GAT), lambda g: (0, 0)),
            pl.BlockSpec((1, 1), lambda g: (0, 0)),
            pl.BlockSpec((GAT, 128), lambda g: (0, 0)),
            pl.BlockSpec((1, 128), lambda g: (0, 0)),
            pl.BlockSpec((128, 64), lambda g: (0, 0)),
            pl.BlockSpec((1, 64), lambda g: (0, 0)),
            pl.BlockSpec((64, 32), lambda g: (0, 0)),
            pl.BlockSpec((1, 32), lambda g: (0, 0)),
            pl.BlockSpec((1, 32), lambda g: (0, 0)),
            pl.BlockSpec((1, 1), lambda g: (0, 0)),
        ],
        out_specs=pl.BlockSpec((1, 1, 128), lambda g: (g, 0, 0)),
        out_shape=jax.ShapeDtypeStruct((B, 1, 128), f32),
    )(h2, mlp, afp, amino_index,
      attn_atom_W.reshape(1, H2), attn_atom_b.reshape(1, 1),
      iwp, arma_w, rwp, arma_bias,
      attn_am_W.reshape(1, GAT), attn_am_b.reshape(1, 1),
      lin1_W, lin1_b.reshape(1, 128), lin2_W, lin2_b.reshape(1, 64),
      lin3_W, lin3_b.reshape(1, 32), lin4_W.reshape(1, 32),
      lin4_b.reshape(1, 1))

    return out[:, 0, 0].reshape(-1)

# --- scband reference (transcript-rebuilt; emitter-appended) ---
"""Pipeline reference for scband-amp-gcn-geo-79096117723169 (READ-ONLY COPY).

The authoritative reference and input builder live on the scoring server;
editing this copy changes nothing except your own understanding.
"""

import jax, jax.numpy as jnp
import numpy as np

N = 10000; B = 8; NP = 1250; E = 160000
DIN = 32; DE = 16; H1 = 16; H2 = 16
NA = 128; AF = 95; EA = 512; GAT = 64
K = 3; T = 6; F1 = 128; F2 = 64; F3 = 32
AIN = H2 + AF


def setup_inputs(seed: int = 0):
    key = jax.random.key(seed)
    ks = jax.random.split(key, 40)

    def w(i, shape, fan):
        return (jax.random.normal(ks[i], shape, dtype=jnp.float32) / np.sqrt(fan)).astype(jnp.float32)

    inp = {}
    inp['x'] = jax.random.normal(ks[0], (N, DIN), dtype=jnp.float32)
    base = jax.random.randint(ks[1], (2, E), 0, NP, dtype=jnp.int32)
    offs = jnp.repeat(jnp.arange(B, dtype=jnp.int32) * NP, E // B)
    inp['edge_index'] = base + offs[None, :]
    inp['edge_attr'] = jax.random.normal(ks[2], (E, DE), dtype=jnp.float32)
    inp['idx_batch'] = jnp.repeat(jnp.arange(B, dtype=jnp.int32), NP)
    inp['cc'] = jnp.arange(B, dtype=jnp.int32)
    inp['monomer_labels'] = jax.random.randint(ks[3], (N,), 0, NA, dtype=jnp.int32)
    inp['aminoacids_features'] = jax.random.normal(ks[4], (B, NA, AF), dtype=jnp.float32)
    inp['amino_index'] = jax.random.randint(ks[5], (B, 2, EA), 0, NA, dtype=jnp.int32)
    inp['nn1_W'] = w(6, (DE, DIN * H1), DE); inp['nn1_b'] = w(7, (DIN * H1,), DE)
    inp['root1_W'] = w(8, (DIN, H1), DIN); inp['conv1_b'] = w(9, (H1,), DIN)
    inp['nn2_W'] = w(10, (DE, H1 * H2), DE); inp['nn2_b'] = w(11, (H1 * H2,), DE)
    inp['root2_W'] = w(12, (H1, H2), H1); inp['conv2_b'] = w(13, (H2,), H1)
    inp['attn_atom_W'] = w(14, (H2, 1), H2); inp['attn_atom_b'] = w(15, (1,), H2)
    inp['arma_init_w'] = w(16, (K, AIN, GAT), AIN)
    inp['arma_w'] = w(17, (T - 1, K, GAT, GAT), GAT)
    inp['arma_root_w'] = w(18, (T, K, AIN, GAT), AIN)
    inp['arma_bias'] = w(19, (T, K, 1, GAT), GAT)
    inp['attn_am_W'] = w(20, (GAT, 1), GAT); inp['attn_am_b'] = w(21, (1,), GAT)
    inp['lin1_W'] = w(22, (GAT, F1), GAT); inp['lin1_b'] = w(23, (F1,), GAT)
    inp['lin2_W'] = w(24, (F1, F2), F1); inp['lin2_b'] = w(25, (F2,), F1)
    inp['lin3_W'] = w(26, (F2, F3), F2); inp['lin3_b'] = w(27, (F3,), F2)
    inp['lin4_W'] = w(28, (F3, 1), F3); inp['lin4_b'] = w(29, (1,), F3)
    return inp


def _nnconv(x, edge_index, edge_attr, nnW, nnb, rootW, bias, fin, fout):
    # NNConv (ECConv), aggr='add': per-edge weight matrix from edge MLP
    theta = (edge_attr @ nnW + nnb).reshape(-1, fin, fout)
    src = edge_index[0]; dst = edge_index[1]
    msg = jnp.einsum('ei,eio->eo', x[src], theta)
    agg = jnp.zeros((x.shape[0], fout), x.dtype).at[dst].add(msg)
    return agg + x @ rootW + bias


def _arma(x, edge_index, init_w, ws, root_ws, biases, n):
    # ARMAConv, num_stacks=K, num_layers=T, shared_weights=False, act=ReLU, dropout inactive (eval)
    row = edge_index[0]; col = edge_index[1]
    deg = jnp.zeros((n,), jnp.float32).at[col].add(1.0)
    dinv = jnp.where(deg > 0, 1.0 / jnp.sqrt(deg), 0.0)
    ew = dinv[row] * dinv[col]
    h = None
    for t in range(T):
        if t == 0:
            h = jnp.einsum('nf,kfo->kno', x, init_w)
        else:
            h = jnp.einsum('kno,kop->knp', h, ws[t - 1])
        msg = h[:, row, :] * ew[None, :, None]
        h = jnp.zeros_like(h).at[:, col, :].add(msg)
        h = h + jnp.einsum('nf,kfo->kno', x, root_ws[t]) + biases[t]
        h = jax.nn.relu(h)
    return h.mean(axis=0)


def _forward(x, edge_attr, aminoacids_features, params, edge_index, idx_batch, cc, monomer_labels, amino_index):
    (nn1_W, nn1_b, root1_W, conv1_b, nn2_W, nn2_b, root2_W, conv2_b,
     attn_atom_W, attn_atom_b, arma_init_w, arma_w, arma_root_w, arma_bias,
     attn_am_W, attn_am_b, lin1_W, lin1_b, lin2_W, lin2_b, lin3_W, lin3_b, lin4_W, lin4_b) = params
    h = jax.nn.relu(_nnconv(x, edge_index, edge_attr, nn1_W, nn1_b, root1_W, conv1_b, DIN, H1))
    h = jax.nn.relu(_nnconv(h, edge_index, edge_attr, nn2_W, nn2_b, root2_W, conv2_b, H1, H2))
    outs = []
    for i in range(B):
        # idx_batch == i selects a contiguous block of NP atoms; cc[i] == i indexes the per-graph tables
        xi = h[i * NP:(i + 1) * NP]
        ml = monomer_labels[i * NP:(i + 1) * NP]
        aw = jax.nn.softmax(xi @ attn_atom_W + attn_atom_b, axis=0)
        xa = jax.ops.segment_sum(xi * aw, ml, num_segments=NA)
        xa = jnp.concatenate([xa, aminoacids_features[i]], axis=1)
        xg = _arma(xa, amino_index[i], arma_init_w, arma_w, arma_root_w, arma_bias, NA)
        xg = jax.nn.relu(xg)
        aw2 = jax.nn.softmax(xg @ attn_am_W + attn_am_b, axis=0)
        outs.append(jnp.sum(xg * aw2, axis=0, keepdims=True))
    p = jnp.concatenate(outs, axis=0)
    p = jax.nn.relu(p @ lin1_W + lin1_b)
    p = jax.nn.relu(p @ lin2_W + lin2_b)
    p = jax.nn.relu(p @ lin3_W + lin3_b)
    p = p @ lin4_W + lin4_b
    return p.reshape(-1)


def reference(x, edge_index, edge_attr, idx_batch, cc, monomer_labels, aminoacids_features, amino_index, nn1_W, nn1_b, root1_W, conv1_b, nn2_W, nn2_b, root2_W, conv2_b, attn_atom_W, attn_atom_b, arma_init_w, arma_w, arma_root_w, arma_bias, attn_am_W, attn_am_b, lin1_W, lin1_b, lin2_W, lin2_b, lin3_W, lin3_b, lin4_W, lin4_b):
    params = (nn1_W, nn1_b, root1_W, conv1_b, nn2_W, nn2_b, root2_W, conv2_b,
              attn_atom_W, attn_atom_b, arma_init_w, arma_w, arma_root_w, arma_bias,
              attn_am_W, attn_am_b, lin1_W, lin1_b, lin2_W, lin2_b, lin3_W, lin3_b, lin4_W, lin4_b)
    return _forward(x, edge_attr, aminoacids_features, params, edge_index, idx_batch, cc, monomer_labels, amino_index)

if __name__ == "__main__":
    import jax
    _d = setup_inputs()
    print(jax.jit(kernel)(*tuple(_d.values())))

</pallas_src>

<mosaic_0001>
#map = affine_map<(d0, d1) -> (0, 0)>
#map1 = affine_map<(d0, d1) -> (0, 0, 0)>
module attributes {stable_mosaic.version = 14 : i64} {
  func.func @k(%arg0: i32, %arg1: i32, %arg2: memref<10000x32xf32, #tpu.memory_space<hbm>>, %arg3: memref<32x10x512xi32, #tpu.memory_space<hbm>>, %arg4: memref<163840x32xf32, #tpu.memory_space<hbm>>, %arg5: memref<10x512xi32, #tpu.memory_space<vmem>>, %arg6: memref<4x512x32xf32, #tpu.memory_space<vmem>>, %arg7: memref<!tpu.dma_semaphore, #tpu.memory_space<semaphore_mem>>, %arg8: memref<!tpu.dma_semaphore, #tpu.memory_space<semaphore_mem>>, %arg9: memref<!tpu.dma_semaphore, #tpu.memory_space<semaphore_mem>>, %arg10: memref<!tpu.dma_semaphore, #tpu.memory_space<semaphore_mem>>, %arg11: memref<!tpu.dma_semaphore, #tpu.memory_space<semaphore_mem>>, %arg12: memref<!tpu.dma_semaphore, #tpu.memory_space<semaphore_mem>>, %arg13: memref<!tpu.dma_semaphore, #tpu.memory_space<semaphore_mem>>, %arg14: memref<!tpu.dma_semaphore, #tpu.memory_space<semaphore_mem>>) attributes {dimension_semantics = [#tpu.dimension_semantics<core_parallel>, #tpu.dimension_semantics<subcore_parallel>], iteration_bounds = array<i64: 2, 16>, scalar_prefetch = 0 : i64, scratch_operands = 10 : i64, tpu.core_type = #tpu.core_type<sc_vector_subcore>, window_params = [{transform_indices = #map}, {transform_indices = #map1}, {transform_indices = #map}]} {
    %mul3A = arith.constant 2 : i32
    %mul3A_0 = arith.muli %arg1, %mul3A : i32
    %add3A = arith.addi %mul3A_0, %arg0 : i32
    %mul3A_1 = arith.constant 5120 : i32
    %mul3A_2 = arith.muli %add3A, %mul3A_1 : i32
    "tpu.region"() ({
      %run_scoped3A = tpu.sem_alloc : memref<!tpu.dma_semaphore, #tpu.memory_space<semaphore_mem>>
      %dma_start3A_521 = arith.constant 0 : i32
      %dma_start3A_522 = arith.constant 0 : i32
      %dma_start3A_523 = tpu.memref_slice %arg3[%add3A, %dma_start3A_521, %dma_start3A_522] : memref<32x10x512xi32, #tpu.memory_space<hbm>> -> memref<1x10x512xi32, #tpu.memory_space<hbm>>
      %dma_start3A_524 = tpu.memref_squeeze %dma_start3A_523 : memref<1x10x512xi32, #tpu.memory_space<hbm>> -> memref<10x512xi32, #tpu.memory_space<hbm>>
      %dma_start3A_525 = arith.constant 0 : i32
      %dma_start3A_526 = arith.constant 0 : i32
      %dma_start3A_527 = tpu.memref_slice %arg3[%add3A, %dma_start3A_525, %dma_start3A_526] : memref<32x10x512xi32, #tpu.memory_space<hbm>> -> memref<1x10x512xi32, #tpu.memory_space<hbm>>
      %dma_start3A_528 = tpu.memref_squeeze %dma_start3A_527 : memref<1x10x512xi32, #tpu.memory_space<hbm>> -> memref<10x512xi32, #tpu.memory_space<hbm>>
      tpu.enqueue_dma source(%dma_start3A_528 : memref<10x512xi32, #tpu.memory_space<hbm>>) target(%arg5 : memref<10x512xi32, #tpu.memory_space<vmem>>) target_semaphore(%run_scoped3A : memref<!tpu.dma_semaphore, #tpu.memory_space<semaphore_mem>>)
      %dma_wait3A_529 = arith.constant 0 : i32
      %dma_wait3A_530 = arith.constant 0 : i32
      %dma_wait3A_531 = tpu.memref_slice %arg3[%add3A, %dma_wait3A_529, %dma_wait3A_530] : memref<32x10x512xi32, #tpu.memory_space<hbm>> -> memref<1x10x512xi32, #tpu.memory_space<hbm>>
      %dma_wait3A_532 = tpu.memref_squeeze %dma_wait3A_531 : memref<1x10x512xi32, #tpu.memory_space<hbm>> -> memref<10x512xi32, #tpu.memory_space<hbm>>
      %dma_wait3A_533 = arith.constant 0 : i32
      %dma_wait3A_534 = arith.constant 0 : i32
      %dma_wait3A_535 = tpu.memref_slice %arg3[%add3A, %dma_wait3A_533, %dma_wait3A_534] : memref<32x10x512xi32, #tpu.memory_space<hbm>> -> memref<1x10x512xi32, #tpu.memory_space<hbm>>
      %dma_wait3A_536 = tpu.memref_squeeze %dma_wait3A_535 : memref<1x10x512xi32, #tpu.memory_space<hbm>> -> memref<10x512xi32, #tpu.memory_space<hbm>>
      tpu.wait_dma2 semaphore(%run_scoped3A : memref<!tpu.dma_semaphore, #tpu.memory_space<semaphore_mem>>) src(%dma_wait3A_536 : memref<10x512xi32, #tpu.memory_space<hbm>>) dst(%arg5 : memref<10x512xi32, #tpu.memory_space<vmem>>)
      tpu.yield
    }) : () -> ()
    %dma_start3A = arith.constant 0 : i32
    %dma_start3A_3 = arith.constant 0 : i32
    %dma_start3A_4 = arith.constant 0 : i32
    %dma_start3A_5 = arith.constant 0 : i32
    %dma_start3A_6 = tpu.memref_slice %arg6[%dma_start3A_3, %dma_start3A_4, %dma_start3A_5] : memref<4x512x32xf32, #tpu.memory_space<vmem>> -> memref<1x512x32xf32, #tpu.memory_space<vmem>>
    %dma_start3A_7 = tpu.memref_squeeze %dma_start3A_6 : memref<1x512x32xf32, #tpu.memory_space<vmem>> -> memref<512x32xf32, #tpu.memory_space<vmem>>
    %dma_start3A_8 = arith.constant 0 : i32
    %dma_start3A_9 = tpu.memref_slice %arg5[%dma_start3A, %dma_start3A_8] : memref<10x512xi32, #tpu.memory_space<vmem>> -> memref<1x512xi32, #tpu.memory_space<vmem>>
    %dma_start3A_10 = tpu.memref_squeeze %dma_start3A_9 : memref<1x512xi32, #tpu.memory_space<vmem>> -> memref<512xi32, #tpu.memory_space<vmem>>
    %dma_start3A_11 = arith.constant 0 : i32
    %dma_start3A_12 = arith.constant 0 : i32
    %dma_start3A_13 = tpu.memref_slice %arg2[%dma_start3A_11, %dma_start3A_12] : memref<10000x32xf32, #tpu.memory_space<hbm>> -> memref<10000x32xf32, #tpu.memory_space<hbm>>
    tpu.enqueue_indirect_dma source(%dma_start3A_13 : memref<10000x32xf32, #tpu.memory_space<hbm>>) target(%dma_start3A_7 : memref<512x32xf32, #tpu.memory_space<vmem>>) offsets(%dma_start3A_10 : memref<512xi32, #tpu.memory_space<vmem>>) semaphore(%arg7 : memref<!tpu.dma_semaphore, #tpu.memory_space<semaphore_mem>>)
    %dma_start3A_14 = arith.constant 1 : i32
    %dma_start3A_15 = arith.constant 1 : i32
    %dma_start3A_16 = arith.constant 0 : i32
    %dma_start3A_17 = arith.constant 0 : i32
    %dma_start3A_18 = tpu.memref_slice %arg6[%dma_start3A_15, %dma_start3A_16, %dma_start3A_17] : memref<4x512x32xf32, #tpu.memory_space<vmem>> -> memref<1x512x32xf32, #tpu.memory_space<vmem>>
    %dma_start3A_19 = tpu.memref_squeeze %dma_start3A_18 : memref<1x512x32xf32, #tpu.memory_space<vmem>> -> memref<512x32xf32, #tpu.memory_space<vmem>>
    %dma_start3A_20 = arith.constant 0 : i32
    %dma_start3A_21 = tpu.memref_slice %arg5[%dma_start3A_14, %dma_start3A_20] : memref<10x512xi32, #tpu.memory_space<vmem>> -> memref<1x512xi32, #tpu.memory_space<vmem>>
    %dma_start3A_22 = tpu.memref_squeeze %dma_start3A_21 : memref<1x512xi32, #tpu.memory_space<vmem>> -> memref<512xi32, #tpu.memory_space<vmem>>
    %dma_start3A_23 = arith.constant 0 : i32
    %dma_start3A_24 = arith.constant 0 : i32
    %dma_start3A_25 = tpu.memref_slice %arg2[%dma_start3A_23, %dma_start3A_24] : memref<10000x32xf32, #tpu.memory_space<hbm>> -> memref<10000x32xf32, #tpu.memory_space<hbm>>
    tpu.enqueue_indirect_dma source(%dma_start3A_25 : memref<10000x32xf32, #tpu.memory_space<hbm>>) target(%dma_start3A_19 : memref<512x32xf32, #tpu.memory_space<vmem>>) offsets(%dma_start3A_22 : memref<512xi32, #tpu.memory_space<vmem>>) semaphore(%arg8 : memref<!tpu.dma_semaphore, #tpu.memory_space<semaphore_mem>>)
    %dma_start3A_26 = arith.constant 2 : i32
    %dma_start3A_27 = arith.constant 2 : i32
    %dma_start3A_28 = arith.constant 0 : i32
    %dma_start3A_29 = arith.constant 0 : i32
    %dma_start3A_30 = tpu.memref_slice %arg6[%dma_start3A_27, %dma_start3A_28, %dma_start3A_29] : memref<4x512x32xf32, #tpu.memory_space<vmem>> -> memref<1x512x32xf32, #tpu.memory_space<vmem>>
    %dma_start3A_31 = tpu.memref_squeeze %dma_start3A_30 : memref<1x512x32xf32, #tpu.memory_space<vmem>> -> memref<512x32xf32, #tpu.memory_space<vmem>>
    %dma_start3A_32 = arith.constant 0 : i32
    %dma_start3A_33 = tpu.memref_slice %arg5[%dma_start3A_26, %dma_start3A_32] : memref<10x512xi32, #tpu.memory_space<vmem>> -> memref<1x512xi32, #tpu.memory_space<vmem>>
    %dma_start3A_34 = tpu.memref_squeeze %dma_start3A_33 : memref<1x512xi32, #tpu.memory_space<vmem>> -> memref<512xi32, #tpu.memory_space<vmem>>
    %dma_start3A_35 = arith.constant 0 : i32
    %dma_start3A_36 = arith.constant 0 : i32
    %dma_start3A_37 = tpu.memref_slice %arg2[%dma_start3A_35, %dma_start3A_36] : memref<10000x32xf32, #tpu.memory_space<hbm>> -> memref<10000x32xf32, #tpu.memory_space<hbm>>
    tpu.enqueue_indirect_dma source(%dma_start3A_37 : memref<10000x32xf32, #tpu.memory_space<hbm>>) target(%dma_start3A_31 : memref<512x32xf32, #tpu.memory_space<vmem>>) offsets(%dma_start3A_34 : memref<512xi32, #tpu.memory_space<vmem>>) semaphore(%arg9 : memref<!tpu.dma_semaphore, #tpu.memory_space<semaphore_mem>>)
    %dma_start3A_38 = arith.constant 3 : i32
    %dma_start3A_39 = arith.constant 3 : i32
    %dma_start3A_40 = arith.constant 0 : i32
    %dma_start3A_41 = arith.constant 0 : i32
    %dma_start3A_42 = tpu.memref_slice %arg6[%dma_start3A_39, %dma_start3A_40, %dma_start3A_41] : memref<4x512x32xf32, #tpu.memory_space<vmem>> -> memref<1x512x32xf32, #tpu.memory_space<vmem>>
    %dma_start3A_43 = tpu.memref_squeeze %dma_start3A_42 : memref<1x512x32xf32, #tpu.memory_space<vmem>> -> memref<512x32xf32, #tpu.memory_space<vmem>>
    %dma_start3A_44 = arith.constant 0 : i32
    %dma_start3A_45 = tpu.memref_slice %arg5[%dma_start3A_38, %dma_start3A_44] : memref<10x512xi32, #tpu.memory_space<vmem>> -> memref<1x512xi32, #tpu.memory_space<vmem>>
    %dma_start3A_46 = tpu.memref_squeeze %dma_start3A_45 : memref<1x512xi32, #tpu.memory_space<vmem>> -> memref<512xi32, #tpu.memory_space<vmem>>
    %dma_start3A_47 = arith.constant 0 : i32
    %dma_start3A_48 = arith.constant 0 : i32
    %dma_start3A_49 = tpu.memref_slice %arg2[%dma_start3A_47, %dma_start3A_48] : memref<10000x32xf32, #tpu.memory_space<hbm>> -> memref<10000x32xf32, #tpu.memory_space<hbm>>
    tpu.enqueue_indirect_dma source(%dma_start3A_49 : memref<10000x32xf32, #tpu.memory_space<hbm>>) target(%dma_start3A_43 : memref<512x32xf32, #tpu.memory_space<vmem>>) offsets(%dma_start3A_46 : memref<512xi32, #tpu.memory_space<vmem>>) semaphore(%arg10 : memref<!tpu.dma_semaphore, #tpu.memory_space<semaphore_mem>>)
    %dma_wait3A = arith.constant 0 : i32
    %dma_wait3A_50 = arith.constant 0 : i32
    %dma_wait3A_51 = arith.constant 0 : i32
    %dma_wait3A_52 = arith.constant 0 : i32
    %dma_wait3A_53 = tpu.memref_slice %arg6[%dma_wait3A_50, %dma_wait3A_51, %dma_wait3A_52] : memref<4x512x32xf32, #tpu.memory_space<vmem>> -> memref<1x512x32xf32, #tpu.memory_space<vmem>>
    %dma_wait3A_54 = tpu.memref_squeeze %dma_wait3A_53 : memref<1x512x32xf32, #tpu.memory_space<vmem>> -> memref<512x32xf32, #tpu.memory_space<vmem>>
    %dma_wait3A_55 = arith.constant 0 : i32
    %dma_wait3A_56 = tpu.memref_slice %arg5[%dma_wait3A, %dma_wait3A_55] : memref<10x512xi32, #tpu.memory_space<vmem>> -> memref<1x512xi32, #tpu.memory_space<vmem>>
    %dma_wait3A_57 = tpu.memref_squeeze %dma_wait3A_56 : memref<1x512xi32, #tpu.memory_space<vmem>> -> memref<512xi32, #tpu.memory_space<vmem>>
    %dma_wait3A_58 = arith.constant 0 : i32
    %dma_wait3A_59 = arith.constant 0 : i32
    %dma_wait3A_60 = tpu.memref_slice %arg2[%dma_wait3A_58, %dma_wait3A_59] : memref<10000x32xf32, #tpu.memory_space<hbm>> -> memref<10000x32xf32, #tpu.memory_space<hbm>>
    tpu.wait_indirect_dma semaphore(%arg7 : memref<!tpu.dma_semaphore, #tpu.memory_space<semaphore_mem>>) src(%dma_wait3A_60 : memref<10000x32xf32, #tpu.memory_space<hbm>>) dst(%dma_wait3A_54 : memref<512x32xf32, #tpu.memory_space<vmem>>)
    %add3A_61 = arith.constant 0 : i32
    %add3A_62 = arith.addi %mul3A_2, %add3A_61 : i32
    %dma_start3A_63 = arith.constant 0 : i32
    %dma_start3A_64 = arith.constant 0 : i32
    %dma_start3A_65 = arith.constant 0 : i32
    %dma_start3A_66 = tpu.memref_slice %arg6[%dma_start3A_63, %dma_start3A_64, %dma_start3A_65] : memref<4x512x32xf32, #tpu.memory_space<vmem>> -> memref<1x512x32xf32, #tpu.memory_space<vmem>>
    %dma_start3A_67 = tpu.memref_squeeze %dma_start3A_66 : memref<1x512x32xf32, #tpu.memory_space<vmem>> -> memref<512x32xf32, #tpu.memory_space<vmem>>
    %dma_start3A_68 = arith.constant 0 : i32
    %dma_start3A_69 = tpu.memref_slice %arg4[%add3A_62, %dma_start3A_68] : memref<163840x32xf32, #tpu.memory_space<hbm>> -> memref<512x32xf32, #tpu.memory_space<hbm>>
    %dma_start3A_70 = arith.constant 0 : i32
    %dma_start3A_71 = tpu.memref_slice %arg4[%add3A_62, %dma_start3A_70] : memref<163840x32xf32, #tpu.memory_space<hbm>> -> memref<512x32xf32, #tpu.memory_space<hbm>>
    %dma_start3A_72 = arith.constant 0 : i32
    %dma_start3A_73 = arith.constant 0 : i32
    %dma_start3A_74 = tpu.memref_slice %arg6[%dma_start3A_63, %dma_start3A_72, %dma_start3A_73] : memref<4x512x32xf32, #tpu.memory_space<vmem>> -> memref<1x512x32xf32, #tpu.memory_space<vmem>>
    %dma_start3A_75 = tpu.memref_squeeze %dma_start3A_74 : memref<1x512x32xf32, #tpu.memory_space<vmem>> -> memref<512x32xf32, #tpu.memory_space<vmem>>
    tpu.enqueue_dma source(%dma_start3A_75 : memref<512x32xf32, #tpu.memory_space<vmem>>) target(%dma_start3A_71 : memref<512x32xf32, #tpu.memory_space<hbm>>) target_semaphore(%arg11 : memref<!tpu.dma_semaphore, #tpu.memory_space<semaphore_mem>>)
    %dma_wait3A_76 = arith.constant 0 : i32
    %dma_wait3A_77 = arith.constant 0 : i32
    %dma_wait3A_78 = arith.constant 0 : i32
    %dma_wait3A_79 = tpu.memref_slice %arg6[%dma_wait3A_76, %dma_wait3A_77, %dma_wait3A_78] : memref<4x512x32xf32, #tpu.memory_space<vmem>> -> memref<1x512x32xf32, #tpu.memory_space<vmem>>
    %dma_wait3A_80 = tpu.memref_squeeze %dma_wait3A_79 : memref<1x512x32xf32, #tpu.memory_space<vmem>> -> memref<512x32xf32, #tpu.memory_space<vmem>>
    %dma_wait3A_81 = arith.constant 0 : i32
    %dma_wait3A_82 = tpu.memref_slice %arg4[%add3A_62, %dma_wait3A_81] : memref<163840x32xf32, #tpu.memory_space<hbm>> -> memref<512x32xf32, #tpu.memory_space<hbm>>
    %dma_wait3A_83 = arith.constant 0 : i32
    %dma_wait3A_84 = tpu.memref_slice %arg4[%add3A_62, %dma_wait3A_83] : memref<163840x32xf32, #tpu.memory_space<hbm>> -> memref<512x32xf32, #tpu.memory_space<hbm>>
    %dma_wait3A_85 = arith.constant 0 : i32
    %dma_wait3A_86 = arith.constant 0 : i32
    %dma_wait3A_87 = tpu.memref_slice %arg6[%dma_wait3A_76, %dma_wait3A_85, %dma_wait3A_86] : memref<4x512x32xf32, #tpu.memory_space<vmem>> -> memref<1x512x32xf32, #tpu.memory_space<vmem>>
    %dma_wait3A_88 = tpu.memref_squeeze %dma_wait3A_87 : memref<1x512x32xf32, #tpu.memory_space<vmem>> -> memref<512x32xf32, #tpu.memory_space<vmem>>
    tpu.wait_dma2 semaphore(%arg11 : memref<!tpu.dma_semaphore, #tpu.memory_space<semaphore_mem>>) src(%dma_wait3A_88 : memref<512x32xf32, #tpu.memory_space<vmem>>) dst(%dma_wait3A_84 : memref<512x32xf32, #tpu.memory_space<hbm>>)
    %dma_start3A_89 = arith.constant 4 : i32
    %dma_start3A_90 = arith.constant 0 : i32
    %dma_start3A_91 = arith.constant 0 : i32
    %dma_start3A_92 = arith.constant 0 : i32
    %dma_start3A_93 = tpu.memref_slice %arg6[%dma_start3A_90, %dma_start3A_91, %dma_start3A_92] : memref<4x512x32xf32, #tpu.memory_space<vmem>> -> memref<1x512x32xf32, #tpu.memory_space<vmem>>
    %dma_start3A_94 = tpu.memref_squeeze %dma_start3A_93 : memref<1x512x32xf32, #tpu.memory_space<vmem>> -> memref<512x32xf32, #tpu.memory_space<vmem>>
    %dma_start3A_95 = arith.constant 0 : i32
    %dma_start3A_96 = tpu.memref_slice %arg5[%dma_start3A_89, %dma_start3A_95] : memref<10x512xi32, #tpu.memory_space<vmem>> -> memref<1x512xi32, #tpu.memory_space<vmem>>
    %dma_start3A_97 = tpu.memref_squeeze %dma_start3A_96 : memref<1x512xi32, #tpu.memory_space<vmem>> -> memref<512xi32, #tpu.memory_space<vmem>>
    %dma_start3A_98 = arith.constant 0 : i32
    %dma_start3A_99 = arith.constant 0 : i32
    %dma_start3A_100 = tpu.memref_slice %arg2[%dma_start3A_98, %dma_start3A_99] : memref<10000x32xf32, #tpu.memory_space<hbm>> -> memref<10000x32xf32, #tpu.memory_space<hbm>>
    tpu.enqueue_indirect_dma source(%dma_start3A_100 : memref<10000x32xf32, #tpu.memory_space<hbm>>) target(%dma_start3A_94 : memref<512x32xf32, #tpu.memory_space<vmem>>) offsets(%dma_start3A_97 : memref<512xi32, #tpu.memory_space<vmem>>) semaphore(%arg7 : memref<!tpu.dma_semaphore, #tpu.memory_space<semaphore_mem>>)
    %dma_wait3A_101 = arith.constant 1 : i32
    %dma_wait3A_102 = arith.constant 1 : i32
    %dma_wait3A_103 = arith.constant 0 : i32
    %dma_wait3A_104 = arith.constant 0 : i32
    %dma_wait3A_105 = tpu.memref_slice %arg6[%dma_wait3A_102, %dma_wait3A_103, %dma_wait3A_104] : memref<4x512x32xf32, #tpu.memory_space<vmem>> -> memref<1x512x32xf32, #tpu.memory_space<vmem>>
    %dma_wait3A_106 = tpu.memref_squeeze %dma_wait3A_105 : memref<1x512x32xf32, #tpu.memory_space<vmem>> -> memref<512x32xf32, #tpu.memory_space<vmem>>
    %dma_wait3A_107 = arith.constant 0 : i32
    %dma_wait3A_108 = tpu.memref_slice %arg5[%dma_wait3A_101, %dma_wait3A_107] : memref<10x512xi32, #tpu.memory_space<vmem>> -> memref<1x512xi32, #tpu.memory_space<vmem>>
    %dma_wait3A_109 = tpu.memref_squeeze %dma_wait3A_108 : memref<1x512xi32, #tpu.memory_space<vmem>> -> memref<512xi32, #tpu.memory_space<vmem>>
    %dma_wait3A_110 = arith.constant 0 : i32
    %dma_wait3A_111 = arith.constant 0 : i32
    %dma_wait3A_112 = tpu.memref_slice %arg2[%dma_wait3A_110, %dma_wait3A_111] : memref<10000x32xf32, #tpu.memory_space<hbm>> -> memref<10000x32xf32, #tpu.memory_space<hbm>>
    tpu.wait_indirect_dma semaphore(%arg8 : memref<!tpu.dma_semaphore, #tpu.memory_space<semaphore_mem>>) src(%dma_wait3A_112 : memref<10000x32xf32, #tpu.memory_space<hbm>>) dst(%dma_wait3A_106 : memref<512x32xf32, #tpu.memory_space<vmem>>)
    %add3A_113 = arith.constant 512 : i32
    %add3A_114 = arith.addi %mul3A_2, %add3A_113 : i32
    %dma_start3A_115 = arith.constant 1 : i32
    %dma_start3A_116 = arith.constant 0 : i32
    %dma_start3A_117 = arith.constant 0 : i32
    %dma_start3A_118 = tpu.memref_slice %arg6[%dma_start3A_115, %dma_start3A_116, %dma_start3A_117] : memref<4x512x32xf32, #tpu.memory_space<vmem>> -> memref<1x512x32xf32, #tpu.memory_space<vmem>>
    %dma_start3A_119 = tpu.memref_squeeze %dma_start3A_118 : memref<1x512x32xf32, #tpu.memory_space<vmem>> -> memref<512x32xf32, #tpu.memory_space<vmem>>
    %dma_start3A_120 = arith.constant 0 : i32
    %dma_start3A_121 = tpu.memref_slice %arg4[%add3A_114, %dma_start3A_120] : memref<163840x32xf32, #tpu.memory_space<hbm>> -> memref<512x32xf32, #tpu.memory_space<hbm>>
    %dma_start3A_122 = arith.constant 0 : i32
    %dma_start3A_123 = tpu.memref_slice %arg4[%add3A_114, %dma_start3A_122] : memref<163840x32xf32, #tpu.memory_space<hbm>> -> memref<512x32xf32, #tpu.memory_space<hbm>>
    %dma_start3A_124 = arith.constant 0 : i32
    %dma_start3A_125 = arith.constant 0 : i32
    %dma_start3A_126 = tpu.memref_slice %arg6[%dma_start3A_115, %dma_start3A_124, %dma_start3A_125] : memref<4x512x32xf32, #tpu.memory_space<vmem>> -> memref<1x512x32xf32, #tpu.memory_space<vmem>>
    %dma_start3A_127 = tpu.memref_squeeze %dma_start3A_126 : memref<1x512x32xf32, #tpu.memory_space<vmem>> -> memref<512x32xf32, #tpu.memory_space<vmem>>
    tpu.enqueue_dma source(%dma_start3A_127 : memref<512x32xf32, #tpu.memory_space<vmem>>) target(%dma_start3A_123 : memref<512x32xf32, #tpu.memory_space<hbm>>) target_semaphore(%arg12 : memref<!tpu.dma_semaphore, #tpu.memory_space<semaphore_mem>>)
    %dma_wait3A_128 = arith.constant 1 : i32
    %dma_wait3A_129 = arith.constant 0 : i32
    %dma_wait3A_130 = arith.constant 0 : i32
    %dma_wait3A_131 = tpu.memref_slice %arg6[%dma_wait3A_128, %dma_wait3A_129, %dma_wait3A_130] : memref<4x512x32xf32, #tpu.memory_space<vmem>> -> memref<1x512x32xf32, #tpu.memory_space<vmem>>
    %dma_wait3A_132 = tpu.memref_squeeze %dma_wait3A_131 : memref<1x512x32xf32, #tpu.memory_space<vmem>> -> memref<512x32xf32, #tpu.memory_space<vmem>>
    %dma_wait3A_133 = arith.constant 0 : i32
    %dma_wait3A_134 = tpu.memref_slice %arg4[%add3A_114, %dma_wait3A_133] : memref<163840x32xf32, #tpu.memory_space<hbm>> -> memref<512x32xf32, #tpu.memory_space<hbm>>
    %dma_wait3A_135 = arith.constant 0 : i32
    %dma_wait3A_136 = tpu.memref_slice %arg4[%add3A_114, %dma_wait3A_135] : memref<163840x32xf32, #tpu.memory_space<hbm>> -> memref<512x32xf32, #tpu.memory_space<hbm>>
    %dma_wait3A_137 = arith.constant 0 : i32
    %dma_wait3A_138 = arith.constant 0 : i32
    %dma_wait3A_139 = tpu.memref_slice %arg6[%dma_wait3A_128, %dma_wait3A_137, %dma_wait3A_138] : memref<4x512x32xf32, #tpu.memory_space<vmem>> -> memref<1x512x32xf32, #tpu.memory_space<vmem>>
    %dma_wait3A_140 = tpu.memref_squeeze %dma_wait3A_139 : memref<1x512x32xf32, #tpu.memory_space<vmem>> -> memref<512x32xf32, #tpu.memory_space<vmem>>
    tpu.wait_dma2 semaphore(%arg12 : memref<!tpu.dma_semaphore, #tpu.memory_space<semaphore_mem>>) src(%dma_wait3A_140 : memref<512x32xf32, #tpu.memory_space<vmem>>) dst(%dma_wait3A_136 : memref<512x32xf32, #tpu.memory_space<hbm>>)
    %dma_start3A_141 = arith.constant 5 : i32
    %dma_start3A_142 = arith.constant 1 : i32
    %dma_start3A_143 = arith.constant 0 : i32
    %dma_start3A_144 = arith.constant 0 : i32
    %dma_start3A_145 = tpu.memref_slice %arg6[%dma_start3A_142, %dma_start3A_143, %dma_start3A_144] : memref<4x512x32xf32, #tpu.memory_space<vmem>> -> memref<1x512x32xf32, #tpu.memory_space<vmem>>
    %dma_start3A_146 = tpu.memref_squeeze %dma_start3A_145 : memref<1x512x32xf32, #tpu.memory_space<vmem>> -> memref<512x32xf32, #tpu.memory_space<vmem>>
    %dma_start3A_147 = arith.constant 0 : i32
    %dma_start3A_148 = tpu.memref_slice %arg5[%dma_start3A_141, %dma_start3A_147] : memref<10x512xi32, #tpu.memory_space<vmem>> -> memref<1x512xi32, #tpu.memory_space<vmem>>
    %dma_start3A_149 = tpu.memref_squeeze %dma_start3A_148 : memref<1x512xi32, #tpu.memory_space<vmem>> -> memref<512xi32, #tpu.memory_space<vmem>>
    %dma_start3A_150 = arith.constant 0 : i32
    %dma_start3A_151 = arith.constant 0 : i32
    %dma_start3A_152 = tpu.memref_slice %arg2[%dma_start3A_150, %dma_start3A_151] : memref<10000x32xf32, #tpu.memory_space<hbm>> -> memref<10000x32xf32, #tpu.memory_space<hbm>>
    tpu.enqueue_indirect_dma source(%dma_start3A_152 : memref<10000x32xf32, #tpu.memory_space<hbm>>) target(%dma_start3A_146 : memref<512x32xf32, #tpu.memory_space<vmem>>) offsets(%dma_start3A_149 : memref<512xi32, #tpu.memory_space<vmem>>) semaphore(%arg8 : memref<!tpu.dma_semaphore, #tpu.memory_space<semaphore_mem>>)
    %dma_wait3A_153 = arith.constant 2 : i32
    %dma_wait3A_154 = arith.constant 2 : i32
    %dma_wait3A_155 = arith.constant 0 : i32
    %dma_wait3A_156 = arith.constant 0 : i32
    %dma_wait3A_157 = tpu.memref_slice %arg6[%dma_wait3A_154, %dma_wait3A_155, %dma_wait3A_156] : memref<4x512x32xf32, #tpu.memory_space<vmem>> -> memref<1x512x32xf32, #tpu.memory_space<vmem>>
    %dma_wait3A_158 = tpu.memref_squeeze %dma_wait3A_157 : memref<1x512x32xf32, #tpu.memory_space<vmem>> -> memref<512x32xf32, #tpu.memory_space<vmem>>
    %dma_wait3A_159 = arith.constant 0 : i32
    %dma_wait3A_160 = tpu.memref_slice %arg5[%dma_wait3A_153, %dma_wait3A_159] : memref<10x512xi32, #tpu.memory_space<vmem>> -> memref<1x512xi32, #tpu.memory_space<vmem>>
    %dma_wait3A_161 = tpu.memref_squeeze %dma_wait3A_160 : memref<1x512xi32, #tpu.memory_space<vmem>> -> memref<512xi32, #tpu.memory_space<vmem>>
    %dma_wait3A_162 = arith.constant 0 : i32
    %dma_wait3A_163 = arith.constant 0 : i32
    %dma_wait3A_164 = tpu.memref_slice %arg2[%dma_wait3A_162, %dma_wait3A_163] : memref<10000x32xf32, #tpu.memory_space<hbm>> -> memref<10000x32xf32, #tpu.memory_space<hbm>>
    tpu.wait_indirect_dma semaphore(%arg9 : memref<!tpu.dma_semaphore, #tpu.memory_space<semaphore_mem>>) src(%dma_wait3A_164 : memref<10000x32xf32, #tpu.memory_space<hbm>>) dst(%dma_wait3A_158 : memref<512x32xf32, #tpu.memory_space<vmem>>)
    %add3A_165 = arith.constant 1024 : i32
    %add3A_166 = arith.addi %mul3A_2, %add3A_165 : i32
    %dma_start3A_167 = arith.constant 2 : i32
    %dma_start3A_168 = arith.constant 0 : i32
    %dma_start3A_169 = arith.constant 0 : i32
    %dma_start3A_170 = tpu.memref_slice %arg6[%dma_start3A_167, %dma_start3A_168, %dma_start3A_169] : memref<4x512x32xf32, #tpu.memory_space<vmem>> -> memref<1x512x32xf32, #tpu.memory_space<vmem>>
    %dma_start3A_171 = tpu.memref_squeeze %dma_start3A_170 : memref<1x512x32xf32, #tpu.memory_space<vmem>> -> memref<512x32xf32, #tpu.memory_space<vmem>>
    %dma_start3A_172 = arith.constant 0 : i32
    %dma_start3A_173 = tpu.memref_slice %arg4[%add3A_166, %dma_start3A_172] : memref<163840x32xf32, #tpu.memory_space<hbm>> -> memref<512x32xf32, #tpu.memory_space<hbm>>
    %dma_start3A_174 = arith.constant 0 : i32
    %dma_start3A_175 = tpu.memref_slice %arg4[%add3A_166, %dma_start3A_174] : memref<163840x32xf32, #tpu.memory_space<hbm>> -> memref<512x32xf32, #tpu.memory_space<hbm>>
    %dma_start3A_176 = arith.constant 0 : i32
    %dma_start3A_177 = arith.constant 0 : i32
    %dma_start3A_178 = tpu.memref_slice %arg6[%dma_start3A_167, %dma_start3A_176, %dma_start3A_177] : memref<4x512x32xf32, #tpu.memory_space<vmem>> -> memref<1x512x32xf32, #tpu.memory_space<vmem>>
    %dma_start3A_179 = tpu.memref_squeeze %dma_start3A_178 : memref<1x512x32xf32, #tpu.memory_space<vmem>> -> memref<512x32xf32, #tpu.memory_space<vmem>>
    tpu.enqueue_dma source(%dma_start3A_179 : memref<512x32xf32, #tpu.memory_space<vmem>>) target(%dma_start3A_175 : memref<512x32xf32, #tpu.memory_space<hbm>>) target_semaphore(%arg13 : memref<!tpu.dma_semaphore, #tpu.memory_space<semaphore_mem>>)
    %dma_wait3A_180 = arith.constant 2 : i32
    %dma_wait3A_181 = arith.constant 0 : i32
    %dma_wait3A_182 = arith.constant 0 : i32
    %dma_wait3A_183 = tpu.memref_slice %arg6[%dma_wait3A_180, %dma_wait3A_181, %dma_wait3A_182] : memref<4x512x32xf32, #tpu.memory_space<vmem>> -> memref<1x512x32xf32, #tpu.memory_space<vmem>>
    %dma_wait3A_184 = tpu.memref_squeeze %dma_wait3A_183 : memref<1x512x32xf32, #tpu.memory_space<vmem>> -> memref<512x32xf32, #tpu.memory_space<vmem>>
    %dma_wait3A_185 = arith.constant 0 : i32
    %dma_wait3A_186 = tpu.memref_slice %arg4[%add3A_166, %dma_wait3A_185] : memref<163840x32xf32, #tpu.memory_space<hbm>> -> memref<512x32xf32, #tpu.memory_space<hbm>>
    %dma_wait3A_187 = arith.constant 0 : i32
    %dma_wait3A_188 = tpu.memref_slice %arg4[%add3A_166, %dma_wait3A_187] : memref<163840x32xf32, #tpu.memory_space<hbm>> -> memref<512x32xf32, #tpu.memory_space<hbm>>
    %dma_wait3A_189 = arith.constant 0 : i32
    %dma_wait3A_190 = arith.constant 0 : i32
    %dma_wait3A_191 = tpu.memref_slice %arg6[%dma_wait3A_180, %dma_wait3A_189, %dma_wait3A_190] : memref<4x512x32xf32, #tpu.memory_space<vmem>> -> memref<1x512x32xf32, #tpu.memory_space<vmem>>
    %dma_wait3A_192 = tpu.memref_squeeze %dma_wait3A_191 : memref<1x512x32xf32, #tpu.memory_space<vmem>> -> memref<512x32xf32, #tpu.memory_space<vmem>>
    tpu.wait_dma2 semaphore(%arg13 : memref<!tpu.dma_semaphore, #tpu.memory_space<semaphore_mem>>) src(%dma_wait3A_192 : memref<512x32xf32, #tpu.memory_space<vmem>>) dst(%dma_wait3A_188 : memref<512x32xf32, #tpu.memory_space<hbm>>)
    %dma_start3A_193 = arith.constant 6 : i32
    %dma_start3A_194 = arith.constant 2 : i32
    %dma_start3A_195 = arith.constant 0 : i32
    %dma_start3A_196 = arith.constant 0 : i32
    %dma_start3A_197 = tpu.memref_slice %arg6[%dma_start3A_194, %dma_start3A_195, %dma_start3A_196] : memref<4x512x32xf32, #tpu.memory_space<vmem>> -> memref<1x512x32xf32, #tpu.memory_space<vmem>>
    %dma_start3A_198 = tpu.memref_squeeze %dma_start3A_197 : memref<1x512x32xf32, #tpu.memory_space<vmem>> -> memref<512x32xf32, #tpu.memory_space<vmem>>
    %dma_start3A_199 = arith.constant 0 : i32
    %dma_start3A_200 = tpu.memref_slice %arg5[%dma_start3A_193, %dma_start3A_199] : memref<10x512xi32, #tpu.memory_space<vmem>> -> memref<1x512xi32, #tpu.memory_space<vmem>>
    %dma_start3A_201 = tpu.memref_squeeze %dma_start3A_200 : memref<1x512xi32, #tpu.memory_space<vmem>> -> memref<512xi32, #tpu.memory_space<vmem>>
    %dma_start3A_202 = arith.constant 0 : i32
    %dma_start3A_203 = arith.constant 0 : i32
    %dma_start3A_204 = tpu.memref_slice %arg2[%dma_start3A_202, %dma_start3A_203] : memref<10000x32xf32, #tpu.memory_space<hbm>> -> memref<10000x32xf32, #tpu.memory_space<hbm>>
    tpu.enqueue_indirect_dma source(%dma_start3A_204 : memref<10000x32xf32, #tpu.memory_space<hbm>>) target(%dma_start3A_198 : memref<512x32xf32, #tpu.memory_space<vmem>>) offsets(%dma_start3A_201 : memref<512xi32, #tpu.memory_space<vmem>>) semaphore(%arg9 : memref<!tpu.dma_semaphore, #tpu.memory_space<semaphore_mem>>)
    %dma_wait3A_205 = arith.constant 3 : i32
    %dma_wait3A_206 = arith.constant 3 : i32
    %dma_wait3A_207 = arith.constant 0 : i32
    %dma_wait3A_208 = arith.constant 0 : i32
    %dma_wait3A_209 = tpu.memref_slice %arg6[%dma_wait3A_206, %dma_wait3A_207, %dma_wait3A_208] : memref<4x512x32xf32, #tpu.memory_space<vmem>> -> memref<1x512x32xf32, #tpu.memory_space<vmem>>
    %dma_wait3A_210 = tpu.memref_squeeze %dma_wait3A_209 : memref<1x512x32xf32, #tpu.memory_space<vmem>> -> memref<512x32xf32, #tpu.memory_space<vmem>>
    %dma_wait3A_211 = arith.constant 0 : i32
    %dma_wait3A_212 = tpu.memref_slice %arg5[%dma_wait3A_205, %dma_wait3A_211] : memref<10x512xi32, #tpu.memory_space<vmem>> -> memref<1x512xi32, #tpu.memory_space<vmem>>
    %dma_wait3A_213 = tpu.memref_squeeze %dma_wait3A_212 : memref<1x512xi32, #tpu.memory_space<vmem>> -> memref<512xi32, #tpu.memory_space<vmem>>
    %dma_wait3A_214 = arith.constant 0 : i32
    %dma_wait3A_215 = arith.constant 0 : i32
    %dma_wait3A_216 = tpu.memref_slice %arg2[%dma_wait3A_214, %dma_wait3A_215] : memref<10000x32xf32, #tpu.memory_space<hbm>> -> memref<10000x32xf32, #tpu.memory_space<hbm>>
    tpu.wait_indirect_dma semaphore(%arg10 : memref<!tpu.dma_semaphore, #tpu.memory_space<semaphore_mem>>) src(%dma_wait3A_216 : memref<10000x32xf32, #tpu.memory_space<hbm>>) dst(%dma_wait3A_210 : memref<512x32xf32, #tpu.memory_space<vmem>>)
    %add3A_217 = arith.constant 1536 : i32
    %add3A_218 = arith.addi %mul3A_2, %add3A_217 : i32
    %dma_start3A_219 = arith.constant 3 : i32
    %dma_start3A_220 = arith.constant 0 : i32
    %dma_start3A_221 = arith.constant 0 : i32
    %dma_start3A_222 = tpu.memref_slice %arg6[%dma_start3A_219, %dma_start3A_220, %dma_start3A_221] : memref<4x512x32xf32, #tpu.memory_space<vmem>> -> memref<1x512x32xf32, #tpu.memory_space<vmem>>
    %dma_start3A_223 = tpu.memref_squeeze %dma_start3A_222 : memref<1x512x32xf32, #tpu.memory_space<vmem>> -> memref<512x32xf32, #tpu.memory_space<vmem>>
    %dma_start3A_224 = arith.constant 0 : i32
    %dma_start3A_225 = tpu.memref_slice %arg4[%add3A_218, %dma_start3A_224] : memref<163840x32xf32, #tpu.memory_space<hbm>> -> memref<512x32xf32, #tpu.memory_space<hbm>>
    %dma_start3A_226 = arith.constant 0 : i32
    %dma_start3A_227 = tpu.memref_slice %arg4[%add3A_218, %dma_start3A_226] : memref<163840x32xf32, #tpu.memory_space<hbm>> -> memref<512x32xf32, #tpu.memory_space<hbm>>
    %dma_start3A_228 = arith.constant 0 : i32
    %dma_start3A_229 = arith.constant 0 : i32
    %dma_start3A_230 = tpu.memref_slice %arg6[%dma_start3A_219, %dma_start3A_228, %dma_start3A_229] : memref<4x512x32xf32, #tpu.memory_space<vmem>> -> memref<1x512x32xf32, #tpu.memory_space<vmem>>
    %dma_start3A_231 = tpu.memref_squeeze %dma_start3A_230 : memref<1x512x32xf32, #tpu.memory_space<vmem>> -> memref<512x32xf32, #tpu.memory_space<vmem>>
    tpu.enqueue_dma source(%dma_start3A_231 : memref<512x32xf32, #tpu.memory_space<vmem>>) target(%dma_start3A_227 : memref<512x32xf32, #tpu.memory_space<hbm>>) target_semaphore(%arg14 : memref<!tpu.dma_semaphore, #tpu.memory_space<semaphore_mem>>)
    %dma_wait3A_232 = arith.constant 3 : i32
    %dma_wait3A_233 = arith.constant 0 : i32
    %dma_wait3A_234 = arith.constant 0 : i32
    %dma_wait3A_235 = tpu.memref_slice %arg6[%dma_wait3A_232, %dma_wait3A_233, %dma_wait3A_234] : memref<4x512x32xf32, #tpu.memory_space<vmem>> -> memref<1x512x32xf32, #tpu.memory_space<vmem>>
    %dma_wait3A_236 = tpu.memref_squeeze %dma_wait3A_235 : memref<1x512x32xf32, #tpu.memory_space<vmem>> -> memref<512x32xf32, #tpu.memory_space<vmem>>
    %dma_wait3A_237 = arith.constant 0 : i32
    %dma_wait3A_238 = tpu.memref_slice %arg4[%add3A_218, %dma_wait3A_237] : memref<163840x32xf32, #tpu.memory_space<hbm>> -> memref<512x32xf32, #tpu.memory_space<hbm>>
    %dma_wait3A_239 = arith.constant 0 : i32
    %dma_wait3A_240 = tpu.memref_slice %arg4[%add3A_218, %dma_wait3A_239] : memref<163840x32xf32, #tpu.memory_space<hbm>> -> memref<512x32xf32, #tpu.memory_space<hbm>>
    %dma_wait3A_241 = arith.constant 0 : i32
    %dma_wait3A_242 = arith.constant 0 : i32
    %dma_wait3A_243 = tpu.memref_slice %arg6[%dma_wait3A_232, %dma_wait3A_241, %dma_wait3A_242] : memref<4x512x32xf32, #tpu.memory_space<vmem>> -> memref<1x512x32xf32, #tpu.memory_space<vmem>>
    %dma_wait3A_244 = tpu.memref_squeeze %dma_wait3A_243 : memref<1x512x32xf32, #tpu.memory_space<vmem>> -> memref<512x32xf32, #tpu.memory_space<vmem>>
    tpu.wait_dma2 semaphore(%arg14 : memref<!tpu.dma_semaphore, #tpu.memory_space<semaphore_mem>>) src(%dma_wait3A_244 : memref<512x32xf32, #tpu.memory_space<vmem>>) dst(%dma_wait3A_240 : memref<512x32xf32, #tpu.memory_space<hbm>>)
    %dma_start3A_245 = arith.constant 7 : i32
    %dma_start3A_246 = arith.constant 3 : i32
    %dma_start3A_247 = arith.constant 0 : i32
    %dma_start3A_248 = arith.constant 0 : i32
    %dma_start3A_249 = tpu.memref_slice %arg6[%dma_start3A_246, %dma_start3A_247, %dma_start3A_248] : memref<4x512x32xf32, #tpu.memory_space<vmem>> -> memref<1x512x32xf32, #tpu.memory_space<vmem>>
    %dma_start3A_250 = tpu.memref_squeeze %dma_start3A_249 : memref<1x512x32xf32, #tpu.memory_space<vmem>> -> memref<512x32xf32, #tpu.memory_space<vmem>>
    %dma_start3A_251 = arith.constant 0 : i32
    %dma_start3A_252 = tpu.memref_slice %arg5[%dma_start3A_245, %dma_start3A_251] : memref<10x512xi32, #tpu.memory_space<vmem>> -> memref<1x512xi32, #tpu.memory_space<vmem>>
    %dma_start3A_253 = tpu.memref_squeeze %dma_start3A_252 : memref<1x512xi32, #tpu.memory_space<vmem>> -> memref<512xi32, #tpu.memory_space<vmem>>
    %dma_start3A_254 = arith.constant 0 : i32
    %dma_start3A_255 = arith.constant 0 : i32
    %dma_start3A_256 = tpu.memref_slice %arg2[%dma_start3A_254, %dma_start3A_255] : memref<10000x32xf32, #tpu.memory_space<hbm>> -> memref<10000x32xf32, #tpu.memory_space<hbm>>
    tpu.enqueue_indirect_dma source(%dma_start3A_256 : memref<10000x32xf32, #tpu.memory_space<hbm>>) target(%dma_start3A_250 : memref<512x32xf32, #tpu.memory_space<vmem>>) offsets(%dma_start3A_253 : memref<512xi32, #tpu.memory_space<vmem>>) semaphore(%arg10 : memref<!tpu.dma_semaphore, #tpu.memory_space<semaphore_mem>>)
    %dma_wait3A_257 = arith.constant 4 : i32
    %dma_wait3A_258 = arith.constant 0 : i32
    %dma_wait3A_259 = arith.constant 0 : i32
    %dma_wait3A_260 = arith.constant 0 : i32
    %dma_wait3A_261 = tpu.memref_slice %arg6[%dma_wait3A_258, %dma_wait3A_259, %dma_wait3A_260] : memref<4x512x32xf32, #tpu.memory_space<vmem>> -> memref<1x512x32xf32, #tpu.memory_space<vmem>>
    %dma_wait3A_262 = tpu.memref_squeeze %dma_wait3A_261 : memref<1x512x32xf32, #tpu.memory_space<vmem>> -> memref<512x32xf32, #tpu.memory_space<vmem>>
    %dma_wait3A_263 = arith.constant 0 : i32
    %dma_wait3A_264 = tpu.memref_slice %arg5[%dma_wait3A_257, %dma_wait3A_263] : memref<10x512xi32, #tpu.memory_space<vmem>> -> memref<1x512xi32, #tpu.memory_space<vmem>>
    %dma_wait3A_265 = tpu.memref_squeeze %dma_wait3A_264 : memref<1x512xi32, #tpu.memory_space<vmem>> -> memref<512xi32, #tpu.memory_space<vmem>>
    %dma_wait3A_266 = arith.constant 0 : i32
    %dma_wait3A_267 = arith.constant 0 : i32
    %dma_wait3A_268 = tpu.memref_slice %arg2[%dma_wait3A_266, %dma_wait3A_267] : memref<10000x32xf32, #tpu.memory_space<hbm>> -> memref<10000x32xf32, #tpu.memory_space<hbm>>
    tpu.wait_indirect_dma semaphore(%arg7 : memref<!tpu.dma_semaphore, #tpu.memory_space<semaphore_mem>>) src(%dma_wait3A_268 : memref<10000x32xf32, #tpu.memory_space<hbm>>) dst(%dma_wait3A_262 : memref<512x32xf32, #tpu.memory_space<vmem>>)
    %add3A_269 = arith.constant 2048 : i32
    %add3A_270 = arith.addi %mul3A_2, %add3A_269 : i32
    %dma_start3A_271 = arith.constant 0 : i32
    %dma_start3A_272 = arith.constant 0 : i32
    %dma_start3A_273 = arith.constant 0 : i32
    %dma_start3A_274 = tpu.memref_slice %arg6[%dma_start3A_271, %dma_start3A_272, %dma_start3A_273] : memref<4x512x32xf32, #tpu.memory_space<vmem>> -> memref<1x512x32xf32, #tpu.memory_space<vmem>>
    %dma_start3A_275 = tpu.memref_squeeze %dma_start3A_274 : memref<1x512x32xf32, #tpu.memory_space<vmem>> -> memref<512x32xf32, #tpu.memory_space<vmem>>
    %dma_start3A_276 = arith.constant 0 : i32
    %dma_start3A_277 = tpu.memref_slice %arg4[%add3A_270, %dma_start3A_276] : memref<163840x32xf32, #tpu.memory_space<hbm>> -> memref<512x32xf32, #tpu.memory_space<hbm>>
    %dma_start3A_278 = arith.constant 0 : i32
    %dma_start3A_279 = tpu.memref_slice %arg4[%add3A_270, %dma_start3A_278] : memref<163840x32xf32, #tpu.memory_space<hbm>> -> memref<512x32xf32, #tpu.memory_space<hbm>>
    %dma_start3A_280 = arith.constant 0 : i32
    %dma_start3A_281 = arith.constant 0 : i32
    %dma_start3A_282 = tpu.memref_slice %arg6[%dma_start3A_271, %dma_start3A_280, %dma_start3A_281] : memref<4x512x32xf32, #tpu.memory_space<vmem>> -> memref<1x512x32xf32, #tpu.memory_space<vmem>>
    %dma_start3A_283 = tpu.memref_squeeze %dma_start3A_282 : memref<1x512x32xf32, #tpu.memory_space<vmem>> -> memref<512x32xf32, #tpu.memory_space<vmem>>
    tpu.enqueue_dma source(%dma_start3A_283 : memref<512x32xf32, #tpu.memory_space<vmem>>) target(%dma_start3A_279 : memref<512x32xf32, #tpu.memory_space<hbm>>) target_semaphore(%arg11 : memref<!tpu.dma_semaphore, #tpu.memory_space<semaphore_mem>>)
    %dma_wait3A_284 = arith.constant 0 : i32
    %dma_wait3A_285 = arith.constant 0 : i32
    %dma_wait3A_286 = arith.constant 0 : i32
    %dma_wait3A_287 = tpu.memref_slice %arg6[%dma_wait3A_284, %dma_wait3A_285, %dma_wait3A_286] : memref<4x512x32xf32, #tpu.memory_space<vmem>> -> memref<1x512x32xf32, #tpu.memory_space<vmem>>
    %dma_wait3A_288 = tpu.memref_squeeze %dma_wait3A_287 : memref<1x512x32xf32, #tpu.memory_space<vmem>> -> memref<512x32xf32, #tpu.memory_space<vmem>>
    %dma_wait3A_289 = arith.constant 0 : i32
    %dma_wait3A_290 = tpu.memref_slice %arg4[%add3A_270, %dma_wait3A_289] : memref<163840x32xf32, #tpu.memory_space<hbm>> -> memref<512x32xf32, #tpu.memory_space<hbm>>
    %dma_wait3A_291 = arith.constant 0 : i32
    %dma_wait3A_292 = tpu.memref_slice %arg4[%add3A_270, %dma_wait3A_291] : memref<163840x32xf32, #tpu.memory_space<hbm>> -> memref<512x32xf32, #tpu.memory_space<hbm>>
    %dma_wait3A_293 = arith.constant 0 : i32
    %dma_wait3A_294 = arith.constant 0 : i32
    %dma_wait3A_295 = tpu.memref_slice %arg6[%dma_wait3A_284, %dma_wait3A_293, %dma_wait3A_294] : memref<4x512x32xf32, #tpu.memory_space<vmem>> -> memref<1x512x32xf32, #tpu.memory_space<vmem>>
    %dma_wait3A_296 = tpu.memref_squeeze %dma_wait3A_295 : memref<1x512x32xf32, #tpu.memory_space<vmem>> -> memref<512x32xf32, #tpu.memory_space<vmem>>
    tpu.wait_dma2 semaphore(%arg11 : memref<!tpu.dma_semaphore, #tpu.memory_space<semaphore_mem>>) src(%dma_wait3A_296 : memref<512x32xf32, #tpu.memory_space<vmem>>) dst(%dma_wait3A_292 : memref<512x32xf32, #tpu.memory_space<hbm>>)
    %dma_start3A_297 = arith.constant 8 : i32
    %dma_start3A_298 = arith.constant 0 : i32
    %dma_start3A_299 = arith.constant 0 : i32
    %dma_start3A_300 = arith.constant 0 : i32
    %dma_start3A_301 = tpu.memref_slice %arg6[%dma_start3A_298, %dma_start3A_299, %dma_start3A_300] : memref<4x512x32xf32, #tpu.memory_space<vmem>> -> memref<1x512x32xf32, #tpu.memory_space<vmem>>
    %dma_start3A_302 = tpu.memref_squeeze %dma_start3A_301 : memref<1x512x32xf32, #tpu.memory_space<vmem>> -> memref<512x32xf32, #tpu.memory_space<vmem>>
    %dma_start3A_303 = arith.constant 0 : i32
    %dma_start3A_304 = tpu.memref_slice %arg5[%dma_start3A_297, %dma_start3A_303] : memref<10x512xi32, #tpu.memory_space<vmem>> -> memref<1x512xi32, #tpu.memory_space<vmem>>
    %dma_start3A_305 = tpu.memref_squeeze %dma_start3A_304 : memref<1x512xi32, #tpu.memory_space<vmem>> -> memref<512xi32, #tpu.memory_space<vmem>>
    %dma_start3A_306 = arith.constant 0 : i32
    %dma_start3A_307 = arith.constant 0 : i32
    %dma_start3A_308 = tpu.memref_slice %arg2[%dma_start3A_306, %dma_start3A_307] : memref<10000x32xf32, #tpu.memory_space<hbm>> -> memref<10000x32xf32, #tpu.memory_space<hbm>>
    tpu.enqueue_indirect_dma source(%dma_start3A_308 : memref<10000x32xf32, #tpu.memory_space<hbm>>) target(%dma_start3A_302 : memref<512x32xf32, #tpu.memory_space<vmem>>) offsets(%dma_start3A_305 : memref<512xi32, #tpu.memory_space<vmem>>) semaphore(%arg7 : memref<!tpu.dma_semaphore, #tpu.memory_space<semaphore_mem>>)
    %dma_wait3A_309 = arith.constant 5 : i32
    %dma_wait3A_310 = arith.constant 1 : i32
    %dma_wait3A_311 = arith.constant 0 : i32
    %dma_wait3A_312 = arith.constant 0 : i32
    %dma_wait3A_313 = tpu.memref_slice %arg6[%dma_wait3A_310, %dma_wait3A_311, %dma_wait3A_312] : memref<4x512x32xf32, #tpu.memory_space<vmem>> -> memref<1x512x32xf32, #tpu.memory_space<vmem>>
    %dma_wait3A_314 = tpu.memref_squeeze %dma_wait3A_313 : memref<1x512x32xf32, #tpu.memory_space<vmem>> -> memref<512x32xf32, #tpu.memory_space<vmem>>
    %dma_wait3A_315 = arith.constant 0 : i32
    %dma_wait3A_316 = tpu.memref_slice %arg5[%dma_wait3A_309, %dma_wait3A_315] : memref<10x512xi32, #tpu.memory_space<vmem>> -> memref<1x512xi32, #tpu.memory_space<vmem>>
    %dma_wait3A_317 = tpu.memref_squeeze %dma_wait3A_316 : memref<1x512xi32, #tpu.memory_space<vmem>> -> memref<512xi32, #tpu.memory_space<vmem>>
    %dma_wait3A_318 = arith.constant 0 : i32
    %dma_wait3A_319 = arith.constant 0 : i32
    %dma_wait3A_320 = tpu.memref_slice %arg2[%dma_wait3A_318, %dma_wait3A_319] : memref<10000x32xf32, #tpu.memory_space<hbm>> -> memref<10000x32xf32, #tpu.memory_space<hbm>>
    tpu.wait_indirect_dma semaphore(%arg8 : memref<!tpu.dma_semaphore, #tpu.memory_space<semaphore_mem>>) src(%dma_wait3A_320 : memref<10000x32xf32, #tpu.memory_space<hbm>>) dst(%dma_wait3A_314 : memref<512x32xf32, #tpu.memory_space<vmem>>)
    %add3A_321 = arith.constant 2560 : i32
    %add3A_322 = arith.addi %mul3A_2, %add3A_321 : i32
    %dma_start3A_323 = arith.constant 1 : i32
    %dma_start3A_324 = arith.constant 0 : i32
    %dma_start3A_325 = arith.constant 0 : i32
    %dma_start3A_326 = tpu.memref_slice %arg6[%dma_start3A_323, %dma_start3A_324, %dma_start3A_325] : memref<4x512x32xf32, #tpu.memory_space<vmem>> -> memref<1x512x32xf32, #tpu.memory_space<vmem>>
    %dma_start3A_327 = tpu.memref_squeeze %dma_start3A_326 : memref<1x512x32xf32, #tpu.memory_space<vmem>> -> memref<512x32xf32, #tpu.memory_space<vmem>>
    %dma_start3A_328 = arith.constant 0 : i32
    %dma_start3A_329 = tpu.memref_slice %arg4[%add3A_322, %dma_start3A_328] : memref<163840x32xf32, #tpu.memory_space<hbm>> -> memref<512x32xf32, #tpu.memory_space<hbm>>
    %dma_start3A_330 = arith.constant 0 : i32
    %dma_start3A_331 = tpu.memref_slice %arg4[%add3A_322, %dma_start3A_330] : memref<163840x32xf32, #tpu.memory_space<hbm>> -> memref<512x32xf32, #tpu.memory_space<hbm>>
    %dma_start3A_332 = arith.constant 0 : i32
    %dma_start3A_333 = arith.constant 0 : i32
    %dma_start3A_334 = tpu.memref_slice %arg6[%dma_start3A_323, %dma_start3A_332, %dma_start3A_333] : memref<4x512x32xf32, #tpu.memory_space<vmem>> -> memref<1x512x32xf32, #tpu.memory_space<vmem>>
    %dma_start3A_335 = tpu.memref_squeeze %dma_start3A_334 : memref<1x512x32xf32, #tpu.memory_space<vmem>> -> memref<512x32xf32, #tpu.memory_space<vmem>>
    tpu.enqueue_dma source(%dma_start3A_335 : memref<512x32xf32, #tpu.memory_space<vmem>>) target(%dma_start3A_331 : memref<512x32xf32, #tpu.memory_space<hbm>>) target_semaphore(%arg12 : memref<!tpu.dma_semaphore, #tpu.memory_space<semaphore_mem>>)
    %dma_wait3A_336 = arith.constant 1 : i32
    %dma_wait3A_337 = arith.constant 0 : i32
    %dma_wait3A_338 = arith.constant 0 : i32
    %dma_wait3A_339 = tpu.memref_slice %arg6[%dma_wait3A_336, %dma_wait3A_337, %dma_wait3A_338] : memref<4x512x32xf32, #tpu.memory_space<vmem>> -> memref<1x512x32xf32, #tpu.memory_space<vmem>>
    %dma_wait3A_340 = tpu.memref_squeeze %dma_wait3A_339 : memref<1x512x32xf32, #tpu.memory_space<vmem>> -> memref<512x32xf32, #tpu.memory_space<vmem>>
    %dma_wait3A_341 = arith.constant 0 : i32
    %dma_wait3A_342 = tpu.memref_slice %arg4[%add3A_322, %dma_wait3A_341] : memref<163840x32xf32, #tpu.memory_space<hbm>> -> memref<512x32xf32, #tpu.memory_space<hbm>>
    %dma_wait3A_343 = arith.constant 0 : i32
    %dma_wait3A_344 = tpu.memref_slice %arg4[%add3A_322, %dma_wait3A_343] : memref<163840x32xf32, #tpu.memory_space<hbm>> -> memref<512x32xf32, #tpu.memory_space<hbm>>
    %dma_wait3A_345 = arith.constant 0 : i32
    %dma_wait3A_346 = arith.constant 0 : i32
    %dma_wait3A_347 = tpu.memref_slice %arg6[%dma_wait3A_336, %dma_wait3A_345, %dma_wait3A_346] : memref<4x512x32xf32, #tpu.memory_space<vmem>> -> memref<1x512x32xf32, #tpu.memory_space<vmem>>
    %dma_wait3A_348 = tpu.memref_squeeze %dma_wait3A_347 : memref<1x512x32xf32, #tpu.memory_space<vmem>> -> memref<512x32xf32, #tpu.memory_space<vmem>>
    tpu.wait_dma2 semaphore(%arg12 : memref<!tpu.dma_semaphore, #tpu.memory_space<semaphore_mem>>) src(%dma_wait3A_348 : memref<512x32xf32, #tpu.memory_space<vmem>>) dst(%dma_wait3A_344 : memref<512x32xf32, #tpu.memory_space<hbm>>)
    %dma_start3A_349 = arith.constant 9 : i32
    %dma_start3A_350 = arith.constant 1 : i32
    %dma_start3A_351 = arith.constant 0 : i32
    %dma_start3A_352 = arith.constant 0 : i32
    %dma_start3A_353 = tpu.memref_slice %arg6[%dma_start3A_350, %dma_start3A_351, %dma_start3A_352] : memref<4x512x32xf32, #tpu.memory_space<vmem>> -> memref<1x512x32xf32, #tpu.memory_space<vmem>>
    %dma_start3A_354 = tpu.memref_squeeze %dma_start3A_353 : memref<1x512x32xf32, #tpu.memory_space<vmem>> -> memref<512x32xf32, #tpu.memory_space<vmem>>
    %dma_start3A_355 = arith.constant 0 : i32
    %dma_start3A_356 = tpu.memref_slice %arg5[%dma_start3A_349, %dma_start3A_355] : memref<10x512xi32, #tpu.memory_space<vmem>> -> memref<1x512xi32, #tpu.memory_space<vmem>>
    %dma_start3A_357 = tpu.memref_squeeze %dma_start3A_356 : memref<1x512xi32, #tpu.memory_space<vmem>> -> memref<512xi32, #tpu.memory_space<vmem>>
    %dma_start3A_358 = arith.constant 0 : i32
    %dma_start3A_359 = arith.constant 0 : i32
    %dma_start3A_360 = tpu.memref_slice %arg2[%dma_start3A_358, %dma_start3A_359] : memref<10000x32xf32, #tpu.memory_space<hbm>> -> memref<10000x32xf32, #tpu.memory_space<hbm>>
    tpu.enqueue_indirect_dma source(%dma_start3A_360 : memref<10000x32xf32, #tpu.memory_space<hbm>>) target(%dma_start3A_354 : memref<512x32xf32, #tpu.memory_space<vmem>>) offsets(%dma_start3A_357 : memref<512xi32, #tpu.memory_space<vmem>>) semaphore(%arg8 : memref<!tpu.dma_semaphore, #tpu.memory_space<semaphore_mem>>)
    %dma_wait3A_361 = arith.constant 6 : i32
    %dma_wait3A_362 = arith.constant 2 : i32
    %dma_wait3A_363 = arith.constant 0 : i32
    %dma_wait3A_364 = arith.constant 0 : i32
    %dma_wait3A_365 = tpu.memref_slice %arg6[%dma_wait3A_362, %dma_wait3A_363, %dma_wait3A_364] : memref<4x512x32xf32, #tpu.memory_space<vmem>> -> memref<1x512x32xf32, #tpu.memory_space<vmem>>
    %dma_wait3A_366 = tpu.memref_squeeze %dma_wait3A_365 : memref<1x512x32xf32, #tpu.memory_space<vmem>> -> memref<512x32xf32, #tpu.memory_space<vmem>>
    %dma_wait3A_367 = arith.constant 0 : i32
    %dma_wait3A_368 = tpu.memref_slice %arg5[%dma_wait3A_361, %dma_wait3A_367] : memref<10x512xi32, #tpu.memory_space<vmem>> -> memref<1x512xi32, #tpu.memory_space<vmem>>
    %dma_wait3A_369 = tpu.memref_squeeze %dma_wait3A_368 : memref<1x512xi32, #tpu.memory_space<vmem>> -> memref<512xi32, #tpu.memory_space<vmem>>
    %dma_wait3A_370 = arith.constant 0 : i32
    %dma_wait3A_371 = arith.constant 0 : i32
    %dma_wait3A_372 = tpu.memref_slice %arg2[%dma_wait3A_370, %dma_wait3A_371] : memref<10000x32xf32, #tpu.memory_space<hbm>> -> memref<10000x32xf32, #tpu.memory_space<hbm>>
    tpu.wait_indirect_dma semaphore(%arg9 : memref<!tpu.dma_semaphore, #tpu.memory_space<semaphore_mem>>) src(%dma_wait3A_372 : memref<10000x32xf32, #tpu.memory_space<hbm>>) dst(%dma_wait3A_366 : memref<512x32xf32, #tpu.memory_space<vmem>>)
    %add3A_373 = arith.constant 3072 : i32
    %add3A_374 = arith.addi %mul3A_2, %add3A_373 : i32
    %dma_start3A_375 = arith.constant 2 : i32
    %dma_start3A_376 = arith.constant 0 : i32
    %dma_start3A_377 = arith.constant 0 : i32
    %dma_start3A_378 = tpu.memref_slice %arg6[%dma_start3A_375, %dma_start3A_376, %dma_start3A_377] : memref<4x512x32xf32, #tpu.memory_space<vmem>> -> memref<1x512x32xf32, #tpu.memory_space<vmem>>
    %dma_start3A_379 = tpu.memref_squeeze %dma_start3A_378 : memref<1x512x32xf32, #tpu.memory_space<vmem>> -> memref<512x32xf32, #tpu.memory_space<vmem>>
    %dma_start3A_380 = arith.constant 0 : i32
    %dma_start3A_381 = tpu.memref_slice %arg4[%add3A_374, %dma_start3A_380] : memref<163840x32xf32, #tpu.memory_space<hbm>> -> memref<512x32xf32, #tpu.memory_space<hbm>>
    %dma_start3A_382 = arith.constant 0 : i32
    %dma_start3A_383 = tpu.memref_slice %arg4[%add3A_374, %dma_start3A_382] : memref<163840x32xf32, #tpu.memory_space<hbm>> -> memref<512x32xf32, #tpu.memory_space<hbm>>
    %dma_start3A_384 = arith.constant 0 : i32
    %dma_start3A_385 = arith.constant 0 : i32
    %dma_start3A_386 = tpu.memref_slice %arg6[%dma_start3A_375, %dma_start3A_384, %dma_start3A_385] : memref<4x512x32xf32, #tpu.memory_space<vmem>> -> memref<1x512x32xf32, #tpu.memory_space<vmem>>
    %dma_start3A_387 = tpu.memref_squeeze %dma_start3A_386 : memref<1x512x32xf32, #tpu.memory_space<vmem>> -> memref<512x32xf32, #tpu.memory_space<vmem>>
    tpu.enqueue_dma source(%dma_start3A_387 : memref<512x32xf32, #tpu.memory_space<vmem>>) target(%dma_start3A_383 : memref<512x32xf32, #tpu.memory_space<hbm>>) target_semaphore(%arg13 : memref<!tpu.dma_semaphore, #tpu.memory_space<semaphore_mem>>)
    %dma_wait3A_388 = arith.constant 7 : i32
    %dma_wait3A_389 = arith.constant 3 : i32
    %dma_wait3A_390 = arith.constant 0 : i32
    %dma_wait3A_391 = arith.constant 0 : i32
    %dma_wait3A_392 = tpu.memref_slice %arg6[%dma_wait3A_389, %dma_wait3A_390, %dma_wait3A_391] : memref<4x512x32xf32, #tpu.memory_space<vmem>> -> memref<1x512x32xf32, #tpu.memory_space<vmem>>
    %dma_wait3A_393 = tpu.memref_squeeze %dma_wait3A_392 : memref<1x512x32xf32, #tpu.memory_space<vmem>> -> memref<512x32xf32, #tpu.memory_space<vmem>>
    %dma_wait3A_394 = arith.constant 0 : i32
    %dma_wait3A_395 = tpu.memref_slice %arg5[%dma_wait3A_388, %dma_wait3A_394] : memref<10x512xi32, #tpu.memory_space<vmem>> -> memref<1x512xi32, #tpu.memory_space<vmem>>
    %dma_wait3A_396 = tpu.memref_squeeze %dma_wait3A_395 : memref<1x512xi32, #tpu.memory_space<vmem>> -> memref<512xi32, #tpu.memory_space<vmem>>
    %dma_wait3A_397 = arith.constant 0 : i32
    %dma_wait3A_398 = arith.constant 0 : i32
    %dma_wait3A_399 = tpu.memref_slice %arg2[%dma_wait3A_397, %dma_wait3A_398] : memref<10000x32xf32, #tpu.memory_space<hbm>> -> memref<10000x32xf32, #tpu.memory_space<hbm>>
    tpu.wait_indirect_dma semaphore(%arg10 : memref<!tpu.dma_semaphore, #tpu.memory_space<semaphore_mem>>) src(%dma_wait3A_399 : memref<10000x32xf32, #tpu.memory_space<hbm>>) dst(%dma_wait3A_393 : memref<512x32xf32, #tpu.memory_space<vmem>>)
    %add3A_400 = arith.constant 3584 : i32
    %add3A_401 = arith.addi %mul3A_2, %add3A_400 : i32
    %dma_start3A_402 = arith.constant 3 : i32
    %dma_start3A_403 = arith.constant 0 : i32
    %dma_start3A_404 = arith.constant 0 : i32
    %dma_start3A_405 = tpu.memref_slice %arg6[%dma_start3A_402, %dma_start3A_403, %dma_start3A_404] : memref<4x512x32xf32, #tpu.memory_space<vmem>> -> memref<1x512x32xf32, #tpu.memory_space<vmem>>
    %dma_start3A_406 = tpu.memref_squeeze %dma_start3A_405 : memref<1x512x32xf32, #tpu.memory_space<vmem>> -> memref<512x32xf32, #tpu.memory_space<vmem>>
    %dma_start3A_407 = arith.constant 0 : i32
    %dma_start3A_408 = tpu.memref_slice %arg4[%add3A_401, %dma_start3A_407] : memref<163840x32xf32, #tpu.memory_space<hbm>> -> memref<512x32xf32, #tpu.memory_space<hbm>>
    %dma_start3A_409 = arith.constant 0 : i32
    %dma_start3A_410 = tpu.memref_slice %arg4[%add3A_401, %dma_start3A_409] : memref<163840x32xf32, #tpu.memory_space<hbm>> -> memref<512x32xf32, #tpu.memory_space<hbm>>
    %dma_start3A_411 = arith.constant 0 : i32
    %dma_start3A_412 = arith.constant 0 : i32
    %dma_start3A_413 = tpu.memref_slice %arg6[%dma_start3A_402, %dma_start3A_411, %dma_start3A_412] : memref<4x512x32xf32, #tpu.memory_space<vmem>> -> memref<1x512x32xf32, #tpu.memory_space<vmem>>
    %dma_start3A_414 = tpu.memref_squeeze %dma_start3A_413 : memref<1x512x32xf32, #tpu.memory_space<vmem>> -> memref<512x32xf32, #tpu.memory_space<vmem>>
    tpu.enqueue_dma source(%dma_start3A_414 : memref<512x32xf32, #tpu.memory_space<vmem>>) target(%dma_start3A_410 : memref<512x32xf32, #tpu.memory_space<hbm>>) target_semaphore(%arg14 : memref<!tpu.dma_semaphore, #tpu.memory_space<semaphore_mem>>)
    %dma_wait3A_415 = arith.constant 8 : i32
    %dma_wait3A_416 = arith.constant 0 : i32
    %dma_wait3A_417 = arith.constant 0 : i32
    %dma_wait3A_418 = arith.constant 0 : i32
    %dma_wait3A_419 = tpu.memref_slice %arg6[%dma_wait3A_416, %dma_wait3A_417, %dma_wait3A_418] : memref<4x512x32xf32, #tpu.memory_space<vmem>> -> memref<1x512x32xf32, #tpu.memory_space<vmem>>
    %dma_wait3A_420 = tpu.memref_squeeze %dma_wait3A_419 : memref<1x512x32xf32, #tpu.memory_space<vmem>> -> memref<512x32xf32, #tpu.memory_space<vmem>>
    %dma_wait3A_421 = arith.constant 0 : i32
    %dma_wait3A_422 = tpu.memref_slice %arg5[%dma_wait3A_415, %dma_wait3A_421] : memref<10x512xi32, #tpu.memory_space<vmem>> -> memref<1x512xi32, #tpu.memory_space<vmem>>
    %dma_wait3A_423 = tpu.memref_squeeze %dma_wait3A_422 : memref<1x512xi32, #tpu.memory_space<vmem>> -> memref<512xi32, #tpu.memory_space<vmem>>
    %dma_wait3A_424 = arith.constant 0 : i32
    %dma_wait3A_425 = arith.constant 0 : i32
    %dma_wait3A_426 = tpu.memref_slice %arg2[%dma_wait3A_424, %dma_wait3A_425] : memref<10000x32xf32, #tpu.memory_space<hbm>> -> memref<10000x32xf32, #tpu.memory_space<hbm>>
    tpu.wait_indirect_dma semaphore(%arg7 : memref<!tpu.dma_semaphore, #tpu.memory_space<semaphore_mem>>) src(%dma_wait3A_426 : memref<10000x32xf32, #tpu.memory_space<hbm>>) dst(%dma_wait3A_420 : memref<512x32xf32, #tpu.memory_space<vmem>>)
    %add3A_427 = arith.constant 4096 : i32
    %add3A_428 = arith.addi %mul3A_2, %add3A_427 : i32
    %dma_start3A_429 = arith.constant 0 : i32
    %dma_start3A_430 = arith.constant 0 : i32
    %dma_start3A_431 = arith.constant 0 : i32
    %dma_start3A_432 = tpu.memref_slice %arg6[%dma_start3A_429, %dma_start3A_430, %dma_start3A_431] : memref<4x512x32xf32, #tpu.memory_space<vmem>> -> memref<1x512x32xf32, #tpu.memory_space<vmem>>
    %dma_start3A_433 = tpu.memref_squeeze %dma_start3A_432 : memref<1x512x32xf32, #tpu.memory_space<vmem>> -> memref<512x32xf32, #tpu.memory_space<vmem>>
    %dma_start3A_434 = arith.constant 0 : i32
    %dma_start3A_435 = tpu.memref_slice %arg4[%add3A_428, %dma_start3A_434] : memref<163840x32xf32, #tpu.memory_space<hbm>> -> memref<512x32xf32, #tpu.memory_space<hbm>>
    %dma_start3A_436 = arith.constant 0 : i32
    %dma_start3A_437 = tpu.memref_slice %arg4[%add3A_428, %dma_start3A_436] : memref<163840x32xf32, #tpu.memory_space<hbm>> -> memref<512x32xf32, #tpu.memory_space<hbm>>
    %dma_start3A_438 = arith.constant 0 : i32
    %dma_start3A_439 = arith.constant 0 : i32
    %dma_start3A_440 = tpu.memref_slice %arg6[%dma_start3A_429, %dma_start3A_438, %dma_start3A_439] : memref<4x512x32xf32, #tpu.memory_space<vmem>> -> memref<1x512x32xf32, #tpu.memory_space<vmem>>
    %dma_start3A_441 = tpu.memref_squeeze %dma_start3A_440 : memref<1x512x32xf32, #tpu.memory_space<vmem>> -> memref<512x32xf32, #tpu.memory_space<vmem>>
    tpu.enqueue_dma source(%dma_start3A_441 : memref<512x32xf32, #tpu.memory_space<vmem>>) target(%dma_start3A_437 : memref<512x32xf32, #tpu.memory_space<hbm>>) target_semaphore(%arg11 : memref<!tpu.dma_semaphore, #tpu.memory_space<semaphore_mem>>)
    %dma_wait3A_442 = arith.constant 9 : i32
    %dma_wait3A_443 = arith.constant 1 : i32
    %dma_wait3A_444 = arith.constant 0 : i32
    %dma_wait3A_445 = arith.constant 0 : i32
    %dma_wait3A_446 = tpu.memref_slice %arg6[%dma_wait3A_443, %dma_wait3A_444, %dma_wait3A_445] : memref<4x512x32xf32, #tpu.memory_space<vmem>> -> memref<1x512x32xf32, #tpu.memory_space<vmem>>
    %dma_wait3A_447 = tpu.memref_squeeze %dma_wait3A_446 : memref<1x512x32xf32, #tpu.memory_space<vmem>> -> memref<512x32xf32, #tpu.memory_space<vmem>>
    %dma_wait3A_448 = arith.constant 0 : i32
    %dma_wait3A_449 = tpu.memref_slice %arg5[%dma_wait3A_442, %dma_wait3A_448] : memref<10x512xi32, #tpu.memory_space<vmem>> -> memref<1x512xi32, #tpu.memory_space<vmem>>
    %dma_wait3A_450 = tpu.memref_squeeze %dma_wait3A_449 : memref<1x512xi32, #tpu.memory_space<vmem>> -> memref<512xi32, #tpu.memory_space<vmem>>
    %dma_wait3A_451 = arith.constant 0 : i32
    %dma_wait3A_452 = arith.constant 0 : i32
    %dma_wait3A_453 = tpu.memref_slice %arg2[%dma_wait3A_451, %dma_wait3A_452] : memref<10000x32xf32, #tpu.memory_space<hbm>> -> memref<10000x32xf32, #tpu.memory_space<hbm>>
    tpu.wait_indirect_dma semaphore(%arg8 : memref<!tpu.dma_semaphore, #tpu.memory_space<semaphore_mem>>) src(%dma_wait3A_453 : memref<10000x32xf32, #tpu.memory_space<hbm>>) dst(%dma_wait3A_447 : memref<512x32xf32, #tpu.memory_space<vmem>>)
    %add3A_454 = arith.constant 4608 : i32
    %add3A_455 = arith.addi %mul3A_2, %add3A_454 : i32
    %dma_start3A_456 = arith.constant 1 : i32
    %dma_start3A_457 = arith.constant 0 : i32
    %dma_start3A_458 = arith.constant 0 : i32
    %dma_start3A_459 = tpu.memref_slice %arg6[%dma_start3A_456, %dma_start3A_457, %dma_start3A_458] : memref<4x512x32xf32, #tpu.memory_space<vmem>> -> memref<1x512x32xf32, #tpu.memory_space<vmem>>
    %dma_start3A_460 = tpu.memref_squeeze %dma_start3A_459 : memref<1x512x32xf32, #tpu.memory_space<vmem>> -> memref<512x32xf32, #tpu.memory_space<vmem>>
    %dma_start3A_461 = arith.constant 0 : i32
    %dma_start3A_462 = tpu.memref_slice %arg4[%add3A_455, %dma_start3A_461] : memref<163840x32xf32, #tpu.memory_space<hbm>> -> memref<512x32xf32, #tpu.memory_space<hbm>>
    %dma_start3A_463 = arith.constant 0 : i32
    %dma_start3A_464 = tpu.memref_slice %arg4[%add3A_455, %dma_start3A_463] : memref<163840x32xf32, #tpu.memory_space<hbm>> -> memref<512x32xf32, #tpu.memory_space<hbm>>
    %dma_start3A_465 = arith.constant 0 : i32
    %dma_start3A_466 = arith.constant 0 : i32
    %dma_start3A_467 = tpu.memref_slice %arg6[%dma_start3A_456, %dma_start3A_465, %dma_start3A_466] : memref<4x512x32xf32, #tpu.memory_space<vmem>> -> memref<1x512x32xf32, #tpu.memory_space<vmem>>
    %dma_start3A_468 = tpu.memref_squeeze %dma_start3A_467 : memref<1x512x32xf32, #tpu.memory_space<vmem>> -> memref<512x32xf32, #tpu.memory_space<vmem>>
    tpu.enqueue_dma source(%dma_start3A_468 : memref<512x32xf32, #tpu.memory_space<vmem>>) target(%dma_start3A_464 : memref<512x32xf32, #tpu.memory_space<hbm>>) target_semaphore(%arg12 : memref<!tpu.dma_semaphore, #tpu.memory_space<semaphore_mem>>)
    %dma_wait3A_469 = arith.constant 2 : i32
    %dma_wait3A_470 = arith.constant 0 : i32
    %dma_wait3A_471 = arith.constant 0 : i32
    %dma_wait3A_472 = tpu.memref_slice %arg6[%dma_wait3A_469, %dma_wait3A_470, %dma_wait3A_471] : memref<4x512x32xf32, #tpu.memory_space<vmem>> -> memref<1x512x32xf32, #tpu.memory_space<vmem>>
    %dma_wait3A_473 = tpu.memref_squeeze %dma_wait3A_472 : memref<1x512x32xf32, #tpu.memory_space<vmem>> -> memref<512x32xf32, #tpu.memory_space<vmem>>
    %dma_wait3A_474 = arith.constant 0 : i32
    %dma_wait3A_475 = tpu.memref_slice %arg4[%mul3A_2, %dma_wait3A_474] : memref<163840x32xf32, #tpu.memory_space<hbm>> -> memref<512x32xf32, #tpu.memory_space<hbm>>
    %dma_wait3A_476 = arith.constant 0 : i32
    %dma_wait3A_477 = tpu.memref_slice %arg4[%mul3A_2, %dma_wait3A_476] : memref<163840x32xf32, #tpu.memory_space<hbm>> -> memref<512x32xf32, #tpu.memory_space<hbm>>
    %dma_wait3A_478 = arith.constant 0 : i32
    %dma_wait3A_479 = arith.constant 0 : i32
    %dma_wait3A_480 = tpu.memref_slice %arg6[%dma_wait3A_469, %dma_wait3A_478, %dma_wait3A_479] : memref<4x512x32xf32, #tpu.memory_space<vmem>> -> memref<1x512x32xf32, #tpu.memory_space<vmem>>
    %dma_wait3A_481 = tpu.memref_squeeze %dma_wait3A_480 : memref<1x512x32xf32, #tpu.memory_space<vmem>> -> memref<512x32xf32, #tpu.memory_space<vmem>>
    tpu.wait_dma2 semaphore(%arg13 : memref<!tpu.dma_semaphore, #tpu.memory_space<semaphore_mem>>) src(%dma_wait3A_481 : memref<512x32xf32, #tpu.memory_space<vmem>>) dst(%dma_wait3A_477 : memref<512x32xf32, #tpu.memory_space<hbm>>)
    %dma_wait3A_482 = arith.constant 3 : i32
    %dma_wait3A_483 = arith.constant 0 : i32
    %dma_wait3A_484 = arith.constant 0 : i32
    %dma_wait3A_485 = tpu.memref_slice %arg6[%dma_wait3A_482, %dma_wait3A_483, %dma_wait3A_484] : memref<4x512x32xf32, #tpu.memory_space<vmem>> -> memref<1x512x32xf32, #tpu.memory_space<vmem>>
    %dma_wait3A_486 = tpu.memref_squeeze %dma_wait3A_485 : memref<1x512x32xf32, #tpu.memory_space<vmem>> -> memref<512x32xf32, #tpu.memory_space<vmem>>
    %dma_wait3A_487 = arith.constant 0 : i32
    %dma_wait3A_488 = tpu.memref_slice %arg4[%mul3A_2, %dma_wait3A_487] : memref<163840x32xf32, #tpu.memory_space<hbm>> -> memref<512x32xf32, #tpu.memory_space<hbm>>
    %dma_wait3A_489 = arith.constant 0 : i32
    %dma_wait3A_490 = tpu.memref_slice %arg4[%mul3A_2, %dma_wait3A_489] : memref<163840x32xf32, #tpu.memory_space<hbm>> -> memref<512x32xf32, #tpu.memory_space<hbm>>
    %dma_wait3A_491 = arith.constant 0 : i32
    %dma_wait3A_492 = arith.constant 0 : i32
    %dma_wait3A_493 = tpu.memref_slice %arg6[%dma_wait3A_482, %dma_wait3A_491, %dma_wait3A_492] : memref<4x512x32xf32, #tpu.memory_space<vmem>> -> memref<1x512x32xf32, #tpu.memory_space<vmem>>
    %dma_wait3A_494 = tpu.memref_squeeze %dma_wait3A_493 : memref<1x512x32xf32, #tpu.memory_space<vmem>> -> memref<512x32xf32, #tpu.memory_space<vmem>>
    tpu.wait_dma2 semaphore(%arg14 : memref<!tpu.dma_semaphore, #tpu.memory_space<semaphore_mem>>) src(%dma_wait3A_494 : memref<512x32xf32, #tpu.memory_space<vmem>>) dst(%dma_wait3A_490 : memref<512x32xf32, #tpu.memory_space<hbm>>)
    %dma_wait3A_495 = arith.constant 0 : i32
    %dma_wait3A_496 = arith.constant 0 : i32
    %dma_wait3A_497 = arith.constant 0 : i32
    %dma_wait3A_498 = tpu.memref_slice %arg6[%dma_wait3A_495, %dma_wait3A_496, %dma_wait3A_497] : memref<4x512x32xf32, #tpu.memory_space<vmem>> -> memref<1x512x32xf32, #tpu.memory_space<vmem>>
    %dma_wait3A_499 = tpu.memref_squeeze %dma_wait3A_498 : memref<1x512x32xf32, #tpu.memory_space<vmem>> -> memref<512x32xf32, #tpu.memory_space<vmem>>
    %dma_wait3A_500 = arith.constant 0 : i32
    %dma_wait3A_501 = tpu.memref_slice %arg4[%mul3A_2, %dma_wait3A_500] : memref<163840x32xf32, #tpu.memory_space<hbm>> -> memref<512x32xf32, #tpu.memory_space<hbm>>
    %dma_wait3A_502 = arith.constant 0 : i32
    %dma_wait3A_503 = tpu.memref_slice %arg4[%mul3A_2, %dma_wait3A_502] : memref<163840x32xf32, #tpu.memory_space<hbm>> -> memref<512x32xf32, #tpu.memory_space<hbm>>
    %dma_wait3A_504 = arith.constant 0 : i32
    %dma_wait3A_505 = arith.constant 0 : i32
    %dma_wait3A_506 = tpu.memref_slice %arg6[%dma_wait3A_495, %dma_wait3A_504, %dma_wait3A_505] : memref<4x512x32xf32, #tpu.memory_space<vmem>> -> memref<1x512x32xf32, #tpu.memory_space<vmem>>
    %dma_wait3A_507 = tpu.memref_squeeze %dma_wait3A_506 : memref<1x512x32xf32, #tpu.memory_space<vmem>> -> memref<512x32xf32, #tpu.memory_space<vmem>>
    tpu.wait_dma2 semaphore(%arg11 : memref<!tpu.dma_semaphore, #tpu.memory_space<semaphore_mem>>) src(%dma_wait3A_507 : memref<512x32xf32, #tpu.memory_space<vmem>>) dst(%dma_wait3A_503 : memref<512x32xf32, #tpu.memory_space<hbm>>)
    %dma_wait3A_508 = arith.constant 1 : i32
    %dma_wait3A_509 = arith.constant 0 : i32
    %dma_wait3A_510 = arith.constant 0 : i32
    %dma_wait3A_511 = tpu.memref_slice %arg6[%dma_wait3A_508, %dma_wait3A_509, %dma_wait3A_510] : memref<4x512x32xf32, #tpu.memory_space<vmem>> -> memref<1x512x32xf32, #tpu.memory_space<vmem>>
    %dma_wait3A_512 = tpu.memref_squeeze %dma_wait3A_511 : memref<1x512x32xf32, #tpu.memory_space<vmem>> -> memref<512x32xf32, #tpu.memory_space<vmem>>
    %dma_wait3A_513 = arith.constant 0 : i32
    %dma_wait3A_514 = tpu.memref_slice %arg4[%mul3A_2, %dma_wait3A_513] : memref<163840x32xf32, #tpu.memory_space<hbm>> -> memref<512x32xf32, #tpu.memory_space<hbm>>
    %dma_wait3A_515 = arith.constant 0 : i32
    %dma_wait3A_516 = tpu.memref_slice %arg4[%mul3A_2, %dma_wait3A_515] : memref<163840x32xf32, #tpu.memory_space<hbm>> -> memref<512x32xf32, #tpu.memory_space<hbm>>
    %dma_wait3A_517 = arith.constant 0 : i32
    %dma_wait3A_518 = arith.constant 0 : i32
    %dma_wait3A_519 = tpu.memref_slice %arg6[%dma_wait3A_508, %dma_wait3A_517, %dma_wait3A_518] : memref<4x512x32xf32, #tpu.memory_space<vmem>> -> memref<1x512x32xf32, #tpu.memory_space<vmem>>
    %dma_wait3A_520 = tpu.memref_squeeze %dma_wait3A_519 : memref<1x512x32xf32, #tpu.memory_space<vmem>> -> memref<512x32xf32, #tpu.memory_space<vmem>>
    tpu.wait_dma2 semaphore(%arg12 : memref<!tpu.dma_semaphore, #tpu.memory_space<semaphore_mem>>) src(%dma_wait3A_520 : memref<512x32xf32, #tpu.memory_space<vmem>>) dst(%dma_wait3A_516 : memref<512x32xf32, #tpu.memory_space<hbm>>)
    return
  }
}

#map = affine_map<(d0, d1) -> (0, 0)>
#map1 = affine_map<(d0, d1) -> (0, 0, 0)>
module attributes {stable_mosaic.version = 14 : i64} {
  func.func @k(%arg0: i32, %arg1: i32, %arg2: memref<163840x16xf32, #tpu.memory_space<hbm>>, %arg3: memref<32x40x128xi32, #tpu.memory_space<hbm>>, %arg4: memref<10240x16xf32, #tpu.memory_space<hbm>>, %arg5: memref<2x10240x16xf32, #tpu.memory_space<hbm>>, %arg6: memref<40x128xi32, #tpu.memory_space<vmem>>, %arg7: memref<2x128x16xf32, #tpu.memory_space<vmem>>, %arg8: memref<640x16xf32, #tpu.memory_space<vmem>>, %arg9: memref<10240x16xf32, #tpu.memory_space<vmem_shared>>, %arg10: memref<!tpu.dma_semaphore, #tpu.memory_space<semaphore_mem>>, %arg11: memref<!tpu.dma_semaphore, #tpu.memory_space<semaphore_mem>>) attributes {dimension_semantics = [#tpu.dimension_semantics<core_parallel>, #tpu.dimension_semantics<subcore_parallel>], iteration_bounds = array<i64: 2, 16>, scalar_prefetch = 0 : i64, scratch_operands = 6 : i64, tpu.core_type = #tpu.core_type<sc_vector_subcore>, window_params = [{transform_indices = #map}, {transform_indices = #map1}, {transform_indices = #map}, {transform_indices = #map1}]} {
    %mul3A = arith.constant 2 : i32
    %mul3A_0 = arith.muli %arg1, %mul3A : i32
    %add3A = arith.addi %mul3A_0, %arg0 : i32
    %mul3A_1 = arith.constant 5120 : i32
    %mul3A_2 = arith.muli %add3A, %mul3A_1 : i32
    %mul3A_3 = arith.constant 640 : i32
    %mul3A_4 = arith.muli %arg1, %mul3A_3 : i32
    "tpu.region"() ({
      %run_scoped3A = tpu.sem_alloc : memref<!tpu.dma_semaphore, #tpu.memory_space<semaphore_mem>>
      %dma_start3A_44 = arith.constant 0 : i32
      %dma_start3A_45 = tpu.memref_slice %arg4[%mul3A_4, %dma_start3A_44] : memref<10240x16xf32, #tpu.memory_space<hbm>> -> memref<640x16xf32, #tpu.memory_space<hbm>>
      %dma_start3A_46 = arith.constant 0 : i32
      %dma_start3A_47 = tpu.memref_slice %arg4[%mul3A_4, %dma_start3A_46] : memref<10240x16xf32, #tpu.memory_space<hbm>> -> memref<640x16xf32, #tpu.memory_space<hbm>>
      tpu.enqueue_dma source(%dma_start3A_47 : memref<640x16xf32, #tpu.memory_space<hbm>>) target(%arg8 : memref<640x16xf32, #tpu.memory_space<vmem>>) target_semaphore(%run_scoped3A : memref<!tpu.dma_semaphore, #tpu.memory_space<semaphore_mem>>)
      %dma_wait3A = arith.constant 0 : i32
      %dma_wait3A_48 = tpu.memref_slice %arg4[%mul3A_4, %dma_wait3A] : memref<10240x16xf32, #tpu.memory_space<hbm>> -> memref<640x16xf32, #tpu.memory_space<hbm>>
      %dma_wait3A_49 = arith.constant 0 : i32
      %dma_wait3A_50 = tpu.memref_slice %arg4[%mul3A_4, %dma_wait3A_49] : memref<10240x16xf32, #tpu.memory_space<hbm>> -> memref<640x16xf32, #tpu.memory_space<hbm>>
      tpu.wait_dma2 semaphore(%run_scoped3A : memref<!tpu.dma_semaphore, #tpu.memory_space<semaphore_mem>>) src(%dma_wait3A_50 : memref<640x16xf32, #tpu.memory_space<hbm>>) dst(%arg8 : memref<640x16xf32, #tpu.memory_space<vmem>>)
      tpu.yield
    }) : () -> ()
    %mul3A_5 = arith.constant 640 : i32
    %mul3A_6 = arith.muli %arg1, %mul3A_5 : i32
    "tpu.region"() ({
      %run_scoped3A = tpu.sem_alloc : memref<!tpu.dma_semaphore, #tpu.memory_space<semaphore_mem>>
      %dma_start3A_44 = arith.constant 0 : i32
      %dma_start3A_45 = tpu.memref_slice %arg9[%mul3A_6, %dma_start3A_44] : memref<10240x16xf32, #tpu.memory_space<vmem_shared>> -> memref<640x16xf32, #tpu.memory_space<vmem_shared>>
      %dma_start3A_46 = arith.constant 0 : i32
      %dma_start3A_47 = tpu.memref_slice %arg9[%mul3A_6, %dma_start3A_46] : memref<10240x16xf32, #tpu.memory_space<vmem_shared>> -> memref<640x16xf32, #tpu.memory_space<vmem_shared>>
      tpu.enqueue_dma source(%arg8 : memref<640x16xf32, #tpu.memory_space<vmem>>) target(%dma_start3A_47 : memref<640x16xf32, #tpu.memory_space<vmem_shared>>) target_semaphore(%run_scoped3A : memref<!tpu.dma_semaphore, #tpu.memory_space<semaphore_mem>>)
      %dma_wait3A = arith.constant 0 : i32
      %dma_wait3A_48 = tpu.memref_slice %arg9[%mul3A_6, %dma_wait3A] : memref<10240x16xf32, #tpu.memory_space<vmem_shared>> -> memref<640x16xf32, #tpu.memory_space<vmem_shared>>
      %dma_wait3A_49 = arith.constant 0 : i32
      %dma_wait3A_50 = tpu.memref_slice %arg9[%mul3A_6, %dma_wait3A_49] : memref<10240x16xf32, #tpu.memory_space<vmem_shared>> -> memref<640x16xf32, #tpu.memory_space<vmem_shared>>
      tpu.wait_dma2 semaphore(%run_scoped3A : memref<!tpu.dma_semaphore, #tpu.memory_space<semaphore_mem>>) src(%arg8 : memref<640x16xf32, #tpu.memory_space<vmem>>) dst(%dma_wait3A_50 : memref<640x16xf32, #tpu.memory_space<vmem_shared>>)
      tpu.yield
    }) : () -> ()
    %barrier3A = arith.constant 0 : index
    tpu.barrier barrier_id(%barrier3A)
    "tpu.region"() ({
      %run_scoped3A = tpu.sem_alloc : memref<!tpu.dma_semaphore, #tpu.memory_space<semaphore_mem>>
      %dma_start3A_44 = arith.constant 0 : i32
      %dma_start3A_45 = arith.constant 0 : i32
      %dma_start3A_46 = tpu.memref_slice %arg3[%add3A, %dma_start3A_44, %dma_start3A_45] : memref<32x40x128xi32, #tpu.memory_space<hbm>> -> memref<1x40x128xi32, #tpu.memory_space<hbm>>
      %dma_start3A_47 = tpu.memref_squeeze %dma_start3A_46 : memref<1x40x128xi32, #tpu.memory_space<hbm>> -> memref<40x128xi32, #tpu.memory_space<hbm>>
      %dma_start3A_48 = arith.constant 0 : i32
      %dma_start3A_49 = arith.constant 0 : i32
      %dma_start3A_50 = tpu.memref_slice %arg3[%add3A, %dma_start3A_48, %dma_start3A_49] : memref<32x40x128xi32, #tpu.memory_space<hbm>> -> memref<1x40x128xi32, #tpu.memory_space<hbm>>
      %dma_start3A_51 = tpu.memref_squeeze %dma_start3A_50 : memref<1x40x128xi32, #tpu.memory_space<hbm>> -> memref<40x128xi32, #tpu.memory_space<hbm>>
      tpu.enqueue_dma source(%dma_start3A_51 : memref<40x128xi32, #tpu.memory_space<hbm>>) target(%arg6 : memref<40x128xi32, #tpu.memory_space<vmem>>) target_semaphore(%run_scoped3A : memref<!tpu.dma_semaphore, #tpu.memory_space<semaphore_mem>>)
      %dma_wait3A = arith.constant 0 : i32
      %dma_wait3A_52 = arith.constant 0 : i32
      %dma_wait3A_53 = tpu.memref_slice %arg3[%add3A, %dma_wait3A, %dma_wait3A_52] : memref<32x40x128xi32, #tpu.memory_space<hbm>> -> memref<1x40x128xi32, #tpu.memory_space<hbm>>
      %dma_wait3A_54 = tpu.memref_squeeze %dma_wait3A_53 : memref<1x40x128xi32, #tpu.memory_space<hbm>> -> memref<40x128xi32, #tpu.memory_space<hbm>>
      %dma_wait3A_55 = arith.constant 0 : i32
      %dma_wait3A_56 = arith.constant 0 : i32
      %dma_wait3A_57 = tpu.memref_slice %arg3[%add3A, %dma_wait3A_55, %dma_wait3A_56] : memref<32x40x128xi32, #tpu.memory_space<hbm>> -> memref<1x40x128xi32, #tpu.memory_space<hbm>>
      %dma_wait3A_58 = tpu.memref_squeeze %dma_wait3A_57 : memref<1x40x128xi32, #tpu.memory_space<hbm>> -> memref<40x128xi32, #tpu.memory_space<hbm>>
      tpu.wait_dma2 semaphore(%run_scoped3A : memref<!tpu.dma_semaphore, #tpu.memory_space<semaphore_mem>>) src(%dma_wait3A_58 : memref<40x128xi32, #tpu.memory_space<hbm>>) dst(%arg6 : memref<40x128xi32, #tpu.memory_space<vmem>>)
      tpu.yield
    }) : () -> ()
    %dma_start3A = arith.constant 0 : i32
    %dma_start3A_7 = arith.constant 0 : i32
    %dma_start3A_8 = arith.constant 0 : i32
    %dma_start3A_9 = tpu.memref_slice %arg7[%dma_start3A, %dma_start3A_7, %dma_start3A_8] : memref<2x128x16xf32, #tpu.memory_space<vmem>> -> memref<1x128x16xf32, #tpu.memory_space<vmem>>
    %dma_start3A_10 = tpu.memref_squeeze %dma_start3A_9 : memref<1x128x16xf32, #tpu.memory_space<vmem>> -> memref<128x16xf32, #tpu.memory_space<vmem>>
    %dma_start3A_11 = arith.constant 0 : i32
    %dma_start3A_12 = tpu.memref_slice %arg2[%mul3A_2, %dma_start3A_11] : memref<163840x16xf32, #tpu.memory_space<hbm>> -> memref<128x16xf32, #tpu.memory_space<hbm>>
    %dma_start3A_13 = arith.constant 0 : i32
    %dma_start3A_14 = arith.constant 0 : i32
    %dma_start3A_15 = tpu.memref_slice %arg7[%dma_start3A, %dma_start3A_13, %dma_start3A_14] : memref<2x128x16xf32, #tpu.memory_space<vmem>> -> memref<1x128x16xf32, #tpu.memory_space<vmem>>
    %dma_start3A_16 = tpu.memref_squeeze %dma_start3A_15 : memref<1x128x16xf32, #tpu.memory_space<vmem>> -> memref<128x16xf32, #tpu.memory_space<vmem>>
    %dma_start3A_17 = arith.constant 0 : i32
    %dma_start3A_18 = tpu.memref_slice %arg2[%mul3A_2, %dma_start3A_17] : memref<163840x16xf32, #tpu.memory_space<hbm>> -> memref<128x16xf32, #tpu.memory_space<hbm>>
    tpu.enqueue_dma source(%dma_start3A_18 : memref<128x16xf32, #tpu.memory_space<hbm>>) target(%dma_start3A_16 : memref<128x16xf32, #tpu.memory_space<vmem>>) target_semaphore(%arg10 : memref<!tpu.dma_semaphore, #tpu.memory_space<semaphore_mem>>)
    %add3A_19 = arith.constant 128 : i32
    %add3A_20 = arith.addi %mul3A_2, %add3A_19 : i32
    %dma_start3A_21 = arith.constant 1 : i32
    %dma_start3A_22 = arith.constant 0 : i32
    %dma_start3A_23 = arith.constant 0 : i32
    %dma_start3A_24 = tpu.memref_slice %arg7[%dma_start3A_21, %dma_start3A_22, %dma_start3A_23] : memref<2x128x16xf32, #tpu.memory_space<vmem>> -> memref<1x128x16xf32, #tpu.memory_space<vmem>>
    %dma_start3A_25 = tpu.memref_squeeze %dma_start3A_24 : memref<1x128x16xf32, #tpu.memory_space<vmem>> -> memref<128x16xf32, #tpu.memory_space<vmem>>
    %dma_start3A_26 = arith.constant 0 : i32
    %dma_start3A_27 = tpu.memref_slice %arg2[%add3A_20, %dma_start3A_26] : memref<163840x16xf32, #tpu.memory_space<hbm>> -> memref<128x16xf32, #tpu.memory_space<hbm>>
    %dma_start3A_28 = arith.constant 0 : i32
    %dma_start3A_29 = arith.constant 0 : i32
    %dma_start3A_30 = tpu.memref_slice %arg7[%dma_start3A_21, %dma_start3A_28, %dma_start3A_29] : memref<2x128x16xf32, #tpu.memory_space<vmem>> -> memref<1x128x16xf32, #tpu.memory_space<vmem>>
    %dma_start3A_31 = tpu.memref_squeeze %dma_start3A_30 : memref<1x128x16xf32, #tpu.memory_space<vmem>> -> memref<128x16xf32, #tpu.memory_space<vmem>>
    %dma_start3A_32 = arith.constant 0 : i32
    %dma_start3A_33 = tpu.memref_slice %arg2[%add3A_20, %dma_start3A_32] : memref<163840x16xf32, #tpu.memory_space<hbm>> -> memref<128x16xf32, #tpu.memory_space<hbm>>
    tpu.enqueue_dma source(%dma_start3A_33 : memref<128x16xf32, #tpu.memory_space<hbm>>) target(%dma_start3A_31 : memref<128x16xf32, #tpu.memory_space<vmem>>) target_semaphore(%arg11 : memref<!tpu.dma_semaphore, #tpu.memory_space<semaphore_mem>>)
    %scan3A = arith.constant 0 : i32
    %scan3A_34 = arith.constant 0 : i32
    %scan3A_35 = arith.constant 20 : i32
    %scan3A_36 = arith.addi %scan3A_34, %scan3A_35 : i32
    %scan3A_37 = arith.constant 1 : i32
    scf.for %scan3A_44 = %scan3A_34 to %scan3A_36 step %scan3A_37  : i32 {
      %mul3A_45 = arith.constant 2 : i32
      %mul3A_46 = arith.muli %mul3A_45, %scan3A_44 : i32
      %add3A_47 = arith.constant 0 : i32
      %add3A_48 = arith.addi %mul3A_46, %add3A_47 : i32
      %mul3A_49 = arith.constant 128 : i32
      %mul3A_50 = arith.muli %add3A_48, %mul3A_49 : i32
      %add3A_51 = arith.addi %mul3A_2, %mul3A_50 : i32
      %dma_wait3A = arith.constant 0 : i32
      %dma_wait3A_52 = arith.constant 0 : i32
      %dma_wait3A_53 = arith.constant 0 : i32
      %dma_wait3A_54 = tpu.memref_slice %arg7[%dma_wait3A, %dma_wait3A_52, %dma_wait3A_53] : memref<2x128x16xf32, #tpu.memory_space<vmem>> -> memref<1x128x16xf32, #tpu.memory_space<vmem>>
      %dma_wait3A_55 = tpu.memref_squeeze %dma_wait3A_54 : memref<1x128x16xf32, #tpu.memory_space<vmem>> -> memref<128x16xf32, #tpu.memory_space<vmem>>
      %dma_wait3A_56 = arith.constant 0 : i32
      %dma_wait3A_57 = tpu.memref_slice %arg2[%add3A_51, %dma_wait3A_56] : memref<163840x16xf32, #tpu.memory_space<hbm>> -> memref<128x16xf32, #tpu.memory_space<hbm>>
      %dma_wait3A_58 = arith.constant 0 : i32
      %dma_wait3A_59 = arith.constant 0 : i32
      %dma_wait3A_60 = tpu.memref_slice %arg7[%dma_wait3A, %dma_wait3A_58, %dma_wait3A_59] : memref<2x128x16xf32, #tpu.memory_space<vmem>> -> memref<1x128x16xf32, #tpu.memory_space<vmem>>
      %dma_wait3A_61 = tpu.memref_squeeze %dma_wait3A_60 : memref<1x128x16xf32, #tpu.memory_space<vmem>> -> memref<128x16xf32, #tpu.memory_space<vmem>>
      %dma_wait3A_62 = arith.constant 0 : i32
      %dma_wait3A_63 = tpu.memref_slice %arg2[%add3A_51, %dma_wait3A_62] : memref<163840x16xf32, #tpu.memory_space<hbm>> -> memref<128x16xf32, #tpu.memory_space<hbm>>
      tpu.wait_dma2 semaphore(%arg10 : memref<!tpu.dma_semaphore, #tpu.memory_space<semaphore_mem>>) src(%dma_wait3A_63 : memref<128x16xf32, #tpu.memory_space<hbm>>) dst(%dma_wait3A_61 : memref<128x16xf32, #tpu.memory_space<vmem>>)
      %run_scoped3A = arith.constant 0 : i32
      "tpu.region"() ({
        %run_scoped3A_96 = tpu.sem_alloc : memref<!tpu.dma_semaphore, #tpu.memory_space<semaphore_mem>>
        %dma_start3A_97 = arith.constant 0 : i32
        %dma_start3A_98 = arith.constant 0 : i32
        %dma_start3A_99 = tpu.memref_slice %arg7[%run_scoped3A, %dma_start3A_97, %dma_start3A_98] : memref<2x128x16xf32, #tpu.memory_space<vmem>> -> memref<1x128x16xf32, #tpu.memory_space<vmem>>
        %dma_start3A_100 = tpu.memref_squeeze %dma_start3A_99 : memref<1x128x16xf32, #tpu.memory_space<vmem>> -> memref<128x16xf32, #tpu.memory_space<vmem>>
        %dma_start3A_101 = arith.constant 0 : i32
        %dma_start3A_102 = tpu.memref_slice %arg6[%add3A_48, %dma_start3A_101] : memref<40x128xi32, #tpu.memory_space<vmem>> -> memref<1x128xi32, #tpu.memory_space<vmem>>
        %dma_start3A_103 = tpu.memref_squeeze %dma_start3A_102 : memref<1x128xi32, #tpu.memory_space<vmem>> -> memref<128xi32, #tpu.memory_space<vmem>>
        %dma_start3A_104 = arith.constant 0 : i32
        %dma_start3A_105 = arith.constant 0 : i32
        %dma_start3A_106 = tpu.memref_slice %arg9[%dma_start3A_104, %dma_start3A_105] : memref<10240x16xf32, #tpu.memory_space<vmem_shared>> -> memref<10240x16xf32, #tpu.memory_space<vmem_shared>>
        tpu.enqueue_indirect_dma source(%dma_start3A_100 : memref<128x16xf32, #tpu.memory_space<vmem>>) target(%dma_start3A_106 : memref<10240x16xf32, #tpu.memory_space<vmem_shared>>) offsets(%dma_start3A_103 : memref<128xi32, #tpu.memory_space<vmem>>) semaphore(%run_scoped3A_96 : memref<!tpu.dma_semaphore, #tpu.memory_space<semaphore_mem>>) {add = true}
        %dma_wait3A_107 = arith.constant 0 : i32
        %dma_wait3A_108 = arith.constant 0 : i32
        %dma_wait3A_109 = tpu.memref_slice %arg7[%run_scoped3A, %dma_wait3A_107, %dma_wait3A_108] : memref<2x128x16xf32, #tpu.memory_space<vmem>> -> memref<1x128x16xf32, #tpu.memory_space<vmem>>
        %dma_wait3A_110 = tpu.memref_squeeze %dma_wait3A_109 : memref<1x128x16xf32, #tpu.memory_space<vmem>> -> memref<128x16xf32, #tpu.memory_space<vmem>>
        %dma_wait3A_111 = arith.constant 0 : i32
        %dma_wait3A_112 = tpu.memref_slice %arg6[%add3A_48, %dma_wait3A_111] : memref<40x128xi32, #tpu.memory_space<vmem>> -> memref<1x128xi32, #tpu.memory_space<vmem>>
        %dma_wait3A_113 = tpu.memref_squeeze %dma_wait3A_112 : memref<1x128xi32, #tpu.memory_space<vmem>> -> memref<128xi32, #tpu.memory_space<vmem>>
        %dma_wait3A_114 = arith.constant 0 : i32
        %dma_wait3A_115 = arith.constant 0 : i32
        %dma_wait3A_116 = tpu.memref_slice %arg9[%dma_wait3A_114, %dma_wait3A_115] : memref<10240x16xf32, #tpu.memory_space<vmem_shared>> -> memref<10240x16xf32, #tpu.memory_space<vmem_shared>>
        tpu.wait_indirect_dma semaphore(%run_scoped3A_96 : memref<!tpu.dma_semaphore, #tpu.memory_space<semaphore_mem>>) src(%dma_wait3A_110 : memref<128x16xf32, #tpu.memory_space<vmem>>) dst(%dma_wait3A_116 : memref<10240x16xf32, #tpu.memory_space<vmem_shared>>)
        tpu.yield
      }) : () -> ()
      %add3A_64 = arith.constant 2 : i32
      %add3A_65 = arith.addi %add3A_48, %add3A_64 : i32
      %lt3A = arith.constant 40 : i32
      %lt3A_66 = arith.cmpi slt, %add3A_65, %lt3A : i32
      %convert_element_type3A = arith.extui %lt3A_66 : i1 to i32
      %cond3A = arith.constant 0 : i32
      %cond3A_67 = arith.cmpi ne, %convert_element_type3A, %cond3A : i32
      scf.if %cond3A_67 {
        %add3A_96 = arith.constant 2 : i32
        %add3A_97 = arith.addi %add3A_48, %add3A_96 : i32
        %mul3A_98 = arith.constant 128 : i32
        %mul3A_99 = arith.muli %add3A_97, %mul3A_98 : i32
        %add3A_100 = arith.addi %mul3A_2, %mul3A_99 : i32
        %dma_start3A_101 = arith.constant 0 : i32
        %dma_start3A_102 = arith.constant 0 : i32
        %dma_start3A_103 = arith.constant 0 : i32
        %dma_start3A_104 = tpu.memref_slice %arg7[%dma_start3A_101, %dma_start3A_102, %dma_start3A_103] : memref<2x128x16xf32, #tpu.memory_space<vmem>> -> memref<1x128x16xf32, #tpu.memory_space<vmem>>
        %dma_start3A_105 = tpu.memref_squeeze %dma_start3A_104 : memref<1x128x16xf32, #tpu.memory_space<vmem>> -> memref<128x16xf32, #tpu.memory_space<vmem>>
        %dma_start3A_106 = arith.constant 0 : i32
        %dma_start3A_107 = tpu.memref_slice %arg2[%add3A_100, %dma_start3A_106] : memref<163840x16xf32, #tpu.memory_space<hbm>> -> memref<128x16xf32, #tpu.memory_space<hbm>>
        %dma_start3A_108 = arith.constant 0 : i32
        %dma_start3A_109 = arith.constant 0 : i32
        %dma_start3A_110 = tpu.memref_slice %arg7[%dma_start3A_101, %dma_start3A_108, %dma_start3A_109] : memref<2x128x16xf32, #tpu.memory_space<vmem>> -> memref<1x128x16xf32, #tpu.memory_space<vmem>>
        %dma_start3A_111 = tpu.memref_squeeze %dma_start3A_110 : memref<1x128x16xf32, #tpu.memory_space<vmem>> -> memref<128x16xf32, #tpu.memory_space<vmem>>
        %dma_start3A_112 = arith.constant 0 : i32
        %dma_start3A_113 = tpu.memref_slice %arg2[%add3A_100, %dma_start3A_112] : memref<163840x16xf32, #tpu.memory_space<hbm>> -> memref<128x16xf32, #tpu.memory_space<hbm>>
        tpu.enqueue_dma source(%dma_start3A_113 : memref<128x16xf32, #tpu.memory_space<hbm>>) target(%dma_start3A_111 : memref<128x16xf32, #tpu.memory_space<vmem>>) target_semaphore(%arg10 : memref<!tpu.dma_semaphore, #tpu.memory_space<semaphore_mem>>)
      } else {
      }
      %mul3A_68 = arith.constant 2 : i32
      %mul3A_69 = arith.muli %mul3A_68, %scan3A_44 : i32
      %add3A_70 = arith.constant 1 : i32
      %add3A_71 = arith.addi %mul3A_69, %add3A_70 : i32
      %mul3A_72 = arith.constant 128 : i32
      %mul3A_73 = arith.muli %add3A_71, %mul3A_72 : i32
      %add3A_74 = arith.addi %mul3A_2, %mul3A_73 : i32
      %dma_wait3A_75 = arith.constant 1 : i32
      %dma_wait3A_76 = arith.constant 0 : i32
      %dma_wait3A_77 = arith.constant 0 : i32
      %dma_wait3A_78 = tpu.memref_slice %arg7[%dma_wait3A_75, %dma_wait3A_76, %dma_wait3A_77] : memref<2x128x16xf32, #tpu.memory_space<vmem>> -> memref<1x128x16xf32, #tpu.memory_space<vmem>>
      %dma_wait3A_79 = tpu.memref_squeeze %dma_wait3A_78 : memref<1x128x16xf32, #tpu.memory_space<vmem>> -> memref<128x16xf32, #tpu.memory_space<vmem>>
      %dma_wait3A_80 = arith.constant 0 : i32
      %dma_wait3A_81 = tpu.memref_slice %arg2[%add3A_74, %dma_wait3A_80] : memref<163840x16xf32, #tpu.memory_space<hbm>> -> memref<128x16xf32, #tpu.memory_space<hbm>>
      %dma_wait3A_82 = arith.constant 0 : i32
      %dma_wait3A_83 = arith.constant 0 : i32
      %dma_wait3A_84 = tpu.memref_slice %arg7[%dma_wait3A_75, %dma_wait3A_82, %dma_wait3A_83] : memref<2x128x16xf32, #tpu.memory_space<vmem>> -> memref<1x128x16xf32, #tpu.memory_space<vmem>>
      %dma_wait3A_85 = tpu.memref_squeeze %dma_wait3A_84 : memref<1x128x16xf32, #tpu.memory_space<vmem>> -> memref<128x16xf32, #tpu.memory_space<vmem>>
      %dma_wait3A_86 = arith.constant 0 : i32
      %dma_wait3A_87 = tpu.memref_slice %arg2[%add3A_74, %dma_wait3A_86] : memref<163840x16xf32, #tpu.memory_space<hbm>> -> memref<128x16xf32, #tpu.memory_space<hbm>>
      tpu.wait_dma2 semaphore(%arg11 : memref<!tpu.dma_semaphore, #tpu.memory_space<semaphore_mem>>) src(%dma_wait3A_87 : memref<128x16xf32, #tpu.memory_space<hbm>>) dst(%dma_wait3A_85 : memref<128x16xf32, #tpu.memory_space<vmem>>)
      %run_scoped3A_88 = arith.constant 1 : i32
      "tpu.region"() ({
        %run_scoped3A_96 = tpu.sem_alloc : memref<!tpu.dma_semaphore, #tpu.memory_space<semaphore_mem>>
        %dma_start3A_97 = arith.constant 0 : i32
        %dma_start3A_98 = arith.constant 0 : i32
        %dma_start3A_99 = tpu.memref_slice %arg7[%run_scoped3A_88, %dma_start3A_97, %dma_start3A_98] : memref<2x128x16xf32, #tpu.memory_space<vmem>> -> memref<1x128x16xf32, #tpu.memory_space<vmem>>
        %dma_start3A_100 = tpu.memref_squeeze %dma_start3A_99 : memref<1x128x16xf32, #tpu.memory_space<vmem>> -> memref<128x16xf32, #tpu.memory_space<vmem>>
        %dma_start3A_101 = arith.constant 0 : i32
        %dma_start3A_102 = tpu.memref_slice %arg6[%add3A_71, %dma_start3A_101] : memref<40x128xi32, #tpu.memory_space<vmem>> -> memref<1x128xi32, #tpu.memory_space<vmem>>
        %dma_start3A_103 = tpu.memref_squeeze %dma_start3A_102 : memref<1x128xi32, #tpu.memory_space<vmem>> -> memref<128xi32, #tpu.memory_space<vmem>>
        %dma_start3A_104 = arith.constant 0 : i32
        %dma_start3A_105 = arith.constant 0 : i32
        %dma_start3A_106 = tpu.memref_slice %arg9[%dma_start3A_104, %dma_start3A_105] : memref<10240x16xf32, #tpu.memory_space<vmem_shared>> -> memref<10240x16xf32, #tpu.memory_space<vmem_shared>>
        tpu.enqueue_indirect_dma source(%dma_start3A_100 : memref<128x16xf32, #tpu.memory_space<vmem>>) target(%dma_start3A_106 : memref<10240x16xf32, #tpu.memory_space<vmem_shared>>) offsets(%dma_start3A_103 : memref<128xi32, #tpu.memory_space<vmem>>) semaphore(%run_scoped3A_96 : memref<!tpu.dma_semaphore, #tpu.memory_space<semaphore_mem>>) {add = true}
        %dma_wait3A_107 = arith.constant 0 : i32
        %dma_wait3A_108 = arith.constant 0 : i32
        %dma_wait3A_109 = tpu.memref_slice %arg7[%run_scoped3A_88, %dma_wait3A_107, %dma_wait3A_108] : memref<2x128x16xf32, #tpu.memory_space<vmem>> -> memref<1x128x16xf32, #tpu.memory_space<vmem>>
        %dma_wait3A_110 = tpu.memref_squeeze %dma_wait3A_109 : memref<1x128x16xf32, #tpu.memory_space<vmem>> -> memref<128x16xf32, #tpu.memory_space<vmem>>
        %dma_wait3A_111 = arith.constant 0 : i32
        %dma_wait3A_112 = tpu.memref_slice %arg6[%add3A_71, %dma_wait3A_111] : memref<40x128xi32, #tpu.memory_space<vmem>> -> memref<1x128xi32, #tpu.memory_space<vmem>>
        %dma_wait3A_113 = tpu.memref_squeeze %dma_wait3A_112 : memref<1x128xi32, #tpu.memory_space<vmem>> -> memref<128xi32, #tpu.memory_space<vmem>>
        %dma_wait3A_114 = arith.constant 0 : i32
        %dma_wait3A_115 = arith.constant 0 : i32
        %dma_wait3A_116 = tpu.memref_slice %arg9[%dma_wait3A_114, %dma_wait3A_115] : memref<10240x16xf32, #tpu.memory_space<vmem_shared>> -> memref<10240x16xf32, #tpu.memory_space<vmem_shared>>
        tpu.wait_indirect_dma semaphore(%run_scoped3A_96 : memref<!tpu.dma_semaphore, #tpu.memory_space<semaphore_mem>>) src(%dma_wait3A_110 : memref<128x16xf32, #tpu.memory_space<vmem>>) dst(%dma_wait3A_116 : memref<10240x16xf32, #tpu.memory_space<vmem_shared>>)
        tpu.yield
      }) : () -> ()
      %add3A_89 = arith.constant 2 : i32
      %add3A_90 = arith.addi %add3A_71, %add3A_89 : i32
      %lt3A_91 = arith.constant 40 : i32
      %lt3A_92 = arith.cmpi slt, %add3A_90, %lt3A_91 : i32
      %convert_element_type3A_93 = arith.extui %lt3A_92 : i1 to i32
      %cond3A_94 = arith.constant 0 : i32
      %cond3A_95 = arith.cmpi ne, %convert_element_type3A_93, %cond3A_94 : i32
      scf.if %cond3A_95 {
        %add3A_96 = arith.constant 2 : i32
        %add3A_97 = arith.addi %add3A_71, %add3A_96 : i32
        %mul3A_98 = arith.constant 128 : i32
        %mul3A_99 = arith.muli %add3A_97, %mul3A_98 : i32
        %add3A_100 = arith.addi %mul3A_2, %mul3A_99 : i32
        %dma_start3A_101 = arith.constant 1 : i32
        %dma_start3A_102 = arith.constant 0 : i32
        %dma_start3A_103 = arith.constant 0 : i32
        %dma_start3A_104 = tpu.memref_slice %arg7[%dma_start3A_101, %dma_start3A_102, %dma_start3A_103] : memref<2x128x16xf32, #tpu.memory_space<vmem>> -> memref<1x128x16xf32, #tpu.memory_space<vmem>>
        %dma_start3A_105 = tpu.memref_squeeze %dma_start3A_104 : memref<1x128x16xf32, #tpu.memory_space<vmem>> -> memref<128x16xf32, #tpu.memory_space<vmem>>
        %dma_start3A_106 = arith.constant 0 : i32
        %dma_start3A_107 = tpu.memref_slice %arg2[%add3A_100, %dma_start3A_106] : memref<163840x16xf32, #tpu.memory_space<hbm>> -> memref<128x16xf32, #tpu.memory_space<hbm>>
        %dma_start3A_108 = arith.constant 0 : i32
        %dma_start3A_109 = arith.constant 0 : i32
        %dma_start3A_110 = tpu.memref_slice %arg7[%dma_start3A_101, %dma_start3A_108, %dma_start3A_109] : memref<2x128x16xf32, #tpu.memory_space<vmem>> -> memref<1x128x16xf32, #tpu.memory_space<vmem>>
        %dma_start3A_111 = tpu.memref_squeeze %dma_start3A_110 : memref<1x128x16xf32, #tpu.memory_space<vmem>> -> memref<128x16xf32, #tpu.memory_space<vmem>>
        %dma_start3A_112 = arith.constant 0 : i32
        %dma_start3A_113 = tpu.memref_slice %arg2[%add3A_100, %dma_start3A_112] : memref<163840x16xf32, #tpu.memory_space<hbm>> -> memref<128x16xf32, #tpu.memory_space<hbm>>
        tpu.enqueue_dma source(%dma_start3A_113 : memref<128x16xf32, #tpu.memory_space<hbm>>) target(%dma_start3A_111 : memref<128x16xf32, #tpu.memory_space<vmem>>) target_semaphore(%arg11 : memref<!tpu.dma_semaphore, #tpu.memory_space<semaphore_mem>>)
      } else {
      }
    }
    %scan3A_38 = arith.constant 20 : i32
    %barrier3A_39 = arith.constant 0 : index
    tpu.barrier barrier_id(%barrier3A_39)
    %mul3A_40 = arith.constant 640 : i32
    %mul3A_41 = arith.muli %arg1, %mul3A_40 : i32
    "tpu.region"() ({
      %run_scoped3A = tpu.sem_alloc : memref<!tpu.dma_semaphore, #tpu.memory_space<semaphore_mem>>
      %dma_start3A_44 = arith.constant 0 : i32
      %dma_start3A_45 = tpu.memref_slice %arg9[%mul3A_41, %dma_start3A_44] : memref<10240x16xf32, #tpu.memory_space<vmem_shared>> -> memref<640x16xf32, #tpu.memory_space<vmem_shared>>
      %dma_start3A_46 = arith.constant 0 : i32
      %dma_start3A_47 = tpu.memref_slice %arg9[%mul3A_41, %dma_start3A_46] : memref<10240x16xf32, #tpu.memory_space<vmem_shared>> -> memref<640x16xf32, #tpu.memory_space<vmem_shared>>
      tpu.enqueue_dma source(%dma_start3A_47 : memref<640x16xf32, #tpu.memory_space<vmem_shared>>) target(%arg8 : memref<640x16xf32, #tpu.memory_space<vmem>>) target_semaphore(%run_scoped3A : memref<!tpu.dma_semaphore, #tpu.memory_space<semaphore_mem>>)
      %dma_wait3A = arith.constant 0 : i32
      %dma_wait3A_48 = tpu.memref_slice %arg9[%mul3A_41, %dma_wait3A] : memref<10240x16xf32, #tpu.memory_space<vmem_shared>> -> memref<640x16xf32, #tpu.memory_space<vmem_shared>>
      %dma_wait3A_49 = arith.constant 0 : i32
      %dma_wait3A_50 = tpu.memref_slice %arg9[%mul3A_41, %dma_wait3A_49] : memref<10240x16xf32, #tpu.memory_space<vmem_shared>> -> memref<640x16xf32, #tpu.memory_space<vmem_shared>>
      tpu.wait_dma2 semaphore(%run_scoped3A : memref<!tpu.dma_semaphore, #tpu.memory_space<semaphore_mem>>) src(%dma_wait3A_50 : memref<640x16xf32, #tpu.memory_space<vmem_shared>>) dst(%arg8 : memref<640x16xf32, #tpu.memory_space<vmem>>)
      tpu.yield
    }) : () -> ()
    %mul3A_42 = arith.constant 640 : i32
    %mul3A_43 = arith.muli %arg1, %mul3A_42 : i32
    "tpu.region"() ({
      %run_scoped3A = tpu.sem_alloc : memref<!tpu.dma_semaphore, #tpu.memory_space<semaphore_mem>>
      %dma_start3A_44 = arith.constant 0 : i32
      %dma_start3A_45 = tpu.memref_slice %arg5[%arg0, %mul3A_43, %dma_start3A_44] : memref<2x10240x16xf32, #tpu.memory_space<hbm>> -> memref<1x640x16xf32, #tpu.memory_space<hbm>>
      %dma_start3A_46 = tpu.memref_squeeze %dma_start3A_45 : memref<1x640x16xf32, #tpu.memory_space<hbm>> -> memref<640x16xf32, #tpu.memory_space<hbm>>
      %dma_start3A_47 = arith.constant 0 : i32
      %dma_start3A_48 = tpu.memref_slice %arg5[%arg0, %mul3A_43, %dma_start3A_47] : memref<2x10240x16xf32, #tpu.memory_space<hbm>> -> memref<1x640x16xf32, #tpu.memory_space<hbm>>
      %dma_start3A_49 = tpu.memref_squeeze %dma_start3A_48 : memref<1x640x16xf32, #tpu.memory_space<hbm>> -> memref<640x16xf32, #tpu.memory_space<hbm>>
      tpu.enqueue_dma source(%arg8 : memref<640x16xf32, #tpu.memory_space<vmem>>) target(%dma_start3A_49 : memref<640x16xf32, #tpu.memory_space<hbm>>) target_semaphore(%run_scoped3A : memref<!tpu.dma_semaphore, #tpu.memory_space<semaphore_mem>>)
      %dma_wait3A = arith.constant 0 : i32
      %dma_wait3A_50 = tpu.memref_slice %arg5[%arg0, %mul3A_43, %dma_wait3A] : memref<2x10240x16xf32, #tpu.memory_space<hbm>> -> memref<1x640x16xf32, #tpu.memory_space<hbm>>
      %dma_wait3A_51 = tpu.memref_squeeze %dma_wait3A_50 : memref<1x640x16xf32, #tpu.memory_space<hbm>> -> memref<640x16xf32, #tpu.memory_space<hbm>>
      %dma_wait3A_52 = arith.constant 0 : i32
      %dma_wait3A_53 = tpu.memref_slice %arg5[%arg0, %mul3A_43, %dma_wait3A_52] : memref<2x10240x16xf32, #tpu.memory_space<hbm>> -> memref<1x640x16xf32, #tpu.memory_space<hbm>>
      %dma_wait3A_54 = tpu.memref_squeeze %dma_wait3A_53 : memref<1x640x16xf32, #tpu.memory_space<hbm>> -> memref<640x16xf32, #tpu.memory_space<hbm>>
      tpu.wait_dma2 semaphore(%run_scoped3A : memref<!tpu.dma_semaphore, #tpu.memory_space<semaphore_mem>>) src(%arg8 : memref<640x16xf32, #tpu.memory_space<vmem>>) dst(%dma_wait3A_54 : memref<640x16xf32, #tpu.memory_space<hbm>>)
      tpu.yield
    }) : () -> ()
    return
  }
}

#map = affine_map<(d0, d1) -> (0, 0)>
#map1 = affine_map<(d0, d1) -> (0, 0, 0)>
module attributes {stable_mosaic.version = 14 : i64} {
  func.func @k(%arg0: i32, %arg1: i32, %arg2: memref<10000x16xf32, #tpu.memory_space<hbm>>, %arg3: memref<32x10x512xi32, #tpu.memory_space<hbm>>, %arg4: memref<163840x16xf32, #tpu.memory_space<hbm>>, %arg5: memref<10x512xi32, #tpu.memory_space<vmem>>, %arg6: memref<4x512x16xf32, #tpu.memory_space<vmem>>, %arg7: memref<!tpu.dma_semaphore, #tpu.memory_space<semaphore_mem>>, %arg8: memref<!tpu.dma_semaphore, #tpu.memory_space<semaphore_mem>>, %arg9: memref<!tpu.dma_semaphore, #tpu.memory_space<semaphore_mem>>, %arg10: memref<!tpu.dma_semaphore, #tpu.memory_space<semaphore_mem>>, %arg11: memref<!tpu.dma_semaphore, #tpu.memory_space<semaphore_mem>>, %arg12: memref<!tpu.dma_semaphore, #tpu.memory_space<semaphore_mem>>, %arg13: memref<!tpu.dma_semaphore, #tpu.memory_space<semaphore_mem>>, %arg14: memref<!tpu.dma_semaphore, #tpu.memory_space<semaphore_mem>>) attributes {dimension_semantics = [#tpu.dimension_semantics<core_parallel>, #tpu.dimension_semantics<subcore_parallel>], iteration_bounds = array<i64: 2, 16>, scalar_prefetch = 0 : i64, scratch_operands = 10 : i64, tpu.core_type = #tpu.core_type<sc_vector_subcore>, window_params = [{transform_indices = #map}, {transform_indices = #map1}, {transform_indices = #map}]} {
    %mul3A = arith.constant 2 : i32
    %mul3A_0 = arith.muli %arg1, %mul3A : i32
    %add3A = arith.addi %mul3A_0, %arg0 : i32
    %mul3A_1 = arith.constant 5120 : i32
    %mul3A_2 = arith.muli %add3A, %mul3A_1 : i32
    "tpu.region"() ({
      %run_scoped3A = tpu.sem_alloc : memref<!tpu.dma_semaphore, #tpu.memory_space<semaphore_mem>>
      %dma_start3A_521 = arith.constant 0 : i32
      %dma_start3A_522 = arith.constant 0 : i32
      %dma_start3A_523 = tpu.memref_slice %arg3[%add3A, %dma_start3A_521, %dma_start3A_522] : memref<32x10x512xi32, #tpu.memory_space<hbm>> -> memref<1x10x512xi32, #tpu.memory_space<hbm>>
      %dma_start3A_524 = tpu.memref_squeeze %dma_start3A_523 : memref<1x10x512xi32, #tpu.memory_space<hbm>> -> memref<10x512xi32, #tpu.memory_space<hbm>>
      %dma_start3A_525 = arith.constant 0 : i32
      %dma_start3A_526 = arith.constant 0 : i32
      %dma_start3A_527 = tpu.memref_slice %arg3[%add3A, %dma_start3A_525, %dma_start3A_526] : memref<32x10x512xi32, #tpu.memory_space<hbm>> -> memref<1x10x512xi32, #tpu.memory_space<hbm>>
      %dma_start3A_528 = tpu.memref_squeeze %dma_start3A_527 : memref<1x10x512xi32, #tpu.memory_space<hbm>> -> memref<10x512xi32, #tpu.memory_space<hbm>>
      tpu.enqueue_dma source(%dma_start3A_528 : memref<10x512xi32, #tpu.memory_space<hbm>>) target(%arg5 : memref<10x512xi32, #tpu.memory_space<vmem>>) target_semaphore(%run_scoped3A : memref<!tpu.dma_semaphore, #tpu.memory_space<semaphore_mem>>)
      %dma_wait3A_529 = arith.constant 0 : i32
      %dma_wait3A_530 = arith.constant 0 : i32
      %dma_wait3A_531 = tpu.memref_slice %arg3[%add3A, %dma_wait3A_529, %dma_wait3A_530] : memref<32x10x512xi32, #tpu.memory_space<hbm>> -> memref<1x10x512xi32, #tpu.memory_space<hbm>>
      %dma_wait3A_532 = tpu.memref_squeeze %dma_wait3A_531 : memref<1x10x512xi32, #tpu.memory_space<hbm>> -> memref<10x512xi32, #tpu.memory_space<hbm>>
      %dma_wait3A_533 = arith.constant 0 : i32
      %dma_wait3A_534 = arith.constant 0 : i32
      %dma_wait3A_535 = tpu.memref_slice %arg3[%add3A, %dma_wait3A_533, %dma_wait3A_534] : memref<32x10x512xi32, #tpu.memory_space<hbm>> -> memref<1x10x512xi32, #tpu.memory_space<hbm>>
      %dma_wait3A_536 = tpu.memref_squeeze %dma_wait3A_535 : memref<1x10x512xi32, #tpu.memory_space<hbm>> -> memref<10x512xi32, #tpu.memory_space<hbm>>
      tpu.wait_dma2 semaphore(%run_scoped3A : memref<!tpu.dma_semaphore, #tpu.memory_space<semaphore_mem>>) src(%dma_wait3A_536 : memref<10x512xi32, #tpu.memory_space<hbm>>) dst(%arg5 : memref<10x512xi32, #tpu.memory_space<vmem>>)
      tpu.yield
    }) : () -> ()
    %dma_start3A = arith.constant 0 : i32
    %dma_start3A_3 = arith.constant 0 : i32
    %dma_start3A_4 = arith.constant 0 : i32
    %dma_start3A_5 = arith.constant 0 : i32
    %dma_start3A_6 = tpu.memref_slice %arg6[%dma_start3A_3, %dma_start3A_4, %dma_start3A_5] : memref<4x512x16xf32, #tpu.memory_space<vmem>> -> memref<1x512x16xf32, #tpu.memory_space<vmem>>
    %dma_start3A_7 = tpu.memref_squeeze %dma_start3A_6 : memref<1x512x16xf32, #tpu.memory_space<vmem>> -> memref<512x16xf32, #tpu.memory_space<vmem>>
    %dma_start3A_8 = arith.constant 0 : i32
    %dma_start3A_9 = tpu.memref_slice %arg5[%dma_start3A, %dma_start3A_8] : memref<10x512xi32, #tpu.memory_space<vmem>> -> memref<1x512xi32, #tpu.memory_space<vmem>>
    %dma_start3A_10 = tpu.memref_squeeze %dma_start3A_9 : memref<1x512xi32, #tpu.memory_space<vmem>> -> memref<512xi32, #tpu.memory_space<vmem>>
    %dma_start3A_11 = arith.constant 0 : i32
    %dma_start3A_12 = arith.constant 0 : i32
    %dma_start3A_13 = tpu.memref_slice %arg2[%dma_start3A_11, %dma_start3A_12] : memref<10000x16xf32, #tpu.memory_space<hbm>> -> memref<10000x16xf32, #tpu.memory_space<hbm>>
    tpu.enqueue_indirect_dma source(%dma_start3A_13 : memref<10000x16xf32, #tpu.memory_space<hbm>>) target(%dma_start3A_7 : memref<512x16xf32, #tpu.memory_space<vmem>>) offsets(%dma_start3A_10 : memref<512xi32, #tpu.memory_space<vmem>>) semaphore(%arg7 : memref<!tpu.dma_semaphore, #tpu.memory_space<semaphore_mem>>)
    %dma_start3A_14 = arith.constant 1 : i32
    %dma_start3A_15 = arith.constant 1 : i32
    %dma_start3A_16 = arith.constant 0 : i32
    %dma_start3A_17 = arith.constant 0 : i32
    %dma_start3A_18 = tpu.memref_slice %arg6[%dma_start3A_15, %dma_start3A_16, %dma_start3A_17] : memref<4x512x16xf32, #tpu.memory_space<vmem>> -> memref<1x512x16xf32, #tpu.memory_space<vmem>>
    %dma_start3A_19 = tpu.memref_squeeze %dma_start3A_18 : memref<1x512x16xf32, #tpu.memory_space<vmem>> -> memref<512x16xf32, #tpu.memory_space<vmem>>
    %dma_start3A_20 = arith.constant 0 : i32
    %dma_start3A_21 = tpu.memref_slice %arg5[%dma_start3A_14, %dma_start3A_20] : memref<10x512xi32, #tpu.memory_space<vmem>> -> memref<1x512xi32, #tpu.memory_space<vmem>>
    %dma_start3A_22 = tpu.memref_squeeze %dma_start3A_21 : memref<1x512xi32, #tpu.memory_space<vmem>> -> memref<512xi32, #tpu.memory_space<vmem>>
    %dma_start3A_23 = arith.constant 0 : i32
    %dma_start3A_24 = arith.constant 0 : i32
    %dma_start3A_25 = tpu.memref_slice %arg2[%dma_start3A_23, %dma_start3A_24] : memref<10000x16xf32, #tpu.memory_space<hbm>> -> memref<10000x16xf32, #tpu.memory_space<hbm>>
    tpu.enqueue_indirect_dma source(%dma_start3A_25 : memref<10000x16xf32, #tpu.memory_space<hbm>>) target(%dma_start3A_19 : memref<512x16xf32, #tpu.memory_space<vmem>>) offsets(%dma_start3A_22 : memref<512xi32, #tpu.memory_space<vmem>>) semaphore(%arg8 : memref<!tpu.dma_semaphore, #tpu.memory_space<semaphore_mem>>)
    %dma_start3A_26 = arith.constant 2 : i32
    %dma_start3A_27 = arith.constant 2 : i32
    %dma_start3A_28 = arith.constant 0 : i32
    %dma_start3A_29 = arith.constant 0 : i32
    %dma_start3A_30 = tpu.memref_slice %arg6[%dma_start3A_27, %dma_start3A_28, %dma_start3A_29] : memref<4x512x16xf32, #tpu.memory_space<vmem>> -> memref<1x512x16xf32, #tpu.memory_space<vmem>>
    %dma_start3A_31 = tpu.memref_squeeze %dma_start3A_30 : memref<1x512x16xf32, #tpu.memory_space<vmem>> -> memref<512x16xf32, #tpu.memory_space<vmem>>
    %dma_start3A_32 = arith.constant 0 : i32
    %dma_start3A_33 = tpu.memref_slice %arg5[%dma_start3A_26, %dma_start3A_32] : memref<10x512xi32, #tpu.memory_space<vmem>> -> memref<1x512xi32, #tpu.memory_space<vmem>>
    %dma_start3A_34 = tpu.memref_squeeze %dma_start3A_33 : memref<1x512xi32, #tpu.memory_space<vmem>> -> memref<512xi32, #tpu.memory_space<vmem>>
    %dma_start3A_35 = arith.constant 0 : i32
    %dma_start3A_36 = arith.constant 0 : i32
    %dma_start3A_37 = tpu.memref_slice %arg2[%dma_start3A_35, %dma_start3A_36] : memref<10000x16xf32, #tpu.memory_space<hbm>> -> memref<10000x16xf32, #tpu.memory_space<hbm>>
    tpu.enqueue_indirect_dma source(%dma_start3A_37 : memref<10000x16xf32, #tpu.memory_space<hbm>>) target(%dma_start3A_31 : memref<512x16xf32, #tpu.memory_space<vmem>>) offsets(%dma_start3A_34 : memref<512xi32, #tpu.memory_space<vmem>>) semaphore(%arg9 : memref<!tpu.dma_semaphore, #tpu.memory_space<semaphore_mem>>)
    %dma_start3A_38 = arith.constant 3 : i32
    %dma_start3A_39 = arith.constant 3 : i32
    %dma_start3A_40 = arith.constant 0 : i32
    %dma_start3A_41 = arith.constant 0 : i32
    %dma_start3A_42 = tpu.memref_slice %arg6[%dma_start3A_39, %dma_start3A_40, %dma_start3A_41] : memref<4x512x16xf32, #tpu.memory_space<vmem>> -> memref<1x512x16xf32, #tpu.memory_space<vmem>>
    %dma_start3A_43 = tpu.memref_squeeze %dma_start3A_42 : memref<1x512x16xf32, #tpu.memory_space<vmem>> -> memref<512x16xf32, #tpu.memory_space<vmem>>
    %dma_start3A_44 = arith.constant 0 : i32
    %dma_start3A_45 = tpu.memref_slice %arg5[%dma_start3A_38, %dma_start3A_44] : memref<10x512xi32, #tpu.memory_space<vmem>> -> memref<1x512xi32, #tpu.memory_space<vmem>>
    %dma_start3A_46 = tpu.memref_squeeze %dma_start3A_45 : memref<1x512xi32, #tpu.memory_space<vmem>> -> memref<512xi32, #tpu.memory_space<vmem>>
    %dma_start3A_47 = arith.constant 0 : i32
    %dma_start3A_48 = arith.constant 0 : i32
    %dma_start3A_49 = tpu.memref_slice %arg2[%dma_start3A_47, %dma_start3A_48] : memref<10000x16xf32, #tpu.memory_space<hbm>> -> memref<10000x16xf32, #tpu.memory_space<hbm>>
    tpu.enqueue_indirect_dma source(%dma_start3A_49 : memref<10000x16xf32, #tpu.memory_space<hbm>>) target(%dma_start3A_43 : memref<512x16xf32, #tpu.memory_space<vmem>>) offsets(%dma_start3A_46 : memref<512xi32, #tpu.memory_space<vmem>>) semaphore(%arg10 : memref<!tpu.dma_semaphore, #tpu.memory_space<semaphore_mem>>)
    %dma_wait3A = arith.constant 0 : i32
    %dma_wait3A_50 = arith.constant 0 : i32
    %dma_wait3A_51 = arith.constant 0 : i32
    %dma_wait3A_52 = arith.constant 0 : i32
    %dma_wait3A_53 = tpu.memref_slice %arg6[%dma_wait3A_50, %dma_wait3A_51, %dma_wait3A_52] : memref<4x512x16xf32, #tpu.memory_space<vmem>> -> memref<1x512x16xf32, #tpu.memory_space<vmem>>
    %dma_wait3A_54 = tpu.memref_squeeze %dma_wait3A_53 : memref<1x512x16xf32, #tpu.memory_space<vmem>> -> memref<512x16xf32, #tpu.memory_space<vmem>>
    %dma_wait3A_55 = arith.constant 0 : i32
    %dma_wait3A_56 = tpu.memref_slice %arg5[%dma_wait3A, %dma_wait3A_55] : memref<10x512xi32, #tpu.memory_space<vmem>> -> memref<1x512xi32, #tpu.memory_space<vmem>>
    %dma_wait3A_57 = tpu.memref_squeeze %dma_wait3A_56 : memref<1x512xi32, #tpu.memory_space<vmem>> -> memref<512xi32, #tpu.memory_space<vmem>>
    %dma_wait3A_58 = arith.constant 0 : i32
    %dma_wait3A_59 = arith.constant 0 : i32
    %dma_wait3A_60 = tpu.memref_slice %arg2[%dma_wait3A_58, %dma_wait3A_59] : memref<10000x16xf32, #tpu.memory_space<hbm>> -> memref<10000x16xf32, #tpu.memory_space<hbm>>
    tpu.wait_indirect_dma semaphore(%arg7 : memref<!tpu.dma_semaphore, #tpu.memory_space<semaphore_mem>>) src(%dma_wait3A_60 : memref<10000x16xf32, #tpu.memory_space<hbm>>) dst(%dma_wait3A_54 : memref<512x16xf32, #tpu.memory_space<vmem>>)
    %add3A_61 = arith.constant 0 : i32
    %add3A_62 = arith.addi %mul3A_2, %add3A_61 : i32
    %dma_start3A_63 = arith.constant 0 : i32
    %dma_start3A_64 = arith.constant 0 : i32
    %dma_start3A_65 = arith.constant 0 : i32
    %dma_start3A_66 = tpu.memref_slice %arg6[%dma_start3A_63, %dma_start3A_64, %dma_start3A_65] : memref<4x512x16xf32, #tpu.memory_space<vmem>> -> memref<1x512x16xf32, #tpu.memory_space<vmem>>
    %dma_start3A_67 = tpu.memref_squeeze %dma_start3A_66 : memref<1x512x16xf32, #tpu.memory_space<vmem>> -> memref<512x16xf32, #tpu.memory_space<vmem>>
    %dma_start3A_68 = arith.constant 0 : i32
    %dma_start3A_69 = tpu.memref_slice %arg4[%add3A_62, %dma_start3A_68] : memref<163840x16xf32, #tpu.memory_space<hbm>> -> memref<512x16xf32, #tpu.memory_space<hbm>>
    %dma_start3A_70 = arith.constant 0 : i32
    %dma_start3A_71 = tpu.memref_slice %arg4[%add3A_62, %dma_start3A_70] : memref<163840x16xf32, #tpu.memory_space<hbm>> -> memref<512x16xf32, #tpu.memory_space<hbm>>
    %dma_start3A_72 = arith.constant 0 : i32
    %dma_start3A_73 = arith.constant 0 : i32
    %dma_start3A_74 = tpu.memref_slice %arg6[%dma_start3A_63, %dma_start3A_72, %dma_start3A_73] : memref<4x512x16xf32, #tpu.memory_space<vmem>> -> memref<1x512x16xf32, #tpu.memory_space<vmem>>
    %dma_start3A_75 = tpu.memref_squeeze %dma_start3A_74 : memref<1x512x16xf32, #tpu.memory_space<vmem>> -> memref<512x16xf32, #tpu.memory_space<vmem>>
    tpu.enqueue_dma source(%dma_start3A_75 : memref<512x16xf32, #tpu.memory_space<vmem>>) target(%dma_start3A_71 : memref<512x16xf32, #tpu.memory_space<hbm>>) target_semaphore(%arg11 : memref<!tpu.dma_semaphore, #tpu.memory_space<semaphore_mem>>)
    %dma_wait3A_76 = arith.constant 0 : i32
    %dma_wait3A_77 = arith.constant 0 : i32
    %dma_wait3A_78 = arith.constant 0 : i32
    %dma_wait3A_79 = tpu.memref_slice %arg6[%dma_wait3A_76, %dma_wait3A_77, %dma_wait3A_78] : memref<4x512x16xf32, #tpu.memory_space<vmem>> -> memref<1x512x16xf32, #tpu.memory_space<vmem>>
    %dma_wait3A_80 = tpu.memref_squeeze %dma_wait3A_79 : memref<1x512x16xf32, #tpu.memory_space<vmem>> -> memref<512x16xf32, #tpu.memory_space<vmem>>
    %dma_wait3A_81 = arith.constant 0 : i32
    %dma_wait3A_82 = tpu.memref_slice %arg4[%add3A_62, %dma_wait3A_81] : memref<163840x16xf32, #tpu.memory_space<hbm>> -> memref<512x16xf32, #tpu.memory_space<hbm>>
    %dma_wait3A_83 = arith.constant 0 : i32
    %dma_wait3A_84 = tpu.memref_slice %arg4[%add3A_62, %dma_wait3A_83] : memref<163840x16xf32, #tpu.memory_space<hbm>> -> memref<512x16xf32, #tpu.memory_space<hbm>>
    %dma_wait3A_85 = arith.constant 0 : i32
    %dma_wait3A_86 = arith.constant 0 : i32
    %dma_wait3A_87 = tpu.memref_slice %arg6[%dma_wait3A_76, %dma_wait3A_85, %dma_wait3A_86] : memref<4x512x16xf32, #tpu.memory_space<vmem>> -> memref<1x512x16xf32, #tpu.memory_space<vmem>>
    %dma_wait3A_88 = tpu.memref_squeeze %dma_wait3A_87 : memref<1x512x16xf32, #tpu.memory_space<vmem>> -> memref<512x16xf32, #tpu.memory_space<vmem>>
    tpu.wait_dma2 semaphore(%arg11 : memref<!tpu.dma_semaphore, #tpu.memory_space<semaphore_mem>>) src(%dma_wait3A_88 : memref<512x16xf32, #tpu.memory_space<vmem>>) dst(%dma_wait3A_84 : memref<512x16xf32, #tpu.memory_space<hbm>>)
    %dma_start3A_89 = arith.constant 4 : i32
    %dma_start3A_90 = arith.constant 0 : i32
    %dma_start3A_91 = arith.constant 0 : i32
    %dma_start3A_92 = arith.constant 0 : i32
    %dma_start3A_93 = tpu.memref_slice %arg6[%dma_start3A_90, %dma_start3A_91, %dma_start3A_92] : memref<4x512x16xf32, #tpu.memory_space<vmem>> -> memref<1x512x16xf32, #tpu.memory_space<vmem>>
    %dma_start3A_94 = tpu.memref_squeeze %dma_start3A_93 : memref<1x512x16xf32, #tpu.memory_space<vmem>> -> memref<512x16xf32, #tpu.memory_space<vmem>>
    %dma_start3A_95 = arith.constant 0 : i32
    %dma_start3A_96 = tpu.memref_slice %arg5[%dma_start3A_89, %dma_start3A_95] : memref<10x512xi32, #tpu.memory_space<vmem>> -> memref<1x512xi32, #tpu.memory_space<vmem>>
    %dma_start3A_97 = tpu.memref_squeeze %dma_start3A_96 : memref<1x512xi32, #tpu.memory_space<vmem>> -> memref<512xi32, #tpu.memory_space<vmem>>
    %dma_start3A_98 = arith.constant 0 : i32
    %dma_start3A_99 = arith.constant 0 : i32
    %dma_start3A_100 = tpu.memref_slice %arg2[%dma_start3A_98, %dma_start3A_99] : memref<10000x16xf32, #tpu.memory_space<hbm>> -> memref<10000x16xf32, #tpu.memory_space<hbm>>
    tpu.enqueue_indirect_dma source(%dma_start3A_100 : memref<10000x16xf32, #tpu.memory_space<hbm>>) target(%dma_start3A_94 : memref<512x16xf32, #tpu.memory_space<vmem>>) offsets(%dma_start3A_97 : memref<512xi32, #tpu.memory_space<vmem>>) semaphore(%arg7 : memref<!tpu.dma_semaphore, #tpu.memory_space<semaphore_mem>>)
    %dma_wait3A_101 = arith.constant 1 : i32
    %dma_wait3A_102 = arith.constant 1 : i32
    %dma_wait3A_103 = arith.constant 0 : i32
    %dma_wait3A_104 = arith.constant 0 : i32
    %dma_wait3A_105 = tpu.memref_slice %arg6[%dma_wait3A_102, %dma_wait3A_103, %dma_wait3A_104] : memref<4x512x16xf32, #tpu.memory_space<vmem>> -> memref<1x512x16xf32, #tpu.memory_space<vmem>>
    %dma_wait3A_106 = tpu.memref_squeeze %dma_wait3A_105 : memref<1x512x16xf32, #tpu.memory_space<vmem>> -> memref<512x16xf32, #tpu.memory_space<vmem>>
    %dma_wait3A_107 = arith.constant 0 : i32
    %dma_wait3A_108 = tpu.memref_slice %arg5[%dma_wait3A_101, %dma_wait3A_107] : memref<10x512xi32, #tpu.memory_space<vmem>> -> memref<1x512xi32, #tpu.memory_space<vmem>>
    %dma_wait3A_109 = tpu.memref_squeeze %dma_wait3A_108 : memref<1x512xi32, #tpu.memory_space<vmem>> -> memref<512xi32, #tpu.memory_space<vmem>>
    %dma_wait3A_110 = arith.constant 0 : i32
    %dma_wait3A_111 = arith.constant 0 : i32
    %dma_wait3A_112 = tpu.memref_slice %arg2[%dma_wait3A_110, %dma_wait3A_111] : memref<10000x16xf32, #tpu.memory_space<hbm>> -> memref<10000x16xf32, #tpu.memory_space<hbm>>
    tpu.wait_indirect_dma semaphore(%arg8 : memref<!tpu.dma_semaphore, #tpu.memory_space<semaphore_mem>>) src(%dma_wait3A_112 : memref<10000x16xf32, #tpu.memory_space<hbm>>) dst(%dma_wait3A_106 : memref<512x16xf32, #tpu.memory_space<vmem>>)
    %add3A_113 = arith.constant 512 : i32
    %add3A_114 = arith.addi %mul3A_2, %add3A_113 : i32
    %dma_start3A_115 = arith.constant 1 : i32
    %dma_start3A_116 = arith.constant 0 : i32
    %dma_start3A_117 = arith.constant 0 : i32
    %dma_start3A_118 = tpu.memref_slice %arg6[%dma_start3A_115, %dma_start3A_116, %dma_start3A_117] : memref<4x512x16xf32, #tpu.memory_space<vmem>> -> memref<1x512x16xf32, #tpu.memory_space<vmem>>
    %dma_start3A_119 = tpu.memref_squeeze %dma_start3A_118 : memref<1x512x16xf32, #tpu.memory_space<vmem>> -> memref<512x16xf32, #tpu.memory_space<vmem>>
    %dma_start3A_120 = arith.constant 0 : i32
    %dma_start3A_121 = tpu.memref_slice %arg4[%add3A_114, %dma_start3A_120] : memref<163840x16xf32, #tpu.memory_space<hbm>> -> memref<512x16xf32, #tpu.memory_space<hbm>>
    %dma_start3A_122 = arith.constant 0 : i32
    %dma_start3A_123 = tpu.memref_slice %arg4[%add3A_114, %dma_start3A_122] : memref<163840x16xf32, #tpu.memory_space<hbm>> -> memref<512x16xf32, #tpu.memory_space<hbm>>
    %dma_start3A_124 = arith.constant 0 : i32
    %dma_start3A_125 = arith.constant 0 : i32
    %dma_start3A_126 = tpu.memref_slice %arg6[%dma_start3A_115, %dma_start3A_124, %dma_start3A_125] : memref<4x512x16xf32, #tpu.memory_space<vmem>> -> memref<1x512x16xf32, #tpu.memory_space<vmem>>
    %dma_start3A_127 = tpu.memref_squeeze %dma_start3A_126 : memref<1x512x16xf32, #tpu.memory_space<vmem>> -> memref<512x16xf32, #tpu.memory_space<vmem>>
    tpu.enqueue_dma source(%dma_start3A_127 : memref<512x16xf32, #tpu.memory_space<vmem>>) target(%dma_start3A_123 : memref<512x16xf32, #tpu.memory_space<hbm>>) target_semaphore(%arg12 : memref<!tpu.dma_semaphore, #tpu.memory_space<semaphore_mem>>)
    %dma_wait3A_128 = arith.constant 1 : i32
    %dma_wait3A_129 = arith.constant 0 : i32
    %dma_wait3A_130 = arith.constant 0 : i32
    %dma_wait3A_131 = tpu.memref_slice %arg6[%dma_wait3A_128, %dma_wait3A_129, %dma_wait3A_130] : memref<4x512x16xf32, #tpu.memory_space<vmem>> -> memref<1x512x16xf32, #tpu.memory_space<vmem>>
    %dma_wait3A_132 = tpu.memref_squeeze %dma_wait3A_131 : memref<1x512x16xf32, #tpu.memory_space<vmem>> -> memref<512x16xf32, #tpu.memory_space<vmem>>
    %dma_wait3A_133 = arith.constant 0 : i32
    %dma_wait3A_134 = tpu.memref_slice %arg4[%add3A_114, %dma_wait3A_133] : memref<163840x16xf32, #tpu.memory_space<hbm>> -> memref<512x16xf32, #tpu.memory_space<hbm>>
    %dma_wait3A_135 = arith.constant 0 : i32
    %dma_wait3A_136 = tpu.memref_slice %arg4[%add3A_114, %dma_wait3A_135] : memref<163840x16xf32, #tpu.memory_space<hbm>> -> memref<512x16xf32, #tpu.memory_space<hbm>>
    %dma_wait3A_137 = arith.constant 0 : i32
    %dma_wait3A_138 = arith.constant 0 : i32
    %dma_wait3A_139 = tpu.memref_slice %arg6[%dma_wait3A_128, %dma_wait3A_137, %dma_wait3A_138] : memref<4x512x16xf32, #tpu.memory_space<vmem>> -> memref<1x512x16xf32, #tpu.memory_space<vmem>>
    %dma_wait3A_140 = tpu.memref_squeeze %dma_wait3A_139 : memref<1x512x16xf32, #tpu.memory_space<vmem>> -> memref<512x16xf32, #tpu.memory_space<vmem>>
    tpu.wait_dma2 semaphore(%arg12 : memref<!tpu.dma_semaphore, #tpu.memory_space<semaphore_mem>>) src(%dma_wait3A_140 : memref<512x16xf32, #tpu.memory_space<vmem>>) dst(%dma_wait3A_136 : memref<512x16xf32, #tpu.memory_space<hbm>>)
    %dma_start3A_141 = arith.constant 5 : i32
    %dma_start3A_142 = arith.constant 1 : i32
    %dma_start3A_143 = arith.constant 0 : i32
    %dma_start3A_144 = arith.constant 0 : i32
    %dma_start3A_145 = tpu.memref_slice %arg6[%dma_start3A_142, %dma_start3A_143, %dma_start3A_144] : memref<4x512x16xf32, #tpu.memory_space<vmem>> -> memref<1x512x16xf32, #tpu.memory_space<vmem>>
    %dma_start3A_146 = tpu.memref_squeeze %dma_start3A_145 : memref<1x512x16xf32, #tpu.memory_space<vmem>> -> memref<512x16xf32, #tpu.memory_space<vmem>>
    %dma_start3A_147 = arith.constant 0 : i32
    %dma_start3A_148 = tpu.memref_slice %arg5[%dma_start3A_141, %dma_start3A_147] : memref<10x512xi32, #tpu.memory_space<vmem>> -> memref<1x512xi32, #tpu.memory_space<vmem>>
    %dma_start3A_149 = tpu.memref_squeeze %dma_start3A_148 : memref<1x512xi32, #tpu.memory_space<vmem>> -> memref<512xi32, #tpu.memory_space<vmem>>
    %dma_start3A_150 = arith.constant 0 : i32
    %dma_start3A_151 = arith.constant 0 : i32
    %dma_start3A_152 = tpu.memref_slice %arg2[%dma_start3A_150, %dma_start3A_151] : memref<10000x16xf32, #tpu.memory_space<hbm>> -> memref<10000x16xf32, #tpu.memory_space<hbm>>
    tpu.enqueue_indirect_dma source(%dma_start3A_152 : memref<10000x16xf32, #tpu.memory_space<hbm>>) target(%dma_start3A_146 : memref<512x16xf32, #tpu.memory_space<vmem>>) offsets(%dma_start3A_149 : memref<512xi32, #tpu.memory_space<vmem>>) semaphore(%arg8 : memref<!tpu.dma_semaphore, #tpu.memory_space<semaphore_mem>>)
    %dma_wait3A_153 = arith.constant 2 : i32
    %dma_wait3A_154 = arith.constant 2 : i32
    %dma_wait3A_155 = arith.constant 0 : i32
    %dma_wait3A_156 = arith.constant 0 : i32
    %dma_wait3A_157 = tpu.memref_slice %arg6[%dma_wait3A_154, %dma_wait3A_155, %dma_wait3A_156] : memref<4x512x16xf32, #tpu.memory_space<vmem>> -> memref<1x512x16xf32, #tpu.memory_space<vmem>>
    %dma_wait3A_158 = tpu.memref_squeeze %dma_wait3A_157 : memref<1x512x16xf32, #tpu.memory_space<vmem>> -> memref<512x16xf32, #tpu.memory_space<vmem>>
    %dma_wait3A_159 = arith.constant 0 : i32
    %dma_wait3A_160 = tpu.memref_slice %arg5[%dma_wait3A_153, %dma_wait3A_159] : memref<10x512xi32, #tpu.memory_space<vmem>> -> memref<1x512xi32, #tpu.memory_space<vmem>>
    %dma_wait3A_161 = tpu.memref_squeeze %dma_wait3A_160 : memref<1x512xi32, #tpu.memory_space<vmem>> -> memref<512xi32, #tpu.memory_space<vmem>>
    %dma_wait3A_162 = arith.constant 0 : i32
    %dma_wait3A_163 = arith.constant 0 : i32
    %dma_wait3A_164 = tpu.memref_slice %arg2[%dma_wait3A_162, %dma_wait3A_163] : memref<10000x16xf32, #tpu.memory_space<hbm>> -> memref<10000x16xf32, #tpu.memory_space<hbm>>
    tpu.wait_indirect_dma semaphore(%arg9 : memref<!tpu.dma_semaphore, #tpu.memory_space<semaphore_mem>>) src(%dma_wait3A_164 : memref<10000x16xf32, #tpu.memory_space<hbm>>) dst(%dma_wait3A_158 : memref<512x16xf32, #tpu.memory_space<vmem>>)
    %add3A_165 = arith.constant 1024 : i32
    %add3A_166 = arith.addi %mul3A_2, %add3A_165 : i32
    %dma_start3A_167 = arith.constant 2 : i32
    %dma_start3A_168 = arith.constant 0 : i32
    %dma_start3A_169 = arith.constant 0 : i32
    %dma_start3A_170 = tpu.memref_slice %arg6[%dma_start3A_167, %dma_start3A_168, %dma_start3A_169] : memref<4x512x16xf32, #tpu.memory_space<vmem>> -> memref<1x512x16xf32, #tpu.memory_space<vmem>>
    %dma_start3A_171 = tpu.memref_squeeze %dma_start3A_170 : memref<1x512x16xf32, #tpu.memory_space<vmem>> -> memref<512x16xf32, #tpu.memory_space<vmem>>
    %dma_start3A_172 = arith.constant 0 : i32
    %dma_start3A_173 = tpu.memref_slice %arg4[%add3A_166, %dma_start3A_172] : memref<163840x16xf32, #tpu.memory_space<hbm>> -> memref<512x16xf32, #tpu.memory_space<hbm>>
    %dma_start3A_174 = arith.constant 0 : i32
    %dma_start3A_175 = tpu.memref_slice %arg4[%add3A_166, %dma_start3A_174] : memref<163840x16xf32, #tpu.memory_space<hbm>> -> memref<512x16xf32, #tpu.memory_space<hbm>>
    %dma_start3A_176 = arith.constant 0 : i32
    %dma_start3A_177 = arith.constant 0 : i32
    %dma_start3A_178 = tpu.memref_slice %arg6[%dma_start3A_167, %dma_start3A_176, %dma_start3A_177] : memref<4x512x16xf32, #tpu.memory_space<vmem>> -> memref<1x512x16xf32, #tpu.memory_space<vmem>>
    %dma_start3A_179 = tpu.memref_squeeze %dma_start3A_178 : memref<1x512x16xf32, #tpu.memory_space<vmem>> -> memref<512x16xf32, #tpu.memory_space<vmem>>
    tpu.enqueue_dma source(%dma_start3A_179 : memref<512x16xf32, #tpu.memory_space<vmem>>) target(%dma_start3A_175 : memref<512x16xf32, #tpu.memory_space<hbm>>) target_semaphore(%arg13 : memref<!tpu.dma_semaphore, #tpu.memory_space<semaphore_mem>>)
    %dma_wait3A_180 = arith.constant 2 : i32
    %dma_wait3A_181 = arith.constant 0 : i32
    %dma_wait3A_182 = arith.constant 0 : i32
    %dma_wait3A_183 = tpu.memref_slice %arg6[%dma_wait3A_180, %dma_wait3A_181, %dma_wait3A_182] : memref<4x512x16xf32, #tpu.memory_space<vmem>> -> memref<1x512x16xf32, #tpu.memory_space<vmem>>
    %dma_wait3A_184 = tpu.memref_squeeze %dma_wait3A_183 : memref<1x512x16xf32, #tpu.memory_space<vmem>> -> memref<512x16xf32, #tpu.memory_space<vmem>>
    %dma_wait3A_185 = arith.constant 0 : i32
    %dma_wait3A_186 = tpu.memref_slice %arg4[%add3A_166, %dma_wait3A_185] : memref<163840x16xf32, #tpu.memory_space<hbm>> -> memref<512x16xf32, #tpu.memory_space<hbm>>
    %dma_wait3A_187 = arith.constant 0 : i32
    %dma_wait3A_188 = tpu.memref_slice %arg4[%add3A_166, %dma_wait3A_187] : memref<163840x16xf32, #tpu.memory_space<hbm>> -> memref<512x16xf32, #tpu.memory_space<hbm>>
    %dma_wait3A_189 = arith.constant 0 : i32
    %dma_wait3A_190 = arith.constant 0 : i32
    %dma_wait3A_191 = tpu.memref_slice %arg6[%dma_wait3A_180, %dma_wait3A_189, %dma_wait3A_190] : memref<4x512x16xf32, #tpu.memory_space<vmem>> -> memref<1x512x16xf32, #tpu.memory_space<vmem>>
    %dma_wait3A_192 = tpu.memref_squeeze %dma_wait3A_191 : memref<1x512x16xf32, #tpu.memory_space<vmem>> -> memref<512x16xf32, #tpu.memory_space<vmem>>
    tpu.wait_dma2 semaphore(%arg13 : memref<!tpu.dma_semaphore, #tpu.memory_space<semaphore_mem>>) src(%dma_wait3A_192 : memref<512x16xf32, #tpu.memory_space<vmem>>) dst(%dma_wait3A_188 : memref<512x16xf32, #tpu.memory_space<hbm>>)
    %dma_start3A_193 = arith.constant 6 : i32
    %dma_start3A_194 = arith.constant 2 : i32
    %dma_start3A_195 = arith.constant 0 : i32
    %dma_start3A_196 = arith.constant 0 : i32
    %dma_start3A_197 = tpu.memref_slice %arg6[%dma_start3A_194, %dma_start3A_195, %dma_start3A_196] : memref<4x512x16xf32, #tpu.memory_space<vmem>> -> memref<1x512x16xf32, #tpu.memory_space<vmem>>
    %dma_start3A_198 = tpu.memref_squeeze %dma_start3A_197 : memref<1x512x16xf32, #tpu.memory_space<vmem>> -> memref<512x16xf32, #tpu.memory_space<vmem>>
    %dma_start3A_199 = arith.constant 0 : i32
    %dma_start3A_200 = tpu.memref_slice %arg5[%dma_start3A_193, %dma_start3A_199] : memref<10x512xi32, #tpu.memory_space<vmem>> -> memref<1x512xi32, #tpu.memory_space<vmem>>
    %dma_start3A_201 = tpu.memref_squeeze %dma_start3A_200 : memref<1x512xi32, #tpu.memory_space<vmem>> -> memref<512xi32, #tpu.memory_space<vmem>>
    %dma_start3A_202 = arith.constant 0 : i32
    %dma_start3A_203 = arith.constant 0 : i32
    %dma_start3A_204 = tpu.memref_slice %arg2[%dma_start3A_202, %dma_start3A_203] : memref<10000x16xf32, #tpu.memory_space<hbm>> -> memref<10000x16xf32, #tpu.memory_space<hbm>>
    tpu.enqueue_indirect_dma source(%dma_start3A_204 : memref<10000x16xf32, #tpu.memory_space<hbm>>) target(%dma_start3A_198 : memref<512x16xf32, #tpu.memory_space<vmem>>) offsets(%dma_start3A_201 : memref<512xi32, #tpu.memory_space<vmem>>) semaphore(%arg9 : memref<!tpu.dma_semaphore, #tpu.memory_space<semaphore_mem>>)
    %dma_wait3A_205 = arith.constant 3 : i32
    %dma_wait3A_206 = arith.constant 3 : i32
    %dma_wait3A_207 = arith.constant 0 : i32
    %dma_wait3A_208 = arith.constant 0 : i32
    %dma_wait3A_209 = tpu.memref_slice %arg6[%dma_wait3A_206, %dma_wait3A_207, %dma_wait3A_208] : memref<4x512x16xf32, #tpu.memory_space<vmem>> -> memref<1x512x16xf32, #tpu.memory_space<vmem>>
    %dma_wait3A_210 = tpu.memref_squeeze %dma_wait3A_209 : memref<1x512x16xf32, #tpu.memory_space<vmem>> -> memref<512x16xf32, #tpu.memory_space<vmem>>
    %dma_wait3A_211 = arith.constant 0 : i32
    %dma_wait3A_212 = tpu.memref_slice %arg5[%dma_wait3A_205, %dma_wait3A_211] : memref<10x512xi32, #tpu.memory_space<vmem>> -> memref<1x512xi32, #tpu.memory_space<vmem>>
    %dma_wait3A_213 = tpu.memref_squeeze %dma_wait3A_212 : memref<1x512xi32, #tpu.memory_space<vmem>> -> memref<512xi32, #tpu.memory_space<vmem>>
    %dma_wait3A_214 = arith.constant 0 : i32
    %dma_wait3A_215 = arith.constant 0 : i32
    %dma_wait3A_216 = tpu.memref_slice %arg2[%dma_wait3A_214, %dma_wait3A_215] : memref<10000x16xf32, #tpu.memory_space<hbm>> -> memref<10000x16xf32, #tpu.memory_space<hbm>>
    tpu.wait_indirect_dma semaphore(%arg10 : memref<!tpu.dma_semaphore, #tpu.memory_space<semaphore_mem>>) src(%dma_wait3A_216 : memref<10000x16xf32, #tpu.memory_space<hbm>>) dst(%dma_wait3A_210 : memref<512x16xf32, #tpu.memory_space<vmem>>)
    %add3A_217 = arith.constant 1536 : i32
    %add3A_218 = arith.addi %mul3A_2, %add3A_217 : i32
    %dma_start3A_219 = arith.constant 3 : i32
    %dma_start3A_220 = arith.constant 0 : i32
    %dma_start3A_221 = arith.constant 0 : i32
    %dma_start3A_222 = tpu.memref_slice %arg6[%dma_start3A_219, %dma_start3A_220, %dma_start3A_221] : memref<4x512x16xf32, #tpu.memory_space<vmem>> -> memref<1x512x16xf32, #tpu.memory_space<vmem>>
    %dma_start3A_223 = tpu.memref_squeeze %dma_start3A_222 : memref<1x512x16xf32, #tpu.memory_space<vmem>> -> memref<512x16xf32, #tpu.memory_space<vmem>>
    %dma_start3A_224 = arith.constant 0 : i32
    %dma_start3A_225 = tpu.memref_slice %arg4[%add3A_218, %dma_start3A_224] : memref<163840x16xf32, #tpu.memory_space<hbm>> -> memref<512x16xf32, #tpu.memory_space<hbm>>
    %dma_start3A_226 = arith.constant 0 : i32
    %dma_start3A_227 = tpu.memref_slice %arg4[%add3A_218, %dma_start3A_226] : memref<163840x16xf32, #tpu.memory_space<hbm>> -> memref<512x16xf32, #tpu.memory_space<hbm>>
    %dma_start3A_228 = arith.constant 0 : i32
    %dma_start3A_229 = arith.constant 0 : i32
    %dma_start3A_230 = tpu.memref_slice %arg6[%dma_start3A_219, %dma_start3A_228, %dma_start3A_229] : memref<4x512x16xf32, #tpu.memory_space<vmem>> -> memref<1x512x16xf32, #tpu.memory_space<vmem>>
    %dma_start3A_231 = tpu.memref_squeeze %dma_start3A_230 : memref<1x512x16xf32, #tpu.memory_space<vmem>> -> memref<512x16xf32, #tpu.memory_space<vmem>>
    tpu.enqueue_dma source(%dma_start3A_231 : memref<512x16xf32, #tpu.memory_space<vmem>>) target(%dma_start3A_227 : memref<512x16xf32, #tpu.memory_space<hbm>>) target_semaphore(%arg14 : memref<!tpu.dma_semaphore, #tpu.memory_space<semaphore_mem>>)
    %dma_wait3A_232 = arith.constant 3 : i32
    %dma_wait3A_233 = arith.constant 0 : i32
    %dma_wait3A_234 = arith.constant 0 : i32
    %dma_wait3A_235 = tpu.memref_slice %arg6[%dma_wait3A_232, %dma_wait3A_233, %dma_wait3A_234] : memref<4x512x16xf32, #tpu.memory_space<vmem>> -> memref<1x512x16xf32, #tpu.memory_space<vmem>>
    %dma_wait3A_236 = tpu.memref_squeeze %dma_wait3A_235 : memref<1x512x16xf32, #tpu.memory_space<vmem>> -> memref<512x16xf32, #tpu.memory_space<vmem>>
    %dma_wait3A_237 = arith.constant 0 : i32
    %dma_wait3A_238 = tpu.memref_slice %arg4[%add3A_218, %dma_wait3A_237] : memref<163840x16xf32, #tpu.memory_space<hbm>> -> memref<512x16xf32, #tpu.memory_space<hbm>>
    %dma_wait3A_239 = arith.constant 0 : i32
    %dma_wait3A_240 = tpu.memref_slice %arg4[%add3A_218, %dma_wait3A_239] : memref<163840x16xf32, #tpu.memory_space<hbm>> -> memref<512x16xf32, #tpu.memory_space<hbm>>
    %dma_wait3A_241 = arith.constant 0 : i32
    %dma_wait3A_242 = arith.constant 0 : i32
    %dma_wait3A_243 = tpu.memref_slice %arg6[%dma_wait3A_232, %dma_wait3A_241, %dma_wait3A_242] : memref<4x512x16xf32, #tpu.memory_space<vmem>> -> memref<1x512x16xf32, #tpu.memory_space<vmem>>
    %dma_wait3A_244 = tpu.memref_squeeze %dma_wait3A_243 : memref<1x512x16xf32, #tpu.memory_space<vmem>> -> memref<512x16xf32, #tpu.memory_space<vmem>>
    tpu.wait_dma2 semaphore(%arg14 : memref<!tpu.dma_semaphore, #tpu.memory_space<semaphore_mem>>) src(%dma_wait3A_244 : memref<512x16xf32, #tpu.memory_space<vmem>>) dst(%dma_wait3A_240 : memref<512x16xf32, #tpu.memory_space<hbm>>)
    %dma_start3A_245 = arith.constant 7 : i32
    %dma_start3A_246 = arith.constant 3 : i32
    %dma_start3A_247 = arith.constant 0 : i32
    %dma_start3A_248 = arith.constant 0 : i32
    %dma_start3A_249 = tpu.memref_slice %arg6[%dma_start3A_246, %dma_start3A_247, %dma_start3A_248] : memref<4x512x16xf32, #tpu.memory_space<vmem>> -> memref<1x512x16xf32, #tpu.memory_space<vmem>>
    %dma_start3A_250 = tpu.memref_squeeze %dma_start3A_249 : memref<1x512x16xf32, #tpu.memory_space<vmem>> -> memref<512x16xf32, #tpu.memory_space<vmem>>
    %dma_start3A_251 = arith.constant 0 : i32
    %dma_start3A_252 = tpu.memref_slice %arg5[%dma_start3A_245, %dma_start3A_251] : memref<10x512xi32, #tpu.memory_space<vmem>> -> memref<1x512xi32, #tpu.memory_space<vmem>>
    %dma_start3A_253 = tpu.memref_squeeze %dma_start3A_252 : memref<1x512xi32, #tpu.memory_space<vmem>> -> memref<512xi32, #tpu.memory_space<vmem>>
    %dma_start3A_254 = arith.constant 0 : i32
    %dma_start3A_255 = arith.constant 0 : i32
    %dma_start3A_256 = tpu.memref_slice %arg2[%dma_start3A_254, %dma_start3A_255] : memref<10000x16xf32, #tpu.memory_space<hbm>> -> memref<10000x16xf32, #tpu.memory_space<hbm>>
    tpu.enqueue_indirect_dma source(%dma_start3A_256 : memref<10000x16xf32, #tpu.memory_space<hbm>>) target(%dma_start3A_250 : memref<512x16xf32, #tpu.memory_space<vmem>>) offsets(%dma_start3A_253 : memref<512xi32, #tpu.memory_space<vmem>>) semaphore(%arg10 : memref<!tpu.dma_semaphore, #tpu.memory_space<semaphore_mem>>)
    %dma_wait3A_257 = arith.constant 4 : i32
    %dma_wait3A_258 = arith.constant 0 : i32
    %dma_wait3A_259 = arith.constant 0 : i32
    %dma_wait3A_260 = arith.constant 0 : i32
    %dma_wait3A_261 = tpu.memref_slice %arg6[%dma_wait3A_258, %dma_wait3A_259, %dma_wait3A_260] : memref<4x512x16xf32, #tpu.memory_space<vmem>> -> memref<1x512x16xf32, #tpu.memory_space<vmem>>
    %dma_wait3A_262 = tpu.memref_squeeze %dma_wait3A_261 : memref<1x512x16xf32, #tpu.memory_space<vmem>> -> memref<512x16xf32, #tpu.memory_space<vmem>>
    %dma_wait3A_263 = arith.constant 0 : i32
    %dma_wait3A_264 = tpu.memref_slice %arg5[%dma_wait3A_257, %dma_wait3A_263] : memref<10x512xi32, #tpu.memory_space<vmem>> -> memref<1x512xi32, #tpu.memory_space<vmem>>
    %dma_wait3A_265 = tpu.memref_squeeze %dma_wait3A_264 : memref<1x512xi32, #tpu.memory_space<vmem>> -> memref<512xi32, #tpu.memory_space<vmem>>
    %dma_wait3A_266 = arith.constant 0 : i32
    %dma_wait3A_267 = arith.constant 0 : i32
    %dma_wait3A_268 = tpu.memref_slice %arg2[%dma_wait3A_266, %dma_wait3A_267] : memref<10000x16xf32, #tpu.memory_space<hbm>> -> memref<10000x16xf32, #tpu.memory_space<hbm>>
    tpu.wait_indirect_dma semaphore(%arg7 : memref<!tpu.dma_semaphore, #tpu.memory_space<semaphore_mem>>) src(%dma_wait3A_268 : memref<10000x16xf32, #tpu.memory_space<hbm>>) dst(%dma_wait3A_262 : memref<512x16xf32, #tpu.memory_space<vmem>>)
    %add3A_269 = arith.constant 2048 : i32
    %add3A_270 = arith.addi %mul3A_2, %add3A_269 : i32
    %dma_start3A_271 = arith.constant 0 : i32
    %dma_start3A_272 = arith.constant 0 : i32
    %dma_start3A_273 = arith.constant 0 : i32
    %dma_start3A_274 = tpu.memref_slice %arg6[%dma_start3A_271, %dma_start3A_272, %dma_start3A_273] : memref<4x512x16xf32, #tpu.memory_space<vmem>> -> memref<1x512x16xf32, #tpu.memory_space<vmem>>
    %dma_start3A_275 = tpu.memref_squeeze %dma_start3A_274 : memref<1x512x16xf32, #tpu.memory_space<vmem>> -> memref<512x16xf32, #tpu.memory_space<vmem>>
    %dma_start3A_276 = arith.constant 0 : i32
    %dma_start3A_277 = tpu.memref_slice %arg4[%add3A_270, %dma_start3A_276] : memref<163840x16xf32, #tpu.memory_space<hbm>> -> memref<512x16xf32, #tpu.memory_space<hbm>>
    %dma_start3A_278 = arith.constant 0 : i32
    %dma_start3A_279 = tpu.memref_slice %arg4[%add3A_270, %dma_start3A_278] : memref<163840x16xf32, #tpu.memory_space<hbm>> -> memref<512x16xf32, #tpu.memory_space<hbm>>
    %dma_start3A_280 = arith.constant 0 : i32
    %dma_start3A_281 = arith.constant 0 : i32
    %dma_start3A_282 = tpu.memref_slice %arg6[%dma_start3A_271, %dma_start3A_280, %dma_start3A_281] : memref<4x512x16xf32, #tpu.memory_space<vmem>> -> memref<1x512x16xf32, #tpu.memory_space<vmem>>
    %dma_start3A_283 = tpu.memref_squeeze %dma_start3A_282 : memref<1x512x16xf32, #tpu.memory_space<vmem>> -> memref<512x16xf32, #tpu.memory_space<vmem>>
    tpu.enqueue_dma source(%dma_start3A_283 : memref<512x16xf32, #tpu.memory_space<vmem>>) target(%dma_start3A_279 : memref<512x16xf32, #tpu.memory_space<hbm>>) target_semaphore(%arg11 : memref<!tpu.dma_semaphore, #tpu.memory_space<semaphore_mem>>)
    %dma_wait3A_284 = arith.constant 0 : i32
    %dma_wait3A_285 = arith.constant 0 : i32
    %dma_wait3A_286 = arith.constant 0 : i32
    %dma_wait3A_287 = tpu.memref_slice %arg6[%dma_wait3A_284, %dma_wait3A_285, %dma_wait3A_286] : memref<4x512x16xf32, #tpu.memory_space<vmem>> -> memref<1x512x16xf32, #tpu.memory_space<vmem>>
    %dma_wait3A_288 = tpu.memref_squeeze %dma_wait3A_287 : memref<1x512x16xf32, #tpu.memory_space<vmem>> -> memref<512x16xf32, #tpu.memory_space<vmem>>
    %dma_wait3A_289 = arith.constant 0 : i32
    %dma_wait3A_290 = tpu.memref_slice %arg4[%add3A_270, %dma_wait3A_289] : memref<163840x16xf32, #tpu.memory_space<hbm>> -> memref<512x16xf32, #tpu.memory_space<hbm>>
    %dma_wait3A_291 = arith.constant 0 : i32
    %dma_wait3A_292 = tpu.memref_slice %arg4[%add3A_270, %dma_wait3A_291] : memref<163840x16xf32, #tpu.memory_space<hbm>> -> memref<512x16xf32, #tpu.memory_space<hbm>>
    %dma_wait3A_293 = arith.constant 0 : i32
    %dma_wait3A_294 = arith.constant 0 : i32
    %dma_wait3A_295 = tpu.memref_slice %arg6[%dma_wait3A_284, %dma_wait3A_293, %dma_wait3A_294] : memref<4x512x16xf32, #tpu.memory_space<vmem>> -> memref<1x512x16xf32, #tpu.memory_space<vmem>>
    %dma_wait3A_296 = tpu.memref_squeeze %dma_wait3A_295 : memref<1x512x16xf32, #tpu.memory_space<vmem>> -> memref<512x16xf32, #tpu.memory_space<vmem>>
    tpu.wait_dma2 semaphore(%arg11 : memref<!tpu.dma_semaphore, #tpu.memory_space<semaphore_mem>>) src(%dma_wait3A_296 : memref<512x16xf32, #tpu.memory_space<vmem>>) dst(%dma_wait3A_292 : memref<512x16xf32, #tpu.memory_space<hbm>>)
    %dma_start3A_297 = arith.constant 8 : i32
    %dma_start3A_298 = arith.constant 0 : i32
    %dma_start3A_299 = arith.constant 0 : i32
    %dma_start3A_300 = arith.constant 0 : i32
    %dma_start3A_301 = tpu.memref_slice %arg6[%dma_start3A_298, %dma_start3A_299, %dma_start3A_300] : memref<4x512x16xf32, #tpu.memory_space<vmem>> -> memref<1x512x16xf32, #tpu.memory_space<vmem>>
    %dma_start3A_302 = tpu.memref_squeeze %dma_start3A_301 : memref<1x512x16xf32, #tpu.memory_space<vmem>> -> memref<512x16xf32, #tpu.memory_space<vmem>>
    %dma_start3A_303 = arith.constant 0 : i32
    %dma_start3A_304 = tpu.memref_slice %arg5[%dma_start3A_297, %dma_start3A_303] : memref<10x512xi32, #tpu.memory_space<vmem>> -> memref<1x512xi32, #tpu.memory_space<vmem>>
    %dma_start3A_305 = tpu.memref_squeeze %dma_start3A_304 : memref<1x512xi32, #tpu.memory_space<vmem>> -> memref<512xi32, #tpu.memory_space<vmem>>
    %dma_start3A_306 = arith.constant 0 : i32
    %dma_start3A_307 = arith.constant 0 : i32
    %dma_start3A_308 = tpu.memref_slice %arg2[%dma_start3A_306, %dma_start3A_307] : memref<10000x16xf32, #tpu.memory_space<hbm>> -> memref<10000x16xf32, #tpu.memory_space<hbm>>
    tpu.enqueue_indirect_dma source(%dma_start3A_308 : memref<10000x16xf32, #tpu.memory_space<hbm>>) target(%dma_start3A_302 : memref<512x16xf32, #tpu.memory_space<vmem>>) offsets(%dma_start3A_305 : memref<512xi32, #tpu.memory_space<vmem>>) semaphore(%arg7 : memref<!tpu.dma_semaphore, #tpu.memory_space<semaphore_mem>>)
    %dma_wait3A_309 = arith.constant 5 : i32
    %dma_wait3A_310 = arith.constant 1 : i32
    %dma_wait3A_311 = arith.constant 0 : i32
    %dma_wait3A_312 = arith.constant 0 : i32
    %dma_wait3A_313 = tpu.memref_slice %arg6[%dma_wait3A_310, %dma_wait3A_311, %dma_wait3A_312] : memref<4x512x16xf32, #tpu.memory_space<vmem>> -> memref<1x512x16xf32, #tpu.memory_space<vmem>>
    %dma_wait3A_314 = tpu.memref_squeeze %dma_wait3A_313 : memref<1x512x16xf32, #tpu.memory_space<vmem>> -> memref<512x16xf32, #tpu.memory_space<vmem>>
    %dma_wait3A_315 = arith.constant 0 : i32
    %dma_wait3A_316 = tpu.memref_slice %arg5[%dma_wait3A_309, %dma_wait3A_315] : memref<10x512xi32, #tpu.memory_space<vmem>> -> memref<1x512xi32, #tpu.memory_space<vmem>>
    %dma_wait3A_317 = tpu.memref_squeeze %dma_wait3A_316 : memref<1x512xi32, #tpu.memory_space<vmem>> -> memref<512xi32, #tpu.memory_space<vmem>>
    %dma_wait3A_318 = arith.constant 0 : i32
    %dma_wait3A_319 = arith.constant 0 : i32
    %dma_wait3A_320 = tpu.memref_slice %arg2[%dma_wait3A_318, %dma_wait3A_319] : memref<10000x16xf32, #tpu.memory_space<hbm>> -> memref<10000x16xf32, #tpu.memory_space<hbm>>
    tpu.wait_indirect_dma semaphore(%arg8 : memref<!tpu.dma_semaphore, #tpu.memory_space<semaphore_mem>>) src(%dma_wait3A_320 : memref<10000x16xf32, #tpu.memory_space<hbm>>) dst(%dma_wait3A_314 : memref<512x16xf32, #tpu.memory_space<vmem>>)
    %add3A_321 = arith.constant 2560 : i32
    %add3A_322 = arith.addi %mul3A_2, %add3A_321 : i32
    %dma_start3A_323 = arith.constant 1 : i32
    %dma_start3A_324 = arith.constant 0 : i32
    %dma_start3A_325 = arith.constant 0 : i32
    %dma_start3A_326 = tpu.memref_slice %arg6[%dma_start3A_323, %dma_start3A_324, %dma_start3A_325] : memref<4x512x16xf32, #tpu.memory_space<vmem>> -> memref<1x512x16xf32, #tpu.memory_space<vmem>>
    %dma_start3A_327 = tpu.memref_squeeze %dma_start3A_326 : memref<1x512x16xf32, #tpu.memory_space<vmem>> -> memref<512x16xf32, #tpu.memory_space<vmem>>
    %dma_start3A_328 = arith.constant 0 : i32
    %dma_start3A_329 = tpu.memref_slice %arg4[%add3A_322, %dma_start3A_328] : memref<163840x16xf32, #tpu.memory_space<hbm>> -> memref<512x16xf32, #tpu.memory_space<hbm>>
    %dma_start3A_330 = arith.constant 0 : i32
    %dma_start3A_331 = tpu.memref_slice %arg4[%add3A_322, %dma_start3A_330] : memref<163840x16xf32, #tpu.memory_space<hbm>> -> memref<512x16xf32, #tpu.memory_space<hbm>>
    %dma_start3A_332 = arith.constant 0 : i32
    %dma_start3A_333 = arith.constant 0 : i32
    %dma_start3A_334 = tpu.memref_slice %arg6[%dma_start3A_323, %dma_start3A_332, %dma_start3A_333] : memref<4x512x16xf32, #tpu.memory_space<vmem>> -> memref<1x512x16xf32, #tpu.memory_space<vmem>>
    %dma_start3A_335 = tpu.memref_squeeze %dma_start3A_334 : memref<1x512x16xf32, #tpu.memory_space<vmem>> -> memref<512x16xf32, #tpu.memory_space<vmem>>
    tpu.enqueue_dma source(%dma_start3A_335 : memref<512x16xf32, #tpu.memory_space<vmem>>) target(%dma_start3A_331 : memref<512x16xf32, #tpu.memory_space<hbm>>) target_semaphore(%arg12 : memref<!tpu.dma_semaphore, #tpu.memory_space<semaphore_mem>>)
    %dma_wait3A_336 = arith.constant 1 : i32
    %dma_wait3A_337 = arith.constant 0 : i32
    %dma_wait3A_338 = arith.constant 0 : i32
    %dma_wait3A_339 = tpu.memref_slice %arg6[%dma_wait3A_336, %dma_wait3A_337, %dma_wait3A_338] : memref<4x512x16xf32, #tpu.memory_space<vmem>> -> memref<1x512x16xf32, #tpu.memory_space<vmem>>
    %dma_wait3A_340 = tpu.memref_squeeze %dma_wait3A_339 : memref<1x512x16xf32, #tpu.memory_space<vmem>> -> memref<512x16xf32, #tpu.memory_space<vmem>>
    %dma_wait3A_341 = arith.constant 0 : i32
    %dma_wait3A_342 = tpu.memref_slice %arg4[%add3A_322, %dma_wait3A_341] : memref<163840x16xf32, #tpu.memory_space<hbm>> -> memref<512x16xf32, #tpu.memory_space<hbm>>
    %dma_wait3A_343 = arith.constant 0 : i32
    %dma_wait3A_344 = tpu.memref_slice %arg4[%add3A_322, %dma_wait3A_343] : memref<163840x16xf32, #tpu.memory_space<hbm>> -> memref<512x16xf32, #tpu.memory_space<hbm>>
    %dma_wait3A_345 = arith.constant 0 : i32
    %dma_wait3A_346 = arith.constant 0 : i32
    %dma_wait3A_347 = tpu.memref_slice %arg6[%dma_wait3A_336, %dma_wait3A_345, %dma_wait3A_346] : memref<4x512x16xf32, #tpu.memory_space<vmem>> -> memref<1x512x16xf32, #tpu.memory_space<vmem>>
    %dma_wait3A_348 = tpu.memref_squeeze %dma_wait3A_347 : memref<1x512x16xf32, #tpu.memory_space<vmem>> -> memref<512x16xf32, #tpu.memory_space<vmem>>
    tpu.wait_dma2 semaphore(%arg12 : memref<!tpu.dma_semaphore, #tpu.memory_space<semaphore_mem>>) src(%dma_wait3A_348 : memref<512x16xf32, #tpu.memory_space<vmem>>) dst(%dma_wait3A_344 : memref<512x16xf32, #tpu.memory_space<hbm>>)
    %dma_start3A_349 = arith.constant 9 : i32
    %dma_start3A_350 = arith.constant 1 : i32
    %dma_start3A_351 = arith.constant 0 : i32
    %dma_start3A_352 = arith.constant 0 : i32
    %dma_start3A_353 = tpu.memref_slice %arg6[%dma_start3A_350, %dma_start3A_351, %dma_start3A_352] : memref<4x512x16xf32, #tpu.memory_space<vmem>> -> memref<1x512x16xf32, #tpu.memory_space<vmem>>
    %dma_start3A_354 = tpu.memref_squeeze %dma_start3A_353 : memref<1x512x16xf32, #tpu.memory_space<vmem>> -> memref<512x16xf32, #tpu.memory_space<vmem>>
    %dma_start3A_355 = arith.constant 0 : i32
    %dma_start3A_356 = tpu.memref_slice %arg5[%dma_start3A_349, %dma_start3A_355] : memref<10x512xi32, #tpu.memory_space<vmem>> -> memref<1x512xi32, #tpu.memory_space<vmem>>
    %dma_start3A_357 = tpu.memref_squeeze %dma_start3A_356 : memref<1x512xi32, #tpu.memory_space<vmem>> -> memref<512xi32, #tpu.memory_space<vmem>>
    %dma_start3A_358 = arith.constant 0 : i32
    %dma_start3A_359 = arith.constant 0 : i32
    %dma_start3A_360 = tpu.memref_slice %arg2[%dma_start3A_358, %dma_start3A_359] : memref<10000x16xf32, #tpu.memory_space<hbm>> -> memref<10000x16xf32, #tpu.memory_space<hbm>>
    tpu.enqueue_indirect_dma source(%dma_start3A_360 : memref<10000x16xf32, #tpu.memory_space<hbm>>) target(%dma_start3A_354 : memref<512x16xf32, #tpu.memory_space<vmem>>) offsets(%dma_start3A_357 : memref<512xi32, #tpu.memory_space<vmem>>) semaphore(%arg8 : memref<!tpu.dma_semaphore, #tpu.memory_space<semaphore_mem>>)
    %dma_wait3A_361 = arith.constant 6 : i32
    %dma_wait3A_362 = arith.constant 2 : i32
    %dma_wait3A_363 = arith.constant 0 : i32
    %dma_wait3A_364 = arith.constant 0 : i32
    %dma_wait3A_365 = tpu.memref_slice %arg6[%dma_wait3A_362, %dma_wait3A_363, %dma_wait3A_364] : memref<4x512x16xf32, #tpu.memory_space<vmem>> -> memref<1x512x16xf32, #tpu.memory_space<vmem>>
    %dma_wait3A_366 = tpu.memref_squeeze %dma_wait3A_365 : memref<1x512x16xf32, #tpu.memory_space<vmem>> -> memref<512x16xf32, #tpu.memory_space<vmem>>
    %dma_wait3A_367 = arith.constant 0 : i32
    %dma_wait3A_368 = tpu.memref_slice %arg5[%dma_wait3A_361, %dma_wait3A_367] : memref<10x512xi32, #tpu.memory_space<vmem>> -> memref<1x512xi32, #tpu.memory_space<vmem>>
    %dma_wait3A_369 = tpu.memref_squeeze %dma_wait3A_368 : memref<1x512xi32, #tpu.memory_space<vmem>> -> memref<512xi32, #tpu.memory_space<vmem>>
    %dma_wait3A_370 = arith.constant 0 : i32
    %dma_wait3A_371 = arith.constant 0 : i32
    %dma_wait3A_372 = tpu.memref_slice %arg2[%dma_wait3A_370, %dma_wait3A_371] : memref<10000x16xf32, #tpu.memory_space<hbm>> -> memref<10000x16xf32, #tpu.memory_space<hbm>>
    tpu.wait_indirect_dma semaphore(%arg9 : memref<!tpu.dma_semaphore, #tpu.memory_space<semaphore_mem>>) src(%dma_wait3A_372 : memref<10000x16xf32, #tpu.memory_space<hbm>>) dst(%dma_wait3A_366 : memref<512x16xf32, #tpu.memory_space<vmem>>)
    %add3A_373 = arith.constant 3072 : i32
    %add3A_374 = arith.addi %mul3A_2, %add3A_373 : i32
    %dma_start3A_375 = arith.constant 2 : i32
    %dma_start3A_376 = arith.constant 0 : i32
    %dma_start3A_377 = arith.constant 0 : i32
    %dma_start3A_378 = tpu.memref_slice %arg6[%dma_start3A_375, %dma_start3A_376, %dma_start3A_377] : memref<4x512x16xf32, #tpu.memory_space<vmem>> -> memref<1x512x16xf32, #tpu.memory_space<vmem>>
    %dma_start3A_379 = tpu.memref_squeeze %dma_start3A_378 : memref<1x512x16xf32, #tpu.memory_space<vmem>> -> memref<512x16xf32, #tpu.memory_space<vmem>>
    %dma_start3A_380 = arith.constant 0 : i32
    %dma_start3A_381 = tpu.memref_slice %arg4[%add3A_374, %dma_start3A_380] : memref<163840x16xf32, #tpu.memory_space<hbm>> -> memref<512x16xf32, #tpu.memory_space<hbm>>
    %dma_start3A_382 = arith.constant 0 : i32
    %dma_start3A_383 = tpu.memref_slice %arg4[%add3A_374, %dma_start3A_382] : memref<163840x16xf32, #tpu.memory_space<hbm>> -> memref<512x16xf32, #tpu.memory_space<hbm>>
    %dma_start3A_384 = arith.constant 0 : i32
    %dma_start3A_385 = arith.constant 0 : i32
    %dma_start3A_386 = tpu.memref_slice %arg6[%dma_start3A_375, %dma_start3A_384, %dma_start3A_385] : memref<4x512x16xf32, #tpu.memory_space<vmem>> -> memref<1x512x16xf32, #tpu.memory_space<vmem>>
    %dma_start3A_387 = tpu.memref_squeeze %dma_start3A_386 : memref<1x512x16xf32, #tpu.memory_space<vmem>> -> memref<512x16xf32, #tpu.memory_space<vmem>>
    tpu.enqueue_dma source(%dma_start3A_387 : memref<512x16xf32, #tpu.memory_space<vmem>>) target(%dma_start3A_383 : memref<512x16xf32, #tpu.memory_space<hbm>>) target_semaphore(%arg13 : memref<!tpu.dma_semaphore, #tpu.memory_space<semaphore_mem>>)
    %dma_wait3A_388 = arith.constant 7 : i32
    %dma_wait3A_389 = arith.constant 3 : i32
    %dma_wait3A_390 = arith.constant 0 : i32
    %dma_wait3A_391 = arith.constant 0 : i32
    %dma_wait3A_392 = tpu.memref_slice %arg6[%dma_wait3A_389, %dma_wait3A_390, %dma_wait3A_391] : memref<4x512x16xf32, #tpu.memory_space<vmem>> -> memref<1x512x16xf32, #tpu.memory_space<vmem>>
    %dma_wait3A_393 = tpu.memref_squeeze %dma_wait3A_392 : memref<1x512x16xf32, #tpu.memory_space<vmem>> -> memref<512x16xf32, #tpu.memory_space<vmem>>
    %dma_wait3A_394 = arith.constant 0 : i32
    %dma_wait3A_395 = tpu.memref_slice %arg5[%dma_wait3A_388, %dma_wait3A_394] : memref<10x512xi32, #tpu.memory_space<vmem>> -> memref<1x512xi32, #tpu.memory_space<vmem>>
    %dma_wait3A_396 = tpu.memref_squeeze %dma_wait3A_395 : memref<1x512xi32, #tpu.memory_space<vmem>> -> memref<512xi32, #tpu.memory_space<vmem>>
    %dma_wait3A_397 = arith.constant 0 : i32
    %dma_wait3A_398 = arith.constant 0 : i32
    %dma_wait3A_399 = tpu.memref_slice %arg2[%dma_wait3A_397, %dma_wait3A_398] : memref<10000x16xf32, #tpu.memory_space<hbm>> -> memref<10000x16xf32, #tpu.memory_space<hbm>>
    tpu.wait_indirect_dma semaphore(%arg10 : memref<!tpu.dma_semaphore, #tpu.memory_space<semaphore_mem>>) src(%dma_wait3A_399 : memref<10000x16xf32, #tpu.memory_space<hbm>>) dst(%dma_wait3A_393 : memref<512x16xf32, #tpu.memory_space<vmem>>)
    %add3A_400 = arith.constant 3584 : i32
    %add3A_401 = arith.addi %mul3A_2, %add3A_400 : i32
    %dma_start3A_402 = arith.constant 3 : i32
    %dma_start3A_403 = arith.constant 0 : i32
    %dma_start3A_404 = arith.constant 0 : i32
    %dma_start3A_405 = tpu.memref_slice %arg6[%dma_start3A_402, %dma_start3A_403, %dma_start3A_404] : memref<4x512x16xf32, #tpu.memory_space<vmem>> -> memref<1x512x16xf32, #tpu.memory_space<vmem>>
    %dma_start3A_406 = tpu.memref_squeeze %dma_start3A_405 : memref<1x512x16xf32, #tpu.memory_space<vmem>> -> memref<512x16xf32, #tpu.memory_space<vmem>>
    %dma_start3A_407 = arith.constant 0 : i32
    %dma_start3A_408 = tpu.memref_slice %arg4[%add3A_401, %dma_start3A_407] : memref<163840x16xf32, #tpu.memory_space<hbm>> -> memref<512x16xf32, #tpu.memory_space<hbm>>
    %dma_start3A_409 = arith.constant 0 : i32
    %dma_start3A_410 = tpu.memref_slice %arg4[%add3A_401, %dma_start3A_409] : memref<163840x16xf32, #tpu.memory_space<hbm>> -> memref<512x16xf32, #tpu.memory_space<hbm>>
    %dma_start3A_411 = arith.constant 0 : i32
    %dma_start3A_412 = arith.constant 0 : i32
    %dma_start3A_413 = tpu.memref_slice %arg6[%dma_start3A_402, %dma_start3A_411, %dma_start3A_412] : memref<4x512x16xf32, #tpu.memory_space<vmem>> -> memref<1x512x16xf32, #tpu.memory_space<vmem>>
    %dma_start3A_414 = tpu.memref_squeeze %dma_start3A_413 : memref<1x512x16xf32, #tpu.memory_space<vmem>> -> memref<512x16xf32, #tpu.memory_space<vmem>>
    tpu.enqueue_dma source(%dma_start3A_414 : memref<512x16xf32, #tpu.memory_space<vmem>>) target(%dma_start3A_410 : memref<512x16xf32, #tpu.memory_space<hbm>>) target_semaphore(%arg14 : memref<!tpu.dma_semaphore, #tpu.memory_space<semaphore_mem>>)
    %dma_wait3A_415 = arith.constant 8 : i32
    %dma_wait3A_416 = arith.constant 0 : i32
    %dma_wait3A_417 = arith.constant 0 : i32
    %dma_wait3A_418 = arith.constant 0 : i32
    %dma_wait3A_419 = tpu.memref_slice %arg6[%dma_wait3A_416, %dma_wait3A_417, %dma_wait3A_418] : memref<4x512x16xf32, #tpu.memory_space<vmem>> -> memref<1x512x16xf32, #tpu.memory_space<vmem>>
    %dma_wait3A_420 = tpu.memref_squeeze %dma_wait3A_419 : memref<1x512x16xf32, #tpu.memory_space<vmem>> -> memref<512x16xf32, #tpu.memory_space<vmem>>
    %dma_wait3A_421 = arith.constant 0 : i32
    %dma_wait3A_422 = tpu.memref_slice %arg5[%dma_wait3A_415, %dma_wait3A_421] : memref<10x512xi32, #tpu.memory_space<vmem>> -> memref<1x512xi32, #tpu.memory_space<vmem>>
    %dma_wait3A_423 = tpu.memref_squeeze %dma_wait3A_422 : memref<1x512xi32, #tpu.memory_space<vmem>> -> memref<512xi32, #tpu.memory_space<vmem>>
    %dma_wait3A_424 = arith.constant 0 : i32
    %dma_wait3A_425 = arith.constant 0 : i32
    %dma_wait3A_426 = tpu.memref_slice %arg2[%dma_wait3A_424, %dma_wait3A_425] : memref<10000x16xf32, #tpu.memory_space<hbm>> -> memref<10000x16xf32, #tpu.memory_space<hbm>>
    tpu.wait_indirect_dma semaphore(%arg7 : memref<!tpu.dma_semaphore, #tpu.memory_space<semaphore_mem>>) src(%dma_wait3A_426 : memref<10000x16xf32, #tpu.memory_space<hbm>>) dst(%dma_wait3A_420 : memref<512x16xf32, #tpu.memory_space<vmem>>)
    %add3A_427 = arith.constant 4096 : i32
    %add3A_428 = arith.addi %mul3A_2, %add3A_427 : i32
    %dma_start3A_429 = arith.constant 0 : i32
    %dma_start3A_430 = arith.constant 0 : i32
    %dma_start3A_431 = arith.constant 0 : i32
    %dma_start3A_432 = tpu.memref_slice %arg6[%dma_start3A_429, %dma_start3A_430, %dma_start3A_431] : memref<4x512x16xf32, #tpu.memory_space<vmem>> -> memref<1x512x16xf32, #tpu.memory_space<vmem>>
    %dma_start3A_433 = tpu.memref_squeeze %dma_start3A_432 : memref<1x512x16xf32, #tpu.memory_space<vmem>> -> memref<512x16xf32, #tpu.memory_space<vmem>>
    %dma_start3A_434 = arith.constant 0 : i32
    %dma_start3A_435 = tpu.memref_slice %arg4[%add3A_428, %dma_start3A_434] : memref<163840x16xf32, #tpu.memory_space<hbm>> -> memref<512x16xf32, #tpu.memory_space<hbm>>
    %dma_start3A_436 = arith.constant 0 : i32
    %dma_start3A_437 = tpu.memref_slice %arg4[%add3A_428, %dma_start3A_436] : memref<163840x16xf32, #tpu.memory_space<hbm>> -> memref<512x16xf32, #tpu.memory_space<hbm>>
    %dma_start3A_438 = arith.constant 0 : i32
    %dma_start3A_439 = arith.constant 0 : i32
    %dma_start3A_440 = tpu.memref_slice %arg6[%dma_start3A_429, %dma_start3A_438, %dma_start3A_439] : memref<4x512x16xf32, #tpu.memory_space<vmem>> -> memref<1x512x16xf32, #tpu.memory_space<vmem>>
    %dma_start3A_441 = tpu.memref_squeeze %dma_start3A_440 : memref<1x512x16xf32, #tpu.memory_space<vmem>> -> memref<512x16xf32, #tpu.memory_space<vmem>>
    tpu.enqueue_dma source(%dma_start3A_441 : memref<512x16xf32, #tpu.memory_space<vmem>>) target(%dma_start3A_437 : memref<512x16xf32, #tpu.memory_space<hbm>>) target_semaphore(%arg11 : memref<!tpu.dma_semaphore, #tpu.memory_space<semaphore_mem>>)
    %dma_wait3A_442 = arith.constant 9 : i32
    %dma_wait3A_443 = arith.constant 1 : i32
    %dma_wait3A_444 = arith.constant 0 : i32
    %dma_wait3A_445 = arith.constant 0 : i32
    %dma_wait3A_446 = tpu.memref_slice %arg6[%dma_wait3A_443, %dma_wait3A_444, %dma_wait3A_445] : memref<4x512x16xf32, #tpu.memory_space<vmem>> -> memref<1x512x16xf32, #tpu.memory_space<vmem>>
    %dma_wait3A_447 = tpu.memref_squeeze %dma_wait3A_446 : memref<1x512x16xf32, #tpu.memory_space<vmem>> -> memref<512x16xf32, #tpu.memory_space<vmem>>
    %dma_wait3A_448 = arith.constant 0 : i32
    %dma_wait3A_449 = tpu.memref_slice %arg5[%dma_wait3A_442, %dma_wait3A_448] : memref<10x512xi32, #tpu.memory_space<vmem>> -> memref<1x512xi32, #tpu.memory_space<vmem>>
    %dma_wait3A_450 = tpu.memref_squeeze %dma_wait3A_449 : memref<1x512xi32, #tpu.memory_space<vmem>> -> memref<512xi32, #tpu.memory_space<vmem>>
    %dma_wait3A_451 = arith.constant 0 : i32
    %dma_wait3A_452 = arith.constant 0 : i32
    %dma_wait3A_453 = tpu.memref_slice %arg2[%dma_wait3A_451, %dma_wait3A_452] : memref<10000x16xf32, #tpu.memory_space<hbm>> -> memref<10000x16xf32, #tpu.memory_space<hbm>>
    tpu.wait_indirect_dma semaphore(%arg8 : memref<!tpu.dma_semaphore, #tpu.memory_space<semaphore_mem>>) src(%dma_wait3A_453 : memref<10000x16xf32, #tpu.memory_space<hbm>>) dst(%dma_wait3A_447 : memref<512x16xf32, #tpu.memory_space<vmem>>)
    %add3A_454 = arith.constant 4608 : i32
    %add3A_455 = arith.addi %mul3A_2, %add3A_454 : i32
    %dma_start3A_456 = arith.constant 1 : i32
    %dma_start3A_457 = arith.constant 0 : i32
    %dma_start3A_458 = arith.constant 0 : i32
    %dma_start3A_459 = tpu.memref_slice %arg6[%dma_start3A_456, %dma_start3A_457, %dma_start3A_458] : memref<4x512x16xf32, #tpu.memory_space<vmem>> -> memref<1x512x16xf32, #tpu.memory_space<vmem>>
    %dma_start3A_460 = tpu.memref_squeeze %dma_start3A_459 : memref<1x512x16xf32, #tpu.memory_space<vmem>> -> memref<512x16xf32, #tpu.memory_space<vmem>>
    %dma_start3A_461 = arith.constant 0 : i32
    %dma_start3A_462 = tpu.memref_slice %arg4[%add3A_455, %dma_start3A_461] : memref<163840x16xf32, #tpu.memory_space<hbm>> -> memref<512x16xf32, #tpu.memory_space<hbm>>
    %dma_start3A_463 = arith.constant 0 : i32
    %dma_start3A_464 = tpu.memref_slice %arg4[%add3A_455, %dma_start3A_463] : memref<163840x16xf32, #tpu.memory_space<hbm>> -> memref<512x16xf32, #tpu.memory_space<hbm>>
    %dma_start3A_465 = arith.constant 0 : i32
    %dma_start3A_466 = arith.constant 0 : i32
    %dma_start3A_467 = tpu.memref_slice %arg6[%dma_start3A_456, %dma_start3A_465, %dma_start3A_466] : memref<4x512x16xf32, #tpu.memory_space<vmem>> -> memref<1x512x16xf32, #tpu.memory_space<vmem>>
    %dma_start3A_468 = tpu.memref_squeeze %dma_start3A_467 : memref<1x512x16xf32, #tpu.memory_space<vmem>> -> memref<512x16xf32, #tpu.memory_space<vmem>>
    tpu.enqueue_dma source(%dma_start3A_468 : memref<512x16xf32, #tpu.memory_space<vmem>>) target(%dma_start3A_464 : memref<512x16xf32, #tpu.memory_space<hbm>>) target_semaphore(%arg12 : memref<!tpu.dma_semaphore, #tpu.memory_space<semaphore_mem>>)
    %dma_wait3A_469 = arith.constant 2 : i32
    %dma_wait3A_470 = arith.constant 0 : i32
    %dma_wait3A_471 = arith.constant 0 : i32
    %dma_wait3A_472 = tpu.memref_slice %arg6[%dma_wait3A_469, %dma_wait3A_470, %dma_wait3A_471] : memref<4x512x16xf32, #tpu.memory_space<vmem>> -> memref<1x512x16xf32, #tpu.memory_space<vmem>>
    %dma_wait3A_473 = tpu.memref_squeeze %dma_wait3A_472 : memref<1x512x16xf32, #tpu.memory_space<vmem>> -> memref<512x16xf32, #tpu.memory_space<vmem>>
    %dma_wait3A_474 = arith.constant 0 : i32
    %dma_wait3A_475 = tpu.memref_slice %arg4[%mul3A_2, %dma_wait3A_474] : memref<163840x16xf32, #tpu.memory_space<hbm>> -> memref<512x16xf32, #tpu.memory_space<hbm>>
    %dma_wait3A_476 = arith.constant 0 : i32
    %dma_wait3A_477 = tpu.memref_slice %arg4[%mul3A_2, %dma_wait3A_476] : memref<163840x16xf32, #tpu.memory_space<hbm>> -> memref<512x16xf32, #tpu.memory_space<hbm>>
    %dma_wait3A_478 = arith.constant 0 : i32
    %dma_wait3A_479 = arith.constant 0 : i32
    %dma_wait3A_480 = tpu.memref_slice %arg6[%dma_wait3A_469, %dma_wait3A_478, %dma_wait3A_479] : memref<4x512x16xf32, #tpu.memory_space<vmem>> -> memref<1x512x16xf32, #tpu.memory_space<vmem>>
    %dma_wait3A_481 = tpu.memref_squeeze %dma_wait3A_480 : memref<1x512x16xf32, #tpu.memory_space<vmem>> -> memref<512x16xf32, #tpu.memory_space<vmem>>
    tpu.wait_dma2 semaphore(%arg13 : memref<!tpu.dma_semaphore, #tpu.memory_space<semaphore_mem>>) src(%dma_wait3A_481 : memref<512x16xf32, #tpu.memory_space<vmem>>) dst(%dma_wait3A_477 : memref<512x16xf32, #tpu.memory_space<hbm>>)
    %dma_wait3A_482 = arith.constant 3 : i32
    %dma_wait3A_483 = arith.constant 0 : i32
    %dma_wait3A_484 = arith.constant 0 : i32
    %dma_wait3A_485 = tpu.memref_slice %arg6[%dma_wait3A_482, %dma_wait3A_483, %dma_wait3A_484] : memref<4x512x16xf32, #tpu.memory_space<vmem>> -> memref<1x512x16xf32, #tpu.memory_space<vmem>>
    %dma_wait3A_486 = tpu.memref_squeeze %dma_wait3A_485 : memref<1x512x16xf32, #tpu.memory_space<vmem>> -> memref<512x16xf32, #tpu.memory_space<vmem>>
    %dma_wait3A_487 = arith.constant 0 : i32
    %dma_wait3A_488 = tpu.memref_slice %arg4[%mul3A_2, %dma_wait3A_487] : memref<163840x16xf32, #tpu.memory_space<hbm>> -> memref<512x16xf32, #tpu.memory_space<hbm>>
    %dma_wait3A_489 = arith.constant 0 : i32
    %dma_wait3A_490 = tpu.memref_slice %arg4[%mul3A_2, %dma_wait3A_489] : memref<163840x16xf32, #tpu.memory_space<hbm>> -> memref<512x16xf32, #tpu.memory_space<hbm>>
    %dma_wait3A_491 = arith.constant 0 : i32
    %dma_wait3A_492 = arith.constant 0 : i32
    %dma_wait3A_493 = tpu.memref_slice %arg6[%dma_wait3A_482, %dma_wait3A_491, %dma_wait3A_492] : memref<4x512x16xf32, #tpu.memory_space<vmem>> -> memref<1x512x16xf32, #tpu.memory_space<vmem>>
    %dma_wait3A_494 = tpu.memref_squeeze %dma_wait3A_493 : memref<1x512x16xf32, #tpu.memory_space<vmem>> -> memref<512x16xf32, #tpu.memory_space<vmem>>
    tpu.wait_dma2 semaphore(%arg14 : memref<!tpu.dma_semaphore, #tpu.memory_space<semaphore_mem>>) src(%dma_wait3A_494 : memref<512x16xf32, #tpu.memory_space<vmem>>) dst(%dma_wait3A_490 : memref<512x16xf32, #tpu.memory_space<hbm>>)
    %dma_wait3A_495 = arith.constant 0 : i32
    %dma_wait3A_496 = arith.constant 0 : i32
    %dma_wait3A_497 = arith.constant 0 : i32
    %dma_wait3A_498 = tpu.memref_slice %arg6[%dma_wait3A_495, %dma_wait3A_496, %dma_wait3A_497] : memref<4x512x16xf32, #tpu.memory_space<vmem>> -> memref<1x512x16xf32, #tpu.memory_space<vmem>>
    %dma_wait3A_499 = tpu.memref_squeeze %dma_wait3A_498 : memref<1x512x16xf32, #tpu.memory_space<vmem>> -> memref<512x16xf32, #tpu.memory_space<vmem>>
    %dma_wait3A_500 = arith.constant 0 : i32
    %dma_wait3A_501 = tpu.memref_slice %arg4[%mul3A_2, %dma_wait3A_500] : memref<163840x16xf32, #tpu.memory_space<hbm>> -> memref<512x16xf32, #tpu.memory_space<hbm>>
    %dma_wait3A_502 = arith.constant 0 : i32
    %dma_wait3A_503 = tpu.memref_slice %arg4[%mul3A_2, %dma_wait3A_502] : memref<163840x16xf32, #tpu.memory_space<hbm>> -> memref<512x16xf32, #tpu.memory_space<hbm>>
    %dma_wait3A_504 = arith.constant 0 : i32
    %dma_wait3A_505 = arith.constant 0 : i32
    %dma_wait3A_506 = tpu.memref_slice %arg6[%dma_wait3A_495, %dma_wait3A_504, %dma_wait3A_505] : memref<4x512x16xf32, #tpu.memory_space<vmem>> -> memref<1x512x16xf32, #tpu.memory_space<vmem>>
    %dma_wait3A_507 = tpu.memref_squeeze %dma_wait3A_506 : memref<1x512x16xf32, #tpu.memory_space<vmem>> -> memref<512x16xf32, #tpu.memory_space<vmem>>
    tpu.wait_dma2 semaphore(%arg11 : memref<!tpu.dma_semaphore, #tpu.memory_space<semaphore_mem>>) src(%dma_wait3A_507 : memref<512x16xf32, #tpu.memory_space<vmem>>) dst(%dma_wait3A_503 : memref<512x16xf32, #tpu.memory_space<hbm>>)
    %dma_wait3A_508 = arith.constant 1 : i32
    %dma_wait3A_509 = arith.constant 0 : i32
    %dma_wait3A_510 = arith.constant 0 : i32
    %dma_wait3A_511 = tpu.memref_slice %arg6[%dma_wait3A_508, %dma_wait3A_509, %dma_wait3A_510] : memref<4x512x16xf32, #tpu.memory_space<vmem>> -> memref<1x512x16xf32, #tpu.memory_space<vmem>>
    %dma_wait3A_512 = tpu.memref_squeeze %dma_wait3A_511 : memref<1x512x16xf32, #tpu.memory_space<vmem>> -> memref<512x16xf32, #tpu.memory_space<vmem>>
    %dma_wait3A_513 = arith.constant 0 : i32
    %dma_wait3A_514 = tpu.memref_slice %arg4[%mul3A_2, %dma_wait3A_513] : memref<163840x16xf32, #tpu.memory_space<hbm>> -> memref<512x16xf32, #tpu.memory_space<hbm>>
    %dma_wait3A_515 = arith.constant 0 : i32
    %dma_wait3A_516 = tpu.memref_slice %arg4[%mul3A_2, %dma_wait3A_515] : memref<163840x16xf32, #tpu.memory_space<hbm>> -> memref<512x16xf32, #tpu.memory_space<hbm>>
    %dma_wait3A_517 = arith.constant 0 : i32
    %dma_wait3A_518 = arith.constant 0 : i32
    %dma_wait3A_519 = tpu.memref_slice %arg6[%dma_wait3A_508, %dma_wait3A_517, %dma_wait3A_518] : memref<4x512x16xf32, #tpu.memory_space<vmem>> -> memref<1x512x16xf32, #tpu.memory_space<vmem>>
    %dma_wait3A_520 = tpu.memref_squeeze %dma_wait3A_519 : memref<1x512x16xf32, #tpu.memory_space<vmem>> -> memref<512x16xf32, #tpu.memory_space<vmem>>
    tpu.wait_dma2 semaphore(%arg12 : memref<!tpu.dma_semaphore, #tpu.memory_space<semaphore_mem>>) src(%dma_wait3A_520 : memref<512x16xf32, #tpu.memory_space<vmem>>) dst(%dma_wait3A_516 : memref<512x16xf32, #tpu.memory_space<hbm>>)
    return
  }
}

#map = affine_map<(d0, d1) -> (0, 0)>
#map1 = affine_map<(d0, d1) -> (0, 0, 0)>
module attributes {stable_mosaic.version = 14 : i64} {
  func.func @k(%arg0: i32, %arg1: i32, %arg2: memref<163840x16xf32, #tpu.memory_space<hbm>>, %arg3: memref<32x40x128xi32, #tpu.memory_space<hbm>>, %arg4: memref<10240x16xf32, #tpu.memory_space<hbm>>, %arg5: memref<2x10240x16xf32, #tpu.memory_space<hbm>>, %arg6: memref<40x128xi32, #tpu.memory_space<vmem>>, %arg7: memref<2x128x16xf32, #tpu.memory_space<vmem>>, %arg8: memref<640x16xf32, #tpu.memory_space<vmem>>, %arg9: memref<10240x16xf32, #tpu.memory_space<vmem_shared>>, %arg10: memref<!tpu.dma_semaphore, #tpu.memory_space<semaphore_mem>>, %arg11: memref<!tpu.dma_semaphore, #tpu.memory_space<semaphore_mem>>) attributes {dimension_semantics = [#tpu.dimension_semantics<core_parallel>, #tpu.dimension_semantics<subcore_parallel>], iteration_bounds = array<i64: 2, 16>, scalar_prefetch = 0 : i64, scratch_operands = 6 : i64, tpu.core_type = #tpu.core_type<sc_vector_subcore>, window_params = [{transform_indices = #map}, {transform_indices = #map1}, {transform_indices = #map}, {transform_indices = #map1}]} {
    %mul3A = arith.constant 2 : i32
    %mul3A_0 = arith.muli %arg1, %mul3A : i32
    %add3A = arith.addi %mul3A_0, %arg0 : i32
    %mul3A_1 = arith.constant 5120 : i32
    %mul3A_2 = arith.muli %add3A, %mul3A_1 : i32
    %mul3A_3 = arith.constant 640 : i32
    %mul3A_4 = arith.muli %arg1, %mul3A_3 : i32
    "tpu.region"() ({
      %run_scoped3A = tpu.sem_alloc : memref<!tpu.dma_semaphore, #tpu.memory_space<semaphore_mem>>
      %dma_start3A_44 = arith.constant 0 : i32
      %dma_start3A_45 = tpu.memref_slice %arg4[%mul3A_4, %dma_start3A_44] : memref<10240x16xf32, #tpu.memory_space<hbm>> -> memref<640x16xf32, #tpu.memory_space<hbm>>
      %dma_start3A_46 = arith.constant 0 : i32
      %dma_start3A_47 = tpu.memref_slice %arg4[%mul3A_4, %dma_start3A_46] : memref<10240x16xf32, #tpu.memory_space<hbm>> -> memref<640x16xf32, #tpu.memory_space<hbm>>
      tpu.enqueue_dma source(%dma_start3A_47 : memref<640x16xf32, #tpu.memory_space<hbm>>) target(%arg8 : memref<640x16xf32, #tpu.memory_space<vmem>>) target_semaphore(%run_scoped3A : memref<!tpu.dma_semaphore, #tpu.memory_space<semaphore_mem>>)
      %dma_wait3A = arith.constant 0 : i32
      %dma_wait3A_48 = tpu.memref_slice %arg4[%mul3A_4, %dma_wait3A] : memref<10240x16xf32, #tpu.memory_space<hbm>> -> memref<640x16xf32, #tpu.memory_space<hbm>>
      %dma_wait3A_49 = arith.constant 0 : i32
      %dma_wait3A_50 = tpu.memref_slice %arg4[%mul3A_4, %dma_wait3A_49] : memref<10240x16xf32, #tpu.memory_space<hbm>> -> memref<640x16xf32, #tpu.memory_space<hbm>>
      tpu.wait_dma2 semaphore(%run_scoped3A : memref<!tpu.dma_semaphore, #tpu.memory_space<semaphore_mem>>) src(%dma_wait3A_50 : memref<640x16xf32, #tpu.memory_space<hbm>>) dst(%arg8 : memref<640x16xf32, #tpu.memory_space<vmem>>)
      tpu.yield
    }) : () -> ()
    %mul3A_5 = arith.constant 640 : i32
    %mul3A_6 = arith.muli %arg1, %mul3A_5 : i32
    "tpu.region"() ({
      %run_scoped3A = tpu.sem_alloc : memref<!tpu.dma_semaphore, #tpu.memory_space<semaphore_mem>>
      %dma_start3A_44 = arith.constant 0 : i32
      %dma_start3A_45 = tpu.memref_slice %arg9[%mul3A_6, %dma_start3A_44] : memref<10240x16xf32, #tpu.memory_space<vmem_shared>> -> memref<640x16xf32, #tpu.memory_space<vmem_shared>>
      %dma_start3A_46 = arith.constant 0 : i32
      %dma_start3A_47 = tpu.memref_slice %arg9[%mul3A_6, %dma_start3A_46] : memref<10240x16xf32, #tpu.memory_space<vmem_shared>> -> memref<640x16xf32, #tpu.memory_space<vmem_shared>>
      tpu.enqueue_dma source(%arg8 : memref<640x16xf32, #tpu.memory_space<vmem>>) target(%dma_start3A_47 : memref<640x16xf32, #tpu.memory_space<vmem_shared>>) target_semaphore(%run_scoped3A : memref<!tpu.dma_semaphore, #tpu.memory_space<semaphore_mem>>)
      %dma_wait3A = arith.constant 0 : i32
      %dma_wait3A_48 = tpu.memref_slice %arg9[%mul3A_6, %dma_wait3A] : memref<10240x16xf32, #tpu.memory_space<vmem_shared>> -> memref<640x16xf32, #tpu.memory_space<vmem_shared>>
      %dma_wait3A_49 = arith.constant 0 : i32
      %dma_wait3A_50 = tpu.memref_slice %arg9[%mul3A_6, %dma_wait3A_49] : memref<10240x16xf32, #tpu.memory_space<vmem_shared>> -> memref<640x16xf32, #tpu.memory_space<vmem_shared>>
      tpu.wait_dma2 semaphore(%run_scoped3A : memref<!tpu.dma_semaphore, #tpu.memory_space<semaphore_mem>>) src(%arg8 : memref<640x16xf32, #tpu.memory_space<vmem>>) dst(%dma_wait3A_50 : memref<640x16xf32, #tpu.memory_space<vmem_shared>>)
      tpu.yield
    }) : () -> ()
    %barrier3A = arith.constant 0 : index
    tpu.barrier barrier_id(%barrier3A)
    "tpu.region"() ({
      %run_scoped3A = tpu.sem_alloc : memref<!tpu.dma_semaphore, #tpu.memory_space<semaphore_mem>>
      %dma_start3A_44 = arith.constant 0 : i32
      %dma_start3A_45 = arith.constant 0 : i32
      %dma_start3A_46 = tpu.memref_slice %arg3[%add3A, %dma_start3A_44, %dma_start3A_45] : memref<32x40x128xi32, #tpu.memory_space<hbm>> -> memref<1x40x128xi32, #tpu.memory_space<hbm>>
      %dma_start3A_47 = tpu.memref_squeeze %dma_start3A_46 : memref<1x40x128xi32, #tpu.memory_space<hbm>> -> memref<40x128xi32, #tpu.memory_space<hbm>>
      %dma_start3A_48 = arith.constant 0 : i32
      %dma_start3A_49 = arith.constant 0 : i32
      %dma_start3A_50 = tpu.memref_slice %arg3[%add3A, %dma_start3A_48, %dma_start3A_49] : memref<32x40x128xi32, #tpu.memory_space<hbm>> -> memref<1x40x128xi32, #tpu.memory_space<hbm>>
      %dma_start3A_51 = tpu.memref_squeeze %dma_start3A_50 : memref<1x40x128xi32, #tpu.memory_space<hbm>> -> memref<40x128xi32, #tpu.memory_space<hbm>>
      tpu.enqueue_dma source(%dma_start3A_51 : memref<40x128xi32, #tpu.memory_space<hbm>>) target(%arg6 : memref<40x128xi32, #tpu.memory_space<vmem>>) target_semaphore(%run_scoped3A : memref<!tpu.dma_semaphore, #tpu.memory_space<semaphore_mem>>)
      %dma_wait3A = arith.constant 0 : i32
      %dma_wait3A_52 = arith.constant 0 : i32
      %dma_wait3A_53 = tpu.memref_slice %arg3[%add3A, %dma_wait3A, %dma_wait3A_52] : memref<32x40x128xi32, #tpu.memory_space<hbm>> -> memref<1x40x128xi32, #tpu.memory_space<hbm>>
      %dma_wait3A_54 = tpu.memref_squeeze %dma_wait3A_53 : memref<1x40x128xi32, #tpu.memory_space<hbm>> -> memref<40x128xi32, #tpu.memory_space<hbm>>
      %dma_wait3A_55 = arith.constant 0 : i32
      %dma_wait3A_56 = arith.constant 0 : i32
      %dma_wait3A_57 = tpu.memref_slice %arg3[%add3A, %dma_wait3A_55, %dma_wait3A_56] : memref<32x40x128xi32, #tpu.memory_space<hbm>> -> memref<1x40x128xi32, #tpu.memory_space<hbm>>
      %dma_wait3A_58 = tpu.memref_squeeze %dma_wait3A_57 : memref<1x40x128xi32, #tpu.memory_space<hbm>> -> memref<40x128xi32, #tpu.memory_space<hbm>>
      tpu.wait_dma2 semaphore(%run_scoped3A : memref<!tpu.dma_semaphore, #tpu.memory_space<semaphore_mem>>) src(%dma_wait3A_58 : memref<40x128xi32, #tpu.memory_space<hbm>>) dst(%arg6 : memref<40x128xi32, #tpu.memory_space<vmem>>)
      tpu.yield
    }) : () -> ()
    %dma_start3A = arith.constant 0 : i32
    %dma_start3A_7 = arith.constant 0 : i32
    %dma_start3A_8 = arith.constant 0 : i32
    %dma_start3A_9 = tpu.memref_slice %arg7[%dma_start3A, %dma_start3A_7, %dma_start3A_8] : memref<2x128x16xf32, #tpu.memory_space<vmem>> -> memref<1x128x16xf32, #tpu.memory_space<vmem>>
    %dma_start3A_10 = tpu.memref_squeeze %dma_start3A_9 : memref<1x128x16xf32, #tpu.memory_space<vmem>> -> memref<128x16xf32, #tpu.memory_space<vmem>>
    %dma_start3A_11 = arith.constant 0 : i32
    %dma_start3A_12 = tpu.memref_slice %arg2[%mul3A_2, %dma_start3A_11] : memref<163840x16xf32, #tpu.memory_space<hbm>> -> memref<128x16xf32, #tpu.memory_space<hbm>>
    %dma_start3A_13 = arith.constant 0 : i32
    %dma_start3A_14 = arith.constant 0 : i32
    %dma_start3A_15 = tpu.memref_slice %arg7[%dma_start3A, %dma_start3A_13, %dma_start3A_14] : memref<2x128x16xf32, #tpu.memory_space<vmem>> -> memref<1x128x16xf32, #tpu.memory_space<vmem>>
    %dma_start3A_16 = tpu.memref_squeeze %dma_start3A_15 : memref<1x128x16xf32, #tpu.memory_space<vmem>> -> memref<128x16xf32, #tpu.memory_space<vmem>>
    %dma_start3A_17 = arith.constant 0 : i32
    %dma_start3A_18 = tpu.memref_slice %arg2[%mul3A_2, %dma_start3A_17] : memref<163840x16xf32, #tpu.memory_space<hbm>> -> memref<128x16xf32, #tpu.memory_space<hbm>>
    tpu.enqueue_dma source(%dma_start3A_18 : memref<128x16xf32, #tpu.memory_space<hbm>>) target(%dma_start3A_16 : memref<128x16xf32, #tpu.memory_space<vmem>>) target_semaphore(%arg10 : memref<!tpu.dma_semaphore, #tpu.memory_space<semaphore_mem>>)
    %add3A_19 = arith.constant 128 : i32
    %add3A_20 = arith.addi %mul3A_2, %add3A_19 : i32
    %dma_start3A_21 = arith.constant 1 : i32
    %dma_start3A_22 = arith.constant 0 : i32
    %dma_start3A_23 = arith.constant 0 : i32
    %dma_start3A_24 = tpu.memref_slice %arg7[%dma_start3A_21, %dma_start3A_22, %dma_start3A_23] : memref<2x128x16xf32, #tpu.memory_space<vmem>> -> memref<1x128x16xf32, #tpu.memory_space<vmem>>
    %dma_start3A_25 = tpu.memref_squeeze %dma_start3A_24 : memref<1x128x16xf32, #tpu.memory_space<vmem>> -> memref<128x16xf32, #tpu.memory_space<vmem>>
    %dma_start3A_26 = arith.constant 0 : i32
    %dma_start3A_27 = tpu.memref_slice %arg2[%add3A_20, %dma_start3A_26] : memref<163840x16xf32, #tpu.memory_space<hbm>> -> memref<128x16xf32, #tpu.memory_space<hbm>>
    %dma_start3A_28 = arith.constant 0 : i32
    %dma_start3A_29 = arith.constant 0 : i32
    %dma_start3A_30 = tpu.memref_slice %arg7[%dma_start3A_21, %dma_start3A_28, %dma_start3A_29] : memref<2x128x16xf32, #tpu.memory_space<vmem>> -> memref<1x128x16xf32, #tpu.memory_space<vmem>>
    %dma_start3A_31 = tpu.memref_squeeze %dma_start3A_30 : memref<1x128x16xf32, #tpu.memory_space<vmem>> -> memref<128x16xf32, #tpu.memory_space<vmem>>
    %dma_start3A_32 = arith.constant 0 : i32
    %dma_start3A_33 = tpu.memref_slice %arg2[%add3A_20, %dma_start3A_32] : memref<163840x16xf32, #tpu.memory_space<hbm>> -> memref<128x16xf32, #tpu.memory_space<hbm>>
    tpu.enqueue_dma source(%dma_start3A_33 : memref<128x16xf32, #tpu.memory_space<hbm>>) target(%dma_start3A_31 : memref<128x16xf32, #tpu.memory_space<vmem>>) target_semaphore(%arg11 : memref<!tpu.dma_semaphore, #tpu.memory_space<semaphore_mem>>)
    %scan3A = arith.constant 0 : i32
    %scan3A_34 = arith.constant 0 : i32
    %scan3A_35 = arith.constant 20 : i32
    %scan3A_36 = arith.addi %scan3A_34, %scan3A_35 : i32
    %scan3A_37 = arith.constant 1 : i32
    scf.for %scan3A_44 = %scan3A_34 to %scan3A_36 step %scan3A_37  : i32 {
      %mul3A_45 = arith.constant 2 : i32
      %mul3A_46 = arith.muli %mul3A_45, %scan3A_44 : i32
      %add3A_47 = arith.constant 0 : i32
      %add3A_48 = arith.addi %mul3A_46, %add3A_47 : i32
      %mul3A_49 = arith.constant 128 : i32
      %mul3A_50 = arith.muli %add3A_48, %mul3A_49 : i32
      %add3A_51 = arith.addi %mul3A_2, %mul3A_50 : i32
      %dma_wait3A = arith.constant 0 : i32
      %dma_wait3A_52 = arith.constant 0 : i32
      %dma_wait3A_53 = arith.constant 0 : i32
      %dma_wait3A_54 = tpu.memref_slice %arg7[%dma_wait3A, %dma_wait3A_52, %dma_wait3A_53] : memref<2x128x16xf32, #tpu.memory_space<vmem>> -> memref<1x128x16xf32, #tpu.memory_space<vmem>>
      %dma_wait3A_55 = tpu.memref_squeeze %dma_wait3A_54 : memref<1x128x16xf32, #tpu.memory_space<vmem>> -> memref<128x16xf32, #tpu.memory_space<vmem>>
      %dma_wait3A_56 = arith.constant 0 : i32
      %dma_wait3A_57 = tpu.memref_slice %arg2[%add3A_51, %dma_wait3A_56] : memref<163840x16xf32, #tpu.memory_space<hbm>> -> memref<128x16xf32, #tpu.memory_space<hbm>>
      %dma_wait3A_58 = arith.constant 0 : i32
      %dma_wait3A_59 = arith.constant 0 : i32
      %dma_wait3A_60 = tpu.memref_slice %arg7[%dma_wait3A, %dma_wait3A_58, %dma_wait3A_59] : memref<2x128x16xf32, #tpu.memory_space<vmem>> -> memref<1x128x16xf32, #tpu.memory_space<vmem>>
      %dma_wait3A_61 = tpu.memref_squeeze %dma_wait3A_60 : memref<1x128x16xf32, #tpu.memory_space<vmem>> -> memref<128x16xf32, #tpu.memory_space<vmem>>
      %dma_wait3A_62 = arith.constant 0 : i32
      %dma_wait3A_63 = tpu.memref_slice %arg2[%add3A_51, %dma_wait3A_62] : memref<163840x16xf32, #tpu.memory_space<hbm>> -> memref<128x16xf32, #tpu.memory_space<hbm>>
      tpu.wait_dma2 semaphore(%arg10 : memref<!tpu.dma_semaphore, #tpu.memory_space<semaphore_mem>>) src(%dma_wait3A_63 : memref<128x16xf32, #tpu.memory_space<hbm>>) dst(%dma_wait3A_61 : memref<128x16xf32, #tpu.memory_space<vmem>>)
      %run_scoped3A = arith.constant 0 : i32
      "tpu.region"() ({
        %run_scoped3A_96 = tpu.sem_alloc : memref<!tpu.dma_semaphore, #tpu.memory_space<semaphore_mem>>
        %dma_start3A_97 = arith.constant 0 : i32
        %dma_start3A_98 = arith.constant 0 : i32
        %dma_start3A_99 = tpu.memref_slice %arg7[%run_scoped3A, %dma_start3A_97, %dma_start3A_98] : memref<2x128x16xf32, #tpu.memory_space<vmem>> -> memref<1x128x16xf32, #tpu.memory_space<vmem>>
        %dma_start3A_100 = tpu.memref_squeeze %dma_start3A_99 : memref<1x128x16xf32, #tpu.memory_space<vmem>> -> memref<128x16xf32, #tpu.memory_space<vmem>>
        %dma_start3A_101 = arith.constant 0 : i32
        %dma_start3A_102 = tpu.memref_slice %arg6[%add3A_48, %dma_start3A_101] : memref<40x128xi32, #tpu.memory_space<vmem>> -> memref<1x128xi32, #tpu.memory_space<vmem>>
        %dma_start3A_103 = tpu.memref_squeeze %dma_start3A_102 : memref<1x128xi32, #tpu.memory_space<vmem>> -> memref<128xi32, #tpu.memory_space<vmem>>
        %dma_start3A_104 = arith.constant 0 : i32
        %dma_start3A_105 = arith.constant 0 : i32
        %dma_start3A_106 = tpu.memref_slice %arg9[%dma_start3A_104, %dma_start3A_105] : memref<10240x16xf32, #tpu.memory_space<vmem_shared>> -> memref<10240x16xf32, #tpu.memory_space<vmem_shared>>
        tpu.enqueue_indirect_dma source(%dma_start3A_100 : memref<128x16xf32, #tpu.memory_space<vmem>>) target(%dma_start3A_106 : memref<10240x16xf32, #tpu.memory_space<vmem_shared>>) offsets(%dma_start3A_103 : memref<128xi32, #tpu.memory_space<vmem>>) semaphore(%run_scoped3A_96 : memref<!tpu.dma_semaphore, #tpu.memory_space<semaphore_mem>>) {add = true}
        %dma_wait3A_107 = arith.constant 0 : i32
        %dma_wait3A_108 = arith.constant 0 : i32
        %dma_wait3A_109 = tpu.memref_slice %arg7[%run_scoped3A, %dma_wait3A_107, %dma_wait3A_108] : memref<2x128x16xf32, #tpu.memory_space<vmem>> -> memref<1x128x16xf32, #tpu.memory_space<vmem>>
        %dma_wait3A_110 = tpu.memref_squeeze %dma_wait3A_109 : memref<1x128x16xf32, #tpu.memory_space<vmem>> -> memref<128x16xf32, #tpu.memory_space<vmem>>
        %dma_wait3A_111 = arith.constant 0 : i32
        %dma_wait3A_112 = tpu.memref_slice %arg6[%add3A_48, %dma_wait3A_111] : memref<40x128xi32, #tpu.memory_space<vmem>> -> memref<1x128xi32, #tpu.memory_space<vmem>>
        %dma_wait3A_113 = tpu.memref_squeeze %dma_wait3A_112 : memref<1x128xi32, #tpu.memory_space<vmem>> -> memref<128xi32, #tpu.memory_space<vmem>>
        %dma_wait3A_114 = arith.constant 0 : i32
        %dma_wait3A_115 = arith.constant 0 : i32
        %dma_wait3A_116 = tpu.memref_slice %arg9[%dma_wait3A_114, %dma_wait3A_115] : memref<10240x16xf32, #tpu.memory_space<vmem_shared>> -> memref<10240x16xf32, #tpu.memory_space<vmem_shared>>
        tpu.wait_indirect_dma semaphore(%run_scoped3A_96 : memref<!tpu.dma_semaphore, #tpu.memory_space<semaphore_mem>>) src(%dma_wait3A_110 : memref<128x16xf32, #tpu.memory_space<vmem>>) dst(%dma_wait3A_116 : memref<10240x16xf32, #tpu.memory_space<vmem_shared>>)
        tpu.yield
      }) : () -> ()
      %add3A_64 = arith.constant 2 : i32
      %add3A_65 = arith.addi %add3A_48, %add3A_64 : i32
      %lt3A = arith.constant 40 : i32
      %lt3A_66 = arith.cmpi slt, %add3A_65, %lt3A : i32
      %convert_element_type3A = arith.extui %lt3A_66 : i1 to i32
      %cond3A = arith.constant 0 : i32
      %cond3A_67 = arith.cmpi ne, %convert_element_type3A, %cond3A : i32
      scf.if %cond3A_67 {
        %add3A_96 = arith.constant 2 : i32
        %add3A_97 = arith.addi %add3A_48, %add3A_96 : i32
        %mul3A_98 = arith.constant 128 : i32
        %mul3A_99 = arith.muli %add3A_97, %mul3A_98 : i32
        %add3A_100 = arith.addi %mul3A_2, %mul3A_99 : i32
        %dma_start3A_101 = arith.constant 0 : i32
        %dma_start3A_102 = arith.constant 0 : i32
        %dma_start3A_103 = arith.constant 0 : i32
        %dma_start3A_104 = tpu.memref_slice %arg7[%dma_start3A_101, %dma_start3A_102, %dma_start3A_103] : memref<2x128x16xf32, #tpu.memory_space<vmem>> -> memref<1x128x16xf32, #tpu.memory_space<vmem>>
        %dma_start3A_105 = tpu.memref_squeeze %dma_start3A_104 : memref<1x128x16xf32, #tpu.memory_space<vmem>> -> memref<128x16xf32, #tpu.memory_space<vmem>>
        %dma_start3A_106 = arith.constant 0 : i32
        %dma_start3A_107 = tpu.memref_slice %arg2[%add3A_100, %dma_start3A_106] : memref<163840x16xf32, #tpu.memory_space<hbm>> -> memref<128x16xf32, #tpu.memory_space<hbm>>
        %dma_start3A_108 = arith.constant 0 : i32
        %dma_start3A_109 = arith.constant 0 : i32
        %dma_start3A_110 = tpu.memref_slice %arg7[%dma_start3A_101, %dma_start3A_108, %dma_start3A_109] : memref<2x128x16xf32, #tpu.memory_space<vmem>> -> memref<1x128x16xf32, #tpu.memory_space<vmem>>
        %dma_start3A_111 = tpu.memref_squeeze %dma_start3A_110 : memref<1x128x16xf32, #tpu.memory_space<vmem>> -> memref<128x16xf32, #tpu.memory_space<vmem>>
        %dma_start3A_112 = arith.constant 0 : i32
        %dma_start3A_113 = tpu.memref_slice %arg2[%add3A_100, %dma_start3A_112] : memref<163840x16xf32, #tpu.memory_space<hbm>> -> memref<128x16xf32, #tpu.memory_space<hbm>>
        tpu.enqueue_dma source(%dma_start3A_113 : memref<128x16xf32, #tpu.memory_space<hbm>>) target(%dma_start3A_111 : memref<128x16xf32, #tpu.memory_space<vmem>>) target_semaphore(%arg10 : memref<!tpu.dma_semaphore, #tpu.memory_space<semaphore_mem>>)
      } else {
      }
      %mul3A_68 = arith.constant 2 : i32
      %mul3A_69 = arith.muli %mul3A_68, %scan3A_44 : i32
      %add3A_70 = arith.constant 1 : i32
      %add3A_71 = arith.addi %mul3A_69, %add3A_70 : i32
      %mul3A_72 = arith.constant 128 : i32
      %mul3A_73 = arith.muli %add3A_71, %mul3A_72 : i32
      %add3A_74 = arith.addi %mul3A_2, %mul3A_73 : i32
      %dma_wait3A_75 = arith.constant 1 : i32
      %dma_wait3A_76 = arith.constant 0 : i32
      %dma_wait3A_77 = arith.constant 0 : i32
      %dma_wait3A_78 = tpu.memref_slice %arg7[%dma_wait3A_75, %dma_wait3A_76, %dma_wait3A_77] : memref<2x128x16xf32, #tpu.memory_space<vmem>> -> memref<1x128x16xf32, #tpu.memory_space<vmem>>
      %dma_wait3A_79 = tpu.memref_squeeze %dma_wait3A_78 : memref<1x128x16xf32, #tpu.memory_space<vmem>> -> memref<128x16xf32, #tpu.memory_space<vmem>>
      %dma_wait3A_80 = arith.constant 0 : i32
      %dma_wait3A_81 = tpu.memref_slice %arg2[%add3A_74, %dma_wait3A_80] : memref<163840x16xf32, #tpu.memory_space<hbm>> -> memref<128x16xf32, #tpu.memory_space<hbm>>
      %dma_wait3A_82 = arith.constant 0 : i32
      %dma_wait3A_83 = arith.constant 0 : i32
      %dma_wait3A_84 = tpu.memref_slice %arg7[%dma_wait3A_75, %dma_wait3A_82, %dma_wait3A_83] : memref<2x128x16xf32, #tpu.memory_space<vmem>> -> memref<1x128x16xf32, #tpu.memory_space<vmem>>
      %dma_wait3A_85 = tpu.memref_squeeze %dma_wait3A_84 : memref<1x128x16xf32, #tpu.memory_space<vmem>> -> memref<128x16xf32, #tpu.memory_space<vmem>>
      %dma_wait3A_86 = arith.constant 0 : i32
      %dma_wait3A_87 = tpu.memref_slice %arg2[%add3A_74, %dma_wait3A_86] : memref<163840x16xf32, #tpu.memory_space<hbm>> -> memref<128x16xf32, #tpu.memory_space<hbm>>
      tpu.wait_dma2 semaphore(%arg11 : memref<!tpu.dma_semaphore, #tpu.memory_space<semaphore_mem>>) src(%dma_wait3A_87 : memref<128x16xf32, #tpu.memory_space<hbm>>) dst(%dma_wait3A_85 : memref<128x16xf32, #tpu.memory_space<vmem>>)
      %run_scoped3A_88 = arith.constant 1 : i32
      "tpu.region"() ({
        %run_scoped3A_96 = tpu.sem_alloc : memref<!tpu.dma_semaphore, #tpu.memory_space<semaphore_mem>>
        %dma_start3A_97 = arith.constant 0 : i32
        %dma_start3A_98 = arith.constant 0 : i32
        %dma_start3A_99 = tpu.memref_slice %arg7[%run_scoped3A_88, %dma_start3A_97, %dma_start3A_98] : memref<2x128x16xf32, #tpu.memory_space<vmem>> -> memref<1x128x16xf32, #tpu.memory_space<vmem>>
        %dma_start3A_100 = tpu.memref_squeeze %dma_start3A_99 : memref<1x128x16xf32, #tpu.memory_space<vmem>> -> memref<128x16xf32, #tpu.memory_space<vmem>>
        %dma_start3A_101 = arith.constant 0 : i32
        %dma_start3A_102 = tpu.memref_slice %arg6[%add3A_71, %dma_start3A_101] : memref<40x128xi32, #tpu.memory_space<vmem>> -> memref<1x128xi32, #tpu.memory_space<vmem>>
        %dma_start3A_103 = tpu.memref_squeeze %dma_start3A_102 : memref<1x128xi32, #tpu.memory_space<vmem>> -> memref<128xi32, #tpu.memory_space<vmem>>
        %dma_start3A_104 = arith.constant 0 : i32
        %dma_start3A_105 = arith.constant 0 : i32
        %dma_start3A_106 = tpu.memref_slice %arg9[%dma_start3A_104, %dma_start3A_105] : memref<10240x16xf32, #tpu.memory_space<vmem_shared>> -> memref<10240x16xf32, #tpu.memory_space<vmem_shared>>
        tpu.enqueue_indirect_dma source(%dma_start3A_100 : memref<128x16xf32, #tpu.memory_space<vmem>>) target(%dma_start3A_106 : memref<10240x16xf32, #tpu.memory_space<vmem_shared>>) offsets(%dma_start3A_103 : memref<128xi32, #tpu.memory_space<vmem>>) semaphore(%run_scoped3A_96 : memref<!tpu.dma_semaphore, #tpu.memory_space<semaphore_mem>>) {add = true}
        %dma_wait3A_107 = arith.constant 0 : i32
        %dma_wait3A_108 = arith.constant 0 : i32
        %dma_wait3A_109 = tpu.memref_slice %arg7[%run_scoped3A_88, %dma_wait3A_107, %dma_wait3A_108] : memref<2x128x16xf32, #tpu.memory_space<vmem>> -> memref<1x128x16xf32, #tpu.memory_space<vmem>>
        %dma_wait3A_110 = tpu.memref_squeeze %dma_wait3A_109 : memref<1x128x16xf32, #tpu.memory_space<vmem>> -> memref<128x16xf32, #tpu.memory_space<vmem>>
        %dma_wait3A_111 = arith.constant 0 : i32
        %dma_wait3A_112 = tpu.memref_slice %arg6[%add3A_71, %dma_wait3A_111] : memref<40x128xi32, #tpu.memory_space<vmem>> -> memref<1x128xi32, #tpu.memory_space<vmem>>
        %dma_wait3A_113 = tpu.memref_squeeze %dma_wait3A_112 : memref<1x128xi32, #tpu.memory_space<vmem>> -> memref<128xi32, #tpu.memory_space<vmem>>
        %dma_wait3A_114 = arith.constant 0 : i32
        %dma_wait3A_115 = arith.constant 0 : i32
        %dma_wait3A_116 = tpu.memref_slice %arg9[%dma_wait3A_114, %dma_wait3A_115] : memref<10240x16xf32, #tpu.memory_space<vmem_shared>> -> memref<10240x16xf32, #tpu.memory_space<vmem_shared>>
        tpu.wait_indirect_dma semaphore(%run_scoped3A_96 : memref<!tpu.dma_semaphore, #tpu.memory_space<semaphore_mem>>) src(%dma_wait3A_110 : memref<128x16xf32, #tpu.memory_space<vmem>>) dst(%dma_wait3A_116 : memref<10240x16xf32, #tpu.memory_space<vmem_shared>>)
        tpu.yield
      }) : () -> ()
      %add3A_89 = arith.constant 2 : i32
      %add3A_90 = arith.addi %add3A_71, %add3A_89 : i32
      %lt3A_91 = arith.constant 40 : i32
      %lt3A_92 = arith.cmpi slt, %add3A_90, %lt3A_91 : i32
      %convert_element_type3A_93 = arith.extui %lt3A_92 : i1 to i32
      %cond3A_94 = arith.constant 0 : i32
      %cond3A_95 = arith.cmpi ne, %convert_element_type3A_93, %cond3A_94 : i32
      scf.if %cond3A_95 {
        %add3A_96 = arith.constant 2 : i32
        %add3A_97 = arith.addi %add3A_71, %add3A_96 : i32
        %mul3A_98 = arith.constant 128 : i32
        %mul3A_99 = arith.muli %add3A_97, %mul3A_98 : i32
        %add3A_100 = arith.addi %mul3A_2, %mul3A_99 : i32
        %dma_start3A_101 = arith.constant 1 : i32
        %dma_start3A_102 = arith.constant 0 : i32
        %dma_start3A_103 = arith.constant 0 : i32
        %dma_start3A_104 = tpu.memref_slice %arg7[%dma_start3A_101, %dma_start3A_102, %dma_start3A_103] : memref<2x128x16xf32, #tpu.memory_space<vmem>> -> memref<1x128x16xf32, #tpu.memory_space<vmem>>
        %dma_start3A_105 = tpu.memref_squeeze %dma_start3A_104 : memref<1x128x16xf32, #tpu.memory_space<vmem>> -> memref<128x16xf32, #tpu.memory_space<vmem>>
        %dma_start3A_106 = arith.constant 0 : i32
        %dma_start3A_107 = tpu.memref_slice %arg2[%add3A_100, %dma_start3A_106] : memref<163840x16xf32, #tpu.memory_space<hbm>> -> memref<128x16xf32, #tpu.memory_space<hbm>>
        %dma_start3A_108 = arith.constant 0 : i32
        %dma_start3A_109 = arith.constant 0 : i32
        %dma_start3A_110 = tpu.memref_slice %arg7[%dma_start3A_101, %dma_start3A_108, %dma_start3A_109] : memref<2x128x16xf32, #tpu.memory_space<vmem>> -> memref<1x128x16xf32, #tpu.memory_space<vmem>>
        %dma_start3A_111 = tpu.memref_squeeze %dma_start3A_110 : memref<1x128x16xf32, #tpu.memory_space<vmem>> -> memref<128x16xf32, #tpu.memory_space<vmem>>
        %dma_start3A_112 = arith.constant 0 : i32
        %dma_start3A_113 = tpu.memref_slice %arg2[%add3A_100, %dma_start3A_112] : memref<163840x16xf32, #tpu.memory_space<hbm>> -> memref<128x16xf32, #tpu.memory_space<hbm>>
        tpu.enqueue_dma source(%dma_start3A_113 : memref<128x16xf32, #tpu.memory_space<hbm>>) target(%dma_start3A_111 : memref<128x16xf32, #tpu.memory_space<vmem>>) target_semaphore(%arg11 : memref<!tpu.dma_semaphore, #tpu.memory_space<semaphore_mem>>)
      } else {
      }
    }
    %scan3A_38 = arith.constant 20 : i32
    %barrier3A_39 = arith.constant 0 : index
    tpu.barrier barrier_id(%barrier3A_39)
    %mul3A_40 = arith.constant 640 : i32
    %mul3A_41 = arith.muli %arg1, %mul3A_40 : i32
    "tpu.region"() ({
      %run_scoped3A = tpu.sem_alloc : memref<!tpu.dma_semaphore, #tpu.memory_space<semaphore_mem>>
      %dma_start3A_44 = arith.constant 0 : i32
      %dma_start3A_45 = tpu.memref_slice %arg9[%mul3A_41, %dma_start3A_44] : memref<10240x16xf32, #tpu.memory_space<vmem_shared>> -> memref<640x16xf32, #tpu.memory_space<vmem_shared>>
      %dma_start3A_46 = arith.constant 0 : i32
      %dma_start3A_47 = tpu.memref_slice %arg9[%mul3A_41, %dma_start3A_46] : memref<10240x16xf32, #tpu.memory_space<vmem_shared>> -> memref<640x16xf32, #tpu.memory_space<vmem_shared>>
      tpu.enqueue_dma source(%dma_start3A_47 : memref<640x16xf32, #tpu.memory_space<vmem_shared>>) target(%arg8 : memref<640x16xf32, #tpu.memory_space<vmem>>) target_semaphore(%run_scoped3A : memref<!tpu.dma_semaphore, #tpu.memory_space<semaphore_mem>>)
      %dma_wait3A = arith.constant 0 : i32
      %dma_wait3A_48 = tpu.memref_slice %arg9[%mul3A_41, %dma_wait3A] : memref<10240x16xf32, #tpu.memory_space<vmem_shared>> -> memref<640x16xf32, #tpu.memory_space<vmem_shared>>
      %dma_wait3A_49 = arith.constant 0 : i32
      %dma_wait3A_50 = tpu.memref_slice %arg9[%mul3A_41, %dma_wait3A_49] : memref<10240x16xf32, #tpu.memory_space<vmem_shared>> -> memref<640x16xf32, #tpu.memory_space<vmem_shared>>
      tpu.wait_dma2 semaphore(%run_scoped3A : memref<!tpu.dma_semaphore, #tpu.memory_space<semaphore_mem>>) src(%dma_wait3A_50 : memref<640x16xf32, #tpu.memory_space<vmem_shared>>) dst(%arg8 : memref<640x16xf32, #tpu.memory_space<vmem>>)
      tpu.yield
    }) : () -> ()
    %mul3A_42 = arith.constant 640 : i32
    %mul3A_43 = arith.muli %arg1, %mul3A_42 : i32
    "tpu.region"() ({
      %run_scoped3A = tpu.sem_alloc : memref<!tpu.dma_semaphore, #tpu.memory_space<semaphore_mem>>
      %dma_start3A_44 = arith.constant 0 : i32
      %dma_start3A_45 = tpu.memref_slice %arg5[%arg0, %mul3A_43, %dma_start3A_44] : memref<2x10240x16xf32, #tpu.memory_space<hbm>> -> memref<1x640x16xf32, #tpu.memory_space<hbm>>
      %dma_start3A_46 = tpu.memref_squeeze %dma_start3A_45 : memref<1x640x16xf32, #tpu.memory_space<hbm>> -> memref<640x16xf32, #tpu.memory_space<hbm>>
      %dma_start3A_47 = arith.constant 0 : i32
      %dma_start3A_48 = tpu.memref_slice %arg5[%arg0, %mul3A_43, %dma_start3A_47] : memref<2x10240x16xf32, #tpu.memory_space<hbm>> -> memref<1x640x16xf32, #tpu.memory_space<hbm>>
      %dma_start3A_49 = tpu.memref_squeeze %dma_start3A_48 : memref<1x640x16xf32, #tpu.memory_space<hbm>> -> memref<640x16xf32, #tpu.memory_space<hbm>>
      tpu.enqueue_dma source(%arg8 : memref<640x16xf32, #tpu.memory_space<vmem>>) target(%dma_start3A_49 : memref<640x16xf32, #tpu.memory_space<hbm>>) target_semaphore(%run_scoped3A : memref<!tpu.dma_semaphore, #tpu.memory_space<semaphore_mem>>)
      %dma_wait3A = arith.constant 0 : i32
      %dma_wait3A_50 = tpu.memref_slice %arg5[%arg0, %mul3A_43, %dma_wait3A] : memref<2x10240x16xf32, #tpu.memory_space<hbm>> -> memref<1x640x16xf32, #tpu.memory_space<hbm>>
      %dma_wait3A_51 = tpu.memref_squeeze %dma_wait3A_50 : memref<1x640x16xf32, #tpu.memory_space<hbm>> -> memref<640x16xf32, #tpu.memory_space<hbm>>
      %dma_wait3A_52 = arith.constant 0 : i32
      %dma_wait3A_53 = tpu.memref_slice %arg5[%arg0, %mul3A_43, %dma_wait3A_52] : memref<2x10240x16xf32, #tpu.memory_space<hbm>> -> memref<1x640x16xf32, #tpu.memory_space<hbm>>
      %dma_wait3A_54 = tpu.memref_squeeze %dma_wait3A_53 : memref<1x640x16xf32, #tpu.memory_space<hbm>> -> memref<640x16xf32, #tpu.memory_space<hbm>>
      tpu.wait_dma2 semaphore(%run_scoped3A : memref<!tpu.dma_semaphore, #tpu.memory_space<semaphore_mem>>) src(%arg8 : memref<640x16xf32, #tpu.memory_space<vmem>>) dst(%dma_wait3A_54 : memref<640x16xf32, #tpu.memory_space<hbm>>)
      tpu.yield
    }) : () -> ()
    return
  }
}

module attributes {stable_mosaic.version = 14 : i64} {
  func.func @_msg_body(%arg0: i32, %arg1: memref<2048x32xf32, #tpu.memory_space<vmem>>, %arg2: memref<2048x16xf32, #tpu.memory_space<vmem>>, %arg3: memref<32x512xbf16, #tpu.memory_space<vmem>>, %arg4: memref<64x512xbf16, #tpu.memory_space<vmem>>, %arg5: memref<1632x16xbf16, #tpu.memory_space<vmem>>, %arg6: memref<2048x16xf32, #tpu.memory_space<vmem>>) attributes {dimension_semantics = [#tpu.dimension_semantics<arbitrary>], iteration_bounds = array<i64: 80>, scalar_prefetch = 0 : i64, scratch_operands = 0 : i64, tpu.core_type = #tpu.core_type<tc>, window_params = [{transform_indices = @transform_0, window_bounds = array<i64: 2048, 32>}, {transform_indices = @transform_1, window_bounds = array<i64: 2048, 16>}, {pipeline_mode = #tpu.pipeline_mode<synchronous>, transform_indices = @transform_2, window_bounds = array<i64: 32, 512>}, {pipeline_mode = #tpu.pipeline_mode<synchronous>, transform_indices = @transform_3, window_bounds = array<i64: 64, 512>}, {pipeline_mode = #tpu.pipeline_mode<synchronous>, transform_indices = @transform_4, window_bounds = array<i64: 1632, 16>}, {transform_indices = @transform_5, window_bounds = array<i64: 2048, 16>}]} {
    %get3A = arith.constant 0 : index
    %get3A_0 = arith.constant 0 : index
    %get3A_1 = vector.load %arg1[%get3A, %get3A_0] : memref<2048x32xf32, #tpu.memory_space<vmem>>, vector<2048x32xf32>
    %get3A_2 = arith.constant 0 : index
    %get3A_3 = arith.constant 0 : index
    %get3A_4 = vector.load %arg2[%get3A_2, %get3A_3] : memref<2048x16xf32, #tpu.memory_space<vmem>>, vector<2048x16xf32>
    %convert_element_type3A = arith.truncf %get3A_4 : vector<2048x16xf32> to vector<2048x16xbf16>
    %convert_element_type3A_5 = arith.extf %convert_element_type3A : vector<2048x16xbf16> to vector<2048x16xf32>
    %sub3A = arith.subf %get3A_4, %convert_element_type3A_5 : vector<2048x16xf32>
    %concatenate3A = tpu.concatenate %convert_element_type3A_5, %sub3A in 1 : vector<2048x16xf32>, vector<2048x16xf32> -> vector<2048x32xf32>
    %convert_element_type3A_6 = arith.truncf %concatenate3A : vector<2048x32xf32> to vector<2048x32xbf16>
    %get3A_7 = arith.constant 0 : index
    %get3A_8 = arith.constant 0 : index
    %get3A_9 = vector.load %arg3[%get3A_7, %get3A_8] : memref<32x512xbf16, #tpu.memory_space<vmem>>, vector<32x512xbf16>
    %dot_general3A = arith.constant dense<0.000000e+00> : vector<2048x512xf32>
    %dot_general3A_10 = tpu.matmul %convert_element_type3A_6, %get3A_9, %dot_general3A {dimension_numbers = #tpu.dot_dimension_numbers<[1], [0], [0], [1], [0, 0, 1, 1], [], []>, transpose_lhs_hint = false} : vector<2048x32xbf16>, vector<32x512xbf16>, vector<2048x512xf32> -> vector<2048x512xf32>
    %convert_element_type3A_11 = arith.truncf %get3A_1 : vector<2048x32xf32> to vector<2048x32xbf16>
    %convert_element_type3A_12 = arith.extf %convert_element_type3A_11 : vector<2048x32xbf16> to vector<2048x32xf32>
    %sub3A_13 = arith.subf %get3A_1, %convert_element_type3A_12 : vector<2048x32xf32>
    %concatenate3A_14 = tpu.concatenate %convert_element_type3A_12, %sub3A_13 in 1 : vector<2048x32xf32>, vector<2048x32xf32> -> vector<2048x64xf32>
    %convert_element_type3A_15 = arith.truncf %concatenate3A_14 : vector<2048x64xf32> to vector<2048x64xbf16>
    %get3A_16 = arith.constant 0 : index
    %get3A_17 = arith.constant 0 : index
    %get3A_18 = vector.load %arg4[%get3A_16, %get3A_17] : memref<64x512xbf16, #tpu.memory_space<vmem>>, vector<64x512xbf16>
    %dot_general3A_19 = arith.constant dense<0.000000e+00> : vector<2048x512xf32>
    %dot_general3A_20 = tpu.matmul %convert_element_type3A_15, %get3A_18, %dot_general3A_19 {dimension_numbers = #tpu.dot_dimension_numbers<[1], [0], [0], [1], [0, 0, 1, 1], [], []>, transpose_lhs_hint = false} : vector<2048x64xbf16>, vector<64x512xbf16>, vector<2048x512xf32> -> vector<2048x512xf32>
    %mul3A = arith.mulf %dot_general3A_10, %dot_general3A_20 : vector<2048x512xf32>
    %convert_element_type3A_21 = arith.truncf %mul3A : vector<2048x512xf32> to vector<2048x512xbf16>
    %convert_element_type3A_22 = arith.extf %convert_element_type3A_21 : vector<2048x512xbf16> to vector<2048x512xf32>
    %sub3A_23 = arith.subf %mul3A, %convert_element_type3A_22 : vector<2048x512xf32>
    %convert_element_type3A_24 = arith.truncf %sub3A_23 : vector<2048x512xf32> to vector<2048x512xbf16>
    %convert_element_type3A_25 = arith.truncf %get3A_1 : vector<2048x32xf32> to vector<2048x32xbf16>
    %convert_element_type3A_26 = arith.extf %convert_element_type3A_25 : vector<2048x32xbf16> to vector<2048x32xf32>
    %sub3A_27 = arith.subf %get3A_1, %convert_element_type3A_26 : vector<2048x32xf32>
    %convert_element_type3A_28 = arith.truncf %sub3A_27 : vector<2048x32xf32> to vector<2048x32xbf16>
    %concatenate3A_29 = tpu.concatenate %convert_element_type3A_21, %convert_element_type3A_24, %convert_element_type3A_21, %convert_element_type3A_25, %convert_element_type3A_28, %convert_element_type3A_25 in 1 : vector<2048x512xbf16>, vector<2048x512xbf16>, vector<2048x512xbf16>, vector<2048x32xbf16>, vector<2048x32xbf16>, vector<2048x32xbf16> -> vector<2048x1632xbf16>
    %get3A_30 = arith.constant 0 : index
    %get3A_31 = arith.constant 0 : index
    %get3A_32 = vector.load %arg5[%get3A_30, %get3A_31] : memref<1632x16xbf16, #tpu.memory_space<vmem>>, vector<1632x16xbf16>
    %dot_general3A_33 = arith.constant dense<0.000000e+00> : vector<2048x16xf32>
    %dot_general3A_34 = tpu.matmul %concatenate3A_29, %get3A_32, %dot_general3A_33 {dimension_numbers = #tpu.dot_dimension_numbers<[1], [0], [0], [1], [0, 0, 1, 1], [], []>, transpose_lhs_hint = false} : vector<2048x1632xbf16>, vector<1632x16xbf16>, vector<2048x16xf32> -> vector<2048x16xf32>
    %swap3A = arith.constant 0 : index
    %swap3A_35 = arith.constant 0 : index
    %swap3A_36 = vector.load %arg6[%swap3A, %swap3A_35] : memref<2048x16xf32, #tpu.memory_space<vmem>>, vector<2048x16xf32>
    tpu.vector_store %arg6[%swap3A, %swap3A_35], %dot_general3A_34 {strides = array<i32>} : memref<2048x16xf32, #tpu.memory_space<vmem>>, vector<2048x16xf32>,
    return
  }
  func.func @transform_0(%arg0: i32) -> (i32, i32) {
    %c0_i32 = arith.constant 0 : i32
    %c0_i32_0 = arith.constant 0 : i32
    return %arg0, %c0_i32 : i32, i32
  }
  func.func @transform_1(%arg0: i32) -> (i32, i32) {
    %c0_i32 = arith.constant 0 : i32
    %c0_i32_0 = arith.constant 0 : i32
    return %arg0, %c0_i32 : i32, i32
  }
  func.func @transform_2(%arg0: i32) -> (i32, i32) {
    %c0_i32 = arith.constant 0 : i32
    %c0_i32_0 = arith.constant 0 : i32
    %c0_i32_1 = arith.constant 0 : i32
    return %c0_i32, %c0_i32_0 : i32, i32
  }
  func.func @transform_3(%arg0: i32) -> (i32, i32) {
    %c0_i32 = arith.constant 0 : i32
    %c0_i32_0 = arith.constant 0 : i32
    %c0_i32_1 = arith.constant 0 : i32
    return %c0_i32, %c0_i32_0 : i32, i32
  }
  func.func @transform_4(%arg0: i32) -> (i32, i32) {
    %c0_i32 = arith.constant 0 : i32
    %c0_i32_0 = arith.constant 0 : i32
    %c0_i32_1 = arith.constant 0 : i32
    return %c0_i32, %c0_i32_0 : i32, i32
  }
  func.func @transform_5(%arg0: i32) -> (i32, i32) {
    %c0_i32 = arith.constant 0 : i32
    %c0_i32_0 = arith.constant 0 : i32
    return %arg0, %c0_i32 : i32, i32
  }
}

module attributes {stable_mosaic.version = 14 : i64} {
  func.func @_comb_flat_body(%arg0: memref<2x10240x16xf32, #tpu.memory_space<vmem>>, %arg1: memref<10000x32xf32, #tpu.memory_space<vmem>>, %arg2: memref<32x16xf32, #tpu.memory_space<vmem>>, %arg3: memref<1x16xf32, #tpu.memory_space<vmem>>, %arg4: memref<10000x16xf32, #tpu.memory_space<vmem>>) attributes {dimension_semantics = [], scalar_prefetch = 0 : i64, scratch_operands = 0 : i64, tpu.core_type = #tpu.core_type<tc>} {
    %get3A = arith.constant 0 : index
    %get3A_0 = arith.constant 0 : index
    %get3A_1 = arith.constant 0 : index
    %get3A_2 = vector.load %arg0[%get3A, %get3A_0, %get3A_1] : memref<2x10240x16xf32, #tpu.memory_space<vmem>>, vector<1x10000x16xf32>
    %get3A_3 = vector.shape_cast %get3A_2 : vector<1x10000x16xf32> to vector<10000x16xf32>
    %get3A_4 = arith.constant 1 : index
    %get3A_5 = arith.constant 0 : index
    %get3A_6 = arith.constant 0 : index
    %get3A_7 = vector.load %arg0[%get3A_4, %get3A_5, %get3A_6] : memref<2x10240x16xf32, #tpu.memory_space<vmem>>, vector<1x10000x16xf32>
    %get3A_8 = vector.shape_cast %get3A_7 : vector<1x10000x16xf32> to vector<10000x16xf32>
    %add3A = arith.addf %get3A_3, %get3A_8 : vector<10000x16xf32>
    %get3A_9 = arith.constant 0 : index
    %get3A_10 = arith.constant 0 : index
    %get3A_11 = vector.load %arg1[%get3A_9, %get3A_10] : memref<10000x32xf32, #tpu.memory_space<vmem>>, vector<10000x32xf32>
    %get3A_12 = arith.constant 0 : index
    %get3A_13 = arith.constant 0 : index
    %get3A_14 = vector.load %arg2[%get3A_12, %get3A_13] : memref<32x16xf32, #tpu.memory_space<vmem>>, vector<32x16xf32>
    %dot_general3A = arith.constant dense<0.000000e+00> : vector<10000x16xf32>
    %dot_general3A_15 = tpu.matmul %get3A_11, %get3A_14, %dot_general3A {dimension_numbers = #tpu.dot_dimension_numbers<[1], [0], [0], [1], [0, 0, 1, 1], [], []>, precision = #tpu.contract_precision<fp32>, transpose_lhs_hint = false} : vector<10000x32xf32>, vector<32x16xf32>, vector<10000x16xf32> -> vector<10000x16xf32>
    %add3A_16 = arith.addf %add3A, %dot_general3A_15 : vector<10000x16xf32>
    %get3A_17 = arith.constant 0 : index
    %get3A_18 = arith.constant 0 : index
    %get3A_19 = vector.load %arg3[%get3A_17, %get3A_18] : memref<1x16xf32, #tpu.memory_space<vmem>>, vector<1x16xf32>
    %add3A_20 = vector.broadcast %get3A_19 : vector<1x16xf32> to vector<10000x16xf32>
    %add3A_21 = arith.addf %add3A_16, %add3A_20 : vector<10000x16xf32>
    %max3A = arith.constant 0.000000e+00 : f32
    %max3A_22 = vector.broadcast %max3A : f32 to vector<10000x16xf32>
    %max3A_23 = arith.maximumf %add3A_21, %max3A_22 : vector<10000x16xf32>
    %swap3A = arith.constant 0 : index
    %swap3A_24 = arith.constant 0 : index
    %swap3A_25 = vector.load %arg4[%swap3A, %swap3A_24] : memref<10000x16xf32, #tpu.memory_space<vmem>>, vector<10000x16xf32>
    tpu.vector_store %arg4[%swap3A, %swap3A_24], %max3A_23 {strides = array<i32>} : memref<10000x16xf32, #tpu.memory_space<vmem>>, vector<10000x16xf32>,
    return
  }
}

module attributes {stable_mosaic.version = 14 : i64} {
  func.func @_msg_body(%arg0: i32, %arg1: memref<2048x16xf32, #tpu.memory_space<vmem>>, %arg2: memref<2048x16xf32, #tpu.memory_space<vmem>>, %arg3: memref<32x256xbf16, #tpu.memory_space<vmem>>, %arg4: memref<32x256xbf16, #tpu.memory_space<vmem>>, %arg5: memref<816x16xbf16, #tpu.memory_space<vmem>>, %arg6: memref<2048x16xf32, #tpu.memory_space<vmem>>) attributes {dimension_semantics = [#tpu.dimension_semantics<arbitrary>], iteration_bounds = array<i64: 80>, scalar_prefetch = 0 : i64, scratch_operands = 0 : i64, tpu.core_type = #tpu.core_type<tc>, window_params = [{transform_indices = @transform_0, window_bounds = array<i64: 2048, 16>}, {transform_indices = @transform_1, window_bounds = array<i64: 2048, 16>}, {pipeline_mode = #tpu.pipeline_mode<synchronous>, transform_indices = @transform_2, window_bounds = array<i64: 32, 256>}, {pipeline_mode = #tpu.pipeline_mode<synchronous>, transform_indices = @transform_3, window_bounds = array<i64: 32, 256>}, {pipeline_mode = #tpu.pipeline_mode<synchronous>, transform_indices = @transform_4, window_bounds = array<i64: 816, 16>}, {transform_indices = @transform_5, window_bounds = array<i64: 2048, 16>}]} {
    %get3A = arith.constant 0 : index
    %get3A_0 = arith.constant 0 : index
    %get3A_1 = vector.load %arg1[%get3A, %get3A_0] : memref<2048x16xf32, #tpu.memory_space<vmem>>, vector<2048x16xf32>
    %get3A_2 = arith.constant 0 : index
    %get3A_3 = arith.constant 0 : index
    %get3A_4 = vector.load %arg2[%get3A_2, %get3A_3] : memref<2048x16xf32, #tpu.memory_space<vmem>>, vector<2048x16xf32>
    %convert_element_type3A = arith.truncf %get3A_4 : vector<2048x16xf32> to vector<2048x16xbf16>
    %convert_element_type3A_5 = arith.extf %convert_element_type3A : vector<2048x16xbf16> to vector<2048x16xf32>
    %sub3A = arith.subf %get3A_4, %convert_element_type3A_5 : vector<2048x16xf32>
    %concatenate3A = tpu.concatenate %convert_element_type3A_5, %sub3A in 1 : vector<2048x16xf32>, vector<2048x16xf32> -> vector<2048x32xf32>
    %convert_element_type3A_6 = arith.truncf %concatenate3A : vector<2048x32xf32> to vector<2048x32xbf16>
    %get3A_7 = arith.constant 0 : index
    %get3A_8 = arith.constant 0 : index
    %get3A_9 = vector.load %arg3[%get3A_7, %get3A_8] : memref<32x256xbf16, #tpu.memory_space<vmem>>, vector<32x256xbf16>
    %dot_general3A = arith.constant dense<0.000000e+00> : vector<2048x256xf32>
    %dot_general3A_10 = tpu.matmul %convert_element_type3A_6, %get3A_9, %dot_general3A {dimension_numbers = #tpu.dot_dimension_numbers<[1], [0], [0], [1], [0, 0, 1, 1], [], []>, transpose_lhs_hint = false} : vector<2048x32xbf16>, vector<32x256xbf16>, vector<2048x256xf32> -> vector<2048x256xf32>
    %convert_element_type3A_11 = arith.truncf %get3A_1 : vector<2048x16xf32> to vector<2048x16xbf16>
    %convert_element_type3A_12 = arith.extf %convert_element_type3A_11 : vector<2048x16xbf16> to vector<2048x16xf32>
    %sub3A_13 = arith.subf %get3A_1, %convert_element_type3A_12 : vector<2048x16xf32>
    %concatenate3A_14 = tpu.concatenate %convert_element_type3A_12, %sub3A_13 in 1 : vector<2048x16xf32>, vector<2048x16xf32> -> vector<2048x32xf32>
    %convert_element_type3A_15 = arith.truncf %concatenate3A_14 : vector<2048x32xf32> to vector<2048x32xbf16>
    %get3A_16 = arith.constant 0 : index
    %get3A_17 = arith.constant 0 : index
    %get3A_18 = vector.load %arg4[%get3A_16, %get3A_17] : memref<32x256xbf16, #tpu.memory_space<vmem>>, vector<32x256xbf16>
    %dot_general3A_19 = arith.constant dense<0.000000e+00> : vector<2048x256xf32>
    %dot_general3A_20 = tpu.matmul %convert_element_type3A_15, %get3A_18, %dot_general3A_19 {dimension_numbers = #tpu.dot_dimension_numbers<[1], [0], [0], [1], [0, 0, 1, 1], [], []>, transpose_lhs_hint = false} : vector<2048x32xbf16>, vector<32x256xbf16>, vector<2048x256xf32> -> vector<2048x256xf32>
    %mul3A = arith.mulf %dot_general3A_10, %dot_general3A_20 : vector<2048x256xf32>
    %convert_element_type3A_21 = arith.truncf %mul3A : vector<2048x256xf32> to vector<2048x256xbf16>
    %convert_element_type3A_22 = arith.extf %convert_element_type3A_21 : vector<2048x256xbf16> to vector<2048x256xf32>
    %sub3A_23 = arith.subf %mul3A, %convert_element_type3A_22 : vector<2048x256xf32>
    %convert_element_type3A_24 = arith.truncf %sub3A_23 : vector<2048x256xf32> to vector<2048x256xbf16>
    %convert_element_type3A_25 = arith.truncf %get3A_1 : vector<2048x16xf32> to vector<2048x16xbf16>
    %convert_element_type3A_26 = arith.extf %convert_element_type3A_25 : vector<2048x16xbf16> to vector<2048x16xf32>
    %sub3A_27 = arith.subf %get3A_1, %convert_element_type3A_26 : vector<2048x16xf32>
    %convert_element_type3A_28 = arith.truncf %sub3A_27 : vector<2048x16xf32> to vector<2048x16xbf16>
    %concatenate3A_29 = tpu.concatenate %convert_element_type3A_21, %convert_element_type3A_24, %convert_element_type3A_21, %convert_element_type3A_25, %convert_element_type3A_28, %convert_element_type3A_25 in 1 : vector<2048x256xbf16>, vector<2048x256xbf16>, vector<2048x256xbf16>, vector<2048x16xbf16>, vector<2048x16xbf16>, vector<2048x16xbf16> -> vector<2048x816xbf16>
    %get3A_30 = arith.constant 0 : index
    %get3A_31 = arith.constant 0 : index
    %get3A_32 = vector.load %arg5[%get3A_30, %get3A_31] : memref<816x16xbf16, #tpu.memory_space<vmem>>, vector<816x16xbf16>
    %dot_general3A_33 = arith.constant dense<0.000000e+00> : vector<2048x16xf32>
    %dot_general3A_34 = tpu.matmul %concatenate3A_29, %get3A_32, %dot_general3A_33 {dimension_numbers = #tpu.dot_dimension_numbers<[1], [0], [0], [1], [0, 0, 1, 1], [], []>, transpose_lhs_hint = false} : vector<2048x816xbf16>, vector<816x16xbf16>, vector<2048x16xf32> -> vector<2048x16xf32>
    %swap3A = arith.constant 0 : index
    %swap3A_35 = arith.constant 0 : index
    %swap3A_36 = vector.load %arg6[%swap3A, %swap3A_35] : memref<2048x16xf32, #tpu.memory_space<vmem>>, vector<2048x16xf32>
    tpu.vector_store %arg6[%swap3A, %swap3A_35], %dot_general3A_34 {strides = array<i32>} : memref<2048x16xf32, #tpu.memory_space<vmem>>, vector<2048x16xf32>,
    return
  }
  func.func @transform_0(%arg0: i32) -> (i32, i32) {
    %c0_i32 = arith.constant 0 : i32
    %c0_i32_0 = arith.constant 0 : i32
    return %arg0, %c0_i32 : i32, i32
  }
  func.func @transform_1(%arg0: i32) -> (i32, i32) {
    %c0_i32 = arith.constant 0 : i32
    %c0_i32_0 = arith.constant 0 : i32
    return %arg0, %c0_i32 : i32, i32
  }
  func.func @transform_2(%arg0: i32) -> (i32, i32) {
    %c0_i32 = arith.constant 0 : i32
    %c0_i32_0 = arith.constant 0 : i32
    %c0_i32_1 = arith.constant 0 : i32
    return %c0_i32, %c0_i32_0 : i32, i32
  }
  func.func @transform_3(%arg0: i32) -> (i32, i32) {
    %c0_i32 = arith.constant 0 : i32
    %c0_i32_0 = arith.constant 0 : i32
    %c0_i32_1 = arith.constant 0 : i32
    return %c0_i32, %c0_i32_0 : i32, i32
  }
  func.func @transform_4(%arg0: i32) -> (i32, i32) {
    %c0_i32 = arith.constant 0 : i32
    %c0_i32_0 = arith.constant 0 : i32
    %c0_i32_1 = arith.constant 0 : i32
    return %c0_i32, %c0_i32_0 : i32, i32
  }
  func.func @transform_5(%arg0: i32) -> (i32, i32) {
    %c0_i32 = arith.constant 0 : i32
    %c0_i32_0 = arith.constant 0 : i32
    return %arg0, %c0_i32 : i32, i32
  }
}

module attributes {stable_mosaic.version = 14 : i64} {
  func.func @_comb_pad_body(%arg0: memref<2x10240x16xf32, #tpu.memory_space<vmem>>, %arg1: memref<10000x16xf32, #tpu.memory_space<vmem>>, %arg2: memref<16x16xf32, #tpu.memory_space<vmem>>, %arg3: memref<1x16xf32, #tpu.memory_space<vmem>>, %arg4: memref<8x1280x16xf32, #tpu.memory_space<vmem>>) attributes {dimension_semantics = [], scalar_prefetch = 0 : i64, scratch_operands = 0 : i64, tpu.core_type = #tpu.core_type<tc>} {
    %get3A = arith.constant 0 : index
    %get3A_0 = arith.constant 0 : index
    %get3A_1 = arith.constant 0 : index
    %get3A_2 = vector.load %arg0[%get3A, %get3A_0, %get3A_1] : memref<2x10240x16xf32, #tpu.memory_space<vmem>>, vector<1x10000x16xf32>
    %get3A_3 = vector.shape_cast %get3A_2 : vector<1x10000x16xf32> to vector<10000x16xf32>
    %get3A_4 = arith.constant 1 : index
    %get3A_5 = arith.constant 0 : index
    %get3A_6 = arith.constant 0 : index
    %get3A_7 = vector.load %arg0[%get3A_4, %get3A_5, %get3A_6] : memref<2x10240x16xf32, #tpu.memory_space<vmem>>, vector<1x10000x16xf32>
    %get3A_8 = vector.shape_cast %get3A_7 : vector<1x10000x16xf32> to vector<10000x16xf32>
    %add3A = arith.addf %get3A_3, %get3A_8 : vector<10000x16xf32>
    %get3A_9 = arith.constant 0 : index
    %get3A_10 = arith.constant 0 : index
    %get3A_11 = vector.load %arg1[%get3A_9, %get3A_10] : memref<10000x16xf32, #tpu.memory_space<vmem>>, vector<10000x16xf32>
    %get3A_12 = arith.constant 0 : index
    %get3A_13 = arith.constant 0 : index
    %get3A_14 = vector.load %arg2[%get3A_12, %get3A_13] : memref<16x16xf32, #tpu.memory_space<vmem>>, vector<16x16xf32>
    %dot_general3A = arith.constant dense<0.000000e+00> : vector<10000x16xf32>
    %dot_general3A_15 = tpu.matmul %get3A_11, %get3A_14, %dot_general3A {dimension_numbers = #tpu.dot_dimension_numbers<[1], [0], [0], [1], [0, 0, 1, 1], [], []>, precision = #tpu.contract_precision<fp32>, transpose_lhs_hint = false} : vector<10000x16xf32>, vector<16x16xf32>, vector<10000x16xf32> -> vector<10000x16xf32>
    %add3A_16 = arith.addf %add3A, %dot_general3A_15 : vector<10000x16xf32>
    %get3A_17 = arith.constant 0 : index
    %get3A_18 = arith.constant 0 : index
    %get3A_19 = vector.load %arg3[%get3A_17, %get3A_18] : memref<1x16xf32, #tpu.memory_space<vmem>>, vector<1x16xf32>
    %add3A_20 = vector.broadcast %get3A_19 : vector<1x16xf32> to vector<10000x16xf32>
    %add3A_21 = arith.addf %add3A_16, %add3A_20 : vector<10000x16xf32>
    %max3A = arith.constant 0.000000e+00 : f32
    %max3A_22 = vector.broadcast %max3A : f32 to vector<10000x16xf32>
    %max3A_23 = arith.maximumf %add3A_21, %max3A_22 : vector<10000x16xf32>
    %slice3A = vector.extract_strided_slice %max3A_23 {offsets = [0, 0], sizes = [1250, 16], strides = [1, 1]} : vector<10000x16xf32> to vector<1250x16xf32>
    %broadcast_in_dim3A = arith.constant 0.000000e+00 : f32
    %broadcast_in_dim3A_24 = vector.broadcast %broadcast_in_dim3A : f32 to vector<30x16xf32>
    %concatenate3A = tpu.concatenate %slice3A, %broadcast_in_dim3A_24 in 0 : vector<1250x16xf32>, vector<30x16xf32> -> vector<1280x16xf32>
    %swap3A = arith.constant 0 : index
    %swap3A_25 = arith.constant 0 : index
    %swap3A_26 = arith.constant 0 : index
    %swap3A_27 = vector.load %arg4[%swap3A, %swap3A_25, %swap3A_26] : memref<8x1280x16xf32, #tpu.memory_space<vmem>>, vector<1x1280x16xf32>
    %swap3A_28 = vector.shape_cast %swap3A_27 : vector<1x1280x16xf32> to vector<1280x16xf32>
    %swap3A_29 = vector.shape_cast %concatenate3A : vector<1280x16xf32> to vector<1x1280x16xf32>
    tpu.vector_store %arg4[%swap3A, %swap3A_25, %swap3A_26], %swap3A_29 {strides = array<i32>} : memref<8x1280x16xf32, #tpu.memory_space<vmem>>, vector<1x1280x16xf32>,
    %slice3A_30 = vector.extract_strided_slice %max3A_23 {offsets = [1250, 0], sizes = [1250, 16], strides = [1, 1]} : vector<10000x16xf32> to vector<1250x16xf32>
    %broadcast_in_dim3A_31 = arith.constant 0.000000e+00 : f32
    %broadcast_in_dim3A_32 = vector.broadcast %broadcast_in_dim3A_31 : f32 to vector<30x16xf32>
    %concatenate3A_33 = tpu.concatenate %slice3A_30, %broadcast_in_dim3A_32 in 0 : vector<1250x16xf32>, vector<30x16xf32> -> vector<1280x16xf32>
    %swap3A_34 = arith.constant 1 : index
    %swap3A_35 = arith.constant 0 : index
    %swap3A_36 = arith.constant 0 : index
    %swap3A_37 = vector.load %arg4[%swap3A_34, %swap3A_35, %swap3A_36] : memref<8x1280x16xf32, #tpu.memory_space<vmem>>, vector<1x1280x16xf32>
    %swap3A_38 = vector.shape_cast %swap3A_37 : vector<1x1280x16xf32> to vector<1280x16xf32>
    %swap3A_39 = vector.shape_cast %concatenate3A_33 : vector<1280x16xf32> to vector<1x1280x16xf32>
    tpu.vector_store %arg4[%swap3A_34, %swap3A_35, %swap3A_36], %swap3A_39 {strides = array<i32>} : memref<8x1280x16xf32, #tpu.memory_space<vmem>>, vector<1x1280x16xf32>,
    %slice3A_40 = vector.extract_strided_slice %max3A_23 {offsets = [2500, 0], sizes = [1250, 16], strides = [1, 1]} : vector<10000x16xf32> to vector<1250x16xf32>
    %broadcast_in_dim3A_41 = arith.constant 0.000000e+00 : f32
    %broadcast_in_dim3A_42 = vector.broadcast %broadcast_in_dim3A_41 : f32 to vector<30x16xf32>
    %concatenate3A_43 = tpu.concatenate %slice3A_40, %broadcast_in_dim3A_42 in 0 : vector<1250x16xf32>, vector<30x16xf32> -> vector<1280x16xf32>
    %swap3A_44 = arith.constant 2 : index
    %swap3A_45 = arith.constant 0 : index
    %swap3A_46 = arith.constant 0 : index
    %swap3A_47 = vector.load %arg4[%swap3A_44, %swap3A_45, %swap3A_46] : memref<8x1280x16xf32, #tpu.memory_space<vmem>>, vector<1x1280x16xf32>
    %swap3A_48 = vector.shape_cast %swap3A_47 : vector<1x1280x16xf32> to vector<1280x16xf32>
    %swap3A_49 = vector.shape_cast %concatenate3A_43 : vector<1280x16xf32> to vector<1x1280x16xf32>
    tpu.vector_store %arg4[%swap3A_44, %swap3A_45, %swap3A_46], %swap3A_49 {strides = array<i32>} : memref<8x1280x16xf32, #tpu.memory_space<vmem>>, vector<1x1280x16xf32>,
    %slice3A_50 = vector.extract_strided_slice %max3A_23 {offsets = [3750, 0], sizes = [1250, 16], strides = [1, 1]} : vector<10000x16xf32> to vector<1250x16xf32>
    %broadcast_in_dim3A_51 = arith.constant 0.000000e+00 : f32
    %broadcast_in_dim3A_52 = vector.broadcast %broadcast_in_dim3A_51 : f32 to vector<30x16xf32>
    %concatenate3A_53 = tpu.concatenate %slice3A_50, %broadcast_in_dim3A_52 in 0 : vector<1250x16xf32>, vector<30x16xf32> -> vector<1280x16xf32>
    %swap3A_54 = arith.constant 3 : index
    %swap3A_55 = arith.constant 0 : index
    %swap3A_56 = arith.constant 0 : index
    %swap3A_57 = vector.load %arg4[%swap3A_54, %swap3A_55, %swap3A_56] : memref<8x1280x16xf32, #tpu.memory_space<vmem>>, vector<1x1280x16xf32>
    %swap3A_58 = vector.shape_cast %swap3A_57 : vector<1x1280x16xf32> to vector<1280x16xf32>
    %swap3A_59 = vector.shape_cast %concatenate3A_53 : vector<1280x16xf32> to vector<1x1280x16xf32>
    tpu.vector_store %arg4[%swap3A_54, %swap3A_55, %swap3A_56], %swap3A_59 {strides = array<i32>} : memref<8x1280x16xf32, #tpu.memory_space<vmem>>, vector<1x1280x16xf32>,
    %slice3A_60 = vector.extract_strided_slice %max3A_23 {offsets = [5000, 0], sizes = [1250, 16], strides = [1, 1]} : vector<10000x16xf32> to vector<1250x16xf32>
    %broadcast_in_dim3A_61 = arith.constant 0.000000e+00 : f32
    %broadcast_in_dim3A_62 = vector.broadcast %broadcast_in_dim3A_61 : f32 to vector<30x16xf32>
    %concatenate3A_63 = tpu.concatenate %slice3A_60, %broadcast_in_dim3A_62 in 0 : vector<1250x16xf32>, vector<30x16xf32> -> vector<1280x16xf32>
    %swap3A_64 = arith.constant 4 : index
    %swap3A_65 = arith.constant 0 : index
    %swap3A_66 = arith.constant 0 : index
    %swap3A_67 = vector.load %arg4[%swap3A_64, %swap3A_65, %swap3A_66] : memref<8x1280x16xf32, #tpu.memory_space<vmem>>, vector<1x1280x16xf32>
    %swap3A_68 = vector.shape_cast %swap3A_67 : vector<1x1280x16xf32> to vector<1280x16xf32>
    %swap3A_69 = vector.shape_cast %concatenate3A_63 : vector<1280x16xf32> to vector<1x1280x16xf32>
    tpu.vector_store %arg4[%swap3A_64, %swap3A_65, %swap3A_66], %swap3A_69 {strides = array<i32>} : memref<8x1280x16xf32, #tpu.memory_space<vmem>>, vector<1x1280x16xf32>,
    %slice3A_70 = vector.extract_strided_slice %max3A_23 {offsets = [6250, 0], sizes = [1250, 16], strides = [1, 1]} : vector<10000x16xf32> to vector<1250x16xf32>
    %broadcast_in_dim3A_71 = arith.constant 0.000000e+00 : f32
    %broadcast_in_dim3A_72 = vector.broadcast %broadcast_in_dim3A_71 : f32 to vector<30x16xf32>
    %concatenate3A_73 = tpu.concatenate %slice3A_70, %broadcast_in_dim3A_72 in 0 : vector<1250x16xf32>, vector<30x16xf32> -> vector<1280x16xf32>
    %swap3A_74 = arith.constant 5 : index
    %swap3A_75 = arith.constant 0 : index
    %swap3A_76 = arith.constant 0 : index
    %swap3A_77 = vector.load %arg4[%swap3A_74, %swap3A_75, %swap3A_76] : memref<8x1280x16xf32, #tpu.memory_space<vmem>>, vector<1x1280x16xf32>
    %swap3A_78 = vector.shape_cast %swap3A_77 : vector<1x1280x16xf32> to vector<1280x16xf32>
    %swap3A_79 = vector.shape_cast %concatenate3A_73 : vector<1280x16xf32> to vector<1x1280x16xf32>
    tpu.vector_store %arg4[%swap3A_74, %swap3A_75, %swap3A_76], %swap3A_79 {strides = array<i32>} : memref<8x1280x16xf32, #tpu.memory_space<vmem>>, vector<1x1280x16xf32>,
    %slice3A_80 = vector.extract_strided_slice %max3A_23 {offsets = [7500, 0], sizes = [1250, 16], strides = [1, 1]} : vector<10000x16xf32> to vector<1250x16xf32>
    %broadcast_in_dim3A_81 = arith.constant 0.000000e+00 : f32
    %broadcast_in_dim3A_82 = vector.broadcast %broadcast_in_dim3A_81 : f32 to vector<30x16xf32>
    %concatenate3A_83 = tpu.concatenate %slice3A_80, %broadcast_in_dim3A_82 in 0 : vector<1250x16xf32>, vector<30x16xf32> -> vector<1280x16xf32>
    %swap3A_84 = arith.constant 6 : index
    %swap3A_85 = arith.constant 0 : index
    %swap3A_86 = arith.constant 0 : index
    %swap3A_87 = vector.load %arg4[%swap3A_84, %swap3A_85, %swap3A_86] : memref<8x1280x16xf32, #tpu.memory_space<vmem>>, vector<1x1280x16xf32>
    %swap3A_88 = vector.shape_cast %swap3A_87 : vector<1x1280x16xf32> to vector<1280x16xf32>
    %swap3A_89 = vector.shape_cast %concatenate3A_83 : vector<1280x16xf32> to vector<1x1280x16xf32>
    tpu.vector_store %arg4[%swap3A_84, %swap3A_85, %swap3A_86], %swap3A_89 {strides = array<i32>} : memref<8x1280x16xf32, #tpu.memory_space<vmem>>, vector<1x1280x16xf32>,
    %slice3A_90 = vector.extract_strided_slice %max3A_23 {offsets = [8750, 0], sizes = [1250, 16], strides = [1, 1]} : vector<10000x16xf32> to vector<1250x16xf32>
    %broadcast_in_dim3A_91 = arith.constant 0.000000e+00 : f32
    %broadcast_in_dim3A_92 = vector.broadcast %broadcast_in_dim3A_91 : f32 to vector<30x16xf32>
    %concatenate3A_93 = tpu.concatenate %slice3A_90, %broadcast_in_dim3A_92 in 0 : vector<1250x16xf32>, vector<30x16xf32> -> vector<1280x16xf32>
    %swap3A_94 = arith.constant 7 : index
    %swap3A_95 = arith.constant 0 : index
    %swap3A_96 = arith.constant 0 : index
    %swap3A_97 = vector.load %arg4[%swap3A_94, %swap3A_95, %swap3A_96] : memref<8x1280x16xf32, #tpu.memory_space<vmem>>, vector<1x1280x16xf32>
    %swap3A_98 = vector.shape_cast %swap3A_97 : vector<1x1280x16xf32> to vector<1280x16xf32>
    %swap3A_99 = vector.shape_cast %concatenate3A_93 : vector<1280x16xf32> to vector<1x1280x16xf32>
    tpu.vector_store %arg4[%swap3A_94, %swap3A_95, %swap3A_96], %swap3A_99 {strides = array<i32>} : memref<8x1280x16xf32, #tpu.memory_space<vmem>>, vector<1x1280x16xf32>,
    return
  }
}

module attributes {stable_mosaic.version = 14 : i64} {
  func.func @_head_body(%arg0: i32, %arg1: memref<1x1280x16xf32, #tpu.memory_space<vmem>>, %arg2: memref<1x1x1280xi32, #tpu.memory_space<vmem>>, %arg3: memref<1x128x112xf32, #tpu.memory_space<vmem>>, %arg4: memref<1x2x512xi32, #tpu.memory_space<vmem>>, %arg5: memref<1x16xf32, #tpu.memory_space<vmem>>, %arg6: memref<1x1xf32, #tpu.memory_space<vmem>>, %arg7: memref<3x128x64xf32, #tpu.memory_space<vmem>>, %arg8: memref<5x3x64x64xf32, #tpu.memory_space<vmem>>, %arg9: memref<6x3x128x64xf32, #tpu.memory_space<vmem>>, %arg10: memref<6x3x1x64xf32, #tpu.memory_space<vmem>>, %arg11: memref<1x64xf32, #tpu.memory_space<vmem>>, %arg12: memref<1x1xf32, #tpu.memory_space<vmem>>, %arg13: memref<64x128xf32, #tpu.memory_space<vmem>>, %arg14: memref<1x128xf32, #tpu.memory_space<vmem>>, %arg15: memref<128x64xf32, #tpu.memory_space<vmem>>, %arg16: memref<1x64xf32, #tpu.memory_space<vmem>>, %arg17: memref<64x32xf32, #tpu.memory_space<vmem>>, %arg18: memref<1x32xf32, #tpu.memory_space<vmem>>, %arg19: memref<1x32xf32, #tpu.memory_space<vmem>>, %arg20: memref<1x1xf32, #tpu.memory_space<vmem>>, %arg21: memref<1x1x128xf32, #tpu.memory_space<vmem>>) attributes {dimension_semantics = [#tpu.dimension_semantics<arbitrary>], iteration_bounds = array<i64: 8>, scalar_prefetch = 0 : i64, scratch_operands = 0 : i64, tpu.core_type = #tpu.core_type<tc>, window_params = [{transform_indices = @transform_0, window_bounds = array<i64: 1, 1280, 16>}, {transform_indices = @transform_1, window_bounds = array<i64: 1, 1, 1280>}, {transform_indices = @transform_2, window_bounds = array<i64: 1, 128, 112>}, {transform_indices = @transform_3, window_bounds = array<i64: 1, 2, 512>}, {pipeline_mode = #tpu.pipeline_mode<synchronous>, transform_indices = @transform_4, window_bounds = array<i64: 1, 16>}, {pipeline_mode = #tpu.pipeline_mode<synchronous>, transform_indices = @transform_5, window_bounds = array<i64: 1, 1>}, {pipeline_mode = #tpu.pipeline_mode<synchronous>, transform_indices = @transform_6, window_bounds = array<i64: 3, 128, 64>}, {pipeline_mode = #tpu.pipeline_mode<synchronous>, transform_indices = @transform_7, window_bounds = array<i64: 5, 3, 64, 64>}, {pipeline_mode = #tpu.pipeline_mode<synchronous>, transform_indices = @transform_8, window_bounds = array<i64: 6, 3, 128, 64>}, {pipeline_mode = #tpu.pipeline_mode<synchronous>, transform_indices = @transform_9, window_bounds = array<i64: 6, 3, 1, 64>}, {pipeline_mode = #tpu.pipeline_mode<synchronous>, transform_indices = @transform_10, window_bounds = array<i64: 1, 64>}, {pipeline_mode = #tpu.pipeline_mode<synchronous>, transform_indices = @transform_11, window_bounds = array<i64: 1, 1>}, {pipeline_mode = #tpu.pipeline_mode<synchronous>, transform_indices = @transform_12, window_bounds = array<i64: 64, 128>}, {pipeline_mode = #tpu.pipeline_mode<synchronous>, transform_indices = @transform_13, window_bounds = array<i64: 1, 128>}, {pipeline_mode = #tpu.pipeline_mode<synchronous>, transform_indices = @transform_14, window_bounds = array<i64: 128, 64>}, {pipeline_mode = #tpu.pipeline_mode<synchronous>, transform_indices = @transform_15, window_bounds = array<i64: 1, 64>}, {pipeline_mode = #tpu.pipeline_mode<synchronous>, transform_indices = @transform_16, window_bounds = array<i64: 64, 32>}, {pipeline_mode = #tpu.pipeline_mode<synchronous>, transform_indices = @transform_17, window_bounds = array<i64: 1, 32>}, {pipeline_mode = #tpu.pipeline_mode<synchronous>, transform_indices = @transform_18, window_bounds = array<i64: 1, 32>}, {pipeline_mode = #tpu.pipeline_mode<synchronous>, transform_indices = @transform_19, window_bounds = array<i64: 1, 1>}, {transform_indices = @transform_20, window_bounds = array<i64: 1, 1, 128>}]} {
    %get3A = arith.constant 0 : index
    %get3A_0 = arith.constant 0 : index
    %get3A_1 = arith.constant 0 : index
    %get3A_2 = vector.load %arg1[%get3A, %get3A_0, %get3A_1] : memref<1x1280x16xf32, #tpu.memory_space<vmem>>, vector<1x1280x16xf32>
    %get3A_3 = vector.shape_cast %get3A_2 : vector<1x1280x16xf32> to vector<1280x16xf32>
    %get3A_4 = arith.constant 0 : index
    %get3A_5 = arith.constant 0 : index
    %get3A_6 = arith.constant 0 : index
    %get3A_7 = vector.load %arg2[%get3A_4, %get3A_5, %get3A_6] : memref<1x1x1280xi32, #tpu.memory_space<vmem>>, vector<1x1x1280xi32>
    %get3A_8 = vector.shape_cast %get3A_7 : vector<1x1x1280xi32> to vector<1x1280xi32>
    %get3A_9 = arith.constant 0 : index
    %get3A_10 = arith.constant 0 : index
    %get3A_11 = vector.load %arg5[%get3A_9, %get3A_10] : memref<1x16xf32, #tpu.memory_space<vmem>>, vector<1x16xf32>
    %mul3A = vector.broadcast %get3A_11 : vector<1x16xf32> to vector<1280x16xf32>
    %mul3A_12 = arith.mulf %get3A_3, %mul3A : vector<1280x16xf32>
    %reduce_sum3A = arith.constant dense<0.000000e+00> : vector<1280xf32>
    %reduce_sum3A_13 = vector.multi_reduction <add>, %mul3A_12, %reduce_sum3A [1] : vector<1280x16xf32> to vector<1280xf32>
    %broadcast_in_dim3A = vector.shape_cast %reduce_sum3A_13 : vector<1280xf32> to vector<1280x1xf32>
    %get3A_14 = arith.constant 0 : index
    %get3A_15 = arith.constant 0 : index
    %get3A_16 = vector.load %arg6[%get3A_14, %get3A_15] : memref<1x1xf32, #tpu.memory_space<vmem>>, vector<1x1xf32>
    %get3A_17 = vector.extract %get3A_16[0, 0] : f32 from vector<1x1xf32>
    %add3A = vector.broadcast %get3A_17 : f32 to vector<1280x1xf32>
    %add3A_18 = arith.addf %broadcast_in_dim3A, %add3A : vector<1280x1xf32>
    %iota3A = tpu.iota {dimensions = array<i32: 0>} : vector<1280x1xi32>
    %lt3A = arith.constant 1250 : i32
    %lt3A_19 = vector.broadcast %lt3A : i32 to vector<1280x1xi32>
    %lt3A_20 = arith.cmpi slt, %iota3A, %lt3A_19 : vector<1280x1xi32>
    %jit3A = arith.constant -1.000000e+30 : f32
    %broadcast_in_dim3A_21 = vector.broadcast %jit3A : f32 to vector<1280x1xf32>
    %select_n3A = arith.select %lt3A_20, %add3A_18, %broadcast_in_dim3A_21 : vector<1280x1xi1>, vector<1280x1xf32>
    %reduce_max3A = vector.shape_cast %select_n3A : vector<1280x1xf32> to vector<1x1280x1xf32>
    %reduce_max3A_22 = arith.constant dense<0xFF800000> : vector<1xf32>
    %reduce_max3A_23 = vector.multi_reduction <maximumf>, %reduce_max3A, %reduce_max3A_22 [1, 2] : vector<1x1280x1xf32> to vector<1xf32>
    %reduce_max3A_24 = vector.shape_cast %reduce_max3A_23 : vector<1xf32> to vector<1x1x1xf32>
    %reduce_max3A_25 = vector.extract %reduce_max3A_24[0, 0, 0] : f32 from vector<1x1x1xf32>
    %sub3A = vector.broadcast %reduce_max3A_25 : f32 to vector<1280x1xf32>
    %sub3A_26 = arith.subf %select_n3A, %sub3A : vector<1280x1xf32>
    %exp3A = math.exp %sub3A_26 : vector<1280x1xf32>
    %jit3A_27 = arith.constant 0.000000e+00 : f32
    %broadcast_in_dim3A_28 = vector.broadcast %jit3A_27 : f32 to vector<1280x1xf32>
    %select_n3A_29 = arith.select %lt3A_20, %exp3A, %broadcast_in_dim3A_28 : vector<1280x1xi1>, vector<1280x1xf32>
    %reduce_sum3A_30 = vector.shape_cast %select_n3A_29 : vector<1280x1xf32> to vector<1x1280x1xf32>
    %reduce_sum3A_31 = arith.constant dense<0.000000e+00> : vector<1xf32>
    %reduce_sum3A_32 = vector.multi_reduction <add>, %reduce_sum3A_30, %reduce_sum3A_31 [1, 2] : vector<1x1280x1xf32> to vector<1xf32>
    %reduce_sum3A_33 = vector.shape_cast %reduce_sum3A_32 : vector<1xf32> to vector<1x1x1xf32>
    %reduce_sum3A_34 = vector.extract %reduce_sum3A_33[0, 0, 0] : f32 from vector<1x1x1xf32>
    %div3A = vector.broadcast %reduce_sum3A_34 : f32 to vector<1280x1xf32>
    %div3A_35 = arith.divf %select_n3A_29, %div3A : vector<1280x1xf32>
    %iota3A_36 = tpu.iota {dimensions = array<i32: 0>} : vector<128x1280xi32>
    %eq3A = vector.broadcast %get3A_8 : vector<1x1280xi32> to vector<128x1280xi32>
    %eq3A_37 = arith.cmpi eq, %iota3A_36, %eq3A : vector<128x1280xi32>
    %convert_element_type3A = arith.extui %eq3A_37 : vector<128x1280xi1> to vector<128x1280xi32>
    %convert_element_type3A_38 = arith.sitofp %convert_element_type3A : vector<128x1280xi32> to vector<128x1280xf32>
    %mul3A_39 = vector.broadcast %div3A_35 : vector<1280x1xf32> to vector<1280x16xf32>
    %mul3A_40 = arith.mulf %get3A_3, %mul3A_39 : vector<1280x16xf32>
    %dot_general3A = arith.constant dense<0.000000e+00> : vector<128x16xf32>
    %dot_general3A_41 = tpu.matmul %convert_element_type3A_38, %mul3A_40, %dot_general3A {dimension_numbers = #tpu.dot_dimension_numbers<[1], [0], [0], [1], [0, 0, 1, 1], [], []>, precision = #tpu.contract_precision<fp32>, transpose_lhs_hint = false} : vector<128x1280xf32>, vector<1280x16xf32>, vector<128x16xf32> -> vector<128x16xf32>
    %get3A_42 = arith.constant 0 : index
    %get3A_43 = arith.constant 0 : index
    %get3A_44 = arith.constant 0 : index
    %get3A_45 = vector.load %arg3[%get3A_42, %get3A_43, %get3A_44] : memref<1x128x112xf32, #tpu.memory_space<vmem>>, vector<1x128x112xf32>
    %get3A_46 = vector.shape_cast %get3A_45 : vector<1x128x112xf32> to vector<128x112xf32>
    %concatenate3A = tpu.concatenate %dot_general3A_41, %get3A_46 in 1 : vector<128x16xf32>, vector<128x112xf32> -> vector<128x128xf32>
    %get3A_47 = arith.constant 0 : index
    %get3A_48 = arith.constant 0 : index
    %get3A_49 = arith.constant 0 : index
    %get3A_50 = vector.load %arg4[%get3A_47, %get3A_48, %get3A_49] : memref<1x2x512xi32, #tpu.memory_space<vmem>>, vector<1x1x512xi32>
    %get3A_51 = vector.shape_cast %get3A_50 : vector<1x1x512xi32> to vector<512xi32>
    %get3A_52 = arith.constant 0 : index
    %get3A_53 = arith.constant 1 : index
    %get3A_54 = arith.constant 0 : index
    %get3A_55 = vector.load %arg4[%get3A_52, %get3A_53, %get3A_54] : memref<1x2x512xi32, #tpu.memory_space<vmem>>, vector<1x1x512xi32>
    %get3A_56 = vector.shape_cast %get3A_55 : vector<1x1x512xi32> to vector<512xi32>
    %iota3A_57 = tpu.iota {dimensions = array<i32: 0>} : vector<128x512xi32>
    %broadcast_in_dim3A_58 = vector.shape_cast %get3A_56 : vector<512xi32> to vector<1x512xi32>
    %eq3A_59 = vector.broadcast %broadcast_in_dim3A_58 : vector<1x512xi32> to vector<128x512xi32>
    %eq3A_60 = arith.cmpi eq, %iota3A_57, %eq3A_59 : vector<128x512xi32>
    %convert_element_type3A_61 = arith.extui %eq3A_60 : vector<128x512xi1> to vector<128x512xi32>
    %convert_element_type3A_62 = arith.sitofp %convert_element_type3A_61 : vector<128x512xi32> to vector<128x512xf32>
    %iota3A_63 = tpu.iota {dimensions = array<i32: 0>} : vector<128x512xi32>
    %broadcast_in_dim3A_64 = vector.shape_cast %get3A_51 : vector<512xi32> to vector<1x512xi32>
    %eq3A_65 = vector.broadcast %broadcast_in_dim3A_64 : vector<1x512xi32> to vector<128x512xi32>
    %eq3A_66 = arith.cmpi eq, %iota3A_63, %eq3A_65 : vector<128x512xi32>
    %convert_element_type3A_67 = arith.extui %eq3A_66 : vector<128x512xi1> to vector<128x512xi32>
    %convert_element_type3A_68 = arith.sitofp %convert_element_type3A_67 : vector<128x512xi32> to vector<128x512xf32>
    %iota3A_69 = tpu.iota {dimensions = array<i32: 1>} : vector<512x128xi32>
    %broadcast_in_dim3A_70 = vector.shape_cast %get3A_51 : vector<512xi32> to vector<512x1xi32>
    %eq3A_71 = vector.broadcast %broadcast_in_dim3A_70 : vector<512x1xi32> to vector<512x128xi32>
    %eq3A_72 = arith.cmpi eq, %iota3A_69, %eq3A_71 : vector<512x128xi32>
    %convert_element_type3A_73 = arith.extui %eq3A_72 : vector<512x128xi1> to vector<512x128xi32>
    %convert_element_type3A_74 = arith.sitofp %convert_element_type3A_73 : vector<512x128xi32> to vector<512x128xf32>
    %iota3A_75 = tpu.iota {dimensions = array<i32: 1>} : vector<512x128xi32>
    %broadcast_in_dim3A_76 = vector.shape_cast %get3A_56 : vector<512xi32> to vector<512x1xi32>
    %eq3A_77 = vector.broadcast %broadcast_in_dim3A_76 : vector<512x1xi32> to vector<512x128xi32>
    %eq3A_78 = arith.cmpi eq, %iota3A_75, %eq3A_77 : vector<512x128xi32>
    %convert_element_type3A_79 = arith.extui %eq3A_78 : vector<512x128xi1> to vector<512x128xi32>
    %convert_element_type3A_80 = arith.sitofp %convert_element_type3A_79 : vector<512x128xi32> to vector<512x128xf32>
    %broadcast_in_dim3A_81 = arith.constant 1.000000e+00 : f32
    %broadcast_in_dim3A_82 = vector.broadcast %broadcast_in_dim3A_81 : f32 to vector<1x512xf32>
    %dot_general3A_83 = arith.constant dense<0.000000e+00> : vector<1x128xf32>
    %dot_general3A_84 = tpu.matmul %broadcast_in_dim3A_82, %convert_element_type3A_80, %dot_general3A_83 {dimension_numbers = #tpu.dot_dimension_numbers<[1], [0], [0], [1], [0, 0, 1, 1], [], []>, precision = #tpu.contract_precision<fp32>, transpose_lhs_hint = false} : vector<1x512xf32>, vector<512x128xf32>, vector<1x128xf32> -> vector<1x128xf32>
    %gt3A = arith.constant 0.000000e+00 : f32
    %gt3A_85 = vector.broadcast %gt3A : f32 to vector<1x128xf32>
    %gt3A_86 = arith.cmpf ogt, %dot_general3A_84, %gt3A_85 : vector<1x128xf32>
    %max3A = arith.constant 1.000000e-30 : f32
    %max3A_87 = vector.broadcast %max3A : f32 to vector<1x128xf32>
    %max3A_88 = arith.maximumf %dot_general3A_84, %max3A_87 : vector<1x128xf32>
    %rsqrt3A = math.rsqrt %max3A_88 : vector<1x128xf32>
    %jit3A_89 = arith.constant 0.000000e+00 : f32
    %broadcast_in_dim3A_90 = vector.broadcast %jit3A_89 : f32 to vector<1x128xf32>
    %select_n3A_91 = arith.select %gt3A_86, %rsqrt3A, %broadcast_in_dim3A_90 : vector<1x128xi1>, vector<1x128xf32>
    %dot_general3A_92 = arith.constant dense<0.000000e+00> : vector<1x512xf32>
    %dot_general3A_93 = tpu.matmul %select_n3A_91, %convert_element_type3A_62, %dot_general3A_92 {dimension_numbers = #tpu.dot_dimension_numbers<[1], [0], [0], [1], [0, 0, 1, 1], [], []>, precision = #tpu.contract_precision<fp32>, transpose_lhs_hint = false} : vector<1x128xf32>, vector<128x512xf32>, vector<1x512xf32> -> vector<1x512xf32>
    %dot_general3A_94 = arith.constant dense<0.000000e+00> : vector<1x512xf32>
    %dot_general3A_95 = tpu.matmul %select_n3A_91, %convert_element_type3A_68, %dot_general3A_94 {dimension_numbers = #tpu.dot_dimension_numbers<[1], [0], [0], [1], [0, 0, 1, 1], [], []>, precision = #tpu.contract_precision<fp32>, transpose_lhs_hint = false} : vector<1x128xf32>, vector<128x512xf32>, vector<1x512xf32> -> vector<1x512xf32>
    %mul3A_96 = arith.mulf %dot_general3A_93, %dot_general3A_95 : vector<1x512xf32>
    %mul3A_97 = vector.broadcast %mul3A_96 : vector<1x512xf32> to vector<128x512xf32>
    %mul3A_98 = arith.mulf %convert_element_type3A_62, %mul3A_97 : vector<128x512xf32>
    %dot_general3A_99 = arith.constant dense<0.000000e+00> : vector<128x128xf32>
    %dot_general3A_100 = tpu.matmul %mul3A_98, %convert_element_type3A_74, %dot_general3A_99 {dimension_numbers = #tpu.dot_dimension_numbers<[1], [0], [0], [1], [0, 0, 1, 1], [], []>, precision = #tpu.contract_precision<fp32>, transpose_lhs_hint = false} : vector<128x512xf32>, vector<512x128xf32>, vector<128x128xf32> -> vector<128x128xf32>
    %get3A_101 = arith.constant 0 : index
    %get3A_102 = arith.constant 0 : index
    %get3A_103 = arith.constant 0 : index
    %get3A_104 = vector.load %arg7[%get3A_101, %get3A_102, %get3A_103] : memref<3x128x64xf32, #tpu.memory_space<vmem>>, vector<1x128x64xf32>
    %get3A_105 = vector.shape_cast %get3A_104 : vector<1x128x64xf32> to vector<128x64xf32>
    %dot_general3A_106 = arith.constant dense<0.000000e+00> : vector<128x64xf32>
    %dot_general3A_107 = tpu.matmul %concatenate3A, %get3A_105, %dot_general3A_106 {dimension_numbers = #tpu.dot_dimension_numbers<[1], [0], [0], [1], [0, 0, 1, 1], [], []>, precision = #tpu.contract_precision<fp32>, transpose_lhs_hint = false} : vector<128x128xf32>, vector<128x64xf32>, vector<128x64xf32> -> vector<128x64xf32>
    %get3A_108 = arith.constant 1 : index
    %get3A_109 = arith.constant 0 : index
    %get3A_110 = arith.constant 0 : index
    %get3A_111 = vector.load %arg7[%get3A_108, %get3A_109, %get3A_110] : memref<3x128x64xf32, #tpu.memory_space<vmem>>, vector<1x128x64xf32>
    %get3A_112 = vector.shape_cast %get3A_111 : vector<1x128x64xf32> to vector<128x64xf32>
    %dot_general3A_113 = arith.constant dense<0.000000e+00> : vector<128x64xf32>
    %dot_general3A_114 = tpu.matmul %concatenate3A, %get3A_112, %dot_general3A_113 {dimension_numbers = #tpu.dot_dimension_numbers<[1], [0], [0], [1], [0, 0, 1, 1], [], []>, precision = #tpu.contract_precision<fp32>, transpose_lhs_hint = false} : vector<128x128xf32>, vector<128x64xf32>, vector<128x64xf32> -> vector<128x64xf32>
    %get3A_115 = arith.constant 2 : index
    %get3A_116 = arith.constant 0 : index
    %get3A_117 = arith.constant 0 : index
    %get3A_118 = vector.load %arg7[%get3A_115, %get3A_116, %get3A_117] : memref<3x128x64xf32, #tpu.memory_space<vmem>>, vector<1x128x64xf32>
    %get3A_119 = vector.shape_cast %get3A_118 : vector<1x128x64xf32> to vector<128x64xf32>
    %dot_general3A_120 = arith.constant dense<0.000000e+00> : vector<128x64xf32>
    %dot_general3A_121 = tpu.matmul %concatenate3A, %get3A_119, %dot_general3A_120 {dimension_numbers = #tpu.dot_dimension_numbers<[1], [0], [0], [1], [0, 0, 1, 1], [], []>, precision = #tpu.contract_precision<fp32>, transpose_lhs_hint = false} : vector<128x128xf32>, vector<128x64xf32>, vector<128x64xf32> -> vector<128x64xf32>
    %dot_general3A_122 = arith.constant dense<0.000000e+00> : vector<128x64xf32>
    %dot_general3A_123 = tpu.matmul %dot_general3A_100, %dot_general3A_107, %dot_general3A_122 {dimension_numbers = #tpu.dot_dimension_numbers<[1], [0], [0], [1], [0, 0, 1, 1], [], []>, precision = #tpu.contract_precision<fp32>, transpose_lhs_hint = false} : vector<128x128xf32>, vector<128x64xf32>, vector<128x64xf32> -> vector<128x64xf32>
    %get3A_124 = arith.constant 0 : index
    %get3A_125 = arith.constant 0 : index
    %get3A_126 = arith.constant 0 : index
    %get3A_127 = arith.constant 0 : index
    %get3A_128 = vector.load %arg9[%get3A_124, %get3A_125, %get3A_126, %get3A_127] : memref<6x3x128x64xf32, #tpu.memory_space<vmem>>, vector<1x1x128x64xf32>
    %get3A_129 = vector.shape_cast %get3A_128 : vector<1x1x128x64xf32> to vector<128x64xf32>
    %dot_general3A_130 = arith.constant dense<0.000000e+00> : vector<128x64xf32>
    %dot_general3A_131 = tpu.matmul %concatenate3A, %get3A_129, %dot_general3A_130 {dimension_numbers = #tpu.dot_dimension_numbers<[1], [0], [0], [1], [0, 0, 1, 1], [], []>, precision = #tpu.contract_precision<fp32>, transpose_lhs_hint = false} : vector<128x128xf32>, vector<128x64xf32>, vector<128x64xf32> -> vector<128x64xf32>
    %add3A_132 = arith.addf %dot_general3A_123, %dot_general3A_131 : vector<128x64xf32>
    %get3A_133 = arith.constant 0 : index
    %get3A_134 = arith.constant 0 : index
    %get3A_135 = arith.constant 0 : index
    %get3A_136 = arith.constant 0 : index
    %get3A_137 = vector.load %arg10[%get3A_133, %get3A_134, %get3A_135, %get3A_136] : memref<6x3x1x64xf32, #tpu.memory_space<vmem>>, vector<1x1x1x64xf32>
    %get3A_138 = vector.shape_cast %get3A_137 : vector<1x1x1x64xf32> to vector<1x64xf32>
    %add3A_139 = vector.broadcast %get3A_138 : vector<1x64xf32> to vector<128x64xf32>
    %add3A_140 = arith.addf %add3A_132, %add3A_139 : vector<128x64xf32>
    %max3A_141 = arith.constant 0.000000e+00 : f32
    %max3A_142 = vector.broadcast %max3A_141 : f32 to vector<128x64xf32>
    %max3A_143 = arith.maximumf %add3A_140, %max3A_142 : vector<128x64xf32>
    %dot_general3A_144 = arith.constant dense<0.000000e+00> : vector<128x64xf32>
    %dot_general3A_145 = tpu.matmul %dot_general3A_100, %dot_general3A_114, %dot_general3A_144 {dimension_numbers = #tpu.dot_dimension_numbers<[1], [0], [0], [1], [0, 0, 1, 1], [], []>, precision = #tpu.contract_precision<fp32>, transpose_lhs_hint = false} : vector<128x128xf32>, vector<128x64xf32>, vector<128x64xf32> -> vector<128x64xf32>
    %get3A_146 = arith.constant 0 : index
    %get3A_147 = arith.constant 1 : index
    %get3A_148 = arith.constant 0 : index
    %get3A_149 = arith.constant 0 : index
    %get3A_150 = vector.load %arg9[%get3A_146, %get3A_147, %get3A_148, %get3A_149] : memref<6x3x128x64xf32, #tpu.memory_space<vmem>>, vector<1x1x128x64xf32>
    %get3A_151 = vector.shape_cast %get3A_150 : vector<1x1x128x64xf32> to vector<128x64xf32>
    %dot_general3A_152 = arith.constant dense<0.000000e+00> : vector<128x64xf32>
    %dot_general3A_153 = tpu.matmul %concatenate3A, %get3A_151, %dot_general3A_152 {dimension_numbers = #tpu.dot_dimension_numbers<[1], [0], [0], [1], [0, 0, 1, 1], [], []>, precision = #tpu.contract_precision<fp32>, transpose_lhs_hint = false} : vector<128x128xf32>, vector<128x64xf32>, vector<128x64xf32> -> vector<128x64xf32>
    %add3A_154 = arith.addf %dot_general3A_145, %dot_general3A_153 : vector<128x64xf32>
    %get3A_155 = arith.constant 0 : index
    %get3A_156 = arith.constant 1 : index
    %get3A_157 = arith.constant 0 : index
    %get3A_158 = arith.constant 0 : index
    %get3A_159 = vector.load %arg10[%get3A_155, %get3A_156, %get3A_157, %get3A_158] : memref<6x3x1x64xf32, #tpu.memory_space<vmem>>, vector<1x1x1x64xf32>
    %get3A_160 = vector.shape_cast %get3A_159 : vector<1x1x1x64xf32> to vector<1x64xf32>
    %add3A_161 = vector.broadcast %get3A_160 : vector<1x64xf32> to vector<128x64xf32>
    %add3A_162 = arith.addf %add3A_154, %add3A_161 : vector<128x64xf32>
    %max3A_163 = arith.constant 0.000000e+00 : f32
    %max3A_164 = vector.broadcast %max3A_163 : f32 to vector<128x64xf32>
    %max3A_165 = arith.maximumf %add3A_162, %max3A_164 : vector<128x64xf32>
    %dot_general3A_166 = arith.constant dense<0.000000e+00> : vector<128x64xf32>
    %dot_general3A_167 = tpu.matmul %dot_general3A_100, %dot_general3A_121, %dot_general3A_166 {dimension_numbers = #tpu.dot_dimension_numbers<[1], [0], [0], [1], [0, 0, 1, 1], [], []>, precision = #tpu.contract_precision<fp32>, transpose_lhs_hint = false} : vector<128x128xf32>, vector<128x64xf32>, vector<128x64xf32> -> vector<128x64xf32>
    %get3A_168 = arith.constant 0 : index
    %get3A_169 = arith.constant 2 : index
    %get3A_170 = arith.constant 0 : index
    %get3A_171 = arith.constant 0 : index
    %get3A_172 = vector.load %arg9[%get3A_168, %get3A_169, %get3A_170, %get3A_171] : memref<6x3x128x64xf32, #tpu.memory_space<vmem>>, vector<1x1x128x64xf32>
    %get3A_173 = vector.shape_cast %get3A_172 : vector<1x1x128x64xf32> to vector<128x64xf32>
    %dot_general3A_174 = arith.constant dense<0.000000e+00> : vector<128x64xf32>
    %dot_general3A_175 = tpu.matmul %concatenate3A, %get3A_173, %dot_general3A_174 {dimension_numbers = #tpu.dot_dimension_numbers<[1], [0], [0], [1], [0, 0, 1, 1], [], []>, precision = #tpu.contract_precision<fp32>, transpose_lhs_hint = false} : vector<128x128xf32>, vector<128x64xf32>, vector<128x64xf32> -> vector<128x64xf32>
    %add3A_176 = arith.addf %dot_general3A_167, %dot_general3A_175 : vector<128x64xf32>
    %get3A_177 = arith.constant 0 : index
    %get3A_178 = arith.constant 2 : index
    %get3A_179 = arith.constant 0 : index
    %get3A_180 = arith.constant 0 : index
    %get3A_181 = vector.load %arg10[%get3A_177, %get3A_178, %get3A_179, %get3A_180] : memref<6x3x1x64xf32, #tpu.memory_space<vmem>>, vector<1x1x1x64xf32>
    %get3A_182 = vector.shape_cast %get3A_181 : vector<1x1x1x64xf32> to vector<1x64xf32>
    %add3A_183 = vector.broadcast %get3A_182 : vector<1x64xf32> to vector<128x64xf32>
    %add3A_184 = arith.addf %add3A_176, %add3A_183 : vector<128x64xf32>
    %max3A_185 = arith.constant 0.000000e+00 : f32
    %max3A_186 = vector.broadcast %max3A_185 : f32 to vector<128x64xf32>
    %max3A_187 = arith.maximumf %add3A_184, %max3A_186 : vector<128x64xf32>
    %get3A_188 = arith.constant 0 : index
    %get3A_189 = arith.constant 0 : index
    %get3A_190 = arith.constant 0 : index
    %get3A_191 = arith.constant 0 : index
    %get3A_192 = vector.load %arg8[%get3A_188, %get3A_189, %get3A_190, %get3A_191] : memref<5x3x64x64xf32, #tpu.memory_space<vmem>>, vector<1x1x64x64xf32>
    %get3A_193 = vector.shape_cast %get3A_192 : vector<1x1x64x64xf32> to vector<64x64xf32>
    %dot_general3A_194 = arith.constant dense<0.000000e+00> : vector<128x64xf32>
    %dot_general3A_195 = tpu.matmul %max3A_143, %get3A_193, %dot_general3A_194 {dimension_numbers = #tpu.dot_dimension_numbers<[1], [0], [0], [1], [0, 0, 1, 1], [], []>, precision = #tpu.contract_precision<fp32>, transpose_lhs_hint = false} : vector<128x64xf32>, vector<64x64xf32>, vector<128x64xf32> -> vector<128x64xf32>
    %get3A_196 = arith.constant 0 : index
    %get3A_197 = arith.constant 1 : index
    %get3A_198 = arith.constant 0 : index
    %get3A_199 = arith.constant 0 : index
    %get3A_200 = vector.load %arg8[%get3A_196, %get3A_197, %get3A_198, %get3A_199] : memref<5x3x64x64xf32, #tpu.memory_space<vmem>>, vector<1x1x64x64xf32>
    %get3A_201 = vector.shape_cast %get3A_200 : vector<1x1x64x64xf32> to vector<64x64xf32>
    %dot_general3A_202 = arith.constant dense<0.000000e+00> : vector<128x64xf32>
    %dot_general3A_203 = tpu.matmul %max3A_165, %get3A_201, %dot_general3A_202 {dimension_numbers = #tpu.dot_dimension_numbers<[1], [0], [0], [1], [0, 0, 1, 1], [], []>, precision = #tpu.contract_precision<fp32>, transpose_lhs_hint = false} : vector<128x64xf32>, vector<64x64xf32>, vector<128x64xf32> -> vector<128x64xf32>
    %get3A_204 = arith.constant 0 : index
    %get3A_205 = arith.constant 2 : index
    %get3A_206 = arith.constant 0 : index
    %get3A_207 = arith.constant 0 : index
    %get3A_208 = vector.load %arg8[%get3A_204, %get3A_205, %get3A_206, %get3A_207] : memref<5x3x64x64xf32, #tpu.memory_space<vmem>>, vector<1x1x64x64xf32>
    %get3A_209 = vector.shape_cast %get3A_208 : vector<1x1x64x64xf32> to vector<64x64xf32>
    %dot_general3A_210 = arith.constant dense<0.000000e+00> : vector<128x64xf32>
    %dot_general3A_211 = tpu.matmul %max3A_187, %get3A_209, %dot_general3A_210 {dimension_numbers = #tpu.dot_dimension_numbers<[1], [0], [0], [1], [0, 0, 1, 1], [], []>, precision = #tpu.contract_precision<fp32>, transpose_lhs_hint = false} : vector<128x64xf32>, vector<64x64xf32>, vector<128x64xf32> -> vector<128x64xf32>
    %dot_general3A_212 = arith.constant dense<0.000000e+00> : vector<128x64xf32>
    %dot_general3A_213 = tpu.matmul %dot_general3A_100, %dot_general3A_195, %dot_general3A_212 {dimension_numbers = #tpu.dot_dimension_numbers<[1], [0], [0], [1], [0, 0, 1, 1], [], []>, precision = #tpu.contract_precision<fp32>, transpose_lhs_hint = false} : vector<128x128xf32>, vector<128x64xf32>, vector<128x64xf32> -> vector<128x64xf32>
    %get3A_214 = arith.constant 1 : index
    %get3A_215 = arith.constant 0 : index
    %get3A_216 = arith.constant 0 : index
    %get3A_217 = arith.constant 0 : index
    %get3A_218 = vector.load %arg9[%get3A_214, %get3A_215, %get3A_216, %get3A_217] : memref<6x3x128x64xf32, #tpu.memory_space<vmem>>, vector<1x1x128x64xf32>
    %get3A_219 = vector.shape_cast %get3A_218 : vector<1x1x128x64xf32> to vector<128x64xf32>
    %dot_general3A_220 = arith.constant dense<0.000000e+00> : vector<128x64xf32>
    %dot_general3A_221 = tpu.matmul %concatenate3A, %get3A_219, %dot_general3A_220 {dimension_numbers = #tpu.dot_dimension_numbers<[1], [0], [0], [1], [0, 0, 1, 1], [], []>, precision = #tpu.contract_precision<fp32>, transpose_lhs_hint = false} : vector<128x128xf32>, vector<128x64xf32>, vector<128x64xf32> -> vector<128x64xf32>
    %add3A_222 = arith.addf %dot_general3A_213, %dot_general3A_221 : vector<128x64xf32>
    %get3A_223 = arith.constant 1 : index
    %get3A_224 = arith.constant 0 : index
    %get3A_225 = arith.constant 0 : index
    %get3A_226 = arith.constant 0 : index
    %get3A_227 = vector.load %arg10[%get3A_223, %get3A_224, %get3A_225, %get3A_226] : memref<6x3x1x64xf32, #tpu.memory_space<vmem>>, vector<1x1x1x64xf32>
    %get3A_228 = vector.shape_cast %get3A_227 : vector<1x1x1x64xf32> to vector<1x64xf32>
    %add3A_229 = vector.broadcast %get3A_228 : vector<1x64xf32> to vector<128x64xf32>
    %add3A_230 = arith.addf %add3A_222, %add3A_229 : vector<128x64xf32>
    %max3A_231 = arith.constant 0.000000e+00 : f32
    %max3A_232 = vector.broadcast %max3A_231 : f32 to vector<128x64xf32>
    %max3A_233 = arith.maximumf %add3A_230, %max3A_232 : vector<128x64xf32>
    %dot_general3A_234 = arith.constant dense<0.000000e+00> : vector<128x64xf32>
    %dot_general3A_235 = tpu.matmul %dot_general3A_100, %dot_general3A_203, %dot_general3A_234 {dimension_numbers = #tpu.dot_dimension_numbers<[1], [0], [0], [1], [0, 0, 1, 1], [], []>, precision = #tpu.contract_precision<fp32>, transpose_lhs_hint = false} : vector<128x128xf32>, vector<128x64xf32>, vector<128x64xf32> -> vector<128x64xf32>
    %get3A_236 = arith.constant 1 : index
    %get3A_237 = arith.constant 1 : index
    %get3A_238 = arith.constant 0 : index
    %get3A_239 = arith.constant 0 : index
    %get3A_240 = vector.load %arg9[%get3A_236, %get3A_237, %get3A_238, %get3A_239] : memref<6x3x128x64xf32, #tpu.memory_space<vmem>>, vector<1x1x128x64xf32>
    %get3A_241 = vector.shape_cast %get3A_240 : vector<1x1x128x64xf32> to vector<128x64xf32>
    %dot_general3A_242 = arith.constant dense<0.000000e+00> : vector<128x64xf32>
    %dot_general3A_243 = tpu.matmul %concatenate3A, %get3A_241, %dot_general3A_242 {dimension_numbers = #tpu.dot_dimension_numbers<[1], [0], [0], [1], [0, 0, 1, 1], [], []>, precision = #tpu.contract_precision<fp32>, transpose_lhs_hint = false} : vector<128x128xf32>, vector<128x64xf32>, vector<128x64xf32> -> vector<128x64xf32>
    %add3A_244 = arith.addf %dot_general3A_235, %dot_general3A_243 : vector<128x64xf32>
    %get3A_245 = arith.constant 1 : index
    %get3A_246 = arith.constant 1 : index
    %get3A_247 = arith.constant 0 : index
    %get3A_248 = arith.constant 0 : index
    %get3A_249 = vector.load %arg10[%get3A_245, %get3A_246, %get3A_247, %get3A_248] : memref<6x3x1x64xf32, #tpu.memory_space<vmem>>, vector<1x1x1x64xf32>
    %get3A_250 = vector.shape_cast %get3A_249 : vector<1x1x1x64xf32> to vector<1x64xf32>
    %add3A_251 = vector.broadcast %get3A_250 : vector<1x64xf32> to vector<128x64xf32>
    %add3A_252 = arith.addf %add3A_244, %add3A_251 : vector<128x64xf32>
    %max3A_253 = arith.constant 0.000000e+00 : f32
    %max3A_254 = vector.broadcast %max3A_253 : f32 to vector<128x64xf32>
    %max3A_255 = arith.maximumf %add3A_252, %max3A_254 : vector<128x64xf32>
    %dot_general3A_256 = arith.constant dense<0.000000e+00> : vector<128x64xf32>
    %dot_general3A_257 = tpu.matmul %dot_general3A_100, %dot_general3A_211, %dot_general3A_256 {dimension_numbers = #tpu.dot_dimension_numbers<[1], [0], [0], [1], [0, 0, 1, 1], [], []>, precision = #tpu.contract_precision<fp32>, transpose_lhs_hint = false} : vector<128x128xf32>, vector<128x64xf32>, vector<128x64xf32> -> vector<128x64xf32>
    %get3A_258 = arith.constant 1 : index
    %get3A_259 = arith.constant 2 : index
    %get3A_260 = arith.constant 0 : index
    %get3A_261 = arith.constant 0 : index
    %get3A_262 = vector.load %arg9[%get3A_258, %get3A_259, %get3A_260, %get3A_261] : memref<6x3x128x64xf32, #tpu.memory_space<vmem>>, vector<1x1x128x64xf32>
    %get3A_263 = vector.shape_cast %get3A_262 : vector<1x1x128x64xf32> to vector<128x64xf32>
    %dot_general3A_264 = arith.constant dense<0.000000e+00> : vector<128x64xf32>
    %dot_general3A_265 = tpu.matmul %concatenate3A, %get3A_263, %dot_general3A_264 {dimension_numbers = #tpu.dot_dimension_numbers<[1], [0], [0], [1], [0, 0, 1, 1], [], []>, precision = #tpu.contract_precision<fp32>, transpose_lhs_hint = false} : vector<128x128xf32>, vector<128x64xf32>, vector<128x64xf32> -> vector<128x64xf32>
    %add3A_266 = arith.addf %dot_general3A_257, %dot_general3A_265 : vector<128x64xf32>
    %get3A_267 = arith.constant 1 : index
    %get3A_268 = arith.constant 2 : index
    %get3A_269 = arith.constant 0 : index
    %get3A_270 = arith.constant 0 : index
    %get3A_271 = vector.load %arg10[%get3A_267, %get3A_268, %get3A_269, %get3A_270] : memref<6x3x1x64xf32, #tpu.memory_space<vmem>>, vector<1x1x1x64xf32>
    %get3A_272 = vector.shape_cast %get3A_271 : vector<1x1x1x64xf32> to vector<1x64xf32>
    %add3A_273 = vector.broadcast %get3A_272 : vector<1x64xf32> to vector<128x64xf32>
    %add3A_274 = arith.addf %add3A_266, %add3A_273 : vector<128x64xf32>
    %max3A_275 = arith.constant 0.000000e+00 : f32
    %max3A_276 = vector.broadcast %max3A_275 : f32 to vector<128x64xf32>
    %max3A_277 = arith.maximumf %add3A_274, %max3A_276 : vector<128x64xf32>
    %get3A_278 = arith.constant 1 : index
    %get3A_279 = arith.constant 0 : index
    %get3A_280 = arith.constant 0 : index
    %get3A_281 = arith.constant 0 : index
    %get3A_282 = vector.load %arg8[%get3A_278, %get3A_279, %get3A_280, %get3A_281] : memref<5x3x64x64xf32, #tpu.memory_space<vmem>>, vector<1x1x64x64xf32>
    %get3A_283 = vector.shape_cast %get3A_282 : vector<1x1x64x64xf32> to vector<64x64xf32>
    %dot_general3A_284 = arith.constant dense<0.000000e+00> : vector<128x64xf32>
    %dot_general3A_285 = tpu.matmul %max3A_233, %get3A_283, %dot_general3A_284 {dimension_numbers = #tpu.dot_dimension_numbers<[1], [0], [0], [1], [0, 0, 1, 1], [], []>, precision = #tpu.contract_precision<fp32>, transpose_lhs_hint = false} : vector<128x64xf32>, vector<64x64xf32>, vector<128x64xf32> -> vector<128x64xf32>
    %get3A_286 = arith.constant 1 : index
    %get3A_287 = arith.constant 1 : index
    %get3A_288 = arith.constant 0 : index
    %get3A_289 = arith.constant 0 : index
    %get3A_290 = vector.load %arg8[%get3A_286, %get3A_287, %get3A_288, %get3A_289] : memref<5x3x64x64xf32, #tpu.memory_space<vmem>>, vector<1x1x64x64xf32>
    %get3A_291 = vector.shape_cast %get3A_290 : vector<1x1x64x64xf32> to vector<64x64xf32>
    %dot_general3A_292 = arith.constant dense<0.000000e+00> : vector<128x64xf32>
    %dot_general3A_293 = tpu.matmul %max3A_255, %get3A_291, %dot_general3A_292 {dimension_numbers = #tpu.dot_dimension_numbers<[1], [0], [0], [1], [0, 0, 1, 1], [], []>, precision = #tpu.contract_precision<fp32>, transpose_lhs_hint = false} : vector<128x64xf32>, vector<64x64xf32>, vector<128x64xf32> -> vector<128x64xf32>
    %get3A_294 = arith.constant 1 : index
    %get3A_295 = arith.constant 2 : index
    %get3A_296 = arith.constant 0 : index
    %get3A_297 = arith.constant 0 : index
    %get3A_298 = vector.load %arg8[%get3A_294, %get3A_295, %get3A_296, %get3A_297] : memref<5x3x64x64xf32, #tpu.memory_space<vmem>>, vector<1x1x64x64xf32>
    %get3A_299 = vector.shape_cast %get3A_298 : vector<1x1x64x64xf32> to vector<64x64xf32>
    %dot_general3A_300 = arith.constant dense<0.000000e+00> : vector<128x64xf32>
    %dot_general3A_301 = tpu.matmul %max3A_277, %get3A_299, %dot_general3A_300 {dimension_numbers = #tpu.dot_dimension_numbers<[1], [0], [0], [1], [0, 0, 1, 1], [], []>, precision = #tpu.contract_precision<fp32>, transpose_lhs_hint = false} : vector<128x64xf32>, vector<64x64xf32>, vector<128x64xf32> -> vector<128x64xf32>
    %dot_general3A_302 = arith.constant dense<0.000000e+00> : vector<128x64xf32>
    %dot_general3A_303 = tpu.matmul %dot_general3A_100, %dot_general3A_285, %dot_general3A_302 {dimension_numbers = #tpu.dot_dimension_numbers<[1], [0], [0], [1], [0, 0, 1, 1], [], []>, precision = #tpu.contract_precision<fp32>, transpose_lhs_hint = false} : vector<128x128xf32>, vector<128x64xf32>, vector<128x64xf32> -> vector<128x64xf32>
    %get3A_304 = arith.constant 2 : index
    %get3A_305 = arith.constant 0 : index
    %get3A_306 = arith.constant 0 : index
    %get3A_307 = arith.constant 0 : index
    %get3A_308 = vector.load %arg9[%get3A_304, %get3A_305, %get3A_306, %get3A_307] : memref<6x3x128x64xf32, #tpu.memory_space<vmem>>, vector<1x1x128x64xf32>
    %get3A_309 = vector.shape_cast %get3A_308 : vector<1x1x128x64xf32> to vector<128x64xf32>
    %dot_general3A_310 = arith.constant dense<0.000000e+00> : vector<128x64xf32>
    %dot_general3A_311 = tpu.matmul %concatenate3A, %get3A_309, %dot_general3A_310 {dimension_numbers = #tpu.dot_dimension_numbers<[1], [0], [0], [1], [0, 0, 1, 1], [], []>, precision = #tpu.contract_precision<fp32>, transpose_lhs_hint = false} : vector<128x128xf32>, vector<128x64xf32>, vector<128x64xf32> -> vector<128x64xf32>
    %add3A_312 = arith.addf %dot_general3A_303, %dot_general3A_311 : vector<128x64xf32>
    %get3A_313 = arith.constant 2 : index
    %get3A_314 = arith.constant 0 : index
    %get3A_315 = arith.constant 0 : index
    %get3A_316 = arith.constant 0 : index
    %get3A_317 = vector.load %arg10[%get3A_313, %get3A_314, %get3A_315, %get3A_316] : memref<6x3x1x64xf32, #tpu.memory_space<vmem>>, vector<1x1x1x64xf32>
    %get3A_318 = vector.shape_cast %get3A_317 : vector<1x1x1x64xf32> to vector<1x64xf32>
    %add3A_319 = vector.broadcast %get3A_318 : vector<1x64xf32> to vector<128x64xf32>
    %add3A_320 = arith.addf %add3A_312, %add3A_319 : vector<128x64xf32>
    %max3A_321 = arith.constant 0.000000e+00 : f32
    %max3A_322 = vector.broadcast %max3A_321 : f32 to vector<128x64xf32>
    %max3A_323 = arith.maximumf %add3A_320, %max3A_322 : vector<128x64xf32>
    %dot_general3A_324 = arith.constant dense<0.000000e+00> : vector<128x64xf32>
    %dot_general3A_325 = tpu.matmul %dot_general3A_100, %dot_general3A_293, %dot_general3A_324 {dimension_numbers = #tpu.dot_dimension_numbers<[1], [0], [0], [1], [0, 0, 1, 1], [], []>, precision = #tpu.contract_precision<fp32>, transpose_lhs_hint = false} : vector<128x128xf32>, vector<128x64xf32>, vector<128x64xf32> -> vector<128x64xf32>
    %get3A_326 = arith.constant 2 : index
    %get3A_327 = arith.constant 1 : index
    %get3A_328 = arith.constant 0 : index
    %get3A_329 = arith.constant 0 : index
    %get3A_330 = vector.load %arg9[%get3A_326, %get3A_327, %get3A_328, %get3A_329] : memref<6x3x128x64xf32, #tpu.memory_space<vmem>>, vector<1x1x128x64xf32>
    %get3A_331 = vector.shape_cast %get3A_330 : vector<1x1x128x64xf32> to vector<128x64xf32>
    %dot_general3A_332 = arith.constant dense<0.000000e+00> : vector<128x64xf32>
    %dot_general3A_333 = tpu.matmul %concatenate3A, %get3A_331, %dot_general3A_332 {dimension_numbers = #tpu.dot_dimension_numbers<[1], [0], [0], [1], [0, 0, 1, 1], [], []>, precision = #tpu.contract_precision<fp32>, transpose_lhs_hint = false} : vector<128x128xf32>, vector<128x64xf32>, vector<128x64xf32> -> vector<128x64xf32>
    %add3A_334 = arith.addf %dot_general3A_325, %dot_general3A_333 : vector<128x64xf32>
    %get3A_335 = arith.constant 2 : index
    %get3A_336 = arith.constant 1 : index
    %get3A_337 = arith.constant 0 : index
    %get3A_338 = arith.constant 0 : index
    %get3A_339 = vector.load %arg10[%get3A_335, %get3A_336, %get3A_337, %get3A_338] : memref<6x3x1x64xf32, #tpu.memory_space<vmem>>, vector<1x1x1x64xf32>
    %get3A_340 = vector.shape_cast %get3A_339 : vector<1x1x1x64xf32> to vector<1x64xf32>
    %add3A_341 = vector.broadcast %get3A_340 : vector<1x64xf32> to vector<128x64xf32>
    %add3A_342 = arith.addf %add3A_334, %add3A_341 : vector<128x64xf32>
    %max3A_343 = arith.constant 0.000000e+00 : f32
    %max3A_344 = vector.broadcast %max3A_343 : f32 to vector<128x64xf32>
    %max3A_345 = arith.maximumf %add3A_342, %max3A_344 : vector<128x64xf32>
    %dot_general3A_346 = arith.constant dense<0.000000e+00> : vector<128x64xf32>
    %dot_general3A_347 = tpu.matmul %dot_general3A_100, %dot_general3A_301, %dot_general3A_346 {dimension_numbers = #tpu.dot_dimension_numbers<[1], [0], [0], [1], [0, 0, 1, 1], [], []>, precision = #tpu.contract_precision<fp32>, transpose_lhs_hint = false} : vector<128x128xf32>, vector<128x64xf32>, vector<128x64xf32> -> vector<128x64xf32>
    %get3A_348 = arith.constant 2 : index
    %get3A_349 = arith.constant 2 : index
    %get3A_350 = arith.constant 0 : index
    %get3A_351 = arith.constant 0 : index
    %get3A_352 = vector.load %arg9[%get3A_348, %get3A_349, %get3A_350, %get3A_351] : memref<6x3x128x64xf32, #tpu.memory_space<vmem>>, vector<1x1x128x64xf32>
    %get3A_353 = vector.shape_cast %get3A_352 : vector<1x1x128x64xf32> to vector<128x64xf32>
    %dot_general3A_354 = arith.constant dense<0.000000e+00> : vector<128x64xf32>
    %dot_general3A_355 = tpu.matmul %concatenate3A, %get3A_353, %dot_general3A_354 {dimension_numbers = #tpu.dot_dimension_numbers<[1], [0], [0], [1], [0, 0, 1, 1], [], []>, precision = #tpu.contract_precision<fp32>, transpose_lhs_hint = false} : vector<128x128xf32>, vector<128x64xf32>, vector<128x64xf32> -> vector<128x64xf32>
    %add3A_356 = arith.addf %dot_general3A_347, %dot_general3A_355 : vector<128x64xf32>
    %get3A_357 = arith.constant 2 : index
    %get3A_358 = arith.constant 2 : index
    %get3A_359 = arith.constant 0 : index
    %get3A_360 = arith.constant 0 : index
    %get3A_361 = vector.load %arg10[%get3A_357, %get3A_358, %get3A_359, %get3A_360] : memref<6x3x1x64xf32, #tpu.memory_space<vmem>>, vector<1x1x1x64xf32>
    %get3A_362 = vector.shape_cast %get3A_361 : vector<1x1x1x64xf32> to vector<1x64xf32>
    %add3A_363 = vector.broadcast %get3A_362 : vector<1x64xf32> to vector<128x64xf32>
    %add3A_364 = arith.addf %add3A_356, %add3A_363 : vector<128x64xf32>
    %max3A_365 = arith.constant 0.000000e+00 : f32
    %max3A_366 = vector.broadcast %max3A_365 : f32 to vector<128x64xf32>
    %max3A_367 = arith.maximumf %add3A_364, %max3A_366 : vector<128x64xf32>
    %get3A_368 = arith.constant 2 : index
    %get3A_369 = arith.constant 0 : index
    %get3A_370 = arith.constant 0 : index
    %get3A_371 = arith.constant 0 : index
    %get3A_372 = vector.load %arg8[%get3A_368, %get3A_369, %get3A_370, %get3A_371] : memref<5x3x64x64xf32, #tpu.memory_space<vmem>>, vector<1x1x64x64xf32>
    %get3A_373 = vector.shape_cast %get3A_372 : vector<1x1x64x64xf32> to vector<64x64xf32>
    %dot_general3A_374 = arith.constant dense<0.000000e+00> : vector<128x64xf32>
    %dot_general3A_375 = tpu.matmul %max3A_323, %get3A_373, %dot_general3A_374 {dimension_numbers = #tpu.dot_dimension_numbers<[1], [0], [0], [1], [0, 0, 1, 1], [], []>, precision = #tpu.contract_precision<fp32>, transpose_lhs_hint = false} : vector<128x64xf32>, vector<64x64xf32>, vector<128x64xf32> -> vector<128x64xf32>
    %get3A_376 = arith.constant 2 : index
    %get3A_377 = arith.constant 1 : index
    %get3A_378 = arith.constant 0 : index
    %get3A_379 = arith.constant 0 : index
    %get3A_380 = vector.load %arg8[%get3A_376, %get3A_377, %get3A_378, %get3A_379] : memref<5x3x64x64xf32, #tpu.memory_space<vmem>>, vector<1x1x64x64xf32>
    %get3A_381 = vector.shape_cast %get3A_380 : vector<1x1x64x64xf32> to vector<64x64xf32>
    %dot_general3A_382 = arith.constant dense<0.000000e+00> : vector<128x64xf32>
    %dot_general3A_383 = tpu.matmul %max3A_345, %get3A_381, %dot_general3A_382 {dimension_numbers = #tpu.dot_dimension_numbers<[1], [0], [0], [1], [0, 0, 1, 1], [], []>, precision = #tpu.contract_precision<fp32>, transpose_lhs_hint = false} : vector<128x64xf32>, vector<64x64xf32>, vector<128x64xf32> -> vector<128x64xf32>
    %get3A_384 = arith.constant 2 : index
    %get3A_385 = arith.constant 2 : index
    %get3A_386 = arith.constant 0 : index
    %get3A_387 = arith.constant 0 : index
    %get3A_388 = vector.load %arg8[%get3A_384, %get3A_385, %get3A_386, %get3A_387] : memref<5x3x64x64xf32, #tpu.memory_space<vmem>>, vector<1x1x64x64xf32>
    %get3A_389 = vector.shape_cast %get3A_388 : vector<1x1x64x64xf32> to vector<64x64xf32>
    %dot_general3A_390 = arith.constant dense<0.000000e+00> : vector<128x64xf32>
    %dot_general3A_391 = tpu.matmul %max3A_367, %get3A_389, %dot_general3A_390 {dimension_numbers = #tpu.dot_dimension_numbers<[1], [0], [0], [1], [0, 0, 1, 1], [], []>, precision = #tpu.contract_precision<fp32>, transpose_lhs_hint = false} : vector<128x64xf32>, vector<64x64xf32>, vector<128x64xf32> -> vector<128x64xf32>
    %dot_general3A_392 = arith.constant dense<0.000000e+00> : vector<128x64xf32>
    %dot_general3A_393 = tpu.matmul %dot_general3A_100, %dot_general3A_375, %dot_general3A_392 {dimension_numbers = #tpu.dot_dimension_numbers<[1], [0], [0], [1], [0, 0, 1, 1], [], []>, precision = #tpu.contract_precision<fp32>, transpose_lhs_hint = false} : vector<128x128xf32>, vector<128x64xf32>, vector<128x64xf32> -> vector<128x64xf32>
    %get3A_394 = arith.constant 3 : index
    %get3A_395 = arith.constant 0 : index
    %get3A_396 = arith.constant 0 : index
    %get3A_397 = arith.constant 0 : index
    %get3A_398 = vector.load %arg9[%get3A_394, %get3A_395, %get3A_396, %get3A_397] : memref<6x3x128x64xf32, #tpu.memory_space<vmem>>, vector<1x1x128x64xf32>
    %get3A_399 = vector.shape_cast %get3A_398 : vector<1x1x128x64xf32> to vector<128x64xf32>
    %dot_general3A_400 = arith.constant dense<0.000000e+00> : vector<128x64xf32>
    %dot_general3A_401 = tpu.matmul %concatenate3A, %get3A_399, %dot_general3A_400 {dimension_numbers = #tpu.dot_dimension_numbers<[1], [0], [0], [1], [0, 0, 1, 1], [], []>, precision = #tpu.contract_precision<fp32>, transpose_lhs_hint = false} : vector<128x128xf32>, vector<128x64xf32>, vector<128x64xf32> -> vector<128x64xf32>
    %add3A_402 = arith.addf %dot_general3A_393, %dot_general3A_401 : vector<128x64xf32>
    %get3A_403 = arith.constant 3 : index
    %get3A_404 = arith.constant 0 : index
    %get3A_405 = arith.constant 0 : index
    %get3A_406 = arith.constant 0 : index
    %get3A_407 = vector.load %arg10[%get3A_403, %get3A_404, %get3A_405, %get3A_406] : memref<6x3x1x64xf32, #tpu.memory_space<vmem>>, vector<1x1x1x64xf32>
    %get3A_408 = vector.shape_cast %get3A_407 : vector<1x1x1x64xf32> to vector<1x64xf32>
    %add3A_409 = vector.broadcast %get3A_408 : vector<1x64xf32> to vector<128x64xf32>
    %add3A_410 = arith.addf %add3A_402, %add3A_409 : vector<128x64xf32>
    %max3A_411 = arith.constant 0.000000e+00 : f32
    %max3A_412 = vector.broadcast %max3A_411 : f32 to vector<128x64xf32>
    %max3A_413 = arith.maximumf %add3A_410, %max3A_412 : vector<128x64xf32>
    %dot_general3A_414 = arith.constant dense<0.000000e+00> : vector<128x64xf32>
    %dot_general3A_415 = tpu.matmul %dot_general3A_100, %dot_general3A_383, %dot_general3A_414 {dimension_numbers = #tpu.dot_dimension_numbers<[1], [0], [0], [1], [0, 0, 1, 1], [], []>, precision = #tpu.contract_precision<fp32>, transpose_lhs_hint = false} : vector<128x128xf32>, vector<128x64xf32>, vector<128x64xf32> -> vector<128x64xf32>
    %get3A_416 = arith.constant 3 : index
    %get3A_417 = arith.constant 1 : index
    %get3A_418 = arith.constant 0 : index
    %get3A_419 = arith.constant 0 : index
    %get3A_420 = vector.load %arg9[%get3A_416, %get3A_417, %get3A_418, %get3A_419] : memref<6x3x128x64xf32, #tpu.memory_space<vmem>>, vector<1x1x128x64xf32>
    %get3A_421 = vector.shape_cast %get3A_420 : vector<1x1x128x64xf32> to vector<128x64xf32>
    %dot_general3A_422 = arith.constant dense<0.000000e+00> : vector<128x64xf32>
    %dot_general3A_423 = tpu.matmul %concatenate3A, %get3A_421, %dot_general3A_422 {dimension_numbers = #tpu.dot_dimension_numbers<[1], [0], [0], [1], [0, 0, 1, 1], [], []>, precision = #tpu.contract_precision<fp32>, transpose_lhs_hint = false} : vector<128x128xf32>, vector<128x64xf32>, vector<128x64xf32> -> vector<128x64xf32>
    %add3A_424 = arith.addf %dot_general3A_415, %dot_general3A_423 : vector<128x64xf32>
    %get3A_425 = arith.constant 3 : index
    %get3A_426 = arith.constant 1 : index
    %get3A_427 = arith.constant 0 : index
    %get3A_428 = arith.constant 0 : index
    %get3A_429 = vector.load %arg10[%get3A_425, %get3A_426, %get3A_427, %get3A_428] : memref<6x3x1x64xf32, #tpu.memory_space<vmem>>, vector<1x1x1x64xf32>
    %get3A_430 = vector.shape_cast %get3A_429 : vector<1x1x1x64xf32> to vector<1x64xf32>
    %add3A_431 = vector.broadcast %get3A_430 : vector<1x64xf32> to vector<128x64xf32>
    %add3A_432 = arith.addf %add3A_424, %add3A_431 : vector<128x64xf32>
    %max3A_433 = arith.constant 0.000000e+00 : f32
    %max3A_434 = vector.broadcast %max3A_433 : f32 to vector<128x64xf32>
    %max3A_435 = arith.maximumf %add3A_432, %max3A_434 : vector<128x64xf32>
    %dot_general3A_436 = arith.constant dense<0.000000e+00> : vector<128x64xf32>
    %dot_general3A_437 = tpu.matmul %dot_general3A_100, %dot_general3A_391, %dot_general3A_436 {dimension_numbers = #tpu.dot_dimension_numbers<[1], [0], [0], [1], [0, 0, 1, 1], [], []>, precision = #tpu.contract_precision<fp32>, transpose_lhs_hint = false} : vector<128x128xf32>, vector<128x64xf32>, vector<128x64xf32> -> vector<128x64xf32>
    %get3A_438 = arith.constant 3 : index
    %get3A_439 = arith.constant 2 : index
    %get3A_440 = arith.constant 0 : index
    %get3A_441 = arith.constant 0 : index
    %get3A_442 = vector.load %arg9[%get3A_438, %get3A_439, %get3A_440, %get3A_441] : memref<6x3x128x64xf32, #tpu.memory_space<vmem>>, vector<1x1x128x64xf32>
    %get3A_443 = vector.shape_cast %get3A_442 : vector<1x1x128x64xf32> to vector<128x64xf32>
    %dot_general3A_444 = arith.constant dense<0.000000e+00> : vector<128x64xf32>
    %dot_general3A_445 = tpu.matmul %concatenate3A, %get3A_443, %dot_general3A_444 {dimension_numbers = #tpu.dot_dimension_numbers<[1], [0], [0], [1], [0, 0, 1, 1], [], []>, precision = #tpu.contract_precision<fp32>, transpose_lhs_hint = false} : vector<128x128xf32>, vector<128x64xf32>, vector<128x64xf32> -> vector<128x64xf32>
    %add3A_446 = arith.addf %dot_general3A_437, %dot_general3A_445 : vector<128x64xf32>
    %get3A_447 = arith.constant 3 : index
    %get3A_448 = arith.constant 2 : index
    %get3A_449 = arith.constant 0 : index
    %get3A_450 = arith.constant 0 : index
    %get3A_451 = vector.load %arg10[%get3A_447, %get3A_448, %get3A_449, %get3A_450] : memref<6x3x1x64xf32, #tpu.memory_space<vmem>>, vector<1x1x1x64xf32>
    %get3A_452 = vector.shape_cast %get3A_451 : vector<1x1x1x64xf32> to vector<1x64xf32>
    %add3A_453 = vector.broadcast %get3A_452 : vector<1x64xf32> to vector<128x64xf32>
    %add3A_454 = arith.addf %add3A_446, %add3A_453 : vector<128x64xf32>
    %max3A_455 = arith.constant 0.000000e+00 : f32
    %max3A_456 = vector.broadcast %max3A_455 : f32 to vector<128x64xf32>
    %max3A_457 = arith.maximumf %add3A_454, %max3A_456 : vector<128x64xf32>
    %get3A_458 = arith.constant 3 : index
    %get3A_459 = arith.constant 0 : index
    %get3A_460 = arith.constant 0 : index
    %get3A_461 = arith.constant 0 : index
    %get3A_462 = vector.load %arg8[%get3A_458, %get3A_459, %get3A_460, %get3A_461] : memref<5x3x64x64xf32, #tpu.memory_space<vmem>>, vector<1x1x64x64xf32>
    %get3A_463 = vector.shape_cast %get3A_462 : vector<1x1x64x64xf32> to vector<64x64xf32>
    %dot_general3A_464 = arith.constant dense<0.000000e+00> : vector<128x64xf32>
    %dot_general3A_465 = tpu.matmul %max3A_413, %get3A_463, %dot_general3A_464 {dimension_numbers = #tpu.dot_dimension_numbers<[1], [0], [0], [1], [0, 0, 1, 1], [], []>, precision = #tpu.contract_precision<fp32>, transpose_lhs_hint = false} : vector<128x64xf32>, vector<64x64xf32>, vector<128x64xf32> -> vector<128x64xf32>
    %get3A_466 = arith.constant 3 : index
    %get3A_467 = arith.constant 1 : index
    %get3A_468 = arith.constant 0 : index
    %get3A_469 = arith.constant 0 : index
    %get3A_470 = vector.load %arg8[%get3A_466, %get3A_467, %get3A_468, %get3A_469] : memref<5x3x64x64xf32, #tpu.memory_space<vmem>>, vector<1x1x64x64xf32>
    %get3A_471 = vector.shape_cast %get3A_470 : vector<1x1x64x64xf32> to vector<64x64xf32>
    %dot_general3A_472 = arith.constant dense<0.000000e+00> : vector<128x64xf32>
    %dot_general3A_473 = tpu.matmul %max3A_435, %get3A_471, %dot_general3A_472 {dimension_numbers = #tpu.dot_dimension_numbers<[1], [0], [0], [1], [0, 0, 1, 1], [], []>, precision = #tpu.contract_precision<fp32>, transpose_lhs_hint = false} : vector<128x64xf32>, vector<64x64xf32>, vector<128x64xf32> -> vector<128x64xf32>
    %get3A_474 = arith.constant 3 : index
    %get3A_475 = arith.constant 2 : index
    %get3A_476 = arith.constant 0 : index
    %get3A_477 = arith.constant 0 : index
    %get3A_478 = vector.load %arg8[%get3A_474, %get3A_475, %get3A_476, %get3A_477] : memref<5x3x64x64xf32, #tpu.memory_space<vmem>>, vector<1x1x64x64xf32>
    %get3A_479 = vector.shape_cast %get3A_478 : vector<1x1x64x64xf32> to vector<64x64xf32>
    %dot_general3A_480 = arith.constant dense<0.000000e+00> : vector<128x64xf32>
    %dot_general3A_481 = tpu.matmul %max3A_457, %get3A_479, %dot_general3A_480 {dimension_numbers = #tpu.dot_dimension_numbers<[1], [0], [0], [1], [0, 0, 1, 1], [], []>, precision = #tpu.contract_precision<fp32>, transpose_lhs_hint = false} : vector<128x64xf32>, vector<64x64xf32>, vector<128x64xf32> -> vector<128x64xf32>
    %dot_general3A_482 = arith.constant dense<0.000000e+00> : vector<128x64xf32>
    %dot_general3A_483 = tpu.matmul %dot_general3A_100, %dot_general3A_465, %dot_general3A_482 {dimension_numbers = #tpu.dot_dimension_numbers<[1], [0], [0], [1], [0, 0, 1, 1], [], []>, precision = #tpu.contract_precision<fp32>, transpose_lhs_hint = false} : vector<128x128xf32>, vector<128x64xf32>, vector<128x64xf32> -> vector<128x64xf32>
    %get3A_484 = arith.constant 4 : index
    %get3A_485 = arith.constant 0 : index
    %get3A_486 = arith.constant 0 : index
    %get3A_487 = arith.constant 0 : index
    %get3A_488 = vector.load %arg9[%get3A_484, %get3A_485, %get3A_486, %get3A_487] : memref<6x3x128x64xf32, #tpu.memory_space<vmem>>, vector<1x1x128x64xf32>
    %get3A_489 = vector.shape_cast %get3A_488 : vector<1x1x128x64xf32> to vector<128x64xf32>
    %dot_general3A_490 = arith.constant dense<0.000000e+00> : vector<128x64xf32>
    %dot_general3A_491 = tpu.matmul %concatenate3A, %get3A_489, %dot_general3A_490 {dimension_numbers = #tpu.dot_dimension_numbers<[1], [0], [0], [1], [0, 0, 1, 1], [], []>, precision = #tpu.contract_precision<fp32>, transpose_lhs_hint = false} : vector<128x128xf32>, vector<128x64xf32>, vector<128x64xf32> -> vector<128x64xf32>
    %add3A_492 = arith.addf %dot_general3A_483, %dot_general3A_491 : vector<128x64xf32>
    %get3A_493 = arith.constant 4 : index
    %get3A_494 = arith.constant 0 : index
    %get3A_495 = arith.constant 0 : index
    %get3A_496 = arith.constant 0 : index
    %get3A_497 = vector.load %arg10[%get3A_493, %get3A_494, %get3A_495, %get3A_496] : memref<6x3x1x64xf32, #tpu.memory_space<vmem>>, vector<1x1x1x64xf32>
    %get3A_498 = vector.shape_cast %get3A_497 : vector<1x1x1x64xf32> to vector<1x64xf32>
    %add3A_499 = vector.broadcast %get3A_498 : vector<1x64xf32> to vector<128x64xf32>
    %add3A_500 = arith.addf %add3A_492, %add3A_499 : vector<128x64xf32>
    %max3A_501 = arith.constant 0.000000e+00 : f32
    %max3A_502 = vector.broadcast %max3A_501 : f32 to vector<128x64xf32>
    %max3A_503 = arith.maximumf %add3A_500, %max3A_502 : vector<128x64xf32>
    %dot_general3A_504 = arith.constant dense<0.000000e+00> : vector<128x64xf32>
    %dot_general3A_505 = tpu.matmul %dot_general3A_100, %dot_general3A_473, %dot_general3A_504 {dimension_numbers = #tpu.dot_dimension_numbers<[1], [0], [0], [1], [0, 0, 1, 1], [], []>, precision = #tpu.contract_precision<fp32>, transpose_lhs_hint = false} : vector<128x128xf32>, vector<128x64xf32>, vector<128x64xf32> -> vector<128x64xf32>
    %get3A_506 = arith.constant 4 : index
    %get3A_507 = arith.constant 1 : index
    %get3A_508 = arith.constant 0 : index
    %get3A_509 = arith.constant 0 : index
    %get3A_510 = vector.load %arg9[%get3A_506, %get3A_507, %get3A_508, %get3A_509] : memref<6x3x128x64xf32, #tpu.memory_space<vmem>>, vector<1x1x128x64xf32>
    %get3A_511 = vector.shape_cast %get3A_510 : vector<1x1x128x64xf32> to vector<128x64xf32>
    %dot_general3A_512 = arith.constant dense<0.000000e+00> : vector<128x64xf32>
    %dot_general3A_513 = tpu.matmul %concatenate3A, %get3A_511, %dot_general3A_512 {dimension_numbers = #tpu.dot_dimension_numbers<[1], [0], [0], [1], [0, 0, 1, 1], [], []>, precision = #tpu.contract_precision<fp32>, transpose_lhs_hint = false} : vector<128x128xf32>, vector<128x64xf32>, vector<128x64xf32> -> vector<128x64xf32>
    %add3A_514 = arith.addf %dot_general3A_505, %dot_general3A_513 : vector<128x64xf32>
    %get3A_515 = arith.constant 4 : index
    %get3A_516 = arith.constant 1 : index
    %get3A_517 = arith.constant 0 : index
    %get3A_518 = arith.constant 0 : index
    %get3A_519 = vector.load %arg10[%get3A_515, %get3A_516, %get3A_517, %get3A_518] : memref<6x3x1x64xf32, #tpu.memory_space<vmem>>, vector<1x1x1x64xf32>
    %get3A_520 = vector.shape_cast %get3A_519 : vector<1x1x1x64xf32> to vector<1x64xf32>
    %add3A_521 = vector.broadcast %get3A_520 : vector<1x64xf32> to vector<128x64xf32>
    %add3A_522 = arith.addf %add3A_514, %add3A_521 : vector<128x64xf32>
    %max3A_523 = arith.constant 0.000000e+00 : f32
    %max3A_524 = vector.broadcast %max3A_523 : f32 to vector<128x64xf32>
    %max3A_525 = arith.maximumf %add3A_522, %max3A_524 : vector<128x64xf32>
    %dot_general3A_526 = arith.constant dense<0.000000e+00> : vector<128x64xf32>
    %dot_general3A_527 = tpu.matmul %dot_general3A_100, %dot_general3A_481, %dot_general3A_526 {dimension_numbers = #tpu.dot_dimension_numbers<[1], [0], [0], [1], [0, 0, 1, 1], [], []>, precision = #tpu.contract_precision<fp32>, transpose_lhs_hint = false} : vector<128x128xf32>, vector<128x64xf32>, vector<128x64xf32> -> vector<128x64xf32>
    %get3A_528 = arith.constant 4 : index
    %get3A_529 = arith.constant 2 : index
    %get3A_530 = arith.constant 0 : index
    %get3A_531 = arith.constant 0 : index
    %get3A_532 = vector.load %arg9[%get3A_528, %get3A_529, %get3A_530, %get3A_531] : memref<6x3x128x64xf32, #tpu.memory_space<vmem>>, vector<1x1x128x64xf32>
    %get3A_533 = vector.shape_cast %get3A_532 : vector<1x1x128x64xf32> to vector<128x64xf32>
    %dot_general3A_534 = arith.constant dense<0.000000e+00> : vector<128x64xf32>
    %dot_general3A_535 = tpu.matmul %concatenate3A, %get3A_533, %dot_general3A_534 {dimension_numbers = #tpu.dot_dimension_numbers<[1], [0], [0], [1], [0, 0, 1, 1], [], []>, precision = #tpu.contract_precision<fp32>, transpose_lhs_hint = false} : vector<128x128xf32>, vector<128x64xf32>, vector<128x64xf32> -> vector<128x64xf32>
    %add3A_536 = arith.addf %dot_general3A_527, %dot_general3A_535 : vector<128x64xf32>
    %get3A_537 = arith.constant 4 : index
    %get3A_538 = arith.constant 2 : index
    %get3A_539 = arith.constant 0 : index
    %get3A_540 = arith.constant 0 : index
    %get3A_541 = vector.load %arg10[%get3A_537, %get3A_538, %get3A_539, %get3A_540] : memref<6x3x1x64xf32, #tpu.memory_space<vmem>>, vector<1x1x1x64xf32>
    %get3A_542 = vector.shape_cast %get3A_541 : vector<1x1x1x64xf32> to vector<1x64xf32>
    %add3A_543 = vector.broadcast %get3A_542 : vector<1x64xf32> to vector<128x64xf32>
    %add3A_544 = arith.addf %add3A_536, %add3A_543 : vector<128x64xf32>
    %max3A_545 = arith.constant 0.000000e+00 : f32
    %max3A_546 = vector.broadcast %max3A_545 : f32 to vector<128x64xf32>
    %max3A_547 = arith.maximumf %add3A_544, %max3A_546 : vector<128x64xf32>
    %get3A_548 = arith.constant 4 : index
    %get3A_549 = arith.constant 0 : index
    %get3A_550 = arith.constant 0 : index
    %get3A_551 = arith.constant 0 : index
    %get3A_552 = vector.load %arg8[%get3A_548, %get3A_549, %get3A_550, %get3A_551] : memref<5x3x64x64xf32, #tpu.memory_space<vmem>>, vector<1x1x64x64xf32>
    %get3A_553 = vector.shape_cast %get3A_552 : vector<1x1x64x64xf32> to vector<64x64xf32>
    %dot_general3A_554 = arith.constant dense<0.000000e+00> : vector<128x64xf32>
    %dot_general3A_555 = tpu.matmul %max3A_503, %get3A_553, %dot_general3A_554 {dimension_numbers = #tpu.dot_dimension_numbers<[1], [0], [0], [1], [0, 0, 1, 1], [], []>, precision = #tpu.contract_precision<fp32>, transpose_lhs_hint = false} : vector<128x64xf32>, vector<64x64xf32>, vector<128x64xf32> -> vector<128x64xf32>
    %get3A_556 = arith.constant 4 : index
    %get3A_557 = arith.constant 1 : index
    %get3A_558 = arith.constant 0 : index
    %get3A_559 = arith.constant 0 : index
    %get3A_560 = vector.load %arg8[%get3A_556, %get3A_557, %get3A_558, %get3A_559] : memref<5x3x64x64xf32, #tpu.memory_space<vmem>>, vector<1x1x64x64xf32>
    %get3A_561 = vector.shape_cast %get3A_560 : vector<1x1x64x64xf32> to vector<64x64xf32>
    %dot_general3A_562 = arith.constant dense<0.000000e+00> : vector<128x64xf32>
    %dot_general3A_563 = tpu.matmul %max3A_525, %get3A_561, %dot_general3A_562 {dimension_numbers = #tpu.dot_dimension_numbers<[1], [0], [0], [1], [0, 0, 1, 1], [], []>, precision = #tpu.contract_precision<fp32>, transpose_lhs_hint = false} : vector<128x64xf32>, vector<64x64xf32>, vector<128x64xf32> -> vector<128x64xf32>
    %get3A_564 = arith.constant 4 : index
    %get3A_565 = arith.constant 2 : index
    %get3A_566 = arith.constant 0 : index
    %get3A_567 = arith.constant 0 : index
    %get3A_568 = vector.load %arg8[%get3A_564, %get3A_565, %get3A_566, %get3A_567] : memref<5x3x64x64xf32, #tpu.memory_space<vmem>>, vector<1x1x64x64xf32>
    %get3A_569 = vector.shape_cast %get3A_568 : vector<1x1x64x64xf32> to vector<64x64xf32>
    %dot_general3A_570 = arith.constant dense<0.000000e+00> : vector<128x64xf32>
    %dot_general3A_571 = tpu.matmul %max3A_547, %get3A_569, %dot_general3A_570 {dimension_numbers = #tpu.dot_dimension_numbers<[1], [0], [0], [1], [0, 0, 1, 1], [], []>, precision = #tpu.contract_precision<fp32>, transpose_lhs_hint = false} : vector<128x64xf32>, vector<64x64xf32>, vector<128x64xf32> -> vector<128x64xf32>
    %dot_general3A_572 = arith.constant dense<0.000000e+00> : vector<128x64xf32>
    %dot_general3A_573 = tpu.matmul %dot_general3A_100, %dot_general3A_555, %dot_general3A_572 {dimension_numbers = #tpu.dot_dimension_numbers<[1], [0], [0], [1], [0, 0, 1, 1], [], []>, precision = #tpu.contract_precision<fp32>, transpose_lhs_hint = false} : vector<128x128xf32>, vector<128x64xf32>, vector<128x64xf32> -> vector<128x64xf32>
    %get3A_574 = arith.constant 5 : index
    %get3A_575 = arith.constant 0 : index
    %get3A_576 = arith.constant 0 : index
    %get3A_577 = arith.constant 0 : index
    %get3A_578 = vector.load %arg9[%get3A_574, %get3A_575, %get3A_576, %get3A_577] : memref<6x3x128x64xf32, #tpu.memory_space<vmem>>, vector<1x1x128x64xf32>
    %get3A_579 = vector.shape_cast %get3A_578 : vector<1x1x128x64xf32> to vector<128x64xf32>
    %dot_general3A_580 = arith.constant dense<0.000000e+00> : vector<128x64xf32>
    %dot_general3A_581 = tpu.matmul %concatenate3A, %get3A_579, %dot_general3A_580 {dimension_numbers = #tpu.dot_dimension_numbers<[1], [0], [0], [1], [0, 0, 1, 1], [], []>, precision = #tpu.contract_precision<fp32>, transpose_lhs_hint = false} : vector<128x128xf32>, vector<128x64xf32>, vector<128x64xf32> -> vector<128x64xf32>
    %add3A_582 = arith.addf %dot_general3A_573, %dot_general3A_581 : vector<128x64xf32>
    %get3A_583 = arith.constant 5 : index
    %get3A_584 = arith.constant 0 : index
    %get3A_585 = arith.constant 0 : index
    %get3A_586 = arith.constant 0 : index
    %get3A_587 = vector.load %arg10[%get3A_583, %get3A_584, %get3A_585, %get3A_586] : memref<6x3x1x64xf32, #tpu.memory_space<vmem>>, vector<1x1x1x64xf32>
    %get3A_588 = vector.shape_cast %get3A_587 : vector<1x1x1x64xf32> to vector<1x64xf32>
    %add3A_589 = vector.broadcast %get3A_588 : vector<1x64xf32> to vector<128x64xf32>
    %add3A_590 = arith.addf %add3A_582, %add3A_589 : vector<128x64xf32>
    %max3A_591 = arith.constant 0.000000e+00 : f32
    %max3A_592 = vector.broadcast %max3A_591 : f32 to vector<128x64xf32>
    %max3A_593 = arith.maximumf %add3A_590, %max3A_592 : vector<128x64xf32>
    %dot_general3A_594 = arith.constant dense<0.000000e+00> : vector<128x64xf32>
    %dot_general3A_595 = tpu.matmul %dot_general3A_100, %dot_general3A_563, %dot_general3A_594 {dimension_numbers = #tpu.dot_dimension_numbers<[1], [0], [0], [1], [0, 0, 1, 1], [], []>, precision = #tpu.contract_precision<fp32>, transpose_lhs_hint = false} : vector<128x128xf32>, vector<128x64xf32>, vector<128x64xf32> -> vector<128x64xf32>
    %get3A_596 = arith.constant 5 : index
    %get3A_597 = arith.constant 1 : index
    %get3A_598 = arith.constant 0 : index
    %get3A_599 = arith.constant 0 : index
    %get3A_600 = vector.load %arg9[%get3A_596, %get3A_597, %get3A_598, %get3A_599] : memref<6x3x128x64xf32, #tpu.memory_space<vmem>>, vector<1x1x128x64xf32>
    %get3A_601 = vector.shape_cast %get3A_600 : vector<1x1x128x64xf32> to vector<128x64xf32>
    %dot_general3A_602 = arith.constant dense<0.000000e+00> : vector<128x64xf32>
    %dot_general3A_603 = tpu.matmul %concatenate3A, %get3A_601, %dot_general3A_602 {dimension_numbers = #tpu.dot_dimension_numbers<[1], [0], [0], [1], [0, 0, 1, 1], [], []>, precision = #tpu.contract_precision<fp32>, transpose_lhs_hint = false} : vector<128x128xf32>, vector<128x64xf32>, vector<128x64xf32> -> vector<128x64xf32>
    %add3A_604 = arith.addf %dot_general3A_595, %dot_general3A_603 : vector<128x64xf32>
    %get3A_605 = arith.constant 5 : index
    %get3A_606 = arith.constant 1 : index
    %get3A_607 = arith.constant 0 : index
    %get3A_608 = arith.constant 0 : index
    %get3A_609 = vector.load %arg10[%get3A_605, %get3A_606, %get3A_607, %get3A_608] : memref<6x3x1x64xf32, #tpu.memory_space<vmem>>, vector<1x1x1x64xf32>
    %get3A_610 = vector.shape_cast %get3A_609 : vector<1x1x1x64xf32> to vector<1x64xf32>
    %add3A_611 = vector.broadcast %get3A_610 : vector<1x64xf32> to vector<128x64xf32>
    %add3A_612 = arith.addf %add3A_604, %add3A_611 : vector<128x64xf32>
    %max3A_613 = arith.constant 0.000000e+00 : f32
    %max3A_614 = vector.broadcast %max3A_613 : f32 to vector<128x64xf32>
    %max3A_615 = arith.maximumf %add3A_612, %max3A_614 : vector<128x64xf32>
    %dot_general3A_616 = arith.constant dense<0.000000e+00> : vector<128x64xf32>
    %dot_general3A_617 = tpu.matmul %dot_general3A_100, %dot_general3A_571, %dot_general3A_616 {dimension_numbers = #tpu.dot_dimension_numbers<[1], [0], [0], [1], [0, 0, 1, 1], [], []>, precision = #tpu.contract_precision<fp32>, transpose_lhs_hint = false} : vector<128x128xf32>, vector<128x64xf32>, vector<128x64xf32> -> vector<128x64xf32>
    %get3A_618 = arith.constant 5 : index
    %get3A_619 = arith.constant 2 : index
    %get3A_620 = arith.constant 0 : index
    %get3A_621 = arith.constant 0 : index
    %get3A_622 = vector.load %arg9[%get3A_618, %get3A_619, %get3A_620, %get3A_621] : memref<6x3x128x64xf32, #tpu.memory_space<vmem>>, vector<1x1x128x64xf32>
    %get3A_623 = vector.shape_cast %get3A_622 : vector<1x1x128x64xf32> to vector<128x64xf32>
    %dot_general3A_624 = arith.constant dense<0.000000e+00> : vector<128x64xf32>
    %dot_general3A_625 = tpu.matmul %concatenate3A, %get3A_623, %dot_general3A_624 {dimension_numbers = #tpu.dot_dimension_numbers<[1], [0], [0], [1], [0, 0, 1, 1], [], []>, precision = #tpu.contract_precision<fp32>, transpose_lhs_hint = false} : vector<128x128xf32>, vector<128x64xf32>, vector<128x64xf32> -> vector<128x64xf32>
    %add3A_626 = arith.addf %dot_general3A_617, %dot_general3A_625 : vector<128x64xf32>
    %get3A_627 = arith.constant 5 : index
    %get3A_628 = arith.constant 2 : index
    %get3A_629 = arith.constant 0 : index
    %get3A_630 = arith.constant 0 : index
    %get3A_631 = vector.load %arg10[%get3A_627, %get3A_628, %get3A_629, %get3A_630] : memref<6x3x1x64xf32, #tpu.memory_space<vmem>>, vector<1x1x1x64xf32>
    %get3A_632 = vector.shape_cast %get3A_631 : vector<1x1x1x64xf32> to vector<1x64xf32>
    %add3A_633 = vector.broadcast %get3A_632 : vector<1x64xf32> to vector<128x64xf32>
    %add3A_634 = arith.addf %add3A_626, %add3A_633 : vector<128x64xf32>
    %max3A_635 = arith.constant 0.000000e+00 : f32
    %max3A_636 = vector.broadcast %max3A_635 : f32 to vector<128x64xf32>
    %max3A_637 = arith.maximumf %add3A_634, %max3A_636 : vector<128x64xf32>
    %add3A_638 = arith.addf %max3A_593, %max3A_615 : vector<128x64xf32>
    %add3A_639 = arith.addf %add3A_638, %max3A_637 : vector<128x64xf32>
    %mul3A_640 = arith.constant 0.333333343 : f32
    %mul3A_641 = vector.broadcast %mul3A_640 : f32 to vector<128x64xf32>
    %mul3A_642 = arith.mulf %add3A_639, %mul3A_641 : vector<128x64xf32>
    %max3A_643 = arith.constant 0.000000e+00 : f32
    %max3A_644 = vector.broadcast %max3A_643 : f32 to vector<128x64xf32>
    %max3A_645 = arith.maximumf %mul3A_642, %max3A_644 : vector<128x64xf32>
    %get3A_646 = arith.constant 0 : index
    %get3A_647 = arith.constant 0 : index
    %get3A_648 = vector.load %arg11[%get3A_646, %get3A_647] : memref<1x64xf32, #tpu.memory_space<vmem>>, vector<1x64xf32>
    %mul3A_649 = vector.broadcast %get3A_648 : vector<1x64xf32> to vector<128x64xf32>
    %mul3A_650 = arith.mulf %max3A_645, %mul3A_649 : vector<128x64xf32>
    %reduce_sum3A_651 = arith.constant dense<0.000000e+00> : vector<128xf32>
    %reduce_sum3A_652 = vector.multi_reduction <add>, %mul3A_650, %reduce_sum3A_651 [1] : vector<128x64xf32> to vector<128xf32>
    %broadcast_in_dim3A_653 = vector.shape_cast %reduce_sum3A_652 : vector<128xf32> to vector<128x1xf32>
    %get3A_654 = arith.constant 0 : index
    %get3A_655 = arith.constant 0 : index
    %get3A_656 = vector.load %arg12[%get3A_654, %get3A_655] : memref<1x1xf32, #tpu.memory_space<vmem>>, vector<1x1xf32>
    %get3A_657 = vector.extract %get3A_656[0, 0] : f32 from vector<1x1xf32>
    %add3A_658 = vector.broadcast %get3A_657 : f32 to vector<128x1xf32>
    %add3A_659 = arith.addf %broadcast_in_dim3A_653, %add3A_658 : vector<128x1xf32>
    %reduce_max3A_660 = vector.shape_cast %add3A_659 : vector<128x1xf32> to vector<1x128x1xf32>
    %reduce_max3A_661 = arith.constant dense<0xFF800000> : vector<1xf32>
    %reduce_max3A_662 = vector.multi_reduction <maximumf>, %reduce_max3A_660, %reduce_max3A_661 [1, 2] : vector<1x128x1xf32> to vector<1xf32>
    %reduce_max3A_663 = vector.shape_cast %reduce_max3A_662 : vector<1xf32> to vector<1x1x1xf32>
    %reduce_max3A_664 = vector.extract %reduce_max3A_663[0, 0, 0] : f32 from vector<1x1x1xf32>
    %sub3A_665 = vector.broadcast %reduce_max3A_664 : f32 to vector<128x1xf32>
    %sub3A_666 = arith.subf %add3A_659, %sub3A_665 : vector<128x1xf32>
    %exp3A_667 = math.exp %sub3A_666 : vector<128x1xf32>
    %reduce_sum3A_668 = vector.shape_cast %exp3A_667 : vector<128x1xf32> to vector<1x128x1xf32>
    %reduce_sum3A_669 = arith.constant dense<0.000000e+00> : vector<1xf32>
    %reduce_sum3A_670 = vector.multi_reduction <add>, %reduce_sum3A_668, %reduce_sum3A_669 [1, 2] : vector<1x128x1xf32> to vector<1xf32>
    %reduce_sum3A_671 = vector.shape_cast %reduce_sum3A_670 : vector<1xf32> to vector<1x1x1xf32>
    %reduce_sum3A_672 = vector.extract %reduce_sum3A_671[0, 0, 0] : f32 from vector<1x1x1xf32>
    %div3A_673 = vector.broadcast %reduce_sum3A_672 : f32 to vector<128x1xf32>
    %div3A_674 = arith.divf %exp3A_667, %div3A_673 : vector<128x1xf32>
    %mul3A_675 = vector.broadcast %div3A_674 : vector<128x1xf32> to vector<128x64xf32>
    %mul3A_676 = arith.mulf %max3A_645, %mul3A_675 : vector<128x64xf32>
    %reduce_sum3A_677 = arith.constant dense<0.000000e+00> : vector<64xf32>
    %reduce_sum3A_678 = vector.multi_reduction <add>, %mul3A_676, %reduce_sum3A_677 [0] : vector<128x64xf32> to vector<64xf32>
    %broadcast_in_dim3A_679 = vector.shape_cast %reduce_sum3A_678 : vector<64xf32> to vector<1x64xf32>
    %get3A_680 = arith.constant 0 : index
    %get3A_681 = arith.constant 0 : index
    %get3A_682 = vector.load %arg13[%get3A_680, %get3A_681] : memref<64x128xf32, #tpu.memory_space<vmem>>, vector<64x128xf32>
    %dot_general3A_683 = arith.constant dense<0.000000e+00> : vector<1x128xf32>
    %dot_general3A_684 = tpu.matmul %broadcast_in_dim3A_679, %get3A_682, %dot_general3A_683 {dimension_numbers = #tpu.dot_dimension_numbers<[1], [0], [0], [1], [0, 0, 1, 1], [], []>, precision = #tpu.contract_precision<fp32>, transpose_lhs_hint = false} : vector<1x64xf32>, vector<64x128xf32>, vector<1x128xf32> -> vector<1x128xf32>
    %get3A_685 = arith.constant 0 : index
    %get3A_686 = arith.constant 0 : index
    %get3A_687 = vector.load %arg14[%get3A_685, %get3A_686] : memref<1x128xf32, #tpu.memory_space<vmem>>, vector<1x128xf32>
    %add3A_688 = arith.addf %dot_general3A_684, %get3A_687 : vector<1x128xf32>
    %max3A_689 = arith.constant 0.000000e+00 : f32
    %max3A_690 = vector.broadcast %max3A_689 : f32 to vector<1x128xf32>
    %max3A_691 = arith.maximumf %add3A_688, %max3A_690 : vector<1x128xf32>
    %get3A_692 = arith.constant 0 : index
    %get3A_693 = arith.constant 0 : index
    %get3A_694 = vector.load %arg15[%get3A_692, %get3A_693] : memref<128x64xf32, #tpu.memory_space<vmem>>, vector<128x64xf32>
    %dot_general3A_695 = arith.constant dense<0.000000e+00> : vector<1x64xf32>
    %dot_general3A_696 = tpu.matmul %max3A_691, %get3A_694, %dot_general3A_695 {dimension_numbers = #tpu.dot_dimension_numbers<[1], [0], [0], [1], [0, 0, 1, 1], [], []>, precision = #tpu.contract_precision<fp32>, transpose_lhs_hint = false} : vector<1x128xf32>, vector<128x64xf32>, vector<1x64xf32> -> vector<1x64xf32>
    %get3A_697 = arith.constant 0 : index
    %get3A_698 = arith.constant 0 : index
    %get3A_699 = vector.load %arg16[%get3A_697, %get3A_698] : memref<1x64xf32, #tpu.memory_space<vmem>>, vector<1x64xf32>
    %add3A_700 = arith.addf %dot_general3A_696, %get3A_699 : vector<1x64xf32>
    %max3A_701 = arith.constant 0.000000e+00 : f32
    %max3A_702 = vector.broadcast %max3A_701 : f32 to vector<1x64xf32>
    %max3A_703 = arith.maximumf %add3A_700, %max3A_702 : vector<1x64xf32>
    %get3A_704 = arith.constant 0 : index
    %get3A_705 = arith.constant 0 : index
    %get3A_706 = vector.load %arg17[%get3A_704, %get3A_705] : memref<64x32xf32, #tpu.memory_space<vmem>>, vector<64x32xf32>
    %dot_general3A_707 = arith.constant dense<0.000000e+00> : vector<1x32xf32>
    %dot_general3A_708 = tpu.matmul %max3A_703, %get3A_706, %dot_general3A_707 {dimension_numbers = #tpu.dot_dimension_numbers<[1], [0], [0], [1], [0, 0, 1, 1], [], []>, precision = #tpu.contract_precision<fp32>, transpose_lhs_hint = false} : vector<1x64xf32>, vector<64x32xf32>, vector<1x32xf32> -> vector<1x32xf32>
    %get3A_709 = arith.constant 0 : index
    %get3A_710 = arith.constant 0 : index
    %get3A_711 = vector.load %arg18[%get3A_709, %get3A_710] : memref<1x32xf32, #tpu.memory_space<vmem>>, vector<1x32xf32>
    %add3A_712 = arith.addf %dot_general3A_708, %get3A_711 : vector<1x32xf32>
    %max3A_713 = arith.constant 0.000000e+00 : f32
    %max3A_714 = vector.broadcast %max3A_713 : f32 to vector<1x32xf32>
    %max3A_715 = arith.maximumf %add3A_712, %max3A_714 : vector<1x32xf32>
    %get3A_716 = arith.constant 0 : index
    %get3A_717 = arith.constant 0 : index
    %get3A_718 = vector.load %arg19[%get3A_716, %get3A_717] : memref<1x32xf32, #tpu.memory_space<vmem>>, vector<1x32xf32>
    %mul3A_719 = arith.mulf %max3A_715, %get3A_718 : vector<1x32xf32>
    %reduce_sum3A_720 = vector.shape_cast %mul3A_719 : vector<1x32xf32> to vector<1x1x32xf32>
    %reduce_sum3A_721 = arith.constant dense<0.000000e+00> : vector<1xf32>
    %reduce_sum3A_722 = vector.multi_reduction <add>, %reduce_sum3A_720, %reduce_sum3A_721 [1, 2] : vector<1x1x32xf32> to vector<1xf32>
    %reduce_sum3A_723 = vector.shape_cast %reduce_sum3A_722 : vector<1xf32> to vector<1x1x1xf32>
    %reduce_sum3A_724 = vector.extract %reduce_sum3A_723[0, 0, 0] : f32 from vector<1x1x1xf32>
    %get3A_725 = arith.constant 0 : index
    %get3A_726 = arith.constant 0 : index
    %get3A_727 = vector.load %arg20[%get3A_725, %get3A_726] : memref<1x1xf32, #tpu.memory_space<vmem>>, vector<1x1xf32>
    %get3A_728 = vector.extract %get3A_727[0, 0] : f32 from vector<1x1xf32>
    %add3A_729 = arith.addf %reduce_sum3A_724, %get3A_728 : f32
    %broadcast_in_dim3A_730 = vector.broadcast %add3A_729 : f32 to vector<128xf32>
    %swap3A = arith.constant 0 : index
    %swap3A_731 = arith.constant 0 : index
    %swap3A_732 = arith.constant 0 : index
    %swap3A_733 = vector.load %arg21[%swap3A, %swap3A_731, %swap3A_732] : memref<1x1x128xf32, #tpu.memory_space<vmem>>, vector<1x1x128xf32>
    %swap3A_734 = vector.shape_cast %swap3A_733 : vector<1x1x128xf32> to vector<128xf32>
    %swap3A_735 = vector.shape_cast %broadcast_in_dim3A_730 : vector<128xf32> to vector<1x1x128xf32>
    tpu.vector_store %arg21[%swap3A, %swap3A_731, %swap3A_732], %swap3A_735 {strides = array<i32>} : memref<1x1x128xf32, #tpu.memory_space<vmem>>, vector<1x1x128xf32>,
    return
  }
  func.func @transform_0(%arg0: i32) -> (i32, i32, i32) {
    %c0_i32 = arith.constant 0 : i32
    %c0_i32_0 = arith.constant 0 : i32
    %c0_i32_1 = arith.constant 0 : i32
    return %arg0, %c0_i32, %c0_i32_0 : i32, i32, i32
  }
  func.func @transform_1(%arg0: i32) -> (i32, i32, i32) {
    %c0_i32 = arith.constant 0 : i32
    %c0_i32_0 = arith.constant 0 : i32
    %c0_i32_1 = arith.constant 0 : i32
    return %arg0, %c0_i32, %c0_i32_0 : i32, i32, i32
  }
  func.func @transform_2(%arg0: i32) -> (i32, i32, i32) {
    %c0_i32 = arith.constant 0 : i32
    %c0_i32_0 = arith.constant 0 : i32
    %c0_i32_1 = arith.constant 0 : i32
    return %arg0, %c0_i32, %c0_i32_0 : i32, i32, i32
  }
  func.func @transform_3(%arg0: i32) -> (i32, i32, i32) {
    %c0_i32 = arith.constant 0 : i32
    %c0_i32_0 = arith.constant 0 : i32
    %c0_i32_1 = arith.constant 0 : i32
    return %arg0, %c0_i32, %c0_i32_0 : i32, i32, i32
  }
  func.func @transform_4(%arg0: i32) -> (i32, i32) {
    %c0_i32 = arith.constant 0 : i32
    %c0_i32_0 = arith.constant 0 : i32
    %c0_i32_1 = arith.constant 0 : i32
    return %c0_i32, %c0_i32_0 : i32, i32
  }
  func.func @transform_5(%arg0: i32) -> (i32, i32) {
    %c0_i32 = arith.constant 0 : i32
    %c0_i32_0 = arith.constant 0 : i32
    %c0_i32_1 = arith.constant 0 : i32
    return %c0_i32, %c0_i32_0 : i32, i32
  }
  func.func @transform_6(%arg0: i32) -> (i32, i32, i32) {
    %c0_i32 = arith.constant 0 : i32
    %c0_i32_0 = arith.constant 0 : i32
    %c0_i32_1 = arith.constant 0 : i32
    %c0_i32_2 = arith.constant 0 : i32
    return %c0_i32, %c0_i32_0, %c0_i32_1 : i32, i32, i32
  }
  func.func @transform_7(%arg0: i32) -> (i32, i32, i32, i32) {
    %c0_i32 = arith.constant 0 : i32
    %c0_i32_0 = arith.constant 0 : i32
    %c0_i32_1 = arith.constant 0 : i32
    %c0_i32_2 = arith.constant 0 : i32
    %c0_i32_3 = arith.constant 0 : i32
    return %c0_i32, %c0_i32_0, %c0_i32_1, %c0_i32_2 : i32, i32, i32, i32
  }
  func.func @transform_8(%arg0: i32) -> (i32, i32, i32, i32) {
    %c0_i32 = arith.constant 0 : i32
    %c0_i32_0 = arith.constant 0 : i32
    %c0_i32_1 = arith.constant 0 : i32
    %c0_i32_2 = arith.constant 0 : i32
    %c0_i32_3 = arith.constant 0 : i32
    return %c0_i32, %c0_i32_0, %c0_i32_1, %c0_i32_2 : i32, i32, i32, i32
  }
  func.func @transform_9(%arg0: i32) -> (i32, i32, i32, i32) {
    %c0_i32 = arith.constant 0 : i32
    %c0_i32_0 = arith.constant 0 : i32
    %c0_i32_1 = arith.constant 0 : i32
    %c0_i32_2 = arith.constant 0 : i32
    %c0_i32_3 = arith.constant 0 : i32
    return %c0_i32, %c0_i32_0, %c0_i32_1, %c0_i32_2 : i32, i32, i32, i32
  }
  func.func @transform_10(%arg0: i32) -> (i32, i32) {
    %c0_i32 = arith.constant 0 : i32
    %c0_i32_0 = arith.constant 0 : i32
    %c0_i32_1 = arith.constant 0 : i32
    return %c0_i32, %c0_i32_0 : i32, i32
  }
  func.func @transform_11(%arg0: i32) -> (i32, i32) {
    %c0_i32 = arith.constant 0 : i32
    %c0_i32_0 = arith.constant 0 : i32
    %c0_i32_1 = arith.constant 0 : i32
    return %c0_i32, %c0_i32_0 : i32, i32
  }
  func.func @transform_12(%arg0: i32) -> (i32, i32) {
    %c0_i32 = arith.constant 0 : i32
    %c0_i32_0 = arith.constant 0 : i32
    %c0_i32_1 = arith.constant 0 : i32
    return %c0_i32, %c0_i32_0 : i32, i32
  }
  func.func @transform_13(%arg0: i32) -> (i32, i32) {
    %c0_i32 = arith.constant 0 : i32
    %c0_i32_0 = arith.constant 0 : i32
    %c0_i32_1 = arith.constant 0 : i32
    return %c0_i32, %c0_i32_0 : i32, i32
  }
  func.func @transform_14(%arg0: i32) -> (i32, i32) {
    %c0_i32 = arith.constant 0 : i32
    %c0_i32_0 = arith.constant 0 : i32
    %c0_i32_1 = arith.constant 0 : i32
    return %c0_i32, %c0_i32_0 : i32, i32
  }
  func.func @transform_15(%arg0: i32) -> (i32, i32) {
    %c0_i32 = arith.constant 0 : i32
    %c0_i32_0 = arith.constant 0 : i32
    %c0_i32_1 = arith.constant 0 : i32
    return %c0_i32, %c0_i32_0 : i32, i32
  }
  func.func @transform_16(%arg0: i32) -> (i32, i32) {
    %c0_i32 = arith.constant 0 : i32
    %c0_i32_0 = arith.constant 0 : i32
    %c0_i32_1 = arith.constant 0 : i32
    return %c0_i32, %c0_i32_0 : i32, i32
  }
  func.func @transform_17(%arg0: i32) -> (i32, i32) {
    %c0_i32 = arith.constant 0 : i32
    %c0_i32_0 = arith.constant 0 : i32
    %c0_i32_1 = arith.constant 0 : i32
    return %c0_i32, %c0_i32_0 : i32, i32
  }
  func.func @transform_18(%arg0: i32) -> (i32, i32) {
    %c0_i32 = arith.constant 0 : i32
    %c0_i32_0 = arith.constant 0 : i32
    %c0_i32_1 = arith.constant 0 : i32
    return %c0_i32, %c0_i32_0 : i32, i32
  }
  func.func @transform_19(%arg0: i32) -> (i32, i32) {
    %c0_i32 = arith.constant 0 : i32
    %c0_i32_0 = arith.constant 0 : i32
    %c0_i32_1 = arith.constant 0 : i32
    return %c0_i32, %c0_i32_0 : i32, i32
  }
  func.func @transform_20(%arg0: i32) -> (i32, i32, i32) {
    %c0_i32 = arith.constant 0 : i32
    %c0_i32_0 = arith.constant 0 : i32
    %c0_i32_1 = arith.constant 0 : i32
    return %arg0, %c0_i32, %c0_i32_0 : i32, i32, i32
  }
}

</mosaic_0001>

<sc_bundles>
// kernel: kernel.11.cloned.1.call-start
scs
__scs_entry_jumppad:
0x0: {  	(pc) =	sbr.rel $0x88, $3  }
0x1: {  	(tag) =	ssettag $0x0;
	lr =	simm.s32 $0x1  }
0x2: {  	[smem:$0x3F83] =	sst lr;
	_ =	strace $0xD0000000  }
0x3: {  	_ = 	snop  }
0x4: {  	_ = 	snop  }
0x5: {  	_ = 	snop  }
0x6: {  	_ = 	snop  }
0x7: {  	_ = 	snop  }
__scs_overlays_trampoline_lowered:
0x8: {  	[smem:$0x3F92] =	sst s0  }
0x9: {  	[smem:$0x3F93] =	sst s1  }
0xa: {  	[smem:$0x3F94] =	sst s2  }
0xb: {  	[smem:$0x3F95] =	sst s3  }
0xc: {  	[smem:$0x3F96] =	sst s4  }
0xd: {  	[smem:$0x3F97] =	sst s5  }
0xe: {  	[smem:$0x3F98] =	sst s6  }
0xf: {  	[smem:$0x3F99] =	sst s7  }
0x10: {  	[smem:$0x3F9A] =	sst s8  }
0x11: {  	[smem:$0x3F9B] =	sst s9;
	s0 =	simm.s32 @!p0 $0x0  }
0x12: {  	s1 =	sld [smem:$0x3F81];
	s0 =	simm.s32 @p0 $0x1  }
0x13: {  	[smem:$0x3F9C] =	sst s0;
	s0 =	simm.s32 @!p1 $0x0  }
0x14: {  	s2 =	sld [smem:$0x3F80];
	s0 =	simm.s32 @p1 $0x1  }
0x15: {  	[smem:$0x3F9D] =	sst s0;
	s0 =	simm.s32 @!p2 $0x0  }
0x16: {  	s3 =	sld [smem:$0x3FDB];
	s0 =	simm.s32 @p2 $0x1  }
0x17: {  	s4 =	simm.s32 $0x1BF5;
	[smem:$0x3F9F] =	sst s0  }
0x18: {  	s0 =	sld [smem:$0x3F82];
	_ =	swait.ge [sflag:s4], $0x0  }
0x19: {  	s7 =	sld [smem:$0x3F83]  }
0x1a: {  	s8 =	sadd.s32 $0xFFFFE003, lr  }
0x1b: {  	s9 =	sadd.s32 $0xFFFFFEF7, lr;
	s5 =	simm.s32 $0xFFFFFFFF;
	p2 =	slt.u32 s8, $0xFFFFF086  }
0x1c: {  	p1 =	slt.u32 s9, $0xF7A;
	s5 =	simm.s32 @!p2 $0x0  }
0x1d: {  	s5 =	simm.s32 @p1 $0x1;
	p0 =	seq.s32 s7, s2  }
0x1e: {  	s7 =	smul.u32 @!p0 $0xF7A, s2;
	p2 =	seq.s32 @!p0 s5, $0x0  }
0x1f: {  	s9 =	smul.u32 $0xF7A, s1;
	s8 =	simm.s32 @!p0 $0x1BF5;
	p2 =	por !p2, p0  }
0x20: {  	[sflag:s8] =	ssyncset.s32 @!p0 $0xFFFFF086;
	s6 =	sadd.s32 @!p0 s3, s7;
	s7 =	simm.s32 @!p0 $0x108  }
0x21: {  	s3 =	sadd.s32 s3, s9;
	s6 =	sadd.s32 @!p0 $0x88, s6;
	s7 =	simm.s32 @p2 $0x1082  }
0x22: {  	[simem:s7], [sflag:s8] =	dma.local @!p0 [hbm:s6], $0xF7A  }
0x23: {  	s9 =	sor.u32 $0xD0000000, s2;
	s6 =	simm.s32 $0x108;
	_ =	swait.ge @!p0 [sflag:s8], $0x0  }
0x24: {  	s3 =	sadd.s32 $0x88, s3;
	s6 =	simm.s32 @!p1 $0x1082;
	[sflag:s4] =	ssyncset.s32 $0xFFFFF086  }
0x25: {  	[simem:s6], [sflag:s4] =	dma.local [hbm:s3], $0xF7A  }
0x26: {  	[smem:$0x3F83] =	sst s1;
	(tag) =	ssettag s2;
	_ =	strace s9  }
0x27: {  	s1 =	sld [smem:$0x3F93]  }
0x28: {  	s2 =	sld [smem:$0x3F94]  }
0x29: {  	s4 =	sld [smem:$0x3F96]  }
0x2a: {  	p0 =	seq.s32 s5, $0x0;
	s5 =	sld [smem:$0x3F97]  }
0x2b: {  	s6 =	sld [smem:$0x3F98]  }
0x2c: {  	s7 =	sld [smem:$0x3F99]  }
0x2d: {  	s3 =	simm.s32 $0x108;
	s8 =	sld [smem:$0x3F9A]  }
0x2e: {  	s3 =	simm.s32 @!p0 $0x1082;
	s9 =	sld [smem:$0x3F9B]  }
0x2f: {  	lr =	sadd.s32 s0, s3;
	s0 =	sld [smem:$0x3F92]  }
0x30: {  	s3 =	sld [smem:$0x3F95]  }
0x31: {  	[smem:$0x3F9E] =	sst s10  }
0x32: {  	s10 =	sld [smem:$0x3F9C];
	_ =	sdelay $0x3  }
0x33: {  	p0 =	seq.s32 s10, $0x1;
	s10 =	sld [smem:$0x3F9E];
	_ =	sdelay $0x3  }
0x34: {  	[smem:$0x3F9E] =	sst s10  }
0x35: {  	s10 =	sld [smem:$0x3F9D];
	_ =	sdelay $0x3  }
0x36: {  	p1 =	seq.s32 s10, $0x1;
	s10 =	sld [smem:$0x3F9E];
	_ =	sdelay $0x3  }
0x37: {  	[smem:$0x3F9E] =	sst s10  }
0x38: {  	s10 =	sld [smem:$0x3F9F]  }
0x39: {  	_ = 	snop;
	(pc) =	sbr.ind lr, $3  }
0x3a: {  	_ = 	snop  }
0x3b: {  	_ = 	snop  }
0x3c: {  	p2 =	seq.s32 s10, $0x1;
	s10 =	sld [smem:$0x3F9E]  }
0x3d: {  	_ =	shalt  }
0x3e: {  	_ =	shalt  }
0x3f: {  	_ =	shalt  }
0x40: {  	_ =	shalt  }
0x41: {  	_ =	shalt  }
0x42: {  	_ =	shalt  }
0x43: {  	_ =	shalt  }
0x44: {  	_ =	shalt  }
0x45: {  	_ =	shalt  }
0x46: {  	_ =	shalt  }
0x47: {  	_ =	shalt  }
0x48: {  	_ =	shalt  }
0x49: {  	_ =	shalt  }
0x4a: {  	_ =	shalt  }
0x4b: {  	_ =	shalt  }
0x4c: {  	_ =	shalt  }
0x4d: {  	_ =	shalt  }
0x4e: {  	_ =	shalt  }
0x4f: {  	_ =	shalt  }
0x50: {  	_ =	shalt  }
0x51: {  	_ =	shalt  }
0x52: {  	_ =	shalt  }
0x53: {  	_ =	shalt  }
0x54: {  	_ =	shalt  }
0x55: {  	_ =	shalt  }
0x56: {  	_ =	shalt  }
0x57: {  	_ =	shalt  }
0x58: {  	_ =	shalt  }
0x59: {  	_ =	shalt  }
0x5a: {  	_ =	shalt  }
0x5b: {  	_ =	shalt  }
0x5c: {  	_ =	shalt  }
0x5d: {  	_ =	shalt  }
0x5e: {  	_ =	shalt  }
0x5f: {  	_ =	shalt  }
0x60: {  	_ =	shalt  }
0x61: {  	_ =	shalt  }
0x62: {  	_ =	shalt  }
0x63: {  	_ =	shalt  }
0x64: {  	_ =	shalt  }
0x65: {  	_ =	shalt  }
0x66: {  	_ =	shalt  }
0x67: {  	_ =	shalt  }
0x68: {  	_ =	shalt  }
0x69: {  	_ =	shalt  }
0x6a: {  	_ =	shalt  }
0x6b: {  	_ =	shalt  }
0x6c: {  	_ =	shalt  }
0x6d: {  	_ =	shalt  }
0x6e: {  	_ =	shalt  }
0x6f: {  	_ =	shalt  }
0x70: {  	_ =	shalt  }
0x71: {  	_ =	shalt  }
0x72: {  	_ =	shalt  }
0x73: {  	_ =	shalt  }
0x74: {  	_ =	shalt  }
0x75: {  	_ =	shalt  }
0x76: {  	_ =	shalt  }
0x77: {  	_ =	shalt  }
0x78: {  	_ =	shalt  }
0x79: {  	_ =	shalt  }
0x7a: {  	_ =	shalt  }
0x7b: {  	_ =	shalt  }
0x7c: {  	_ =	shalt  }
0x7d: {  	_ =	shalt  }
0x7e: {  	_ =	shalt  }
0x7f: {  	_ =	shalt  }
0x80: {  	_ =	shalt  }
0x81: {  	_ =	shalt  }
0x82: {  	_ =	shalt  }
0x83: {  	_ =	shalt  }
0x84: {  	_ =	shalt  }
0x85: {  	_ =	shalt  }
0x86: {  	_ =	shalt  }
0x87: {  	_ =	shalt  }
.Lfunc_end0:
.L_simem_size_0:
called_computation_lowered:
.L_overlay_start_0:
0x88: {  	s2 =	sld [smem:$0x3FD9]  }
0x89: {  	s3 =	sld [smem:$0x3FFE];
	_ =	sdelay $0x1  }
0x8a: {  	s1 =	srdreg.scid  }
0x8b: {  	s0 =	sand.u32 $0x1, s1  }
0x8c: {  	s16 =	sshll.u32 s0, $0xA;
	s2 =	sadd.s32 s3, s2  }
0x8d: {  	s2 =	sadd.s32 s2, s16  }
0x8e: {  	[smem:$0x3FAA] =	sst s2  }
0x8f: {  	_ = 	snop  }
0x90: {  	(tm) =	ssettm $0x1  }
0x91: {  	s17 =	sld [smem:$0x3FFB];
	_ =	sdelay $0x3  }
0x92: {  	_ =	strace s17  }
0x93: {  	s2 =	sld [smem:$0x3FFC];
	_ =	sdelay $0x3  }
0x94: {  	_ =	strace s2  }
0x95: {  	s2 =	sld [smem:$0x3FFD];
	_ =	sdelay $0x3  }
0x96: {  	_ =	strace s2  }
0x97: {  	_ =	strace $0x8FFFFFFF  }
0x98: {  	s18 =	sld [smem:$0x3FDB];
	_ =	sdelay $0x1  }
0x99: {  	s19 =	simm.s32 $_scs_section_size  }
0x9a: {  	s4 =	simm.s32 $_size__tile_overlayer_lowered;
	s5 =	simm.s32 $_tile_overlayer_lowered  }
0x9b: {  	s22 =	simm.s32 $0x1BFF;
	s21 =	sshll.u32 s5, $0x1;
	s2 =	sadd.s32 s19, s18  }
0x9c: {  	s6 =	simm.s32 $0x0;
	s20 =	sshll.u32 s4, $0x1;
	s4 =	sadd.s32 s21, s2  }
0x9d: {  	[timem:s6], [sflag:s22] =	dma.local [hbm:s4], s20  }
0x9e: {  	_ =	swait.ge [sflag:s22], s20  }
0x9f: {  	s3 =	ssub.s32 $0x0, s20;
	[sflag:s22] =	ssyncset.done $0x0  }
0xa0: {  	[sflag:s22] =	ssyncadd.s32 s3;
	_ =	sdelay $0x1  }
0xa1: {  	s23 =	simm.s32 $0x1B8B  }
0xa2: {  	_ =	swait.ge [sflag:s23], $0x1  }
0xa3: {  	[sflag:s23] =	ssyncset.done $0x0  }
0xa4: {  	s25 =	simm.s32 $0x1B8E;
	s24 =	sld [smem:$0x3FFE];
	[sflag:s23] =	ssyncadd.s32 $0xFFFFFFFF  }
0xa5: {  	s26 =	simm.s32 $execute0_lowered;
	[smem:$0x3FD2] =	sst s25  }
0xa6: {  	s4 =	sshll.u32 s26, $0x1;
	_ =	strace $0x80000046;
	[dreg:$0x1] =	wrdreg $0xFFFFFFFF  }
0xa7: {  	s28 =	simm.s32 $_size_execute0_lowered;
	s2 =	sadd.s32 s2, s4;
	[dreg:$0x0] =	wrdreg $0x0  }
0xa8: {  	s4 =	sshll.u32 s28, $0x1;
	[dreg:$0x2] =	wrdreg s2  }
0xa9: {  	[dreg:$0x3] =	wrdreg s4  }
0xaa: {  	[dreg:$0x4] =	wrdreg $0xC0  }
0xab: {  	_ =	task [dreg:s6], $0x5FFFF  }
0xac: {  	[dreg:$0x1] =	wrdreg $0xFFFFFFFF  }
0xad: {  	[dreg:$0x0] =	wrdreg $0x60  }
0xae: {  	[dreg:$0x2] =	wrdreg s24  }
0xaf: {  	[dreg:$0x3] =	wrdreg $0x9  }
0xb0: {  	_ =	task.clear_ibuf [dreg:s6], $0x4FFFF;
	_ =	strace $0x90000046  }
0xb1: {  	s29 =	simm.s32 $0x9;
	_ =	strace $0x80000048  }
0xb2: {  	_ =	swait.ge [sflag:s29], $0x1  }
0xb3: {  	[sflag:s29] =	ssyncadd.s32 $0xFFFFFFFF  }
0xb4: {  	_ =	strace $0x90000048  }
0xb5: {  	_ =	sfence  }
0xb6: {  	s30 =	sld [smem:$0x0];
	_ =	sdelay $0x2  }
0xb7: {  	s31 =	sshll.u32 s1, $0xD;
	s1 =	sshrl.u32 s1, $0x2  }
0xb8: {  	s3 =	sand.u32 $0x4000, s31;
	s1 =	sadd.s32 s1, s30  }
0xb9: {  	s0 =	sor.u32 s3, s0;
	s1 =	sshll.u32 s1, $0x11  }
0xba: {  	s0 =	sor.u32 s1, s0  }
0xbb: {  	s0 =	sadd.s32 $0x8F2B, s0  }
0xbc: {  	[sflag:s0] =	ssyncadd.remote.s32 $0x1  }
0xbd: {  	_ =	sfence.sel $0xFFFF  }
0xbe: {  	[dreg:$0x0] =	wrdreg $0xFFFFFFFF;
	(pc) =	sbr.abs _section_cstart, $3  }
0xbf: {  	[dreg:$0x1] =	wrdreg $0xFFFFFFFF  }
0xc0: {  	_ =	task.clear_ibuf [dreg:s6], $0x2FFFF;
	_ =	strace $0x9FFFFFFF  }
0xc1: {  	(tm) =	ssettm $0x7FFFFFFF  }
tec
execute0_lowered:
.L_overlay_start_1:
0x0: {  	(tag) =	ssettag $0x1  }
0x1: {  	s1 =	srdreg.scid;
	s0 =	stileid.u32  }
0x2: {  	s1 =	sand.u32 $0x1, s1;
	s2 =	sshll.u32 s0, $0x1  }
0x3: {  	s3 =	sor.u32 s1, s2  }
0x4: {  	s4 =	smul.u32 $0x280, s3  }
0x5: {  	s5 =	rddreg [dreg:$0x0];
	s2 =	simm.s32 $0x0;
	s6 =	smul.u32 $0x5000, s3  }
0x6: {  	[smem:$0x7FF] =	sst s2;
	s7 =	smul.u32 $0x28000, s3  }
0x7: {  	s20 =	sadd.s32 $0x3B400, s5;
	_ =	strace $0x80000047;
	s19 =	sadd.s32 s4, s5  }
0x8: {  	s3 =	sadd.s32 s20, s6;
	s21 =	sshrl.u32 s7, $0x3;
	s8 =	sadd.s32 $0x36400, s19  }
0x9: {  	s22 =	sadd.s32 $0x800, s3;
	s31 =	sadd.s32 s20, s21;
	[dreg:$0x2] =	wrdreg s8  }
0xa: {  	[dreg:$0x3] =	wrdreg s22;
	s4 =	sadd.s32 $0x1000, s31  }
0xb: {  	s23 =	sadd.s32 $0x1800, s31;
	[dreg:$0x4] =	wrdreg s4  }
0xc: {  	[dreg:$0x5] =	wrdreg s23  }
0xd: {  	s24 =	sadd.s32 $0x2000, s31;
	s25 =	rddreg [dreg:$0x2]  }
0xe: {  	s26 =	sadd.s32 $0x2800, s31;
	[dreg:$0x6] =	wrdreg s24  }
0xf: {  	[dreg:$0x7] =	wrdreg s26;
	s4 =	simm.s32 $0x9  }
0x10: {  	[tilespmem:s2], [sflag:$0x9] =	stream.linear.gather [hbm4b:s25+s2], $0x1400, $0x38;
	[tilespmem:$0x11400] =	vst v63  }
0x11: {  	_ =	swait.ge [sflag:s4], $0x1400  }
0x12: {  	s5 =	sadd.s32 $0x2C600, s5;
	[sflag:s4] =	ssyncset.done $0x0  }
0x13: {  	s6 =	simm.s32 $0x200;
	s7 =	simm.s32 $0x1400;
	[sflag:s4] =	ssyncadd.s32 $0xFFFFEC00  }
0x14: {  	[tilespmem:s7], [sflag:$0x1] =	stream.indirect.gather [hbm4b:s5+s6], $0x20, s2, s6, $0xb8;
	[tilespmem:$0x11400] =	vst v63  }
0x15: {  	s8 =	simm.s32 $0x5400  }
0x16: {  	[tilespmem:s8], [sflag:$0x2] =	stream.indirect.gather [hbm4b:s5+s6], $0x20, s6, s6, $0xb8;
	[tilespmem:$0x11400] =	vst v63  }
0x17: {  	s9 =	simm.s32 $0x400;
	s10 =	simm.s32 $0x9400  }
0x18: {  	[tilespmem:s10], [sflag:$0x3] =	stream.indirect.gather [hbm4b:s5+s6], $0x20, s9, s6, $0xb8;
	[tilespmem:$0x11400] =	vst v63  }
0x19: {  	s11 =	simm.s32 $0x600;
	s12 =	simm.s32 $0xD400;
	s13 =	simm.s32 $0x1  }
0x1a: {  	[tilespmem:s12], [sflag:$0x4] =	stream.indirect.gather [hbm4b:s5+s6], $0x20, s11, s6, $0xb8;
	[tilespmem:$0x11400] =	vst v63  }
0x1b: {  	_ =	swait.ge [sflag:s13], $0x4000  }
0x1c: {  	[sflag:s13] =	ssyncset.done $0x0  }
0x1d: {  	s14 =	simm.s32 $0x5;
	[sflag:s13] =	ssyncadd.s32 $0xFFFFC000  }
0x1e: {  	[hbm4b:s3+s2] =	stream.linear.scatter [tilespmem:s7], [sflag:$0x5], $0x4000, $0x38;
	[tilespmem:$0x11400] =	vst v63  }
0x1f: {  	_ =	swait.ge [sflag:s14], $0x4000  }
0x20: {  	[sflag:s14] =	ssyncset.done $0x0  }
0x21: {  	s15 =	simm.s32 $0x800;
	s16 =	simm.s32 $0x2;
	[sflag:s14] =	ssyncadd.s32 $0xFFFFC000  }
0x22: {  	[tilespmem:s7], [sflag:$0x1] =	stream.indirect.gather [hbm4b:s5+s6], $0x20, s15, s6, $0xb8;
	[tilespmem:$0x11400] =	vst v63  }
0x23: {  	_ =	swait.ge [sflag:s16], $0x4000  }
0x24: {  	[sflag:s16] =	ssyncset.done $0x0  }
0x25: {  	s17 =	simm.s32 $0x6;
	s18 =	rddreg [dreg:$0x3];
	[sflag:s16] =	ssyncadd.s32 $0xFFFFC000  }
0x26: {  	[hbm4b:s18+s2] =	stream.linear.scatter [tilespmem:s8], [sflag:$0x6], $0x4000, $0x38;
	[tilespmem:$0x11400] =	vst v63  }
0x27: {  	_ =	swait.ge [sflag:s17], $0x4000  }
0x28: {  	[sflag:s17] =	ssyncset.done $0x0  }
0x29: {  	s19 =	simm.s32 $0x3;
	s18 =	simm.s32 $0xA00;
	[sflag:s17] =	ssyncadd.s32 $0xFFFFC000  }
0x2a: {  	[tilespmem:s8], [sflag:$0x2] =	stream.indirect.gather [hbm4b:s5+s6], $0x20, s18, s6, $0xb8;
	[tilespmem:$0x11400] =	vst v63  }
0x2b: {  	_ =	swait.ge [sflag:s19], $0x4000  }
0x2c: {  	[sflag:s19] =	ssyncset.done $0x0  }
0x2d: {  	s20 =	simm.s32 $0x7;
	s21 =	rddreg [dreg:$0x4];
	[sflag:s19] =	ssyncadd.s32 $0xFFFFC000  }
0x2e: {  	[hbm4b:s21+s2] =	stream.linear.scatter [tilespmem:s10], [sflag:$0x7], $0x4000, $0x38;
	[tilespmem:$0x11400] =	vst v63  }
0x2f: {  	_ =	swait.ge [sflag:s20], $0x4000  }
0x30: {  	[sflag:s20] =	ssyncset.done $0x0  }
0x31: {  	s22 =	simm.s32 $0x4;
	s21 =	simm.s32 $0xC00;
	[sflag:s20] =	ssyncadd.s32 $0xFFFFC000  }
0x32: {  	[tilespmem:s10], [sflag:$0x3] =	stream.indirect.gather [hbm4b:s5+s6], $0x20, s21, s6, $0xb8;
	[tilespmem:$0x11400] =	vst v63  }
0x33: {  	_ =	swait.ge [sflag:s22], $0x4000  }
0x34: {  	[sflag:s22] =	ssyncset.done $0x0  }
0x35: {  	s23 =	rddreg [dreg:$0x5];
	[sflag:s22] =	ssyncadd.s32 $0xFFFFC000  }
0x36: {  	[hbm4b:s23+s2] =	stream.linear.scatter [tilespmem:s12], [sflag:$0x8], $0x4000, $0x38;
	[tilespmem:$0x11400] =	vst v63  }
0x37: {  	s23 =	simm.s32 $0x8  }
0x38: {  	_ =	swait.ge [sflag:s23], $0x4000  }
0x39: {  	[sflag:s23] =	ssyncset.done $0x0  }
0x3a: {  	s24 =	simm.s32 $0xE00;
	[sflag:s23] =	ssyncadd.s32 $0xFFFFC000  }
0x3b: {  	[tilespmem:s12], [sflag:$0x4] =	stream.indirect.gather [hbm4b:s5+s6], $0x20, s24, s6, $0xb8;
	[tilespmem:$0x11400] =	vst v63  }
0x3c: {  	_ =	swait.ge [sflag:s13], $0x4000  }
0x3d: {  	[sflag:s13] =	ssyncset.done $0x0  }
0x3e: {  	s25 =	rddreg [dreg:$0x6];
	[sflag:s13] =	ssyncadd.s32 $0xFFFFC000  }
0x3f: {  	[hbm4b:s25+s2] =	stream.linear.scatter [tilespmem:s7], [sflag:$0x5], $0x4000, $0x38;
	[tilespmem:$0x11400] =	vst v63  }
0x40: {  	_ =	swait.ge [sflag:s14], $0x4000  }
0x41: {  	[sflag:s14] =	ssyncset.done $0x0  }
0x42: {  	s25 =	simm.s32 $0x1000;
	[sflag:s14] =	ssyncadd.s32 $0xFFFFC000  }
0x43: {  	[tilespmem:s7], [sflag:$0x1] =	stream.indirect.gather [hbm4b:s5+s6], $0x20, s25, s6, $0xb8;
	[tilespmem:$0x11400] =	vst v63  }
0x44: {  	_ =	swait.ge [sflag:s16], $0x4000  }
0x45: {  	[sflag:s16] =	ssyncset.done $0x0  }
0x46: {  	s26 =	rddreg [dreg:$0x7];
	[sflag:s16] =	ssyncadd.s32 $0xFFFFC000  }
0x47: {  	[hbm4b:s26+s2] =	stream.linear.scatter [tilespmem:s8], [sflag:$0x6], $0x4000, $0x38;
	[tilespmem:$0x11400] =	vst v63  }
0x48: {  	_ =	swait.ge [sflag:s17], $0x4000  }
0x49: {  	[sflag:s17] =	ssyncset.done $0x0  }
0x4a: {  	s26 =	simm.s32 $0x1200;
	[sflag:s17] =	ssyncadd.s32 $0xFFFFC000  }
0x4b: {  	[tilespmem:s8], [sflag:$0x2] =	stream.indirect.gather [hbm4b:s5+s6], $0x20, s26, s6, $0xb8;
	[tilespmem:$0x11400] =	vst v63  }
0x4c: {  	_ =	swait.ge [sflag:s19], $0x4000  }
0x4d: {  	[sflag:s19] =	ssyncset.done $0x0  }
0x4e: {  	s28 =	sadd.s32 $0x3000, s31;
	[sflag:s19] =	ssyncadd.s32 $0xFFFFC000  }
0x4f: {  	[hbm4b:s28+s2] =	stream.linear.scatter [tilespmem:s10], [sflag:$0x7], $0x4000, $0x38;
	[tilespmem:$0x11400] =	vst v63  }
0x50: {  	_ =	swait.ge [sflag:s22], $0x4000  }
0x51: {  	[sflag:s22] =	ssyncset.done $0x0  }
0x52: {  	s29 =	sadd.s32 $0x3800, s31;
	[sflag:s22] =	ssyncadd.s32 $0xFFFFC000  }
0x53: {  	[hbm4b:s29+s2] =	stream.linear.scatter [tilespmem:s12], [sflag:$0x8], $0x4000, $0x38;
	[tilespmem:$0x11400] =	vst v63  }
0x54: {  	_ =	swait.ge [sflag:s13], $0x4000  }
0x55: {  	[sflag:s13] =	ssyncset.done $0x0  }
0x56: {  	s30 =	sadd.s32 $0x4000, s31;
	[sflag:s13] =	ssyncadd.s32 $0xFFFFC000  }
0x57: {  	[hbm4b:s30+s2] =	stream.linear.scatter [tilespmem:s7], [sflag:$0x5], $0x4000, $0x38;
	[tilespmem:$0x11400] =	vst v63  }
0x58: {  	_ =	swait.ge [sflag:s16], $0x4000  }
0x59: {  	[sflag:s16] =	ssyncset.done $0x0  }
0x5a: {  	s31 =	sadd.s32 $0x4800, s31;
	[sflag:s16] =	ssyncadd.s32 $0xFFFFC000  }
0x5b: {  	[hbm4b:s31+s2] =	stream.linear.scatter [tilespmem:s8], [sflag:$0x6], $0x4000, $0x38;
	[tilespmem:$0x11400] =	vst v63  }
0x5c: {  	s1 =	ssub.s32 $0x2, s1;
	_ =	swait.ge [sflag:s20], $0x4000  }
0x5d: {  	s0 =	sshrl.u32 s1, $0x1;
	[sflag:s20] =	ssyncset.done $0x0  }
0x5e: {  	s0 =	ssub.s32 s1, s0;
	[sflag:s20] =	ssyncadd.s32 $0xFFFFC000  }
0x5f: {  	s0 =	smax.u32 s0, $0x1;
	_ =	swait.ge [sflag:s23], $0x4000  }
0x60: {  	p0 =	sne.s32 s0, $0x1;
	[sflag:s23] =	ssyncset.done $0x0  }
.Ltmp0:
0x61: {  	[sflag:s23] =	ssyncadd.s32 $0xFFFFC000;
	(pc) =	sbr.rel @!p0 .LBB2_2-.Ltmp0, $4  }
0x62: {  	_ =	swait.ge [sflag:s14], $0x4000  }
0x63: {  	[sflag:s14] =	ssyncset.done $0x0  }
0x64: {  	[sflag:s14] =	ssyncadd.s32 $0xFFFFC000  }
0x65: {  	s1 =	sadd.s32 $0xFFFFFFFF, s0;
	_ =	swait.ge [sflag:s17], $0x4000  }
.LBB2_1:
0x66: {  	[sflag:s17] =	ssyncset.done $0x0  }
0x67: {  	s0 =	rddreg [dreg:$0x2];
	[sflag:s17] =	ssyncadd.s32 $0xFFFFC000  }
0x68: {  	[tilespmem:s2], [sflag:$0x9] =	stream.linear.gather [hbm4b:s0+s2], $0x1400, $0x38;
	[tilespmem:$0x11400] =	vst v63  }
0x69: {  	_ =	swait.ge [sflag:s4], $0x1400  }
0x6a: {  	[sflag:s4] =	ssyncset.done $0x0  }
0x6b: {  	[sflag:s4] =	ssyncadd.s32 $0xFFFFEC00  }
0x6c: {  	[tilespmem:s7], [sflag:$0x1] =	stream.indirect.gather [hbm4b:s5+s6], $0x20, s2, s6, $0xb8;
	[tilespmem:$0x11400] =	vst v63  }
0x6d: {  	_ = 	snop  }
0x6e: {  	[tilespmem:s8], [sflag:$0x2] =	stream.indirect.gather [hbm4b:s5+s6], $0x20, s6, s6, $0xb8;
	[tilespmem:$0x11400] =	vst v63  }
0x6f: {  	_ = 	snop  }
0x70: {  	[tilespmem:s10], [sflag:$0x3] =	stream.indirect.gather [hbm4b:s5+s6], $0x20, s9, s6, $0xb8;
	[tilespmem:$0x11400] =	vst v63  }
0x71: {  	_ = 	snop  }
0x72: {  	[tilespmem:s12], [sflag:$0x4] =	stream.indirect.gather [hbm4b:s5+s6], $0x20, s11, s6, $0xb8;
	[tilespmem:$0x11400] =	vst v63  }
0x73: {  	_ =	swait.ge [sflag:s13], $0x4000  }
0x74: {  	[sflag:s13] =	ssyncset.done $0x0  }
0x75: {  	[sflag:s13] =	ssyncadd.s32 $0xFFFFC000  }
0x76: {  	[hbm4b:s3+s2] =	stream.linear.scatter [tilespmem:s7], [sflag:$0x5], $0x4000, $0x38;
	[tilespmem:$0x11400] =	vst v63  }
0x77: {  	_ =	swait.ge [sflag:s14], $0x4000  }
0x78: {  	[sflag:s14] =	ssyncset.done $0x0  }
0x79: {  	[sflag:s14] =	ssyncadd.s32 $0xFFFFC000  }
0x7a: {  	[tilespmem:s7], [sflag:$0x1] =	stream.indirect.gather [hbm4b:s5+s6], $0x20, s15, s6, $0xb8;
	[tilespmem:$0x11400] =	vst v63  }
0x7b: {  	_ =	swait.ge [sflag:s16], $0x4000  }
0x7c: {  	[sflag:s16] =	ssyncset.done $0x0  }
0x7d: {  	s0 =	rddreg [dreg:$0x3];
	[sflag:s16] =	ssyncadd.s32 $0xFFFFC000  }
0x7e: {  	[hbm4b:s0+s2] =	stream.linear.scatter [tilespmem:s8], [sflag:$0x6], $0x4000, $0x38;
	[tilespmem:$0x11400] =	vst v63  }
0x7f: {  	_ =	swait.ge [sflag:s17], $0x4000  }
0x80: {  	[sflag:s17] =	ssyncset.done $0x0  }
0x81: {  	[sflag:s17] =	ssyncadd.s32 $0xFFFFC000  }
0x82: {  	[tilespmem:s8], [sflag:$0x2] =	stream.indirect.gather [hbm4b:s5+s6], $0x20, s18, s6, $0xb8;
	[tilespmem:$0x11400] =	vst v63  }
0x83: {  	_ =	swait.ge [sflag:s19], $0x4000  }
0x84: {  	[sflag:s19] =	ssyncset.done $0x0  }
0x85: {  	s0 =	rddreg [dreg:$0x4];
	[sflag:s19] =	ssyncadd.s32 $0xFFFFC000  }
0x86: {  	[hbm4b:s0+s2] =	stream.linear.scatter [tilespmem:s10], [sflag:$0x7], $0x4000, $0x38;
	[tilespmem:$0x11400] =	vst v63  }
0x87: {  	_ =	swait.ge [sflag:s20], $0x4000  }
0x88: {  	[sflag:s20] =	ssyncset.done $0x0  }
0x89: {  	[sflag:s20] =	ssyncadd.s32 $0xFFFFC000  }
0x8a: {  	[tilespmem:s10], [sflag:$0x3] =	stream.indirect.gather [hbm4b:s5+s6], $0x20, s21, s6, $0xb8;
	[tilespmem:$0x11400] =	vst v63  }
0x8b: {  	_ =	swait.ge [sflag:s22], $0x4000  }
0x8c: {  	[sflag:s22] =	ssyncset.done $0x0  }
0x8d: {  	s0 =	rddreg [dreg:$0x5];
	[sflag:s22] =	ssyncadd.s32 $0xFFFFC000  }
0x8e: {  	[hbm4b:s0+s2] =	stream.linear.scatter [tilespmem:s12], [sflag:$0x8], $0x4000, $0x38;
	[tilespmem:$0x11400] =	vst v63  }
0x8f: {  	_ =	swait.ge [sflag:s23], $0x4000  }
0x90: {  	[sflag:s23] =	ssyncset.done $0x0  }
0x91: {  	[sflag:s23] =	ssyncadd.s32 $0xFFFFC000  }
0x92: {  	[tilespmem:s12], [sflag:$0x4] =	stream.indirect.gather [hbm4b:s5+s6], $0x20, s24, s6, $0xb8;
	[tilespmem:$0x11400] =	vst v63  }
0x93: {  	_ =	swait.ge [sflag:s13], $0x4000  }
0x94: {  	[sflag:s13] =	ssyncset.done $0x0  }
0x95: {  	s0 =	rddreg [dreg:$0x6];
	[sflag:s13] =	ssyncadd.s32 $0xFFFFC000  }
0x96: {  	[hbm4b:s0+s2] =	stream.linear.scatter [tilespmem:s7], [sflag:$0x5], $0x4000, $0x38;
	[tilespmem:$0x11400] =	vst v63  }
0x97: {  	_ =	swait.ge [sflag:s14], $0x4000  }
0x98: {  	[sflag:s14] =	ssyncset.done $0x0  }
0x99: {  	[sflag:s14] =	ssyncadd.s32 $0xFFFFC000  }
0x9a: {  	[tilespmem:s7], [sflag:$0x1] =	stream.indirect.gather [hbm4b:s5+s6], $0x20, s25, s6, $0xb8;
	[tilespmem:$0x11400] =	vst v63  }
0x9b: {  	_ =	swait.ge [sflag:s16], $0x4000  }
0x9c: {  	[sflag:s16] =	ssyncset.done $0x0  }
0x9d: {  	s0 =	rddreg [dreg:$0x7];
	[sflag:s16] =	ssyncadd.s32 $0xFFFFC000  }
0x9e: {  	[hbm4b:s0+s2] =	stream.linear.scatter [tilespmem:s8], [sflag:$0x6], $0x4000, $0x38;
	[tilespmem:$0x11400] =	vst v63  }
0x9f: {  	_ =	swait.ge [sflag:s17], $0x4000  }
0xa0: {  	[sflag:s17] =	ssyncset.done $0x0  }
0xa1: {  	[sflag:s17] =	ssyncadd.s32 $0xFFFFC000  }
0xa2: {  	[tilespmem:s8], [sflag:$0x2] =	stream.indirect.gather [hbm4b:s5+s6], $0x20, s26, s6, $0xb8;
	[tilespmem:$0x11400] =	vst v63  }
0xa3: {  	_ =	swait.ge [sflag:s19], $0x4000  }
0xa4: {  	[sflag:s19] =	ssyncset.done $0x0  }
0xa5: {  	[sflag:s19] =	ssyncadd.s32 $0xFFFFC000  }
0xa6: {  	[hbm4b:s28+s2] =	stream.linear.scatter [tilespmem:s10], [sflag:$0x7], $0x4000, $0x38;
	[tilespmem:$0x11400] =	vst v63  }
0xa7: {  	_ =	swait.ge [sflag:s22], $0x4000  }
0xa8: {  	[sflag:s22] =	ssyncset.done $0x0  }
0xa9: {  	[sflag:s22] =	ssyncadd.s32 $0xFFFFC000  }
0xaa: {  	[hbm4b:s29+s2] =	stream.linear.scatter [tilespmem:s12], [sflag:$0x8], $0x4000, $0x38;
	[tilespmem:$0x11400] =	vst v63  }
0xab: {  	_ =	swait.ge [sflag:s13], $0x4000  }
0xac: {  	[sflag:s13] =	ssyncset.done $0x0  }
0xad: {  	[sflag:s13] =	ssyncadd.s32 $0xFFFFC000  }
0xae: {  	[hbm4b:s30+s2] =	stream.linear.scatter [tilespmem:s7], [sflag:$0x5], $0x4000, $0x38;
	[tilespmem:$0x11400] =	vst v63  }
0xaf: {  	_ =	swait.ge [sflag:s16], $0x4000  }
0xb0: {  	[sflag:s16] =	ssyncset.done $0x0  }
0xb1: {  	[sflag:s16] =	ssyncadd.s32 $0xFFFFC000  }
0xb2: {  	[hbm4b:s31+s2] =	stream.linear.scatter [tilespmem:s8], [sflag:$0x6], $0x4000, $0x38;
	[tilespmem:$0x11400] =	vst v63  }
0xb3: {  	_ =	swait.ge [sflag:s20], $0x4000  }
0xb4: {  	[sflag:s20] =	ssyncset.done $0x0  }
0xb5: {  	[sflag:s20] =	ssyncadd.s32 $0xFFFFC000  }
0xb6: {  	_ =	swait.ge [sflag:s23], $0x4000  }
0xb7: {  	p0 =	sne.s32 s1, $0x1;
	[sflag:s23] =	ssyncset.done $0x0  }
.Ltmp1:
0xb8: {  	[sflag:s23] =	ssyncadd.s32 $0xFFFFC000;
	(pc) =	sbr.rel @p0 .LBB2_1-.Ltmp1, $4  }
0xb9: {  	_ =	swait.ge [sflag:s14], $0x4000  }
0xba: {  	[sflag:s14] =	ssyncset.done $0x0  }
0xbb: {  	[sflag:s14] =	ssyncadd.s32 $0xFFFFC000  }
0xbc: {  	s1 =	sadd.s32 $0xFFFFFFFF, s1;
	_ =	swait.ge [sflag:s17], $0x4000  }
.LBB2_2:
0xbd: {  	[sflag:s17] =	ssyncset.done $0x0  }
0xbe: {  	[sflag:s17] =	ssyncadd.s32 $0xFFFFC000  }
0xbf: {  	_ =	sfence.sel $0x180000  }
0xc0: {  	[bflag:$0x0] =	sbarrier.arrive $0xFFFF  }
0xc1: {  	_ =	strace $0x90000047  }
0xc2: {  	s0 =	stileid.u32;
	[bflag:$0x2] =	sbarrier.arrive $0xFFFF  }
0xc3: {  	p0 =	sne.s32 s0, $0x0;
	s0 =	rddreg [dreg:$0x1]  }
0xc4: {  	s0 =	sadd.s32 @!p0 $0x100000, s0  }
0xc5: {  	[sflag:s0] =	ssyncadd.tile.s32 @!p0 $0x1;
	_ =	shalt  }
.Lfunc_end2:
_tile_overlayer_lowered:
.L_overlay_start_2:
0xc6: {  	(tag) =	ssettag $0x2  }
0xc7: {  	s0 =	rddreg [dreg:$0x0];
	s2 =	stileid.u32  }
0xc8: {  	s1 =	rddreg [dreg:$0x1];
	p0 =	sne.s32 s2, $0x0  }
0xc9: {  	s3 =	rddreg [dreg:$0x2];
	[bflag:$0x3] =	sbarrier.arrive $0xFFFF;
	s2 =	simm.s32 @!p0 $0x1C09  }
0xca: {  	[timem:s3], [sflag:s2] =	dma.local @!p0 [hbm:s0], s1  }
0xcb: {  	s0 =	simm.s32 @!p0 $0x9  }
0xcc: {  	_ =	swait.ge @!p0 [sflag:s0], s1  }
0xcd: {  	s1 =	ssub.s32 @!p0 $0x0, s1;
	[sflag:s0] =	ssyncset.done @!p0 $0x0  }
0xce: {  	[sflag:s0] =	ssyncadd.s32 @!p0 s1  }
0xcf: {  	[bflag:$0x3] =	sbarrier.arrive $0xFFFF  }
0xd0: {  	_ =	shalt  }

// kernel: kernel.14.cloned.1.call-start
scs
__scs_entry_jumppad:
0x0: {  	(pc) =	sbr.rel $0x88, $3  }
0x1: {  	(tag) =	ssettag $0x0;
	lr =	simm.s32 $0x1  }
0x2: {  	[smem:$0x3F83] =	sst lr;
	_ =	strace $0xD0000000  }
0x3: {  	_ = 	snop  }
0x4: {  	_ = 	snop  }
0x5: {  	_ = 	snop  }
0x6: {  	_ = 	snop  }
0x7: {  	_ = 	snop  }
__scs_overlays_trampoline_lowered:
0x8: {  	[smem:$0x3F92] =	sst s0  }
0x9: {  	[smem:$0x3F93] =	sst s1  }
0xa: {  	[smem:$0x3F94] =	sst s2  }
0xb: {  	[smem:$0x3F95] =	sst s3  }
0xc: {  	[smem:$0x3F96] =	sst s4  }
0xd: {  	[smem:$0x3F97] =	sst s5  }
0xe: {  	[smem:$0x3F98] =	sst s6  }
0xf: {  	[smem:$0x3F99] =	sst s7  }
0x10: {  	[smem:$0x3F9A] =	sst s8  }
0x11: {  	[smem:$0x3F9B] =	sst s9;
	s0 =	simm.s32 @!p0 $0x0  }
0x12: {  	s1 =	sld [smem:$0x3F81];
	s0 =	simm.s32 @p0 $0x1  }
0x13: {  	[smem:$0x3F9C] =	sst s0;
	s0 =	simm.s32 @!p1 $0x0  }
0x14: {  	s2 =	sld [smem:$0x3F80];
	s0 =	simm.s32 @p1 $0x1  }
0x15: {  	[smem:$0x3F9D] =	sst s0;
	s0 =	simm.s32 @!p2 $0x0  }
0x16: {  	s3 =	sld [smem:$0x3FDB];
	s0 =	simm.s32 @p2 $0x1  }
0x17: {  	s4 =	simm.s32 $0x1BF5;
	[smem:$0x3F9F] =	sst s0  }
0x18: {  	s0 =	sld [smem:$0x3F82];
	_ =	swait.ge [sflag:s4], $0x0  }
0x19: {  	s7 =	sld [smem:$0x3F83]  }
0x1a: {  	s8 =	sadd.s32 $0xFFFFE003, lr  }
0x1b: {  	s9 =	sadd.s32 $0xFFFFFEF7, lr;
	s5 =	simm.s32 $0xFFFFFFFF;
	p2 =	slt.u32 s8, $0xFFFFF086  }
0x1c: {  	p1 =	slt.u32 s9, $0xF7A;
	s5 =	simm.s32 @!p2 $0x0  }
0x1d: {  	s5 =	simm.s32 @p1 $0x1;
	p0 =	seq.s32 s7, s2  }
0x1e: {  	s7 =	smul.u32 @!p0 $0xF7A, s2;
	p2 =	seq.s32 @!p0 s5, $0x0  }
0x1f: {  	s9 =	smul.u32 $0xF7A, s1;
	s8 =	simm.s32 @!p0 $0x1BF5;
	p2 =	por !p2, p0  }
0x20: {  	[sflag:s8] =	ssyncset.s32 @!p0 $0xFFFFF086;
	s6 =	sadd.s32 @!p0 s3, s7;
	s7 =	simm.s32 @!p0 $0x108  }
0x21: {  	s3 =	sadd.s32 s3, s9;
	s6 =	sadd.s32 @!p0 $0x88, s6;
	s7 =	simm.s32 @p2 $0x1082  }
0x22: {  	[simem:s7], [sflag:s8] =	dma.local @!p0 [hbm:s6], $0xF7A  }
0x23: {  	s9 =	sor.u32 $0xD0000000, s2;
	s6 =	simm.s32 $0x108;
	_ =	swait.ge @!p0 [sflag:s8], $0x0  }
0x24: {  	s3 =	sadd.s32 $0x88, s3;
	s6 =	simm.s32 @!p1 $0x1082;
	[sflag:s4] =	ssyncset.s32 $0xFFFFF086  }
0x25: {  	[simem:s6], [sflag:s4] =	dma.local [hbm:s3], $0xF7A  }
0x26: {  	[smem:$0x3F83] =	sst s1;
	(tag) =	ssettag s2;
	_ =	strace s9  }
0x27: {  	s1 =	sld [smem:$0x3F93]  }
0x28: {  	s2 =	sld [smem:$0x3F94]  }
0x29: {  	s4 =	sld [smem:$0x3F96]  }
0x2a: {  	p0 =	seq.s32 s5, $0x0;
	s5 =	sld [smem:$0x3F97]  }
0x2b: {  	s6 =	sld [smem:$0x3F98]  }
0x2c: {  	s7 =	sld [smem:$0x3F99]  }
0x2d: {  	s3 =	simm.s32 $0x108;
	s8 =	sld [smem:$0x3F9A]  }
0x2e: {  	s3 =	simm.s32 @!p0 $0x1082;
	s9 =	sld [smem:$0x3F9B]  }
0x2f: {  	lr =	sadd.s32 s0, s3;
	s0 =	sld [smem:$0x3F92]  }
0x30: {  	s3 =	sld [smem:$0x3F95]  }
0x31: {  	[smem:$0x3F9E] =	sst s10  }
0x32: {  	s10 =	sld [smem:$0x3F9C];
	_ =	sdelay $0x3  }
0x33: {  	p0 =	seq.s32 s10, $0x1;
	s10 =	sld [smem:$0x3F9E];
	_ =	sdelay $0x3  }
0x34: {  	[smem:$0x3F9E] =	sst s10  }
0x35: {  	s10 =	sld [smem:$0x3F9D];
	_ =	sdelay $0x3  }
0x36: {  	p1 =	seq.s32 s10, $0x1;
	s10 =	sld [smem:$0x3F9E];
	_ =	sdelay $0x3  }
0x37: {  	[smem:$0x3F9E] =	sst s10  }
0x38: {  	s10 =	sld [smem:$0x3F9F]  }
0x39: {  	_ = 	snop;
	(pc) =	sbr.ind lr, $3  }
0x3a: {  	_ = 	snop  }
0x3b: {  	_ = 	snop  }
0x3c: {  	p2 =	seq.s32 s10, $0x1;
	s10 =	sld [smem:$0x3F9E]  }
0x3d: {  	_ =	shalt  }
0x3e: {  	_ =	shalt  }
0x3f: {  	_ =	shalt  }
0x40: {  	_ =	shalt  }
0x41: {  	_ =	shalt  }
0x42: {  	_ =	shalt  }
0x43: {  	_ =	shalt  }
0x44: {  	_ =	shalt  }
0x45: {  	_ =	shalt  }
0x46: {  	_ =	shalt  }
0x47: {  	_ =	shalt  }
0x48: {  	_ =	shalt  }
0x49: {  	_ =	shalt  }
0x4a: {  	_ =	shalt  }
0x4b: {  	_ =	shalt  }
0x4c: {  	_ =	shalt  }
0x4d: {  	_ =	shalt  }
0x4e: {  	_ =	shalt  }
0x4f: {  	_ =	shalt  }
0x50: {  	_ =	shalt  }
0x51: {  	_ =	shalt  }
0x52: {  	_ =	shalt  }
0x53: {  	_ =	shalt  }
0x54: {  	_ =	shalt  }
0x55: {  	_ =	shalt  }
0x56: {  	_ =	shalt  }
0x57: {  	_ =	shalt  }
0x58: {  	_ =	shalt  }
0x59: {  	_ =	shalt  }
0x5a: {  	_ =	shalt  }
0x5b: {  	_ =	shalt  }
0x5c: {  	_ =	shalt  }
0x5d: {  	_ =	shalt  }
0x5e: {  	_ =	shalt  }
0x5f: {  	_ =	shalt  }
0x60: {  	_ =	shalt  }
0x61: {  	_ =	shalt  }
0x62: {  	_ =	shalt  }
0x63: {  	_ =	shalt  }
0x64: {  	_ =	shalt  }
0x65: {  	_ =	shalt  }
0x66: {  	_ =	shalt  }
0x67: {  	_ =	shalt  }
0x68: {  	_ =	shalt  }
0x69: {  	_ =	shalt  }
0x6a: {  	_ =	shalt  }
0x6b: {  	_ =	shalt  }
0x6c: {  	_ =	shalt  }
0x6d: {  	_ =	shalt  }
0x6e: {  	_ =	shalt  }
0x6f: {  	_ =	shalt  }
0x70: {  	_ =	shalt  }
0x71: {  	_ =	shalt  }
0x72: {  	_ =	shalt  }
0x73: {  	_ =	shalt  }
0x74: {  	_ =	shalt  }
0x75: {  	_ =	shalt  }
0x76: {  	_ =	shalt  }
0x77: {  	_ =	shalt  }
0x78: {  	_ =	shalt  }
0x79: {  	_ =	shalt  }
0x7a: {  	_ =	shalt  }
0x7b: {  	_ =	shalt  }
0x7c: {  	_ =	shalt  }
0x7d: {  	_ =	shalt  }
0x7e: {  	_ =	shalt  }
0x7f: {  	_ =	shalt  }
0x80: {  	_ =	shalt  }
0x81: {  	_ =	shalt  }
0x82: {  	_ =	shalt  }
0x83: {  	_ =	shalt  }
0x84: {  	_ =	shalt  }
0x85: {  	_ =	shalt  }
0x86: {  	_ =	shalt  }
0x87: {  	_ =	shalt  }
.Lfunc_end0:
.L_simem_size_0:
called_computation.1_lowered:
.L_overlay_start_0:
0x88: {  	s2 =	sld [smem:$0x3FD9]  }
0x89: {  	s3 =	sld [smem:$0x3FFE];
	_ =	sdelay $0x1  }
0x8a: {  	s1 =	srdreg.scid  }
0x8b: {  	s0 =	sand.u32 $0x1, s1  }
0x8c: {  	s16 =	sshll.u32 s0, $0xA;
	s2 =	sadd.s32 s3, s2  }
0x8d: {  	s2 =	sadd.s32 s2, s16  }
0x8e: {  	[smem:$0x3FAA] =	sst s2  }
0x8f: {  	_ = 	snop  }
0x90: {  	(tm) =	ssettm $0x1  }
0x91: {  	s17 =	sld [smem:$0x3FFB];
	_ =	sdelay $0x3  }
0x92: {  	_ =	strace s17  }
0x93: {  	s2 =	sld [smem:$0x3FFC];
	_ =	sdelay $0x3  }
0x94: {  	_ =	strace s2  }
0x95: {  	s2 =	sld [smem:$0x3FFD];
	_ =	sdelay $0x3  }
0x96: {  	_ =	strace s2  }
0x97: {  	_ =	strace $0x8FFFFFFF  }
0x98: {  	s18 =	sld [smem:$0x3FDB];
	_ =	sdelay $0x1  }
0x99: {  	s19 =	simm.s32 $_scs_section_size  }
0x9a: {  	s4 =	simm.s32 $_size__tile_overlayer_lowered;
	s5 =	simm.s32 $_tile_overlayer_lowered  }
0x9b: {  	s22 =	simm.s32 $0x1BFF;
	s21 =	sshll.u32 s5, $0x1;
	s2 =	sadd.s32 s19, s18  }
0x9c: {  	s6 =	simm.s32 $0x0;
	s20 =	sshll.u32 s4, $0x1;
	s4 =	sadd.s32 s21, s2  }
0x9d: {  	[timem:s6], [sflag:s22] =	dma.local [hbm:s4], s20  }
0x9e: {  	_ =	swait.ge [sflag:s22], s20  }
0x9f: {  	s3 =	ssub.s32 $0x0, s20;
	[sflag:s22] =	ssyncset.done $0x0  }
0xa0: {  	[sflag:s22] =	ssyncadd.s32 s3;
	_ =	sdelay $0x1  }
0xa1: {  	s23 =	simm.s32 $0x1B8B  }
0xa2: {  	_ =	swait.ge [sflag:s23], $0x1  }
0xa3: {  	[sflag:s23] =	ssyncset.done $0x0  }
0xa4: {  	s25 =	simm.s32 $0x1B8E;
	s24 =	sld [smem:$0x3FFE];
	[sflag:s23] =	ssyncadd.s32 $0xFFFFFFFF  }
0xa5: {  	s26 =	simm.s32 $execute0_lowered;
	[smem:$0x3FD2] =	sst s25  }
0xa6: {  	s4 =	sshll.u32 s26, $0x1;
	_ =	strace $0x80000049;
	[dreg:$0x1] =	wrdreg $0xFFFFFFFF  }
0xa7: {  	s28 =	simm.s32 $_size_execute0_lowered;
	s2 =	sadd.s32 s2, s4;
	[dreg:$0x0] =	wrdreg $0x0  }
0xa8: {  	s4 =	sshll.u32 s28, $0x1;
	[dreg:$0x2] =	wrdreg s2  }
0xa9: {  	[dreg:$0x3] =	wrdreg s4  }
0xaa: {  	[dreg:$0x4] =	wrdreg $0xC0  }
0xab: {  	_ =	task [dreg:s6], $0x5FFFF  }
0xac: {  	[dreg:$0x1] =	wrdreg $0xFFFFFFFF  }
0xad: {  	[dreg:$0x0] =	wrdreg $0x60  }
0xae: {  	[dreg:$0x2] =	wrdreg s24  }
0xaf: {  	[dreg:$0x3] =	wrdreg $0x4C000  }
0xb0: {  	[dreg:$0x4] =	wrdreg $0x9  }
0xb1: {  	_ =	task.clear_ibuf [dreg:s6], $0x5FFFF;
	_ =	strace $0x90000049  }
0xb2: {  	s29 =	simm.s32 $0x9;
	_ =	strace $0x8000004B  }
0xb3: {  	_ =	swait.ge [sflag:s29], $0x1  }
0xb4: {  	[sflag:s29] =	ssyncadd.s32 $0xFFFFFFFF  }
0xb5: {  	_ =	strace $0x9000004B  }
0xb6: {  	_ =	sfence  }
0xb7: {  	s30 =	sld [smem:$0x0];
	_ =	sdelay $0x2  }
0xb8: {  	s31 =	sshll.u32 s1, $0xD;
	s1 =	sshrl.u32 s1, $0x2  }
0xb9: {  	s3 =	sand.u32 $0x4000, s31;
	s1 =	sadd.s32 s1, s30  }
0xba: {  	s0 =	sor.u32 s3, s0;
	s1 =	sshll.u32 s1, $0x11  }
0xbb: {  	s0 =	sor.u32 s1, s0  }
0xbc: {  	s0 =	sadd.s32 $0x8F2B, s0  }
0xbd: {  	[sflag:s0] =	ssyncadd.remote.s32 $0x1  }
0xbe: {  	_ =	sfence.sel $0xFFFF  }
0xbf: {  	[dreg:$0x0] =	wrdreg $0xFFFFFFFF;
	(pc) =	sbr.abs _section_cstart, $3  }
0xc0: {  	[dreg:$0x1] =	wrdreg $0xFFFFFFFF  }
0xc1: {  	_ =	task.clear_ibuf [dreg:s6], $0x2FFFF;
	_ =	strace $0x9FFFFFFF  }
0xc2: {  	(tm) =	ssettm $0x7FFFFFFF  }
0xc3: {  	_ =	shalt  }
tec
execute0_lowered:
.L_overlay_start_1:
0x0: {  	(tag) =	ssettag $0x1  }
0x1: {  	s4 =	rddreg [dreg:$0x0]  }
0x2: {  	s2 =	rddreg [dreg:$0x1];
	s3 =	srdreg.scid  }
0x3: {  	s1 =	stileid.u32;
	s0 =	rddreg [dreg:$0x2];
	s15 =	simm.s32 $0x1400  }
0x4: {  	s16 =	simm.s32 $0x1C00;
	s17 =	simm.s32 $0x1;
	s18 =	simm.s32 $0x80  }
0x5: {  	s19 =	simm.s32 $0x2;
	s20 =	simm.s32 $0x1300;
	s21 =	simm.s32 $0x1380  }
0x6: {  	s22 =	simm.s32 $0x0;
	s5 =	sand.u32 $0x1, s3;
	s7 =	smul.u32 $0x2800, s1  }
0x7: {  	s6 =	sshll.u32 s1, $0x1;
	s3 =	simm.s32 $0x0;
	s14 =	smul.u32 $0x28000, s1  }
0x8: {  	s12 =	sadd.s32 $0x3B400, s4;
	s6 =	sor.u32 s5, s6;
	s10 =	smul.u32 $0x28000, s5  }
0x9: {  	[smem:$0x7FF] =	sst s3;
	s11 =	ssub.s32 $0x2, s5;
	s30 =	smul.u32 $0x14000, s5  }
0xa: {  	s8 =	smul.u32 $0x280, s6;
	_ =	strace $0x8000004A;
	s9 =	sshrl.u32 s7, $0x3  }
0xb: {  	s6 =	smul.u32 $0x2800, s6;
	s13 =	sshrl.u32 s11, $0x1;
	s5 =	sadd.s32 s7, s2  }
0xc: {  	s9 =	sadd.s32 s9, s4;
	s10 =	sadd.s32 s7, s10;
	s11 =	ssub.s32 s11, s13  }
0xd: {  	s13 =	sadd.s32 s30, s14;
	s8 =	sadd.s32 s8, s4;
	s10 =	sshrl.u32 s10, $0x3  }
0xe: {  	s6 =	sadd.s32 s12, s6;
	s14 =	sor.u32 $0x1800, s13;
	s13 =	sor.u32 $0x1000, s13  }
0xf: {  	s10 =	sadd.s32 s10, s4;
	s4 =	sadd.s32 $0x2C600, s9;
	s7 =	sadd.s32 $0xDB400, s8  }
0x10: {  	s8 =	sadd.s32 $0x100, s6;
	s31 =	sshrl.u32 s14, $0x3;
	s13 =	sshrl.u32 s13, $0x3  }
0x11: {  	s14 =	simm.s32 $0x3;
	s9 =	sadd.s32 $0x8B400, s10;
	s10 =	smax.u32 s11, $0x1  }
0x12: {  	s11 =	sadd.s32 s31, s12;
	s12 =	sadd.s32 s13, s12;
	s13 =	simm.s32 $0x2400  }
.LBB2_1:
0x13: {  	[tilespmem:s13], [sflag:$0x3] =	stream.linear.gather [hbm4b:s4+s3], $0x2800, $0x38;
	[tilespmem:$0x7400] =	vst v63  }
0x14: {  	_ =	swait.ge [sflag:s14], $0x2800  }
0x15: {  	[sflag:s14] =	ssyncset.done $0x0  }
0x16: {  	[sflag:s14] =	ssyncadd.s32 $0xFFFFD800  }
0x17: {  	[spmem:s5] =	stream.linear.scatter [tilespmem:s13], [sflag:$0x3], $0x2800, $0x38;
	[tilespmem:$0x7400] =	vst v63  }
0x18: {  	_ =	swait.ge [sflag:s14], $0x2800  }
0x19: {  	[sflag:s14] =	ssyncset.done $0x0  }
0x1a: {  	[sflag:s14] =	ssyncadd.s32 $0xFFFFD800  }
0x1b: {  	[bflag:$0x0] =	sbarrier.arrive $0xFFFF  }
0x1c: {  	[tilespmem:s3], [sflag:$0x3] =	stream.linear.gather [hbm4b:s7+s3], $0x1400, $0x38;
	[tilespmem:$0x7400] =	vst v63  }
0x1d: {  	_ =	swait.ge [sflag:s14], $0x1400  }
0x1e: {  	[sflag:s14] =	ssyncset.done $0x0  }
0x1f: {  	[sflag:s14] =	ssyncadd.s32 $0xFFFFEC00  }
0x20: {  	[tilespmem:s15], [sflag:$0x1] =	stream.linear.gather [hbm4b:s6+s3], $0x800, $0x38;
	[tilespmem:$0x7400] =	vst v63  }
0x21: {  	_ = 	snop  }
0x22: {  	[tilespmem:s16], [sflag:$0x2] =	stream.linear.gather [hbm4b:s8+s3], $0x800, $0x38;
	[tilespmem:$0x7400] =	vst v63  }
0x23: {  	_ =	swait.ge [sflag:s17], $0x800  }
0x24: {  	[sflag:s17] =	ssyncset.done $0x0  }
0x25: {  	s23 =	simm.s32 $0x0;
	[sflag:s17] =	ssyncadd.s32 $0xFFFFF800  }
0x26: {  	[spmem:s2] =	stream.indirect.scatter.add.f32 [tilespmem:s15], [sflag:$0x3], $0x10, s23, s18, $0xb8;
	[tilespmem:$0x7400] =	vst v63  }
0x27: {  	_ =	swait.ge [sflag:s14], $0x800  }
0x28: {  	[sflag:s14] =	ssyncset.done $0x0  }
0x29: {  	s31 =	sadd.s32 $0x0, s12;
	[sflag:s14] =	ssyncadd.s32 $0xFFFFF800  }
0x2a: {  	[tilespmem:s15], [sflag:$0x1] =	stream.linear.gather [hbm4b:s31+s3], $0x800, $0x38;
	[tilespmem:$0x7400] =	vst v63  }
0x2b: {  	_ =	swait.ge [sflag:s19], $0x800  }
0x2c: {  	[sflag:s19] =	ssyncset.done $0x0  }
0x2d: {  	[sflag:s19] =	ssyncadd.s32 $0xFFFFF800  }
0x2e: {  	[spmem:s2] =	stream.indirect.scatter.add.f32 [tilespmem:s16], [sflag:$0x3], $0x10, s18, s18, $0xb8;
	[tilespmem:$0x7400] =	vst v63  }
0x2f: {  	_ =	swait.ge [sflag:s14], $0x800  }
0x30: {  	s25 =	sadd.s32 $0x0, s11;
	[sflag:s14] =	ssyncset.done $0x0  }
0x31: {  	s24 =	simm.s32 $0x180;
	s23 =	simm.s32 $0x200;
	[sflag:s14] =	ssyncadd.s32 $0xFFFFF800  }
.LBB2_2:
0x32: {  	[tilespmem:s16], [sflag:$0x2] =	stream.linear.gather [hbm4b:s25+s3], $0x800, $0x38;
	[tilespmem:$0x7400] =	vst v63  }
0x33: {  	s25 =	smov.u32 s23  }
0x34: {  	p0 =	sne.s32 s23, $0x2400;
	s23 =	sadd.s32 $0x200, s23;
	_ =	swait.ge [sflag:s17], $0x800  }
0x35: {  	[sflag:s17] =	ssyncset.done $0x0  }
0x36: {  	s26 =	sadd.s32 $0xFFFFFF80, s24;
	[sflag:s17] =	ssyncadd.s32 $0xFFFFF800  }
0x37: {  	[spmem:s2] =	stream.indirect.scatter.add.f32 [tilespmem:s15], [sflag:$0x3], $0x10, s26, s18, $0xb8;
	[tilespmem:$0x7400] =	vst v63  }
0x38: {  	_ =	swait.ge [sflag:s14], $0x800  }
0x39: {  	[sflag:s14] =	ssyncset.done $0x0  }
0x3a: {  	s26 =	sadd.s32 s25, s12;
	[sflag:s14] =	ssyncadd.s32 $0xFFFFF800  }
0x3b: {  	[tilespmem:s15], [sflag:$0x1] =	stream.linear.gather [hbm4b:s26+s3], $0x800, $0x38;
	[tilespmem:$0x7400] =	vst v63  }
0x3c: {  	_ =	swait.ge [sflag:s19], $0x800  }
0x3d: {  	[sflag:s19] =	ssyncset.done $0x0  }
.Ltmp0:
0x3e: {  	[sflag:s19] =	ssyncadd.s32 $0xFFFFF800;
	(pc) =	sbr.rel @p0 .LBB2_2-.Ltmp0, $4  }
0x3f: {  	[spmem:s2] =	stream.indirect.scatter.add.f32 [tilespmem:s16], [sflag:$0x3], $0x10, s24, s18, $0xb8;
	[tilespmem:$0x7400] =	vst v63  }
0x40: {  	_ =	swait.ge [sflag:s14], $0x800  }
0x41: {  	[sflag:s14] =	ssyncset.done $0x0  }
0x42: {  	s25 =	sadd.s32 s25, s11;
	s24 =	sadd.s32 $0x100, s24;
	[sflag:s14] =	ssyncadd.s32 $0xFFFFF800  }
0x43: {  	[tilespmem:s16], [sflag:$0x2] =	stream.linear.gather [hbm4b:s25+s3], $0x800, $0x38;
	[tilespmem:$0x7400] =	vst v63  }
0x44: {  	_ =	swait.ge [sflag:s17], $0x800  }
0x45: {  	[sflag:s17] =	ssyncset.done $0x0  }
0x46: {  	[sflag:s17] =	ssyncadd.s32 $0xFFFFF800  }
0x47: {  	[spmem:s2] =	stream.indirect.scatter.add.f32 [tilespmem:s15], [sflag:$0x3], $0x10, s20, s18, $0xb8;
	[tilespmem:$0x7400] =	vst v63  }
0x48: {  	_ =	swait.ge [sflag:s14], $0x800  }
0x49: {  	[sflag:s14] =	ssyncset.done $0x0  }
0x4a: {  	[sflag:s14] =	ssyncadd.s32 $0xFFFFF800  }
0x4b: {  	_ =	swait.ge [sflag:s19], $0x800  }
0x4c: {  	[sflag:s19] =	ssyncset.done $0x0  }
0x4d: {  	[sflag:s19] =	ssyncadd.s32 $0xFFFFF800  }
0x4e: {  	[spmem:s2] =	stream.indirect.scatter.add.f32 [tilespmem:s16], [sflag:$0x3], $0x10, s21, s18, $0xb8;
	[tilespmem:$0x7400] =	vst v63  }
0x4f: {  	_ =	swait.ge [sflag:s14], $0x800  }
0x50: {  	[sflag:s14] =	ssyncset.done $0x0  }
0x51: {  	[sflag:s14] =	ssyncadd.s32 $0xFFFFF800  }
0x52: {  	[bflag:$0x0] =	sbarrier.arrive $0xFFFF  }
0x53: {  	[tilespmem:s13], [sflag:$0x3] =	stream.linear.gather [spmem:s5], $0x2800, $0x38;
	[tilespmem:$0x7400] =	vst v63  }
0x54: {  	s22 =	sadd.s32 $0x1, s22;
	_ =	swait.ge [sflag:s14], $0x2800  }
0x55: {  	p0 =	sne.s32 s22, s10;
	[sflag:s14] =	ssyncset.done $0x0  }
.Ltmp1:
0x56: {  	[sflag:s14] =	ssyncadd.s32 $0xFFFFD800;
	(pc) =	sbr.rel @p0 .LBB2_1-.Ltmp1, $4  }
0x57: {  	[hbm4b:s9+s3] =	stream.linear.scatter [tilespmem:s13], [sflag:$0x3], $0x2800, $0x38;
	[tilespmem:$0x7400] =	vst v63  }
0x58: {  	_ =	swait.ge [sflag:s14], $0x2800  }
0x59: {  	[sflag:s14] =	ssyncset.done $0x0  }
0x5a: {  	[sflag:s14] =	ssyncadd.s32 $0xFFFFD800  }
0x5b: {  	_ =	sfence.sel $0x180000  }
0x5c: {  	[bflag:$0x0] =	sbarrier.arrive $0xFFFF  }
0x5d: {  	p0 =	sne.s32 s1, $0x0;
	_ =	strace $0x9000004A  }
0x5e: {  	s0 =	sadd.s32 @!p0 $0x100000, s0;
	[bflag:$0x2] =	sbarrier.arrive $0xFFFF  }
0x5f: {  	[sflag:s0] =	ssyncadd.tile.s32 @!p0 $0x1;
	_ =	shalt  }
.Lfunc_end2:
_tile_overlayer_lowered:
.L_overlay_start_2:
0x60: {  	(tag) =	ssettag $0x2  }
0x61: {  	s0 =	rddreg [dreg:$0x0];
	s2 =	stileid.u32  }
0x62: {  	s1 =	rddreg [dreg:$0x1];
	p0 =	sne.s32 s2, $0x0  }
0x63: {  	s3 =	rddreg [dreg:$0x2];
	[bflag:$0x3] =	sbarrier.arrive $0xFFFF;
	s2 =	simm.s32 @!p0 $0x1C03  }
0x64: {  	[timem:s3], [sflag:s2] =	dma.local @!p0 [hbm:s0], s1  }
0x65: {  	s0 =	simm.s32 @!p0 $0x3  }
0x66: {  	_ =	swait.ge @!p0 [sflag:s0], s1  }
0x67: {  	s1 =	ssub.s32 @!p0 $0x0, s1;
	[sflag:s0] =	ssyncset.done @!p0 $0x0  }
0x68: {  	[sflag:s0] =	ssyncadd.s32 @!p0 s1  }
0x69: {  	[bflag:$0x3] =	sbarrier.arrive $0xFFFF  }
0x6a: {  	_ =	shalt  }

// kernel: kernel.17.cloned.1.call-start
scs
__scs_entry_jumppad:
0x0: {  	(pc) =	sbr.rel $0x88, $3  }
0x1: {  	(tag) =	ssettag $0x0;
	lr =	simm.s32 $0x1  }
0x2: {  	[smem:$0x3F83] =	sst lr;
	_ =	strace $0xD0000000  }
0x3: {  	_ = 	snop  }
0x4: {  	_ = 	snop  }
0x5: {  	_ = 	snop  }
0x6: {  	_ = 	snop  }
0x7: {  	_ = 	snop  }
__scs_overlays_trampoline_lowered:
0x8: {  	[smem:$0x3F92] =	sst s0  }
0x9: {  	[smem:$0x3F93] =	sst s1  }
0xa: {  	[smem:$0x3F94] =	sst s2  }
0xb: {  	[smem:$0x3F95] =	sst s3  }
0xc: {  	[smem:$0x3F96] =	sst s4  }
0xd: {  	[smem:$0x3F97] =	sst s5  }
0xe: {  	[smem:$0x3F98] =	sst s6  }
0xf: {  	[smem:$0x3F99] =	sst s7  }
0x10: {  	[smem:$0x3F9A] =	sst s8  }
0x11: {  	[smem:$0x3F9B] =	sst s9;
	s0 =	simm.s32 @!p0 $0x0  }
0x12: {  	s1 =	sld [smem:$0x3F81];
	s0 =	simm.s32 @p0 $0x1  }
0x13: {  	[smem:$0x3F9C] =	sst s0;
	s0 =	simm.s32 @!p1 $0x0  }
0x14: {  	s2 =	sld [smem:$0x3F80];
	s0 =	simm.s32 @p1 $0x1  }
0x15: {  	[smem:$0x3F9D] =	sst s0;
	s0 =	simm.s32 @!p2 $0x0  }
0x16: {  	s3 =	sld [smem:$0x3FDB];
	s0 =	simm.s32 @p2 $0x1  }
0x17: {  	s4 =	simm.s32 $0x1BF5;
	[smem:$0x3F9F] =	sst s0  }
0x18: {  	s0 =	sld [smem:$0x3F82];
	_ =	swait.ge [sflag:s4], $0x0  }
0x19: {  	s7 =	sld [smem:$0x3F83]  }
0x1a: {  	s8 =	sadd.s32 $0xFFFFE003, lr  }
0x1b: {  	s9 =	sadd.s32 $0xFFFFFEF7, lr;
	s5 =	simm.s32 $0xFFFFFFFF;
	p2 =	slt.u32 s8, $0xFFFFF086  }
0x1c: {  	p1 =	slt.u32 s9, $0xF7A;
	s5 =	simm.s32 @!p2 $0x0  }
0x1d: {  	s5 =	simm.s32 @p1 $0x1;
	p0 =	seq.s32 s7, s2  }
0x1e: {  	s7 =	smul.u32 @!p0 $0xF7A, s2;
	p2 =	seq.s32 @!p0 s5, $0x0  }
0x1f: {  	s9 =	smul.u32 $0xF7A, s1;
	s8 =	simm.s32 @!p0 $0x1BF5;
	p2 =	por !p2, p0  }
0x20: {  	[sflag:s8] =	ssyncset.s32 @!p0 $0xFFFFF086;
	s6 =	sadd.s32 @!p0 s3, s7;
	s7 =	simm.s32 @!p0 $0x108  }
0x21: {  	s3 =	sadd.s32 s3, s9;
	s6 =	sadd.s32 @!p0 $0x88, s6;
	s7 =	simm.s32 @p2 $0x1082  }
0x22: {  	[simem:s7], [sflag:s8] =	dma.local @!p0 [hbm:s6], $0xF7A  }
0x23: {  	s9 =	sor.u32 $0xD0000000, s2;
	s6 =	simm.s32 $0x108;
	_ =	swait.ge @!p0 [sflag:s8], $0x0  }
0x24: {  	s3 =	sadd.s32 $0x88, s3;
	s6 =	simm.s32 @!p1 $0x1082;
	[sflag:s4] =	ssyncset.s32 $0xFFFFF086  }
0x25: {  	[simem:s6], [sflag:s4] =	dma.local [hbm:s3], $0xF7A  }
0x26: {  	[smem:$0x3F83] =	sst s1;
	(tag) =	ssettag s2;
	_ =	strace s9  }
0x27: {  	s1 =	sld [smem:$0x3F93]  }
0x28: {  	s2 =	sld [smem:$0x3F94]  }
0x29: {  	s4 =	sld [smem:$0x3F96]  }
0x2a: {  	p0 =	seq.s32 s5, $0x0;
	s5 =	sld [smem:$0x3F97]  }
0x2b: {  	s6 =	sld [smem:$0x3F98]  }
0x2c: {  	s7 =	sld [smem:$0x3F99]  }
0x2d: {  	s3 =	simm.s32 $0x108;
	s8 =	sld [smem:$0x3F9A]  }
0x2e: {  	s3 =	simm.s32 @!p0 $0x1082;
	s9 =	sld [smem:$0x3F9B]  }
0x2f: {  	lr =	sadd.s32 s0, s3;
	s0 =	sld [smem:$0x3F92]  }
0x30: {  	s3 =	sld [smem:$0x3F95]  }
0x31: {  	[smem:$0x3F9E] =	sst s10  }
0x32: {  	s10 =	sld [smem:$0x3F9C];
	_ =	sdelay $0x3  }
0x33: {  	p0 =	seq.s32 s10, $0x1;
	s10 =	sld [smem:$0x3F9E];
	_ =	sdelay $0x3  }
0x34: {  	[smem:$0x3F9E] =	sst s10  }
0x35: {  	s10 =	sld [smem:$0x3F9D];
	_ =	sdelay $0x3  }
0x36: {  	p1 =	seq.s32 s10, $0x1;
	s10 =	sld [smem:$0x3F9E];
	_ =	sdelay $0x3  }
0x37: {  	[smem:$0x3F9E] =	sst s10  }
0x38: {  	s10 =	sld [smem:$0x3F9F]  }
0x39: {  	_ = 	snop;
	(pc) =	sbr.ind lr, $3  }
0x3a: {  	_ = 	snop  }
0x3b: {  	_ = 	snop  }
0x3c: {  	p2 =	seq.s32 s10, $0x1;
	s10 =	sld [smem:$0x3F9E]  }
0x3d: {  	_ =	shalt  }
0x3e: {  	_ =	shalt  }
0x3f: {  	_ =	shalt  }
0x40: {  	_ =	shalt  }
0x41: {  	_ =	shalt  }
0x42: {  	_ =	shalt  }
0x43: {  	_ =	shalt  }
0x44: {  	_ =	shalt  }
0x45: {  	_ =	shalt  }
0x46: {  	_ =	shalt  }
0x47: {  	_ =	shalt  }
0x48: {  	_ =	shalt  }
0x49: {  	_ =	shalt  }
0x4a: {  	_ =	shalt  }
0x4b: {  	_ =	shalt  }
0x4c: {  	_ =	shalt  }
0x4d: {  	_ =	shalt  }
0x4e: {  	_ =	shalt  }
0x4f: {  	_ =	shalt  }
0x50: {  	_ =	shalt  }
0x51: {  	_ =	shalt  }
0x52: {  	_ =	shalt  }
0x53: {  	_ =	shalt  }
0x54: {  	_ =	shalt  }
0x55: {  	_ =	shalt  }
0x56: {  	_ =	shalt  }
0x57: {  	_ =	shalt  }
0x58: {  	_ =	shalt  }
0x59: {  	_ =	shalt  }
0x5a: {  	_ =	shalt  }
0x5b: {  	_ =	shalt  }
0x5c: {  	_ =	shalt  }
0x5d: {  	_ =	shalt  }
0x5e: {  	_ =	shalt  }
0x5f: {  	_ =	shalt  }
0x60: {  	_ =	shalt  }
0x61: {  	_ =	shalt  }
0x62: {  	_ =	shalt  }
0x63: {  	_ =	shalt  }
0x64: {  	_ =	shalt  }
0x65: {  	_ =	shalt  }
0x66: {  	_ =	shalt  }
0x67: {  	_ =	shalt  }
0x68: {  	_ =	shalt  }
0x69: {  	_ =	shalt  }
0x6a: {  	_ =	shalt  }
0x6b: {  	_ =	shalt  }
0x6c: {  	_ =	shalt  }
0x6d: {  	_ =	shalt  }
0x6e: {  	_ =	shalt  }
0x6f: {  	_ =	shalt  }
0x70: {  	_ =	shalt  }
0x71: {  	_ =	shalt  }
0x72: {  	_ =	shalt  }
0x73: {  	_ =	shalt  }
0x74: {  	_ =	shalt  }
0x75: {  	_ =	shalt  }
0x76: {  	_ =	shalt  }
0x77: {  	_ =	shalt  }
0x78: {  	_ =	shalt  }
0x79: {  	_ =	shalt  }
0x7a: {  	_ =	shalt  }
0x7b: {  	_ =	shalt  }
0x7c: {  	_ =	shalt  }
0x7d: {  	_ =	shalt  }
0x7e: {  	_ =	shalt  }
0x7f: {  	_ =	shalt  }
0x80: {  	_ =	shalt  }
0x81: {  	_ =	shalt  }
0x82: {  	_ =	shalt  }
0x83: {  	_ =	shalt  }
0x84: {  	_ =	shalt  }
0x85: {  	_ =	shalt  }
0x86: {  	_ =	shalt  }
0x87: {  	_ =	shalt  }
.Lfunc_end0:
.L_simem_size_0:
called_computation.2_lowered:
.L_overlay_start_0:
0x88: {  	s2 =	sld [smem:$0x3FD9]  }
0x89: {  	s3 =	sld [smem:$0x3FFE];
	_ =	sdelay $0x1  }
0x8a: {  	s1 =	srdreg.scid  }
0x8b: {  	s0 =	sand.u32 $0x1, s1  }
0x8c: {  	s16 =	sshll.u32 s0, $0xA;
	s2 =	sadd.s32 s3, s2  }
0x8d: {  	s2 =	sadd.s32 s2, s16  }
0x8e: {  	[smem:$0x3FAA] =	sst s2  }
0x8f: {  	_ = 	snop  }
0x90: {  	(tm) =	ssettm $0x1  }
0x91: {  	s17 =	sld [smem:$0x3FFB];
	_ =	sdelay $0x3  }
0x92: {  	_ =	strace s17  }
0x93: {  	s2 =	sld [smem:$0x3FFC];
	_ =	sdelay $0x3  }
0x94: {  	_ =	strace s2  }
0x95: {  	s2 =	sld [smem:$0x3FFD];
	_ =	sdelay $0x3  }
0x96: {  	_ =	strace s2  }
0x97: {  	_ =	strace $0x8FFFFFFF  }
0x98: {  	s18 =	sld [smem:$0x3FDB];
	_ =	sdelay $0x1  }
0x99: {  	s19 =	simm.s32 $_scs_section_size  }
0x9a: {  	s4 =	simm.s32 $_size__tile_overlayer_lowered;
	s5 =	simm.s32 $_tile_overlayer_lowered  }
0x9b: {  	s22 =	simm.s32 $0x1BFF;
	s21 =	sshll.u32 s5, $0x1;
	s2 =	sadd.s32 s19, s18  }
0x9c: {  	s6 =	simm.s32 $0x0;
	s20 =	sshll.u32 s4, $0x1;
	s4 =	sadd.s32 s21, s2  }
0x9d: {  	[timem:s6], [sflag:s22] =	dma.local [hbm:s4], s20  }
0x9e: {  	_ =	swait.ge [sflag:s22], s20  }
0x9f: {  	s3 =	ssub.s32 $0x0, s20;
	[sflag:s22] =	ssyncset.done $0x0  }
0xa0: {  	[sflag:s22] =	ssyncadd.s32 s3;
	_ =	sdelay $0x1  }
0xa1: {  	s23 =	simm.s32 $0x1B8B  }
0xa2: {  	_ =	swait.ge [sflag:s23], $0x1  }
0xa3: {  	[sflag:s23] =	ssyncset.done $0x0  }
0xa4: {  	s25 =	simm.s32 $0x1B8E;
	s24 =	sld [smem:$0x3FFE];
	[sflag:s23] =	ssyncadd.s32 $0xFFFFFFFF  }
0xa5: {  	s26 =	simm.s32 $execute0_lowered;
	[smem:$0x3FD2] =	sst s25  }
0xa6: {  	s4 =	sshll.u32 s26, $0x1;
	_ =	strace $0x8000004C;
	[dreg:$0x1] =	wrdreg $0xFFFFFFFF  }
0xa7: {  	s28 =	simm.s32 $_size_execute0_lowered;
	s2 =	sadd.s32 s2, s4;
	[dreg:$0x0] =	wrdreg $0x0  }
0xa8: {  	s4 =	sshll.u32 s28, $0x1;
	[dreg:$0x2] =	wrdreg s2  }
0xa9: {  	[dreg:$0x3] =	wrdreg s4  }
0xaa: {  	[dreg:$0x4] =	wrdreg $0xC0  }
0xab: {  	_ =	task [dreg:s6], $0x5FFFF  }
0xac: {  	[dreg:$0x1] =	wrdreg $0xFFFFFFFF  }
0xad: {  	[dreg:$0x0] =	wrdreg $0x60  }
0xae: {  	[dreg:$0x2] =	wrdreg s24  }
0xaf: {  	[dreg:$0x3] =	wrdreg $0x9  }
0xb0: {  	_ =	task.clear_ibuf [dreg:s6], $0x4FFFF;
	_ =	strace $0x9000004C  }
0xb1: {  	s29 =	simm.s32 $0x9;
	_ =	strace $0x8000004E  }
0xb2: {  	_ =	swait.ge [sflag:s29], $0x1  }
0xb3: {  	[sflag:s29] =	ssyncadd.s32 $0xFFFFFFFF  }
0xb4: {  	_ =	strace $0x9000004E  }
0xb5: {  	_ =	sfence  }
0xb6: {  	s30 =	sld [smem:$0x0];
	_ =	sdelay $0x2  }
0xb7: {  	s31 =	sshll.u32 s1, $0xD;
	s1 =	sshrl.u32 s1, $0x2  }
0xb8: {  	s3 =	sand.u32 $0x4000, s31;
	s1 =	sadd.s32 s1, s30  }
0xb9: {  	s0 =	sor.u32 s3, s0;
	s1 =	sshll.u32 s1, $0x11  }
0xba: {  	s0 =	sor.u32 s1, s0  }
0xbb: {  	s0 =	sadd.s32 $0x8F2B, s0  }
0xbc: {  	[sflag:s0] =	ssyncadd.remote.s32 $0x1  }
0xbd: {  	_ =	sfence.sel $0xFFFF  }
0xbe: {  	[dreg:$0x0] =	wrdreg $0xFFFFFFFF;
	(pc) =	sbr.abs _section_cstart, $3  }
0xbf: {  	[dreg:$0x1] =	wrdreg $0xFFFFFFFF  }
0xc0: {  	_ =	task.clear_ibuf [dreg:s6], $0x2FFFF;
	_ =	strace $0x9FFFFFFF  }
0xc1: {  	(tm) =	ssettm $0x7FFFFFFF  }
tec
execute0_lowered:
.L_overlay_start_1:
0x0: {  	(tag) =	ssettag $0x1  }
0x1: {  	s1 =	srdreg.scid;
	s0 =	stileid.u32  }
0x2: {  	s1 =	sand.u32 $0x1, s1;
	s2 =	sshll.u32 s0, $0x1  }
0x3: {  	s3 =	sor.u32 s1, s2  }
0x4: {  	s4 =	smul.u32 $0x280, s3  }
0x5: {  	s5 =	rddreg [dreg:$0x0];
	s2 =	simm.s32 $0x0;
	s6 =	smul.u32 $0x2800, s3  }
0x6: {  	[smem:$0x7FF] =	sst s2;
	s7 =	smul.u32 $0x14000, s3  }
0x7: {  	s20 =	sadd.s32 $0x40400, s5;
	_ =	strace $0x8000004D;
	s19 =	sadd.s32 s4, s5  }
0x8: {  	s3 =	sadd.s32 s20, s6;
	s21 =	sshrl.u32 s7, $0x3;
	s8 =	sadd.s32 $0x36400, s19  }
0x9: {  	s22 =	sadd.s32 $0x400, s3;
	s31 =	sadd.s32 s20, s21;
	[dreg:$0x2] =	wrdreg s8  }
0xa: {  	[dreg:$0x3] =	wrdreg s22;
	s4 =	sadd.s32 $0x800, s31  }
0xb: {  	s23 =	sadd.s32 $0xC00, s31;
	[dreg:$0x4] =	wrdreg s4  }
0xc: {  	[dreg:$0x5] =	wrdreg s23  }
0xd: {  	s24 =	sadd.s32 $0x1000, s31;
	s25 =	rddreg [dreg:$0x2]  }
0xe: {  	s26 =	sadd.s32 $0x1400, s31;
	[dreg:$0x6] =	wrdreg s24  }
0xf: {  	[dreg:$0x7] =	wrdreg s26;
	s4 =	simm.s32 $0x9  }
0x10: {  	[tilespmem:s2], [sflag:$0x9] =	stream.linear.gather [hbm4b:s25+s2], $0x1400, $0x38;
	[tilespmem:$0x9400] =	vst v63  }
0x11: {  	_ =	swait.ge [sflag:s4], $0x1400  }
0x12: {  	s5 =	sadd.s32 $0x3B400, s5;
	[sflag:s4] =	ssyncset.done $0x0  }
0x13: {  	s6 =	simm.s32 $0x200;
	s7 =	simm.s32 $0x1400;
	[sflag:s4] =	ssyncadd.s32 $0xFFFFEC00  }
0x14: {  	[tilespmem:s7], [sflag:$0x1] =	stream.indirect.gather [hbm4b:s5+s6], $0x10, s2, s6, $0xb8;
	[tilespmem:$0x9400] =	vst v63  }
0x15: {  	s8 =	simm.s32 $0x3400  }
0x16: {  	[tilespmem:s8], [sflag:$0x2] =	stream.indirect.gather [hbm4b:s5+s6], $0x10, s6, s6, $0xb8;
	[tilespmem:$0x9400] =	vst v63  }
0x17: {  	s9 =	simm.s32 $0x400;
	s10 =	simm.s32 $0x5400  }
0x18: {  	[tilespmem:s10], [sflag:$0x3] =	stream.indirect.gather [hbm4b:s5+s6], $0x10, s9, s6, $0xb8;
	[tilespmem:$0x9400] =	vst v63  }
0x19: {  	s11 =	simm.s32 $0x600;
	s12 =	simm.s32 $0x7400;
	s13 =	simm.s32 $0x1  }
0x1a: {  	[tilespmem:s12], [sflag:$0x4] =	stream.indirect.gather [hbm4b:s5+s6], $0x10, s11, s6, $0xb8;
	[tilespmem:$0x9400] =	vst v63  }
0x1b: {  	_ =	swait.ge [sflag:s13], $0x2000  }
0x1c: {  	[sflag:s13] =	ssyncset.done $0x0  }
0x1d: {  	s14 =	simm.s32 $0x5;
	[sflag:s13] =	ssyncadd.s32 $0xFFFFE000  }
0x1e: {  	[hbm4b:s3+s2] =	stream.linear.scatter [tilespmem:s7], [sflag:$0x5], $0x2000, $0x38;
	[tilespmem:$0x9400] =	vst v63  }
0x1f: {  	_ =	swait.ge [sflag:s14], $0x2000  }
0x20: {  	[sflag:s14] =	ssyncset.done $0x0  }
0x21: {  	s15 =	simm.s32 $0x800;
	s16 =	simm.s32 $0x2;
	[sflag:s14] =	ssyncadd.s32 $0xFFFFE000  }
0x22: {  	[tilespmem:s7], [sflag:$0x1] =	stream.indirect.gather [hbm4b:s5+s6], $0x10, s15, s6, $0xb8;
	[tilespmem:$0x9400] =	vst v63  }
0x23: {  	_ =	swait.ge [sflag:s16], $0x2000  }
0x24: {  	[sflag:s16] =	ssyncset.done $0x0  }
0x25: {  	s17 =	simm.s32 $0x6;
	s18 =	rddreg [dreg:$0x3];
	[sflag:s16] =	ssyncadd.s32 $0xFFFFE000  }
0x26: {  	[hbm4b:s18+s2] =	stream.linear.scatter [tilespmem:s8], [sflag:$0x6], $0x2000, $0x38;
	[tilespmem:$0x9400] =	vst v63  }
0x27: {  	_ =	swait.ge [sflag:s17], $0x2000  }
0x28: {  	[sflag:s17] =	ssyncset.done $0x0  }
0x29: {  	s19 =	simm.s32 $0x3;
	s18 =	simm.s32 $0xA00;
	[sflag:s17] =	ssyncadd.s32 $0xFFFFE000  }
0x2a: {  	[tilespmem:s8], [sflag:$0x2] =	stream.indirect.gather [hbm4b:s5+s6], $0x10, s18, s6, $0xb8;
	[tilespmem:$0x9400] =	vst v63  }
0x2b: {  	_ =	swait.ge [sflag:s19], $0x2000  }
0x2c: {  	[sflag:s19] =	ssyncset.done $0x0  }
0x2d: {  	s20 =	simm.s32 $0x7;
	s21 =	rddreg [dreg:$0x4];
	[sflag:s19] =	ssyncadd.s32 $0xFFFFE000  }
0x2e: {  	[hbm4b:s21+s2] =	stream.linear.scatter [tilespmem:s10], [sflag:$0x7], $0x2000, $0x38;
	[tilespmem:$0x9400] =	vst v63  }
0x2f: {  	_ =	swait.ge [sflag:s20], $0x2000  }
0x30: {  	[sflag:s20] =	ssyncset.done $0x0  }
0x31: {  	s22 =	simm.s32 $0x4;
	s21 =	simm.s32 $0xC00;
	[sflag:s20] =	ssyncadd.s32 $0xFFFFE000  }
0x32: {  	[tilespmem:s10], [sflag:$0x3] =	stream.indirect.gather [hbm4b:s5+s6], $0x10, s21, s6, $0xb8;
	[tilespmem:$0x9400] =	vst v63  }
0x33: {  	_ =	swait.ge [sflag:s22], $0x2000  }
0x34: {  	[sflag:s22] =	ssyncset.done $0x0  }
0x35: {  	s23 =	rddreg [dreg:$0x5];
	[sflag:s22] =	ssyncadd.s32 $0xFFFFE000  }
0x36: {  	[hbm4b:s23+s2] =	stream.linear.scatter [tilespmem:s12], [sflag:$0x8], $0x2000, $0x38;
	[tilespmem:$0x9400] =	vst v63  }
0x37: {  	s23 =	simm.s32 $0x8  }
0x38: {  	_ =	swait.ge [sflag:s23], $0x2000  }
0x39: {  	[sflag:s23] =	ssyncset.done $0x0  }
0x3a: {  	s24 =	simm.s32 $0xE00;
	[sflag:s23] =	ssyncadd.s32 $0xFFFFE000  }
0x3b: {  	[tilespmem:s12], [sflag:$0x4] =	stream.indirect.gather [hbm4b:s5+s6], $0x10, s24, s6, $0xb8;
	[tilespmem:$0x9400] =	vst v63  }
0x3c: {  	_ =	swait.ge [sflag:s13], $0x2000  }
0x3d: {  	[sflag:s13] =	ssyncset.done $0x0  }
0x3e: {  	s25 =	rddreg [dreg:$0x6];
	[sflag:s13] =	ssyncadd.s32 $0xFFFFE000  }
0x3f: {  	[hbm4b:s25+s2] =	stream.linear.scatter [tilespmem:s7], [sflag:$0x5], $0x2000, $0x38;
	[tilespmem:$0x9400] =	vst v63  }
0x40: {  	_ =	swait.ge [sflag:s14], $0x2000  }
0x41: {  	[sflag:s14] =	ssyncset.done $0x0  }
0x42: {  	s25 =	simm.s32 $0x1000;
	[sflag:s14] =	ssyncadd.s32 $0xFFFFE000  }
0x43: {  	[tilespmem:s7], [sflag:$0x1] =	stream.indirect.gather [hbm4b:s5+s6], $0x10, s25, s6, $0xb8;
	[tilespmem:$0x9400] =	vst v63  }
0x44: {  	_ =	swait.ge [sflag:s16], $0x2000  }
0x45: {  	[sflag:s16] =	ssyncset.done $0x0  }
0x46: {  	s26 =	rddreg [dreg:$0x7];
	[sflag:s16] =	ssyncadd.s32 $0xFFFFE000  }
0x47: {  	[hbm4b:s26+s2] =	stream.linear.scatter [tilespmem:s8], [sflag:$0x6], $0x2000, $0x38;
	[tilespmem:$0x9400] =	vst v63  }
0x48: {  	_ =	swait.ge [sflag:s17], $0x2000  }
0x49: {  	[sflag:s17] =	ssyncset.done $0x0  }
0x4a: {  	s26 =	simm.s32 $0x1200;
	[sflag:s17] =	ssyncadd.s32 $0xFFFFE000  }
0x4b: {  	[tilespmem:s8], [sflag:$0x2] =	stream.indirect.gather [hbm4b:s5+s6], $0x10, s26, s6, $0xb8;
	[tilespmem:$0x9400] =	vst v63  }
0x4c: {  	_ =	swait.ge [sflag:s19], $0x2000  }
0x4d: {  	[sflag:s19] =	ssyncset.done $0x0  }
0x4e: {  	s28 =	sadd.s32 $0x1800, s31;
	[sflag:s19] =	ssyncadd.s32 $0xFFFFE000  }
0x4f: {  	[hbm4b:s28+s2] =	stream.linear.scatter [tilespmem:s10], [sflag:$0x7], $0x2000, $0x38;
	[tilespmem:$0x9400] =	vst v63  }
0x50: {  	_ =	swait.ge [sflag:s22], $0x2000  }
0x51: {  	[sflag:s22] =	ssyncset.done $0x0  }
0x52: {  	s29 =	sadd.s32 $0x1C00, s31;
	[sflag:s22] =	ssyncadd.s32 $0xFFFFE000  }
0x53: {  	[hbm4b:s29+s2] =	stream.linear.scatter [tilespmem:s12], [sflag:$0x8], $0x2000, $0x38;
	[tilespmem:$0x9400] =	vst v63  }
0x54: {  	_ =	swait.ge [sflag:s13], $0x2000  }
0x55: {  	[sflag:s13] =	ssyncset.done $0x0  }
0x56: {  	s30 =	sadd.s32 $0x2000, s31;
	[sflag:s13] =	ssyncadd.s32 $0xFFFFE000  }
0x57: {  	[hbm4b:s30+s2] =	stream.linear.scatter [tilespmem:s7], [sflag:$0x5], $0x2000, $0x38;
	[tilespmem:$0x9400] =	vst v63  }
0x58: {  	_ =	swait.ge [sflag:s16], $0x2000  }
0x59: {  	[sflag:s16] =	ssyncset.done $0x0  }
0x5a: {  	s31 =	sadd.s32 $0x2400, s31;
	[sflag:s16] =	ssyncadd.s32 $0xFFFFE000  }
0x5b: {  	[hbm4b:s31+s2] =	stream.linear.scatter [tilespmem:s8], [sflag:$0x6], $0x2000, $0x38;
	[tilespmem:$0x9400] =	vst v63  }
0x5c: {  	s1 =	ssub.s32 $0x2, s1;
	_ =	swait.ge [sflag:s20], $0x2000  }
0x5d: {  	s0 =	sshrl.u32 s1, $0x1;
	[sflag:s20] =	ssyncset.done $0x0  }
0x5e: {  	s0 =	ssub.s32 s1, s0;
	[sflag:s20] =	ssyncadd.s32 $0xFFFFE000  }
0x5f: {  	s0 =	smax.u32 s0, $0x1;
	_ =	swait.ge [sflag:s23], $0x2000  }
0x60: {  	p0 =	sne.s32 s0, $0x1;
	[sflag:s23] =	ssyncset.done $0x0  }
.Ltmp0:
0x61: {  	[sflag:s23] =	ssyncadd.s32 $0xFFFFE000;
	(pc) =	sbr.rel @!p0 .LBB2_2-.Ltmp0, $4  }
0x62: {  	_ =	swait.ge [sflag:s14], $0x2000  }
0x63: {  	[sflag:s14] =	ssyncset.done $0x0  }
0x64: {  	[sflag:s14] =	ssyncadd.s32 $0xFFFFE000  }
0x65: {  	s1 =	sadd.s32 $0xFFFFFFFF, s0;
	_ =	swait.ge [sflag:s17], $0x2000  }
.LBB2_1:
0x66: {  	[sflag:s17] =	ssyncset.done $0x0  }
0x67: {  	s0 =	rddreg [dreg:$0x2];
	[sflag:s17] =	ssyncadd.s32 $0xFFFFE000  }
0x68: {  	[tilespmem:s2], [sflag:$0x9] =	stream.linear.gather [hbm4b:s0+s2], $0x1400, $0x38;
	[tilespmem:$0x9400] =	vst v63  }
0x69: {  	_ =	swait.ge [sflag:s4], $0x1400  }
0x6a: {  	[sflag:s4] =	ssyncset.done $0x0  }
0x6b: {  	[sflag:s4] =	ssyncadd.s32 $0xFFFFEC00  }
0x6c: {  	[tilespmem:s7], [sflag:$0x1] =	stream.indirect.gather [hbm4b:s5+s6], $0x10, s2, s6, $0xb8;
	[tilespmem:$0x9400] =	vst v63  }
0x6d: {  	_ = 	snop  }
0x6e: {  	[tilespmem:s8], [sflag:$0x2] =	stream.indirect.gather [hbm4b:s5+s6], $0x10, s6, s6, $0xb8;
	[tilespmem:$0x9400] =	vst v63  }
0x6f: {  	_ = 	snop  }
0x70: {  	[tilespmem:s10], [sflag:$0x3] =	stream.indirect.gather [hbm4b:s5+s6], $0x10, s9, s6, $0xb8;
	[tilespmem:$0x9400] =	vst v63  }
0x71: {  	_ = 	snop  }
0x72: {  	[tilespmem:s12], [sflag:$0x4] =	stream.indirect.gather [hbm4b:s5+s6], $0x10, s11, s6, $0xb8;
	[tilespmem:$0x9400] =	vst v63  }
0x73: {  	_ =	swait.ge [sflag:s13], $0x2000  }
0x74: {  	[sflag:s13] =	ssyncset.done $0x0  }
0x75: {  	[sflag:s13] =	ssyncadd.s32 $0xFFFFE000  }
0x76: {  	[hbm4b:s3+s2] =	stream.linear.scatter [tilespmem:s7], [sflag:$0x5], $0x2000, $0x38;
	[tilespmem:$0x9400] =	vst v63  }
0x77: {  	_ =	swait.ge [sflag:s14], $0x2000  }
0x78: {  	[sflag:s14] =	ssyncset.done $0x0  }
0x79: {  	[sflag:s14] =	ssyncadd.s32 $0xFFFFE000  }
0x7a: {  	[tilespmem:s7], [sflag:$0x1] =	stream.indirect.gather [hbm4b:s5+s6], $0x10, s15, s6, $0xb8;
	[tilespmem:$0x9400] =	vst v63  }
0x7b: {  	_ =	swait.ge [sflag:s16], $0x2000  }
0x7c: {  	[sflag:s16] =	ssyncset.done $0x0  }
0x7d: {  	s0 =	rddreg [dreg:$0x3];
	[sflag:s16] =	ssyncadd.s32 $0xFFFFE000  }
0x7e: {  	[hbm4b:s0+s2] =	stream.linear.scatter [tilespmem:s8], [sflag:$0x6], $0x2000, $0x38;
	[tilespmem:$0x9400] =	vst v63  }
0x7f: {  	_ =	swait.ge [sflag:s17], $0x2000  }
0x80: {  	[sflag:s17] =	ssyncset.done $0x0  }
0x81: {  	[sflag:s17] =	ssyncadd.s32 $0xFFFFE000  }
0x82: {  	[tilespmem:s8], [sflag:$0x2] =	stream.indirect.gather [hbm4b:s5+s6], $0x10, s18, s6, $0xb8;
	[tilespmem:$0x9400] =	vst v63  }
0x83: {  	_ =	swait.ge [sflag:s19], $0x2000  }
0x84: {  	[sflag:s19] =	ssyncset.done $0x0  }
0x85: {  	s0 =	rddreg [dreg:$0x4];
	[sflag:s19] =	ssyncadd.s32 $0xFFFFE000  }
0x86: {  	[hbm4b:s0+s2] =	stream.linear.scatter [tilespmem:s10], [sflag:$0x7], $0x2000, $0x38;
	[tilespmem:$0x9400] =	vst v63  }
0x87: {  	_ =	swait.ge [sflag:s20], $0x2000  }
0x88: {  	[sflag:s20] =	ssyncset.done $0x0  }
0x89: {  	[sflag:s20] =	ssyncadd.s32 $0xFFFFE000  }
0x8a: {  	[tilespmem:s10], [sflag:$0x3] =	stream.indirect.gather [hbm4b:s5+s6], $0x10, s21, s6, $0xb8;
	[tilespmem:$0x9400] =	vst v63  }
0x8b: {  	_ =	swait.ge [sflag:s22], $0x2000  }
0x8c: {  	[sflag:s22] =	ssyncset.done $0x0  }
0x8d: {  	s0 =	rddreg [dreg:$0x5];
	[sflag:s22] =	ssyncadd.s32 $0xFFFFE000  }
0x8e: {  	[hbm4b:s0+s2] =	stream.linear.scatter [tilespmem:s12], [sflag:$0x8], $0x2000, $0x38;
	[tilespmem:$0x9400] =	vst v63  }
0x8f: {  	_ =	swait.ge [sflag:s23], $0x2000  }
0x90: {  	[sflag:s23] =	ssyncset.done $0x0  }
0x91: {  	[sflag:s23] =	ssyncadd.s32 $0xFFFFE000  }
0x92: {  	[tilespmem:s12], [sflag:$0x4] =	stream.indirect.gather [hbm4b:s5+s6], $0x10, s24, s6, $0xb8;
	[tilespmem:$0x9400] =	vst v63  }
0x93: {  	_ =	swait.ge [sflag:s13], $0x2000  }
0x94: {  	[sflag:s13] =	ssyncset.done $0x0  }
0x95: {  	s0 =	rddreg [dreg:$0x6];
	[sflag:s13] =	ssyncadd.s32 $0xFFFFE000  }
0x96: {  	[hbm4b:s0+s2] =	stream.linear.scatter [tilespmem:s7], [sflag:$0x5], $0x2000, $0x38;
	[tilespmem:$0x9400] =	vst v63  }
0x97: {  	_ =	swait.ge [sflag:s14], $0x2000  }
0x98: {  	[sflag:s14] =	ssyncset.done $0x0  }
0x99: {  	[sflag:s14] =	ssyncadd.s32 $0xFFFFE000  }
0x9a: {  	[tilespmem:s7], [sflag:$0x1] =	stream.indirect.gather [hbm4b:s5+s6], $0x10, s25, s6, $0xb8;
	[tilespmem:$0x9400] =	vst v63  }
0x9b: {  	_ =	swait.ge [sflag:s16], $0x2000  }
0x9c: {  	[sflag:s16] =	ssyncset.done $0x0  }
0x9d: {  	s0 =	rddreg [dreg:$0x7];
	[sflag:s16] =	ssyncadd.s32 $0xFFFFE000  }
0x9e: {  	[hbm4b:s0+s2] =	stream.linear.scatter [tilespmem:s8], [sflag:$0x6], $0x2000, $0x38;
	[tilespmem:$0x9400] =	vst v63  }
0x9f: {  	_ =	swait.ge [sflag:s17], $0x2000  }
0xa0: {  	[sflag:s17] =	ssyncset.done $0x0  }
0xa1: {  	[sflag:s17] =	ssyncadd.s32 $0xFFFFE000  }
0xa2: {  	[tilespmem:s8], [sflag:$0x2] =	stream.indirect.gather [hbm4b:s5+s6], $0x10, s26, s6, $0xb8;
	[tilespmem:$0x9400] =	vst v63  }
0xa3: {  	_ =	swait.ge [sflag:s19], $0x2000  }
0xa4: {  	[sflag:s19] =	ssyncset.done $0x0  }
0xa5: {  	[sflag:s19] =	ssyncadd.s32 $0xFFFFE000  }
0xa6: {  	[hbm4b:s28+s2] =	stream.linear.scatter [tilespmem:s10], [sflag:$0x7], $0x2000, $0x38;
	[tilespmem:$0x9400] =	vst v63  }
0xa7: {  	_ =	swait.ge [sflag:s22], $0x2000  }
0xa8: {  	[sflag:s22] =	ssyncset.done $0x0  }
0xa9: {  	[sflag:s22] =	ssyncadd.s32 $0xFFFFE000  }
0xaa: {  	[hbm4b:s29+s2] =	stream.linear.scatter [tilespmem:s12], [sflag:$0x8], $0x2000, $0x38;
	[tilespmem:$0x9400] =	vst v63  }
0xab: {  	_ =	swait.ge [sflag:s13], $0x2000  }
0xac: {  	[sflag:s13] =	ssyncset.done $0x0  }
0xad: {  	[sflag:s13] =	ssyncadd.s32 $0xFFFFE000  }
0xae: {  	[hbm4b:s30+s2] =	stream.linear.scatter [tilespmem:s7], [sflag:$0x5], $0x2000, $0x38;
	[tilespmem:$0x9400] =	vst v63  }
0xaf: {  	_ =	swait.ge [sflag:s16], $0x2000  }
0xb0: {  	[sflag:s16] =	ssyncset.done $0x0  }
0xb1: {  	[sflag:s16] =	ssyncadd.s32 $0xFFFFE000  }
0xb2: {  	[hbm4b:s31+s2] =	stream.linear.scatter [tilespmem:s8], [sflag:$0x6], $0x2000, $0x38;
	[tilespmem:$0x9400] =	vst v63  }
0xb3: {  	_ =	swait.ge [sflag:s20], $0x2000  }
0xb4: {  	[sflag:s20] =	ssyncset.done $0x0  }
0xb5: {  	[sflag:s20] =	ssyncadd.s32 $0xFFFFE000  }
0xb6: {  	_ =	swait.ge [sflag:s23], $0x2000  }
0xb7: {  	p0 =	sne.s32 s1, $0x1;
	[sflag:s23] =	ssyncset.done $0x0  }
.Ltmp1:
0xb8: {  	[sflag:s23] =	ssyncadd.s32 $0xFFFFE000;
	(pc) =	sbr.rel @p0 .LBB2_1-.Ltmp1, $4  }
0xb9: {  	_ =	swait.ge [sflag:s14], $0x2000  }
0xba: {  	[sflag:s14] =	ssyncset.done $0x0  }
0xbb: {  	[sflag:s14] =	ssyncadd.s32 $0xFFFFE000  }
0xbc: {  	s1 =	sadd.s32 $0xFFFFFFFF, s1;
	_ =	swait.ge [sflag:s17], $0x2000  }
.LBB2_2:
0xbd: {  	[sflag:s17] =	ssyncset.done $0x0  }
0xbe: {  	[sflag:s17] =	ssyncadd.s32 $0xFFFFE000  }
0xbf: {  	_ =	sfence.sel $0x180000  }
0xc0: {  	[bflag:$0x0] =	sbarrier.arrive $0xFFFF  }
0xc1: {  	_ =	strace $0x9000004D  }
0xc2: {  	s0 =	stileid.u32;
	[bflag:$0x2] =	sbarrier.arrive $0xFFFF  }
0xc3: {  	p0 =	sne.s32 s0, $0x0;
	s0 =	rddreg [dreg:$0x1]  }
0xc4: {  	s0 =	sadd.s32 @!p0 $0x100000, s0  }
0xc5: {  	[sflag:s0] =	ssyncadd.tile.s32 @!p0 $0x1;
	_ =	shalt  }
.Lfunc_end2:
_tile_overlayer_lowered:
.L_overlay_start_2:
0xc6: {  	(tag) =	ssettag $0x2  }
0xc7: {  	s0 =	rddreg [dreg:$0x0];
	s2 =	stileid.u32  }
0xc8: {  	s1 =	rddreg [dreg:$0x1];
	p0 =	sne.s32 s2, $0x0  }
0xc9: {  	s3 =	rddreg [dreg:$0x2];
	[bflag:$0x3] =	sbarrier.arrive $0xFFFF;
	s2 =	simm.s32 @!p0 $0x1C09  }
0xca: {  	[timem:s3], [sflag:s2] =	dma.local @!p0 [hbm:s0], s1  }
0xcb: {  	s0 =	simm.s32 @!p0 $0x9  }
0xcc: {  	_ =	swait.ge @!p0 [sflag:s0], s1  }
0xcd: {  	s1 =	ssub.s32 @!p0 $0x0, s1;
	[sflag:s0] =	ssyncset.done @!p0 $0x0  }
0xce: {  	[sflag:s0] =	ssyncadd.s32 @!p0 s1  }
0xcf: {  	[bflag:$0x3] =	sbarrier.arrive $0xFFFF  }
0xd0: {  	_ =	shalt  }

// kernel: kernel.20.cloned.1.call-start
scs
__scs_entry_jumppad:
0x0: {  	(pc) =	sbr.rel $0x88, $3  }
0x1: {  	(tag) =	ssettag $0x0;
	lr =	simm.s32 $0x1  }
0x2: {  	[smem:$0x3F83] =	sst lr;
	_ =	strace $0xD0000000  }
0x3: {  	_ = 	snop  }
0x4: {  	_ = 	snop  }
0x5: {  	_ = 	snop  }
0x6: {  	_ = 	snop  }
0x7: {  	_ = 	snop  }
__scs_overlays_trampoline_lowered:
0x8: {  	[smem:$0x3F92] =	sst s0  }
0x9: {  	[smem:$0x3F93] =	sst s1  }
0xa: {  	[smem:$0x3F94] =	sst s2  }
0xb: {  	[smem:$0x3F95] =	sst s3  }
0xc: {  	[smem:$0x3F96] =	sst s4  }
0xd: {  	[smem:$0x3F97] =	sst s5  }
0xe: {  	[smem:$0x3F98] =	sst s6  }
0xf: {  	[smem:$0x3F99] =	sst s7  }
0x10: {  	[smem:$0x3F9A] =	sst s8  }
0x11: {  	[smem:$0x3F9B] =	sst s9;
	s0 =	simm.s32 @!p0 $0x0  }
0x12: {  	s1 =	sld [smem:$0x3F81];
	s0 =	simm.s32 @p0 $0x1  }
0x13: {  	[smem:$0x3F9C] =	sst s0;
	s0 =	simm.s32 @!p1 $0x0  }
0x14: {  	s2 =	sld [smem:$0x3F80];
	s0 =	simm.s32 @p1 $0x1  }
0x15: {  	[smem:$0x3F9D] =	sst s0;
	s0 =	simm.s32 @!p2 $0x0  }
0x16: {  	s3 =	sld [smem:$0x3FDB];
	s0 =	simm.s32 @p2 $0x1  }
0x17: {  	s4 =	simm.s32 $0x1BF5;
	[smem:$0x3F9F] =	sst s0  }
0x18: {  	s0 =	sld [smem:$0x3F82];
	_ =	swait.ge [sflag:s4], $0x0  }
0x19: {  	s7 =	sld [smem:$0x3F83]  }
0x1a: {  	s8 =	sadd.s32 $0xFFFFE003, lr  }
0x1b: {  	s9 =	sadd.s32 $0xFFFFFEF7, lr;
	s5 =	simm.s32 $0xFFFFFFFF;
	p2 =	slt.u32 s8, $0xFFFFF086  }
0x1c: {  	p1 =	slt.u32 s9, $0xF7A;
	s5 =	simm.s32 @!p2 $0x0  }
0x1d: {  	s5 =	simm.s32 @p1 $0x1;
	p0 =	seq.s32 s7, s2  }
0x1e: {  	s7 =	smul.u32 @!p0 $0xF7A, s2;
	p2 =	seq.s32 @!p0 s5, $0x0  }
0x1f: {  	s9 =	smul.u32 $0xF7A, s1;
	s8 =	simm.s32 @!p0 $0x1BF5;
	p2 =	por !p2, p0  }
0x20: {  	[sflag:s8] =	ssyncset.s32 @!p0 $0xFFFFF086;
	s6 =	sadd.s32 @!p0 s3, s7;
	s7 =	simm.s32 @!p0 $0x108  }
0x21: {  	s3 =	sadd.s32 s3, s9;
	s6 =	sadd.s32 @!p0 $0x88, s6;
	s7 =	simm.s32 @p2 $0x1082  }
0x22: {  	[simem:s7], [sflag:s8] =	dma.local @!p0 [hbm:s6], $0xF7A  }
0x23: {  	s9 =	sor.u32 $0xD0000000, s2;
	s6 =	simm.s32 $0x108;
	_ =	swait.ge @!p0 [sflag:s8], $0x0  }
0x24: {  	s3 =	sadd.s32 $0x88, s3;
	s6 =	simm.s32 @!p1 $0x1082;
	[sflag:s4] =	ssyncset.s32 $0xFFFFF086  }
0x25: {  	[simem:s6], [sflag:s4] =	dma.local [hbm:s3], $0xF7A  }
0x26: {  	[smem:$0x3F83] =	sst s1;
	(tag) =	ssettag s2;
	_ =	strace s9  }
0x27: {  	s1 =	sld [smem:$0x3F93]  }
0x28: {  	s2 =	sld [smem:$0x3F94]  }
0x29: {  	s4 =	sld [smem:$0x3F96]  }
0x2a: {  	p0 =	seq.s32 s5, $0x0;
	s5 =	sld [smem:$0x3F97]  }
0x2b: {  	s6 =	sld [smem:$0x3F98]  }
0x2c: {  	s7 =	sld [smem:$0x3F99]  }
0x2d: {  	s3 =	simm.s32 $0x108;
	s8 =	sld [smem:$0x3F9A]  }
0x2e: {  	s3 =	simm.s32 @!p0 $0x1082;
	s9 =	sld [smem:$0x3F9B]  }
0x2f: {  	lr =	sadd.s32 s0, s3;
	s0 =	sld [smem:$0x3F92]  }
0x30: {  	s3 =	sld [smem:$0x3F95]  }
0x31: {  	[smem:$0x3F9E] =	sst s10  }
0x32: {  	s10 =	sld [smem:$0x3F9C];
	_ =	sdelay $0x3  }
0x33: {  	p0 =	seq.s32 s10, $0x1;
	s10 =	sld [smem:$0x3F9E];
	_ =	sdelay $0x3  }
0x34: {  	[smem:$0x3F9E] =	sst s10  }
0x35: {  	s10 =	sld [smem:$0x3F9D];
	_ =	sdelay $0x3  }
0x36: {  	p1 =	seq.s32 s10, $0x1;
	s10 =	sld [smem:$0x3F9E];
	_ =	sdelay $0x3  }
0x37: {  	[smem:$0x3F9E] =	sst s10  }
0x38: {  	s10 =	sld [smem:$0x3F9F]  }
0x39: {  	_ = 	snop;
	(pc) =	sbr.ind lr, $3  }
0x3a: {  	_ = 	snop  }
0x3b: {  	_ = 	snop  }
0x3c: {  	p2 =	seq.s32 s10, $0x1;
	s10 =	sld [smem:$0x3F9E]  }
0x3d: {  	_ =	shalt  }
0x3e: {  	_ =	shalt  }
0x3f: {  	_ =	shalt  }
0x40: {  	_ =	shalt  }
0x41: {  	_ =	shalt  }
0x42: {  	_ =	shalt  }
0x43: {  	_ =	shalt  }
0x44: {  	_ =	shalt  }
0x45: {  	_ =	shalt  }
0x46: {  	_ =	shalt  }
0x47: {  	_ =	shalt  }
0x48: {  	_ =	shalt  }
0x49: {  	_ =	shalt  }
0x4a: {  	_ =	shalt  }
0x4b: {  	_ =	shalt  }
0x4c: {  	_ =	shalt  }
0x4d: {  	_ =	shalt  }
0x4e: {  	_ =	shalt  }
0x4f: {  	_ =	shalt  }
0x50: {  	_ =	shalt  }
0x51: {  	_ =	shalt  }
0x52: {  	_ =	shalt  }
0x53: {  	_ =	shalt  }
0x54: {  	_ =	shalt  }
0x55: {  	_ =	shalt  }
0x56: {  	_ =	shalt  }
0x57: {  	_ =	shalt  }
0x58: {  	_ =	shalt  }
0x59: {  	_ =	shalt  }
0x5a: {  	_ =	shalt  }
0x5b: {  	_ =	shalt  }
0x5c: {  	_ =	shalt  }
0x5d: {  	_ =	shalt  }
0x5e: {  	_ =	shalt  }
0x5f: {  	_ =	shalt  }
0x60: {  	_ =	shalt  }
0x61: {  	_ =	shalt  }
0x62: {  	_ =	shalt  }
0x63: {  	_ =	shalt  }
0x64: {  	_ =	shalt  }
0x65: {  	_ =	shalt  }
0x66: {  	_ =	shalt  }
0x67: {  	_ =	shalt  }
0x68: {  	_ =	shalt  }
0x69: {  	_ =	shalt  }
0x6a: {  	_ =	shalt  }
0x6b: {  	_ =	shalt  }
0x6c: {  	_ =	shalt  }
0x6d: {  	_ =	shalt  }
0x6e: {  	_ =	shalt  }
0x6f: {  	_ =	shalt  }
0x70: {  	_ =	shalt  }
0x71: {  	_ =	shalt  }
0x72: {  	_ =	shalt  }
0x73: {  	_ =	shalt  }
0x74: {  	_ =	shalt  }
0x75: {  	_ =	shalt  }
0x76: {  	_ =	shalt  }
0x77: {  	_ =	shalt  }
0x78: {  	_ =	shalt  }
0x79: {  	_ =	shalt  }
0x7a: {  	_ =	shalt  }
0x7b: {  	_ =	shalt  }
0x7c: {  	_ =	shalt  }
0x7d: {  	_ =	shalt  }
0x7e: {  	_ =	shalt  }
0x7f: {  	_ =	shalt  }
0x80: {  	_ =	shalt  }
0x81: {  	_ =	shalt  }
0x82: {  	_ =	shalt  }
0x83: {  	_ =	shalt  }
0x84: {  	_ =	shalt  }
0x85: {  	_ =	shalt  }
0x86: {  	_ =	shalt  }
0x87: {  	_ =	shalt  }
.Lfunc_end0:
.L_simem_size_0:
called_computation.3_lowered:
.L_overlay_start_0:
0x88: {  	s2 =	sld [smem:$0x3FD9]  }
0x89: {  	s3 =	sld [smem:$0x3FFE];
	_ =	sdelay $0x1  }
0x8a: {  	s1 =	srdreg.scid  }
0x8b: {  	s0 =	sand.u32 $0x1, s1  }
0x8c: {  	s16 =	sshll.u32 s0, $0xA;
	s2 =	sadd.s32 s3, s2  }
0x8d: {  	s2 =	sadd.s32 s2, s16  }
0x8e: {  	[smem:$0x3FAA] =	sst s2  }
0x8f: {  	_ = 	snop  }
0x90: {  	(tm) =	ssettm $0x1  }
0x91: {  	s17 =	sld [smem:$0x3FFB];
	_ =	sdelay $0x3  }
0x92: {  	_ =	strace s17  }
0x93: {  	s2 =	sld [smem:$0x3FFC];
	_ =	sdelay $0x3  }
0x94: {  	_ =	strace s2  }
0x95: {  	s2 =	sld [smem:$0x3FFD];
	_ =	sdelay $0x3  }
0x96: {  	_ =	strace s2  }
0x97: {  	_ =	strace $0x8FFFFFFF  }
0x98: {  	s18 =	sld [smem:$0x3FDB];
	_ =	sdelay $0x1  }
0x99: {  	s19 =	simm.s32 $_scs_section_size  }
0x9a: {  	s4 =	simm.s32 $_size__tile_overlayer_lowered;
	s5 =	simm.s32 $_tile_overlayer_lowered  }
0x9b: {  	s22 =	simm.s32 $0x1BFF;
	s21 =	sshll.u32 s5, $0x1;
	s2 =	sadd.s32 s19, s18  }
0x9c: {  	s6 =	simm.s32 $0x0;
	s20 =	sshll.u32 s4, $0x1;
	s4 =	sadd.s32 s21, s2  }
0x9d: {  	[timem:s6], [sflag:s22] =	dma.local [hbm:s4], s20  }
0x9e: {  	_ =	swait.ge [sflag:s22], s20  }
0x9f: {  	s3 =	ssub.s32 $0x0, s20;
	[sflag:s22] =	ssyncset.done $0x0  }
0xa0: {  	[sflag:s22] =	ssyncadd.s32 s3;
	_ =	sdelay $0x1  }
0xa1: {  	s23 =	simm.s32 $0x1B8B  }
0xa2: {  	_ =	swait.ge [sflag:s23], $0x1  }
0xa3: {  	[sflag:s23] =	ssyncset.done $0x0  }
0xa4: {  	s25 =	simm.s32 $0x1B8E;
	s24 =	sld [smem:$0x3FFE];
	[sflag:s23] =	ssyncadd.s32 $0xFFFFFFFF  }
0xa5: {  	s26 =	simm.s32 $execute0_lowered;
	[smem:$0x3FD2] =	sst s25  }
0xa6: {  	s4 =	sshll.u32 s26, $0x1;
	_ =	strace $0x8000004F;
	[dreg:$0x1] =	wrdreg $0xFFFFFFFF  }
0xa7: {  	s28 =	simm.s32 $_size_execute0_lowered;
	s2 =	sadd.s32 s2, s4;
	[dreg:$0x0] =	wrdreg $0x0  }
0xa8: {  	s4 =	sshll.u32 s28, $0x1;
	[dreg:$0x2] =	wrdreg s2  }
0xa9: {  	[dreg:$0x3] =	wrdreg s4  }
0xaa: {  	[dreg:$0x4] =	wrdreg $0xC0  }
0xab: {  	_ =	task [dreg:s6], $0x5FFFF  }
0xac: {  	[dreg:$0x1] =	wrdreg $0xFFFFFFFF  }
0xad: {  	[dreg:$0x0] =	wrdreg $0x60  }
0xae: {  	[dreg:$0x2] =	wrdreg s24  }
0xaf: {  	[dreg:$0x3] =	wrdreg $0x4C000  }
0xb0: {  	[dreg:$0x4] =	wrdreg $0x9  }
0xb1: {  	_ =	task.clear_ibuf [dreg:s6], $0x5FFFF;
	_ =	strace $0x9000004F  }
0xb2: {  	s29 =	simm.s32 $0x9;
	_ =	strace $0x80000051  }
0xb3: {  	_ =	swait.ge [sflag:s29], $0x1  }
0xb4: {  	[sflag:s29] =	ssyncadd.s32 $0xFFFFFFFF  }
0xb5: {  	_ =	strace $0x90000051  }
0xb6: {  	_ =	sfence  }
0xb7: {  	s30 =	sld [smem:$0x0];
	_ =	sdelay $0x2  }
0xb8: {  	s31 =	sshll.u32 s1, $0xD;
	s1 =	sshrl.u32 s1, $0x2  }
0xb9: {  	s3 =	sand.u32 $0x4000, s31;
	s1 =	sadd.s32 s1, s30  }
0xba: {  	s0 =	sor.u32 s3, s0;
	s1 =	sshll.u32 s1, $0x11  }
0xbb: {  	s0 =	sor.u32 s1, s0  }
0xbc: {  	s0 =	sadd.s32 $0x8F2B, s0  }
0xbd: {  	[sflag:s0] =	ssyncadd.remote.s32 $0x1  }
0xbe: {  	_ =	sfence.sel $0xFFFF  }
0xbf: {  	[dreg:$0x0] =	wrdreg $0xFFFFFFFF;
	(pc) =	sbr.abs _section_cstart, $3  }
0xc0: {  	[dreg:$0x1] =	wrdreg $0xFFFFFFFF  }
0xc1: {  	_ =	task.clear_ibuf [dreg:s6], $0x2FFFF;
	_ =	strace $0x9FFFFFFF  }
0xc2: {  	(tm) =	ssettm $0x7FFFFFFF  }
0xc3: {  	_ =	shalt  }
tec
execute0_lowered:
.L_overlay_start_1:
0x0: {  	(tag) =	ssettag $0x1  }
0x1: {  	s4 =	rddreg [dreg:$0x0]  }
0x2: {  	s2 =	rddreg [dreg:$0x1];
	s3 =	srdreg.scid  }
0x3: {  	s1 =	stileid.u32;
	s0 =	rddreg [dreg:$0x2];
	s15 =	simm.s32 $0x1400  }
0x4: {  	s16 =	simm.s32 $0x1C00;
	s17 =	simm.s32 $0x1;
	s18 =	simm.s32 $0x80  }
0x5: {  	s19 =	simm.s32 $0x2;
	s20 =	simm.s32 $0x1300;
	s21 =	simm.s32 $0x1380  }
0x6: {  	s22 =	simm.s32 $0x0;
	s5 =	sand.u32 $0x1, s3;
	s7 =	smul.u32 $0x2800, s1  }
0x7: {  	s6 =	sshll.u32 s1, $0x1;
	s3 =	simm.s32 $0x0;
	s14 =	smul.u32 $0x28000, s1  }
0x8: {  	s12 =	sadd.s32 $0x31600, s4;
	s6 =	sor.u32 s5, s6;
	s10 =	smul.u32 $0x28000, s5  }
0x9: {  	[smem:$0x7FF] =	sst s3;
	s11 =	ssub.s32 $0x2, s5;
	s30 =	smul.u32 $0x14000, s5  }
0xa: {  	s8 =	smul.u32 $0x280, s6;
	_ =	strace $0x80000050;
	s9 =	sshrl.u32 s7, $0x3  }
0xb: {  	s6 =	smul.u32 $0x2800, s6;
	s13 =	sshrl.u32 s11, $0x1;
	s5 =	sadd.s32 s7, s2  }
0xc: {  	s9 =	sadd.s32 s9, s4;
	s10 =	sadd.s32 s7, s10;
	s11 =	ssub.s32 s11, s13  }
0xd: {  	s13 =	sadd.s32 s30, s14;
	s8 =	sadd.s32 s8, s4;
	s10 =	sshrl.u32 s10, $0x3  }
0xe: {  	s6 =	sadd.s32 s12, s6;
	s14 =	sor.u32 $0x1800, s13;
	s13 =	sor.u32 $0x1000, s13  }
0xf: {  	s10 =	sadd.s32 s10, s4;
	s4 =	sadd.s32 $0x2C600, s9;
	s7 =	sadd.s32 $0xDB400, s8  }
0x10: {  	s8 =	sadd.s32 $0x100, s6;
	s31 =	sshrl.u32 s14, $0x3;
	s13 =	sshrl.u32 s13, $0x3  }
0x11: {  	s14 =	simm.s32 $0x3;
	s9 =	sadd.s32 $0x81600, s10;
	s10 =	smax.u32 s11, $0x1  }
0x12: {  	s11 =	sadd.s32 s31, s12;
	s12 =	sadd.s32 s13, s12;
	s13 =	simm.s32 $0x2400  }
.LBB2_1:
0x13: {  	[tilespmem:s13], [sflag:$0x3] =	stream.linear.gather [hbm4b:s4+s3], $0x2800, $0x38;
	[tilespmem:$0x7400] =	vst v63  }
0x14: {  	_ =	swait.ge [sflag:s14], $0x2800  }
0x15: {  	[sflag:s14] =	ssyncset.done $0x0  }
0x16: {  	[sflag:s14] =	ssyncadd.s32 $0xFFFFD800  }
0x17: {  	[spmem:s5] =	stream.linear.scatter [tilespmem:s13], [sflag:$0x3], $0x2800, $0x38;
	[tilespmem:$0x7400] =	vst v63  }
0x18: {  	_ =	swait.ge [sflag:s14], $0x2800  }
0x19: {  	[sflag:s14] =	ssyncset.done $0x0  }
0x1a: {  	[sflag:s14] =	ssyncadd.s32 $0xFFFFD800  }
0x1b: {  	[bflag:$0x0] =	sbarrier.arrive $0xFFFF  }
0x1c: {  	[tilespmem:s3], [sflag:$0x3] =	stream.linear.gather [hbm4b:s7+s3], $0x1400, $0x38;
	[tilespmem:$0x7400] =	vst v63  }
0x1d: {  	_ =	swait.ge [sflag:s14], $0x1400  }
0x1e: {  	[sflag:s14] =	ssyncset.done $0x0  }
0x1f: {  	[sflag:s14] =	ssyncadd.s32 $0xFFFFEC00  }
0x20: {  	[tilespmem:s15], [sflag:$0x1] =	stream.linear.gather [hbm4b:s6+s3], $0x800, $0x38;
	[tilespmem:$0x7400] =	vst v63  }
0x21: {  	_ = 	snop  }
0x22: {  	[tilespmem:s16], [sflag:$0x2] =	stream.linear.gather [hbm4b:s8+s3], $0x800, $0x38;
	[tilespmem:$0x7400] =	vst v63  }
0x23: {  	_ =	swait.ge [sflag:s17], $0x800  }
0x24: {  	[sflag:s17] =	ssyncset.done $0x0  }
0x25: {  	s23 =	simm.s32 $0x0;
	[sflag:s17] =	ssyncadd.s32 $0xFFFFF800  }
0x26: {  	[spmem:s2] =	stream.indirect.scatter.add.f32 [tilespmem:s15], [sflag:$0x3], $0x10, s23, s18, $0xb8;
	[tilespmem:$0x7400] =	vst v63  }
0x27: {  	_ =	swait.ge [sflag:s14], $0x800  }
0x28: {  	[sflag:s14] =	ssyncset.done $0x0  }
0x29: {  	s31 =	sadd.s32 $0x0, s12;
	[sflag:s14] =	ssyncadd.s32 $0xFFFFF800  }
0x2a: {  	[tilespmem:s15], [sflag:$0x1] =	stream.linear.gather [hbm4b:s31+s3], $0x800, $0x38;
	[tilespmem:$0x7400] =	vst v63  }
0x2b: {  	_ =	swait.ge [sflag:s19], $0x800  }
0x2c: {  	[sflag:s19] =	ssyncset.done $0x0  }
0x2d: {  	[sflag:s19] =	ssyncadd.s32 $0xFFFFF800  }
0x2e: {  	[spmem:s2] =	stream.indirect.scatter.add.f32 [tilespmem:s16], [sflag:$0x3], $0x10, s18, s18, $0xb8;
	[tilespmem:$0x7400] =	vst v63  }
0x2f: {  	_ =	swait.ge [sflag:s14], $0x800  }
0x30: {  	s25 =	sadd.s32 $0x0, s11;
	[sflag:s14] =	ssyncset.done $0x0  }
0x31: {  	s24 =	simm.s32 $0x180;
	s23 =	simm.s32 $0x200;
	[sflag:s14] =	ssyncadd.s32 $0xFFFFF800  }
.LBB2_2:
0x32: {  	[tilespmem:s16], [sflag:$0x2] =	stream.linear.gather [hbm4b:s25+s3], $0x800, $0x38;
	[tilespmem:$0x7400] =	vst v63  }
0x33: {  	s25 =	smov.u32 s23  }
0x34: {  	p0 =	sne.s32 s23, $0x2400;
	s23 =	sadd.s32 $0x200, s23;
	_ =	swait.ge [sflag:s17], $0x800  }
0x35: {  	[sflag:s17] =	ssyncset.done $0x0  }
0x36: {  	s26 =	sadd.s32 $0xFFFFFF80, s24;
	[sflag:s17] =	ssyncadd.s32 $0xFFFFF800  }
0x37: {  	[spmem:s2] =	stream.indirect.scatter.add.f32 [tilespmem:s15], [sflag:$0x3], $0x10, s26, s18, $0xb8;
	[tilespmem:$0x7400] =	vst v63  }
0x38: {  	_ =	swait.ge [sflag:s14], $0x800  }
0x39: {  	[sflag:s14] =	ssyncset.done $0x0  }
0x3a: {  	s26 =	sadd.s32 s25, s12;
	[sflag:s14] =	ssyncadd.s32 $0xFFFFF800  }
0x3b: {  	[tilespmem:s15], [sflag:$0x1] =	stream.linear.gather [hbm4b:s26+s3], $0x800, $0x38;
	[tilespmem:$0x7400] =	vst v63  }
0x3c: {  	_ =	swait.ge [sflag:s19], $0x800  }
0x3d: {  	[sflag:s19] =	ssyncset.done $0x0  }
.Ltmp0:
0x3e: {  	[sflag:s19] =	ssyncadd.s32 $0xFFFFF800;
	(pc) =	sbr.rel @p0 .LBB2_2-.Ltmp0, $4  }
0x3f: {  	[spmem:s2] =	stream.indirect.scatter.add.f32 [tilespmem:s16], [sflag:$0x3], $0x10, s24, s18, $0xb8;
	[tilespmem:$0x7400] =	vst v63  }
0x40: {  	_ =	swait.ge [sflag:s14], $0x800  }
0x41: {  	[sflag:s14] =	ssyncset.done $0x0  }
0x42: {  	s25 =	sadd.s32 s25, s11;
	s24 =	sadd.s32 $0x100, s24;
	[sflag:s14] =	ssyncadd.s32 $0xFFFFF800  }
0x43: {  	[tilespmem:s16], [sflag:$0x2] =	stream.linear.gather [hbm4b:s25+s3], $0x800, $0x38;
	[tilespmem:$0x7400] =	vst v63  }
0x44: {  	_ =	swait.ge [sflag:s17], $0x800  }
0x45: {  	[sflag:s17] =	ssyncset.done $0x0  }
0x46: {  	[sflag:s17] =	ssyncadd.s32 $0xFFFFF800  }
0x47: {  	[spmem:s2] =	stream.indirect.scatter.add.f32 [tilespmem:s15], [sflag:$0x3], $0x10, s20, s18, $0xb8;
	[tilespmem:$0x7400] =	vst v63  }
0x48: {  	_ =	swait.ge [sflag:s14], $0x800  }
0x49: {  	[sflag:s14] =	ssyncset.done $0x0  }
0x4a: {  	[sflag:s14] =	ssyncadd.s32 $0xFFFFF800  }
0x4b: {  	_ =	swait.ge [sflag:s19], $0x800  }
0x4c: {  	[sflag:s19] =	ssyncset.done $0x0  }
0x4d: {  	[sflag:s19] =	ssyncadd.s32 $0xFFFFF800  }
0x4e: {  	[spmem:s2] =	stream.indirect.scatter.add.f32 [tilespmem:s16], [sflag:$0x3], $0x10, s21, s18, $0xb8;
	[tilespmem:$0x7400] =	vst v63  }
0x4f: {  	_ =	swait.ge [sflag:s14], $0x800  }
0x50: {  	[sflag:s14] =	ssyncset.done $0x0  }
0x51: {  	[sflag:s14] =	ssyncadd.s32 $0xFFFFF800  }
0x52: {  	[bflag:$0x0] =	sbarrier.arrive $0xFFFF  }
0x53: {  	[tilespmem:s13], [sflag:$0x3] =	stream.linear.gather [spmem:s5], $0x2800, $0x38;
	[tilespmem:$0x7400] =	vst v63  }
0x54: {  	s22 =	sadd.s32 $0x1, s22;
	_ =	swait.ge [sflag:s14], $0x2800  }
0x55: {  	p0 =	sne.s32 s22, s10;
	[sflag:s14] =	ssyncset.done $0x0  }
.Ltmp1:
0x56: {  	[sflag:s14] =	ssyncadd.s32 $0xFFFFD800;
	(pc) =	sbr.rel @p0 .LBB2_1-.Ltmp1, $4  }
0x57: {  	[hbm4b:s9+s3] =	stream.linear.scatter [tilespmem:s13], [sflag:$0x3], $0x2800, $0x38;
	[tilespmem:$0x7400] =	vst v63  }
0x58: {  	_ =	swait.ge [sflag:s14], $0x2800  }
0x59: {  	[sflag:s14] =	ssyncset.done $0x0  }
0x5a: {  	[sflag:s14] =	ssyncadd.s32 $0xFFFFD800  }
0x5b: {  	_ =	sfence.sel $0x180000  }
0x5c: {  	[bflag:$0x0] =	sbarrier.arrive $0xFFFF  }
0x5d: {  	p0 =	sne.s32 s1, $0x0;
	_ =	strace $0x90000050  }
0x5e: {  	s0 =	sadd.s32 @!p0 $0x100000, s0;
	[bflag:$0x2] =	sbarrier.arrive $0xFFFF  }
0x5f: {  	[sflag:s0] =	ssyncadd.tile.s32 @!p0 $0x1;
	_ =	shalt  }
.Lfunc_end2:
_tile_overlayer_lowered:
.L_overlay_start_2:
0x60: {  	(tag) =	ssettag $0x2  }
0x61: {  	s0 =	rddreg [dreg:$0x0];
	s2 =	stileid.u32  }
0x62: {  	s1 =	rddreg [dreg:$0x1];
	p0 =	sne.s32 s2, $0x0  }
0x63: {  	s3 =	rddreg [dreg:$0x2];
	[bflag:$0x3] =	sbarrier.arrive $0xFFFF;
	s2 =	simm.s32 @!p0 $0x1C03  }
0x64: {  	[timem:s3], [sflag:s2] =	dma.local @!p0 [hbm:s0], s1  }
0x65: {  	s0 =	simm.s32 @!p0 $0x3  }
0x66: {  	_ =	swait.ge @!p0 [sflag:s0], s1  }
0x67: {  	s1 =	ssub.s32 @!p0 $0x0, s1;
	[sflag:s0] =	ssyncset.done @!p0 $0x0  }
0x68: {  	[sflag:s0] =	ssyncadd.s32 @!p0 s1  }
0x69: {  	[bflag:$0x3] =	sbarrier.arrive $0xFFFF  }
0x6a: {  	_ =	shalt  }

</sc_bundles>
